<compile_context>
chip_gen: v7x
topology: tpu7x:2x2x1
jax: 0.10.2.dev20260603
libtpu: 0.0.44.dev20260713+nightly
codegen_flags: <defaults>
</compile_context>

<pallas_src>
import functools

import jax
import jax.numpy as jnp
from jax import lax
from jax.experimental import pallas as pl
from jax.experimental.pallas import tpu as pltpu
from jax.experimental.pallas import tpu_sc as plsc

N_NODES = 10000
N_EDGES = 320000
NC, NS = 2, 16
NW = NC * NS
CHUNK = 128
N_CHUNKS = N_EDGES // CHUNK
CPW = 80
CPW_LAST = N_CHUNKS - (NW - 1) * CPW
GDEPTH = 8
PREF = 4
RPT = N_NODES // NS
ROW_BLK = 2000



@functools.lru_cache(maxsize=None)
def _make_segsum(d):
    mesh = plsc.VectorSubcoreMesh(core_axis_name="c", subcore_axis_name="s")

    @functools.partial(
        pl.kernel,
        out_type=jax.ShapeDtypeStruct((NC, N_NODES, d), jnp.float32),
        mesh=mesh,
        scratch_types=[
            pltpu.VMEM((CPW, CHUNK), jnp.int32),
            pltpu.VMEM((CPW, CHUNK), jnp.int32),
            pltpu.VMEM((GDEPTH, CHUNK, d), jnp.float32),
            pltpu.VMEM_SHARED((N_NODES, d), jnp.float32),
            pltpu.SemaphoreType.DMA((GDEPTH,)),
            pltpu.SemaphoreType.DMA((GDEPTH,)),
        ],
        compiler_params=pltpu.CompilerParams(use_tc_tiling_on_sc=False),
    )
    def segsum(table, srcc, dstc, zrows, out, src_v, dst_v, rows_v, acc,
               gsem, ssem):
        c = lax.axis_index("c")
        s = lax.axis_index("s")
        wid = c * NS + s
        last = wid == NW - 1
        nchunks = jnp.where(last, CPW_LAST, CPW)
        pltpu.sync_copy(zrows.at[pl.ds(s * RPT, RPT)],
                        acc.at[pl.ds(s * RPT, RPT)])

        @pl.when(jnp.logical_not(last))
        def _():
            pltpu.sync_copy(srcc.at[pl.ds(wid * CPW, CPW)], src_v)
            pltpu.sync_copy(dstc.at[pl.ds(wid * CPW, CPW)], dst_v)

        @pl.when(last)
        def _():
            pltpu.sync_copy(srcc.at[pl.ds(wid * CPW, CPW_LAST)],
                            src_v.at[pl.ds(0, CPW_LAST)])
            pltpu.sync_copy(dstc.at[pl.ds(wid * CPW, CPW_LAST)],
                            dst_v.at[pl.ds(0, CPW_LAST)])

        plsc.subcore_barrier()

        def gather(cc, b):
            pltpu.async_copy(table.at[src_v.at[cc]], rows_v.at[b], gsem.at[b])

        def gather_wait(cc, b):
            pltpu.make_async_copy(table.at[src_v.at[cc]], rows_v.at[b],
                                  gsem.at[b]).wait()

        def scatter(cc, b):
            pltpu.async_copy(rows_v.at[b], acc.at[dst_v.at[cc]], ssem.at[b],
                             add=True)

        def scatter_wait(cc, b):
            pltpu.make_async_copy(rows_v.at[b], acc.at[dst_v.at[cc]],
                                  ssem.at[b]).wait()

        for b in range(PREF):
            gather(b, b)

        def body(i, carry):
            j = i * GDEPTH
            for b in range(GDEPTH):
                cc = j + b
                bnxt = (b + PREF) % GDEPTH

                @pl.when(cc < nchunks)
                def _():
                    gather_wait(cc, b)
                    scatter(cc, b)

                prev = cc - PREF

                @pl.when(jnp.logical_and(prev >= 0, prev < nchunks))
                def _():
                    scatter_wait(prev, bnxt)

                nxt = cc + PREF

                @pl.when(nxt < nchunks)
                def _():
                    gather(nxt, bnxt)
            return carry

        nsteps = (nchunks + GDEPTH - 1) // GDEPTH + 1
        lax.fori_loop(0, nsteps, body, 0)
        plsc.subcore_barrier()
        pltpu.sync_copy(acc.at[pl.ds(s * RPT, RPT)],
                        out.at[c].at[pl.ds(s * RPT, RPT)])

    return segsum


def _segment_sum_sc(table, srcc, dstc, zrows):
    return _make_segsum(table.shape[1])(table, srcc, dstc, zrows)



def _proj_body(x_ref, w_ref, o_ref):
    o_ref[...] = jnp.dot(x_ref[...], w_ref[...],
                         preferred_element_type=jnp.float32)


def _proj(x, w):
    n, k = x.shape
    m = w.shape[1]
    return pl.pallas_call(
        _proj_body,
        grid=(n // ROW_BLK,),
        in_specs=[pl.BlockSpec((ROW_BLK, k), lambda i: (i, 0)),
                  pl.BlockSpec((k, m), lambda i: (0, 0))],
        out_specs=pl.BlockSpec((ROW_BLK, m), lambda i: (i, 0)),
        out_shape=jax.ShapeDtypeStruct((n, m), jnp.float32),
    )(x, w)


def _mid_body(agg_ref, x_ref, wroot_ref, b1_ref, wl1_ref, bl1_ref,
              w2rel_ref, w2root_ref, b2_ref, p2_ref, r2_ref):
    h = (agg_ref[0] + agg_ref[1] + b1_ref[...]
         + jnp.dot(x_ref[...], wroot_ref[...],
                   preferred_element_type=jnp.float32))
    t = jax.nn.relu(jnp.dot(h, wl1_ref[...],
                            preferred_element_type=jnp.float32) + bl1_ref[...])
    p2_ref[...] = jnp.dot(t, w2rel_ref[...],
                          preferred_element_type=jnp.float32)
    r2_ref[...] = (jnp.dot(t, w2root_ref[...],
                           preferred_element_type=jnp.float32) + b2_ref[...])


def _mid(agg1, x, w1_root, b1, wl1, bl1, w2_rel, w2_root, b2):
    n = x.shape[0]
    full = lambda shape: pl.BlockSpec(shape, lambda i: tuple(0 for _ in shape))
    row = lambda m: pl.BlockSpec((ROW_BLK, m), lambda i: (i, 0))
    return pl.pallas_call(
        _mid_body,
        grid=(n // ROW_BLK,),
        in_specs=[pl.BlockSpec((NC, ROW_BLK, 64), lambda i: (0, i, 0)),
                  row(128), full((128, 64)), full((1, 64)),
                  full((64, 32)), full((1, 32)), full((32, 16)),
                  full((32, 16)), full((1, 16))],
        out_specs=[row(16), row(16)],
        out_shape=[jax.ShapeDtypeStruct((n, 16), jnp.float32),
                   jax.ShapeDtypeStruct((n, 16), jnp.float32)],
    )(agg1, x, w1_root, b1.reshape(1, 64), wl1, bl1.reshape(1, 32),
      w2_rel, w2_root, b2.reshape(1, 16))


def _final_body(agg_ref, r2_ref, wl2_ref, bl2_ref, o_ref):
    h2 = agg_ref[0] + agg_ref[1] + r2_ref[...]
    logits = jnp.dot(h2, wl2_ref[...],
                     preferred_element_type=jnp.float32) + bl2_ref[...]
    m = jnp.max(logits, axis=1, keepdims=True)
    sh = logits - m
    lse = jnp.log(jnp.sum(jnp.exp(sh), axis=1, keepdims=True))
    o_ref[...] = sh - lse


def _final(agg2, r2, wl2, bl2):
    n = r2.shape[0]
    ncls = wl2.shape[1]
    full = lambda shape: pl.BlockSpec(shape, lambda i: tuple(0 for _ in shape))
    row = lambda m: pl.BlockSpec((ROW_BLK, m), lambda i: (i, 0))
    return pl.pallas_call(
        _final_body,
        grid=(n // ROW_BLK,),
        in_specs=[pl.BlockSpec((NC, ROW_BLK, 16), lambda i: (0, i, 0)),
                  row(16), full((16, ncls)), full((1, ncls))],
        out_specs=row(ncls),
        out_shape=jax.ShapeDtypeStruct((n, ncls), jnp.float32),
    )(agg2, r2, wl2, bl2.reshape(1, ncls))



def kernel(x, edge_index, W1_rel, b1, W1_root, Wl1, bl1, W2_rel, b2, W2_root,
           Wl2, bl2):
    srcc = edge_index[0].astype(jnp.int32).reshape(N_CHUNKS, CHUNK)
    dstc = edge_index[1].astype(jnp.int32).reshape(N_CHUNKS, CHUNK)
    z64 = jnp.zeros((N_NODES, 64), jnp.float32)
    z16 = jnp.zeros((N_NODES, 16), jnp.float32)

    p1 = _proj(x, W1_rel)
    agg1 = _segment_sum_sc(p1, srcc, dstc, z64)
    p2, r2 = _mid(agg1, x, W1_root, b1, Wl1, bl1,
                  W2_rel, W2_root, b2)
    agg2 = _segment_sum_sc(p2, srcc, dstc, z16)
    return _final(agg2, r2, Wl2, bl2)

# --- scband reference (transcript-rebuilt; emitter-appended) ---
"""Pipeline reference for scband-gcn-37709812859010 (READ-ONLY COPY).

The authoritative reference and input builder live on the scoring server;
editing this copy changes nothing except your own understanding.
"""

import jax, jax.numpy as jnp
import numpy as np

N_NODES = 10000
N_EDGES = 320000
D_FEAT = 128
NUM_CLASSES = 10


def setup_inputs(seed: int = 0) -> dict:
    key = jax.random.key(seed)
    ks = jax.random.split(key, 16)
    x = jax.random.normal(ks[0], (N_NODES, D_FEAT), dtype=jnp.float32)
    edge_index = jax.random.randint(ks[1], (2, N_EDGES), 0, N_NODES, dtype=jnp.int64 if jax.config.jax_enable_x64 else jnp.int32)
    # GraphConv(128, 64): lin_rel (with bias) applied to aggregated neighbors, lin_root (no bias) applied to self
    W1_rel = jax.random.normal(ks[2], (D_FEAT, 64), dtype=jnp.float32) * (1.0 / np.sqrt(D_FEAT))
    b1 = jnp.zeros((64,), dtype=jnp.float32)
    W1_root = jax.random.normal(ks[3], (D_FEAT, 64), dtype=jnp.float32) * (1.0 / np.sqrt(D_FEAT))
    # Linear(64, 32)
    Wl1 = jax.random.normal(ks[4], (64, 32), dtype=jnp.float32) * (1.0 / np.sqrt(64))
    bl1 = jnp.zeros((32,), dtype=jnp.float32)
    # GraphConv(32, 16)
    W2_rel = jax.random.normal(ks[5], (32, 16), dtype=jnp.float32) * (1.0 / np.sqrt(32))
    b2 = jnp.zeros((16,), dtype=jnp.float32)
    W2_root = jax.random.normal(ks[6], (32, 16), dtype=jnp.float32) * (1.0 / np.sqrt(32))
    # Linear(16, num_classes)
    Wl2 = jax.random.normal(ks[7], (16, NUM_CLASSES), dtype=jnp.float32) * (1.0 / np.sqrt(16))
    bl2 = jnp.zeros((NUM_CLASSES,), dtype=jnp.float32)
    return {"x": x, "edge_index": edge_index, "W1_rel": W1_rel, "b1": b1, "W1_root": W1_root,
            "Wl1": Wl1, "bl1": bl1, "W2_rel": W2_rel, "b2": b2, "W2_root": W2_root,
            "Wl2": Wl2, "bl2": bl2}


def reference(x, edge_index, W1_rel, b1, W1_root, Wl1, bl1, W2_rel, b2, W2_root, Wl2, bl2):
    src = edge_index[0]
    dst = edge_index[1]
    n = x.shape[0]

    def graph_conv(h, W_rel, b_rel, W_root):
        # PyG GraphConv (aggr='add'): out_i = lin_rel(sum_{j->i} h_j) + lin_root(h_i)
        msgs = jnp.take(h, src, axis=0)                       # gather from source nodes
        agg = jax.ops.segment_sum(msgs, dst, num_segments=n)  # scatter-add at destination nodes
        return agg @ W_rel + b_rel + h @ W_root

    h = graph_conv(x, W1_rel, b1, W1_root)
    h = jax.nn.relu(h @ Wl1 + bl1)
    h = graph_conv(h, W2_rel, b2, W2_root)
    h = h @ Wl2 + bl2
    return jax.nn.log_softmax(h, axis=1)

if __name__ == "__main__":
    import jax
    _d = setup_inputs()
    print(jax.jit(kernel)(*tuple(_d.values())))

</pallas_src>

<mosaic_0001>
#map = affine_map<(d0, d1) -> (0, 0)>
#map1 = affine_map<(d0, d1) -> (0, 0, 0)>
module attributes {stable_mosaic.version = 14 : i64} {
  func.func @segsum(%arg0: i32, %arg1: i32, %arg2: memref<10000x64xf32, #tpu.memory_space<hbm>>, %arg3: memref<2500x128xi32, #tpu.memory_space<hbm>>, %arg4: memref<2500x128xi32, #tpu.memory_space<hbm>>, %arg5: memref<10000x64xf32, #tpu.memory_space<hbm>>, %arg6: memref<2x10000x64xf32, #tpu.memory_space<hbm>>, %arg7: memref<80x128xi32, #tpu.memory_space<vmem>>, %arg8: memref<80x128xi32, #tpu.memory_space<vmem>>, %arg9: memref<8x128x64xf32, #tpu.memory_space<vmem>>, %arg10: memref<10000x64xf32, #tpu.memory_space<vmem_shared>>, %arg11: memref<8x!tpu.dma_semaphore, #tpu.memory_space<semaphore_mem>>, %arg12: memref<8x!tpu.dma_semaphore, #tpu.memory_space<semaphore_mem>>) attributes {dimension_semantics = [#tpu.dimension_semantics<core_parallel>, #tpu.dimension_semantics<subcore_parallel>], iteration_bounds = array<i64: 2, 16>, scalar_prefetch = 0 : i64, scratch_operands = 6 : i64, tpu.core_type = #tpu.core_type<sc_vector_subcore>, window_params = [{transform_indices = #map}, {transform_indices = #map}, {transform_indices = #map}, {transform_indices = #map}, {transform_indices = #map1}]} {
    %mul3A = arith.constant 16 : i32
    %mul3A_0 = arith.muli %arg0, %mul3A : i32
    %add3A = arith.addi %mul3A_0, %arg1 : i32
    %eq3A = arith.constant 31 : i32
    %eq3A_1 = arith.cmpi eq, %add3A, %eq3A : i32
    %jit3A = arith.constant 20 : i32
    %jit3A_2 = arith.constant 80 : i32
    %select_n3A = arith.select %eq3A_1, %jit3A, %jit3A_2 : i32
    %mul3A_3 = arith.constant 625 : i32
    %mul3A_4 = arith.muli %arg1, %mul3A_3 : i32
    %mul3A_5 = arith.constant 625 : i32
    %mul3A_6 = arith.muli %arg1, %mul3A_5 : i32
    "tpu.region"() ({
      %run_scoped3A = tpu.sem_alloc : memref<!tpu.dma_semaphore, #tpu.memory_space<semaphore_mem>>
      %dma_start3A_109 = arith.constant 0 : i32
      %dma_start3A_110 = tpu.memref_slice %arg10[%mul3A_6, %dma_start3A_109] : memref<10000x64xf32, #tpu.memory_space<vmem_shared>> -> memref<625x64xf32, #tpu.memory_space<vmem_shared>>
      %dma_start3A_111 = arith.constant 0 : i32
      %dma_start3A_112 = tpu.memref_slice %arg5[%mul3A_4, %dma_start3A_111] : memref<10000x64xf32, #tpu.memory_space<hbm>> -> memref<625x64xf32, #tpu.memory_space<hbm>>
      tpu.enqueue_dma source(%dma_start3A_112 : memref<625x64xf32, #tpu.memory_space<hbm>>) target(%dma_start3A_110 : memref<625x64xf32, #tpu.memory_space<vmem_shared>>) target_semaphore(%run_scoped3A : memref<!tpu.dma_semaphore, #tpu.memory_space<semaphore_mem>>)
      %dma_wait3A = arith.constant 0 : i32
      %dma_wait3A_113 = tpu.memref_slice %arg10[%mul3A_6, %dma_wait3A] : memref<10000x64xf32, #tpu.memory_space<vmem_shared>> -> memref<625x64xf32, #tpu.memory_space<vmem_shared>>
      %dma_wait3A_114 = arith.constant 0 : i32
      %dma_wait3A_115 = tpu.memref_slice %arg5[%mul3A_4, %dma_wait3A_114] : memref<10000x64xf32, #tpu.memory_space<hbm>> -> memref<625x64xf32, #tpu.memory_space<hbm>>
      tpu.wait_dma2 semaphore(%run_scoped3A : memref<!tpu.dma_semaphore, #tpu.memory_space<semaphore_mem>>) src(%dma_wait3A_115 : memref<625x64xf32, #tpu.memory_space<hbm>>) dst(%dma_wait3A_113 : memref<625x64xf32, #tpu.memory_space<vmem_shared>>)
      tpu.yield
    }) : () -> ()
    %not3A = arith.constant true
    %not3A_7 = arith.xori %eq3A_1, %not3A : i1
    %convert_element_type3A = arith.extui %not3A_7 : i1 to i32
    %cond3A = arith.constant 0 : i32
    %cond3A_8 = arith.cmpi ne, %convert_element_type3A, %cond3A : i32
    scf.if %cond3A_8 {
      %mul3A_109 = arith.constant 80 : i32
      %mul3A_110 = arith.muli %add3A, %mul3A_109 : i32
      "tpu.region"() ({
        %run_scoped3A = tpu.sem_alloc : memref<!tpu.dma_semaphore, #tpu.memory_space<semaphore_mem>>
        %dma_start3A_113 = arith.constant 0 : i32
        %dma_start3A_114 = tpu.memref_slice %arg3[%mul3A_110, %dma_start3A_113] : memref<2500x128xi32, #tpu.memory_space<hbm>> -> memref<80x128xi32, #tpu.memory_space<hbm>>
        %dma_start3A_115 = arith.constant 0 : i32
        %dma_start3A_116 = tpu.memref_slice %arg3[%mul3A_110, %dma_start3A_115] : memref<2500x128xi32, #tpu.memory_space<hbm>> -> memref<80x128xi32, #tpu.memory_space<hbm>>
        tpu.enqueue_dma source(%dma_start3A_116 : memref<80x128xi32, #tpu.memory_space<hbm>>) target(%arg7 : memref<80x128xi32, #tpu.memory_space<vmem>>) target_semaphore(%run_scoped3A : memref<!tpu.dma_semaphore, #tpu.memory_space<semaphore_mem>>)
        %dma_wait3A = arith.constant 0 : i32
        %dma_wait3A_117 = tpu.memref_slice %arg3[%mul3A_110, %dma_wait3A] : memref<2500x128xi32, #tpu.memory_space<hbm>> -> memref<80x128xi32, #tpu.memory_space<hbm>>
        %dma_wait3A_118 = arith.constant 0 : i32
        %dma_wait3A_119 = tpu.memref_slice %arg3[%mul3A_110, %dma_wait3A_118] : memref<2500x128xi32, #tpu.memory_space<hbm>> -> memref<80x128xi32, #tpu.memory_space<hbm>>
        tpu.wait_dma2 semaphore(%run_scoped3A : memref<!tpu.dma_semaphore, #tpu.memory_space<semaphore_mem>>) src(%dma_wait3A_119 : memref<80x128xi32, #tpu.memory_space<hbm>>) dst(%arg7 : memref<80x128xi32, #tpu.memory_space<vmem>>)
        tpu.yield
      }) : () -> ()
      %mul3A_111 = arith.constant 80 : i32
      %mul3A_112 = arith.muli %add3A, %mul3A_111 : i32
      "tpu.region"() ({
        %run_scoped3A = tpu.sem_alloc : memref<!tpu.dma_semaphore, #tpu.memory_space<semaphore_mem>>
        %dma_start3A_113 = arith.constant 0 : i32
        %dma_start3A_114 = tpu.memref_slice %arg4[%mul3A_112, %dma_start3A_113] : memref<2500x128xi32, #tpu.memory_space<hbm>> -> memref<80x128xi32, #tpu.memory_space<hbm>>
        %dma_start3A_115 = arith.constant 0 : i32
        %dma_start3A_116 = tpu.memref_slice %arg4[%mul3A_112, %dma_start3A_115] : memref<2500x128xi32, #tpu.memory_space<hbm>> -> memref<80x128xi32, #tpu.memory_space<hbm>>
        tpu.enqueue_dma source(%dma_start3A_116 : memref<80x128xi32, #tpu.memory_space<hbm>>) target(%arg8 : memref<80x128xi32, #tpu.memory_space<vmem>>) target_semaphore(%run_scoped3A : memref<!tpu.dma_semaphore, #tpu.memory_space<semaphore_mem>>)
        %dma_wait3A = arith.constant 0 : i32
        %dma_wait3A_117 = tpu.memref_slice %arg4[%mul3A_112, %dma_wait3A] : memref<2500x128xi32, #tpu.memory_space<hbm>> -> memref<80x128xi32, #tpu.memory_space<hbm>>
        %dma_wait3A_118 = arith.constant 0 : i32
        %dma_wait3A_119 = tpu.memref_slice %arg4[%mul3A_112, %dma_wait3A_118] : memref<2500x128xi32, #tpu.memory_space<hbm>> -> memref<80x128xi32, #tpu.memory_space<hbm>>
        tpu.wait_dma2 semaphore(%run_scoped3A : memref<!tpu.dma_semaphore, #tpu.memory_space<semaphore_mem>>) src(%dma_wait3A_119 : memref<80x128xi32, #tpu.memory_space<hbm>>) dst(%arg8 : memref<80x128xi32, #tpu.memory_space<vmem>>)
        tpu.yield
      }) : () -> ()
    } else {
    }
    %convert_element_type3A_9 = arith.extui %eq3A_1 : i1 to i32
    %cond3A_10 = arith.constant 0 : i32
    %cond3A_11 = arith.cmpi ne, %convert_element_type3A_9, %cond3A_10 : i32
    scf.if %cond3A_11 {
      %mul3A_109 = arith.constant 80 : i32
      %mul3A_110 = arith.muli %add3A, %mul3A_109 : i32
      "tpu.region"() ({
        %run_scoped3A = tpu.sem_alloc : memref<!tpu.dma_semaphore, #tpu.memory_space<semaphore_mem>>
        %dma_start3A_113 = arith.constant 0 : i32
        %dma_start3A_114 = arith.constant 0 : i32
        %dma_start3A_115 = tpu.memref_slice %arg7[%dma_start3A_113, %dma_start3A_114] : memref<80x128xi32, #tpu.memory_space<vmem>> -> memref<20x128xi32, #tpu.memory_space<vmem>>
        %dma_start3A_116 = arith.constant 0 : i32
        %dma_start3A_117 = tpu.memref_slice %arg3[%mul3A_110, %dma_start3A_116] : memref<2500x128xi32, #tpu.memory_space<hbm>> -> memref<20x128xi32, #tpu.memory_space<hbm>>
        %dma_start3A_118 = arith.constant 0 : i32
        %dma_start3A_119 = arith.constant 0 : i32
        %dma_start3A_120 = tpu.memref_slice %arg7[%dma_start3A_118, %dma_start3A_119] : memref<80x128xi32, #tpu.memory_space<vmem>> -> memref<20x128xi32, #tpu.memory_space<vmem>>
        %dma_start3A_121 = arith.constant 0 : i32
        %dma_start3A_122 = tpu.memref_slice %arg3[%mul3A_110, %dma_start3A_121] : memref<2500x128xi32, #tpu.memory_space<hbm>> -> memref<20x128xi32, #tpu.memory_space<hbm>>
        tpu.enqueue_dma source(%dma_start3A_122 : memref<20x128xi32, #tpu.memory_space<hbm>>) target(%dma_start3A_120 : memref<20x128xi32, #tpu.memory_space<vmem>>) target_semaphore(%run_scoped3A : memref<!tpu.dma_semaphore, #tpu.memory_space<semaphore_mem>>)
        %dma_wait3A = arith.constant 0 : i32
        %dma_wait3A_123 = arith.constant 0 : i32
        %dma_wait3A_124 = tpu.memref_slice %arg7[%dma_wait3A, %dma_wait3A_123] : memref<80x128xi32, #tpu.memory_space<vmem>> -> memref<20x128xi32, #tpu.memory_space<vmem>>
        %dma_wait3A_125 = arith.constant 0 : i32
        %dma_wait3A_126 = tpu.memref_slice %arg3[%mul3A_110, %dma_wait3A_125] : memref<2500x128xi32, #tpu.memory_space<hbm>> -> memref<20x128xi32, #tpu.memory_space<hbm>>
        %dma_wait3A_127 = arith.constant 0 : i32
        %dma_wait3A_128 = arith.constant 0 : i32
        %dma_wait3A_129 = tpu.memref_slice %arg7[%dma_wait3A_127, %dma_wait3A_128] : memref<80x128xi32, #tpu.memory_space<vmem>> -> memref<20x128xi32, #tpu.memory_space<vmem>>
        %dma_wait3A_130 = arith.constant 0 : i32
        %dma_wait3A_131 = tpu.memref_slice %arg3[%mul3A_110, %dma_wait3A_130] : memref<2500x128xi32, #tpu.memory_space<hbm>> -> memref<20x128xi32, #tpu.memory_space<hbm>>
        tpu.wait_dma2 semaphore(%run_scoped3A : memref<!tpu.dma_semaphore, #tpu.memory_space<semaphore_mem>>) src(%dma_wait3A_131 : memref<20x128xi32, #tpu.memory_space<hbm>>) dst(%dma_wait3A_129 : memref<20x128xi32, #tpu.memory_space<vmem>>)
        tpu.yield
      }) : () -> ()
      %mul3A_111 = arith.constant 80 : i32
      %mul3A_112 = arith.muli %add3A, %mul3A_111 : i32
      "tpu.region"() ({
        %run_scoped3A = tpu.sem_alloc : memref<!tpu.dma_semaphore, #tpu.memory_space<semaphore_mem>>
        %dma_start3A_113 = arith.constant 0 : i32
        %dma_start3A_114 = arith.constant 0 : i32
        %dma_start3A_115 = tpu.memref_slice %arg8[%dma_start3A_113, %dma_start3A_114] : memref<80x128xi32, #tpu.memory_space<vmem>> -> memref<20x128xi32, #tpu.memory_space<vmem>>
        %dma_start3A_116 = arith.constant 0 : i32
        %dma_start3A_117 = tpu.memref_slice %arg4[%mul3A_112, %dma_start3A_116] : memref<2500x128xi32, #tpu.memory_space<hbm>> -> memref<20x128xi32, #tpu.memory_space<hbm>>
        %dma_start3A_118 = arith.constant 0 : i32
        %dma_start3A_119 = arith.constant 0 : i32
        %dma_start3A_120 = tpu.memref_slice %arg8[%dma_start3A_118, %dma_start3A_119] : memref<80x128xi32, #tpu.memory_space<vmem>> -> memref<20x128xi32, #tpu.memory_space<vmem>>
        %dma_start3A_121 = arith.constant 0 : i32
        %dma_start3A_122 = tpu.memref_slice %arg4[%mul3A_112, %dma_start3A_121] : memref<2500x128xi32, #tpu.memory_space<hbm>> -> memref<20x128xi32, #tpu.memory_space<hbm>>
        tpu.enqueue_dma source(%dma_start3A_122 : memref<20x128xi32, #tpu.memory_space<hbm>>) target(%dma_start3A_120 : memref<20x128xi32, #tpu.memory_space<vmem>>) target_semaphore(%run_scoped3A : memref<!tpu.dma_semaphore, #tpu.memory_space<semaphore_mem>>)
        %dma_wait3A = arith.constant 0 : i32
        %dma_wait3A_123 = arith.constant 0 : i32
        %dma_wait3A_124 = tpu.memref_slice %arg8[%dma_wait3A, %dma_wait3A_123] : memref<80x128xi32, #tpu.memory_space<vmem>> -> memref<20x128xi32, #tpu.memory_space<vmem>>
        %dma_wait3A_125 = arith.constant 0 : i32
        %dma_wait3A_126 = tpu.memref_slice %arg4[%mul3A_112, %dma_wait3A_125] : memref<2500x128xi32, #tpu.memory_space<hbm>> -> memref<20x128xi32, #tpu.memory_space<hbm>>
        %dma_wait3A_127 = arith.constant 0 : i32
        %dma_wait3A_128 = arith.constant 0 : i32
        %dma_wait3A_129 = tpu.memref_slice %arg8[%dma_wait3A_127, %dma_wait3A_128] : memref<80x128xi32, #tpu.memory_space<vmem>> -> memref<20x128xi32, #tpu.memory_space<vmem>>
        %dma_wait3A_130 = arith.constant 0 : i32
        %dma_wait3A_131 = tpu.memref_slice %arg4[%mul3A_112, %dma_wait3A_130] : memref<2500x128xi32, #tpu.memory_space<hbm>> -> memref<20x128xi32, #tpu.memory_space<hbm>>
        tpu.wait_dma2 semaphore(%run_scoped3A : memref<!tpu.dma_semaphore, #tpu.memory_space<semaphore_mem>>) src(%dma_wait3A_131 : memref<20x128xi32, #tpu.memory_space<hbm>>) dst(%dma_wait3A_129 : memref<20x128xi32, #tpu.memory_space<vmem>>)
        tpu.yield
      }) : () -> ()
    } else {
    }
    %barrier3A = arith.constant 0 : index
    tpu.barrier barrier_id(%barrier3A)
    %dma_start3A = arith.constant 0 : i32
    %dma_start3A_12 = arith.constant 0 : i32
    %dma_start3A_13 = arith.constant 0 : i32
    %dma_start3A_14 = arith.constant 0 : i32
    %dma_start3A_15 = arith.constant 0 : i32
    %dma_start3A_16 = tpu.memref_slice %arg9[%dma_start3A_12, %dma_start3A_14, %dma_start3A_15] : memref<8x128x64xf32, #tpu.memory_space<vmem>> -> memref<1x128x64xf32, #tpu.memory_space<vmem>>
    %dma_start3A_17 = tpu.memref_squeeze %dma_start3A_16 : memref<1x128x64xf32, #tpu.memory_space<vmem>> -> memref<128x64xf32, #tpu.memory_space<vmem>>
    %dma_start3A_18 = arith.constant 0 : i32
    %dma_start3A_19 = tpu.memref_slice %arg7[%dma_start3A, %dma_start3A_18] : memref<80x128xi32, #tpu.memory_space<vmem>> -> memref<1x128xi32, #tpu.memory_space<vmem>>
    %dma_start3A_20 = tpu.memref_squeeze %dma_start3A_19 : memref<1x128xi32, #tpu.memory_space<vmem>> -> memref<128xi32, #tpu.memory_space<vmem>>
    %dma_start3A_21 = arith.constant 0 : i32
    %dma_start3A_22 = arith.constant 0 : i32
    %dma_start3A_23 = tpu.memref_slice %arg2[%dma_start3A_21, %dma_start3A_22] : memref<10000x64xf32, #tpu.memory_space<hbm>> -> memref<10000x64xf32, #tpu.memory_space<hbm>>
    %dma_start3A_24 = tpu.memref_slice %arg11[%dma_start3A_13] : memref<8x!tpu.dma_semaphore, #tpu.memory_space<semaphore_mem>> -> memref<1x!tpu.dma_semaphore, #tpu.memory_space<semaphore_mem>>
    %dma_start3A_25 = tpu.memref_squeeze %dma_start3A_24 : memref<1x!tpu.dma_semaphore, #tpu.memory_space<semaphore_mem>> -> memref<!tpu.dma_semaphore, #tpu.memory_space<semaphore_mem>>
    tpu.enqueue_indirect_dma source(%dma_start3A_23 : memref<10000x64xf32, #tpu.memory_space<hbm>>) target(%dma_start3A_17 : memref<128x64xf32, #tpu.memory_space<vmem>>) offsets(%dma_start3A_20 : memref<128xi32, #tpu.memory_space<vmem>>) semaphore(%dma_start3A_25 : memref<!tpu.dma_semaphore, #tpu.memory_space<semaphore_mem>>)
    %dma_start3A_26 = arith.constant 1 : i32
    %dma_start3A_27 = arith.constant 1 : i32
    %dma_start3A_28 = arith.constant 1 : i32
    %dma_start3A_29 = arith.constant 0 : i32
    %dma_start3A_30 = arith.constant 0 : i32
    %dma_start3A_31 = tpu.memref_slice %arg9[%dma_start3A_27, %dma_start3A_29, %dma_start3A_30] : memref<8x128x64xf32, #tpu.memory_space<vmem>> -> memref<1x128x64xf32, #tpu.memory_space<vmem>>
    %dma_start3A_32 = tpu.memref_squeeze %dma_start3A_31 : memref<1x128x64xf32, #tpu.memory_space<vmem>> -> memref<128x64xf32, #tpu.memory_space<vmem>>
    %dma_start3A_33 = arith.constant 0 : i32
    %dma_start3A_34 = tpu.memref_slice %arg7[%dma_start3A_26, %dma_start3A_33] : memref<80x128xi32, #tpu.memory_space<vmem>> -> memref<1x128xi32, #tpu.memory_space<vmem>>
    %dma_start3A_35 = tpu.memref_squeeze %dma_start3A_34 : memref<1x128xi32, #tpu.memory_space<vmem>> -> memref<128xi32, #tpu.memory_space<vmem>>
    %dma_start3A_36 = arith.constant 0 : i32
    %dma_start3A_37 = arith.constant 0 : i32
    %dma_start3A_38 = tpu.memref_slice %arg2[%dma_start3A_36, %dma_start3A_37] : memref<10000x64xf32, #tpu.memory_space<hbm>> -> memref<10000x64xf32, #tpu.memory_space<hbm>>
    %dma_start3A_39 = tpu.memref_slice %arg11[%dma_start3A_28] : memref<8x!tpu.dma_semaphore, #tpu.memory_space<semaphore_mem>> -> memref<1x!tpu.dma_semaphore, #tpu.memory_space<semaphore_mem>>
    %dma_start3A_40 = tpu.memref_squeeze %dma_start3A_39 : memref<1x!tpu.dma_semaphore, #tpu.memory_space<semaphore_mem>> -> memref<!tpu.dma_semaphore, #tpu.memory_space<semaphore_mem>>
    tpu.enqueue_indirect_dma source(%dma_start3A_38 : memref<10000x64xf32, #tpu.memory_space<hbm>>) target(%dma_start3A_32 : memref<128x64xf32, #tpu.memory_space<vmem>>) offsets(%dma_start3A_35 : memref<128xi32, #tpu.memory_space<vmem>>) semaphore(%dma_start3A_40 : memref<!tpu.dma_semaphore, #tpu.memory_space<semaphore_mem>>)
    %dma_start3A_41 = arith.constant 2 : i32
    %dma_start3A_42 = arith.constant 2 : i32
    %dma_start3A_43 = arith.constant 2 : i32
    %dma_start3A_44 = arith.constant 0 : i32
    %dma_start3A_45 = arith.constant 0 : i32
    %dma_start3A_46 = tpu.memref_slice %arg9[%dma_start3A_42, %dma_start3A_44, %dma_start3A_45] : memref<8x128x64xf32, #tpu.memory_space<vmem>> -> memref<1x128x64xf32, #tpu.memory_space<vmem>>
    %dma_start3A_47 = tpu.memref_squeeze %dma_start3A_46 : memref<1x128x64xf32, #tpu.memory_space<vmem>> -> memref<128x64xf32, #tpu.memory_space<vmem>>
    %dma_start3A_48 = arith.constant 0 : i32
    %dma_start3A_49 = tpu.memref_slice %arg7[%dma_start3A_41, %dma_start3A_48] : memref<80x128xi32, #tpu.memory_space<vmem>> -> memref<1x128xi32, #tpu.memory_space<vmem>>
    %dma_start3A_50 = tpu.memref_squeeze %dma_start3A_49 : memref<1x128xi32, #tpu.memory_space<vmem>> -> memref<128xi32, #tpu.memory_space<vmem>>
    %dma_start3A_51 = arith.constant 0 : i32
    %dma_start3A_52 = arith.constant 0 : i32
    %dma_start3A_53 = tpu.memref_slice %arg2[%dma_start3A_51, %dma_start3A_52] : memref<10000x64xf32, #tpu.memory_space<hbm>> -> memref<10000x64xf32, #tpu.memory_space<hbm>>
    %dma_start3A_54 = tpu.memref_slice %arg11[%dma_start3A_43] : memref<8x!tpu.dma_semaphore, #tpu.memory_space<semaphore_mem>> -> memref<1x!tpu.dma_semaphore, #tpu.memory_space<semaphore_mem>>
    %dma_start3A_55 = tpu.memref_squeeze %dma_start3A_54 : memref<1x!tpu.dma_semaphore, #tpu.memory_space<semaphore_mem>> -> memref<!tpu.dma_semaphore, #tpu.memory_space<semaphore_mem>>
    tpu.enqueue_indirect_dma source(%dma_start3A_53 : memref<10000x64xf32, #tpu.memory_space<hbm>>) target(%dma_start3A_47 : memref<128x64xf32, #tpu.memory_space<vmem>>) offsets(%dma_start3A_50 : memref<128xi32, #tpu.memory_space<vmem>>) semaphore(%dma_start3A_55 : memref<!tpu.dma_semaphore, #tpu.memory_space<semaphore_mem>>)
    %dma_start3A_56 = arith.constant 3 : i32
    %dma_start3A_57 = arith.constant 3 : i32
    %dma_start3A_58 = arith.constant 3 : i32
    %dma_start3A_59 = arith.constant 0 : i32
    %dma_start3A_60 = arith.constant 0 : i32
    %dma_start3A_61 = tpu.memref_slice %arg9[%dma_start3A_57, %dma_start3A_59, %dma_start3A_60] : memref<8x128x64xf32, #tpu.memory_space<vmem>> -> memref<1x128x64xf32, #tpu.memory_space<vmem>>
    %dma_start3A_62 = tpu.memref_squeeze %dma_start3A_61 : memref<1x128x64xf32, #tpu.memory_space<vmem>> -> memref<128x64xf32, #tpu.memory_space<vmem>>
    %dma_start3A_63 = arith.constant 0 : i32
    %dma_start3A_64 = tpu.memref_slice %arg7[%dma_start3A_56, %dma_start3A_63] : memref<80x128xi32, #tpu.memory_space<vmem>> -> memref<1x128xi32, #tpu.memory_space<vmem>>
    %dma_start3A_65 = tpu.memref_squeeze %dma_start3A_64 : memref<1x128xi32, #tpu.memory_space<vmem>> -> memref<128xi32, #tpu.memory_space<vmem>>
    %dma_start3A_66 = arith.constant 0 : i32
    %dma_start3A_67 = arith.constant 0 : i32
    %dma_start3A_68 = tpu.memref_slice %arg2[%dma_start3A_66, %dma_start3A_67] : memref<10000x64xf32, #tpu.memory_space<hbm>> -> memref<10000x64xf32, #tpu.memory_space<hbm>>
    %dma_start3A_69 = tpu.memref_slice %arg11[%dma_start3A_58] : memref<8x!tpu.dma_semaphore, #tpu.memory_space<semaphore_mem>> -> memref<1x!tpu.dma_semaphore, #tpu.memory_space<semaphore_mem>>
    %dma_start3A_70 = tpu.memref_squeeze %dma_start3A_69 : memref<1x!tpu.dma_semaphore, #tpu.memory_space<semaphore_mem>> -> memref<!tpu.dma_semaphore, #tpu.memory_space<semaphore_mem>>
    tpu.enqueue_indirect_dma source(%dma_start3A_68 : memref<10000x64xf32, #tpu.memory_space<hbm>>) target(%dma_start3A_62 : memref<128x64xf32, #tpu.memory_space<vmem>>) offsets(%dma_start3A_65 : memref<128xi32, #tpu.memory_space<vmem>>) semaphore(%dma_start3A_70 : memref<!tpu.dma_semaphore, #tpu.memory_space<semaphore_mem>>)
    %add3A_71 = arith.constant 8 : i32
    %add3A_72 = arith.addi %select_n3A, %add3A_71 : i32
    %sub3A = arith.constant 1 : i32
    %sub3A_73 = arith.subi %add3A_72, %sub3A : i32
    %jit3A_74 = arith.constant 8 : i32
    %div3A = arith.divsi %sub3A_73, %jit3A_74 : i32
    %sign3A = arith.constant 0 : i32
    %sign3A_75 = arith.cmpi sgt, %sub3A_73, %sign3A : i32
    %sign3A_76 = arith.extui %sign3A_75 : i1 to i32
    %sign3A_77 = arith.constant 0 : i32
    %sign3A_78 = arith.cmpi slt, %sub3A_73, %sign3A_77 : i32
    %sign3A_79 = arith.extui %sign3A_78 : i1 to i32
    %sign3A_80 = arith.subi %sign3A_76, %sign3A_79 : i32
    %sign3A_81 = arith.constant 0 : i32
    %sign3A_82 = arith.cmpi sgt, %jit3A_74, %sign3A_81 : i32
    %sign3A_83 = arith.extui %sign3A_82 : i1 to i32
    %sign3A_84 = arith.constant 0 : i32
    %sign3A_85 = arith.cmpi slt, %jit3A_74, %sign3A_84 : i32
    %sign3A_86 = arith.extui %sign3A_85 : i1 to i32
    %sign3A_87 = arith.subi %sign3A_83, %sign3A_86 : i32
    %ne3A = arith.cmpi ne, %sign3A_80, %sign3A_87 : i32
    %rem3A = arith.remsi %sub3A_73, %jit3A_74 : i32
    %ne3A_88 = arith.constant 0 : i32
    %ne3A_89 = arith.cmpi ne, %rem3A, %ne3A_88 : i32
    %and3A = arith.andi %ne3A, %ne3A_89 : i1
    %sub3A_90 = arith.constant 1 : i32
    %sub3A_91 = arith.subi %div3A, %sub3A_90 : i32
    %select_n3A_92 = arith.select %and3A, %sub3A_91, %div3A : i32
    %add3A_93 = arith.constant 1 : i32
    %add3A_94 = arith.addi %select_n3A_92, %add3A_93 : i32
    %while3A = arith.constant 0 : i32
    %while3A_95 = arith.constant 0 : i32
    %while3A_96 = arith.subi %add3A_94, %while3A_95 : i32
    %while3A_97 = arith.addi %while3A_95, %while3A_96 : i32
    %while3A_98 = arith.constant 1 : i32
    %while3A_99 = arith.divsi %while3A_96, %while3A_98 : i32
    %while3A_100 = arith.muli %while3A_99, %while3A_98 : i32
    %while3A_101 = arith.addi %while3A_95, %while3A_100 : i32
    %while3A_102 = arith.constant 1 : i32
    scf.for %while3A_109 = %while3A_95 to %while3A_101 step %while3A_102  : i32 {
      %mul3A_110 = arith.constant 8 : i32
      %mul3A_111 = arith.muli %while3A_109, %mul3A_110 : i32
      %add3A_112 = arith.constant 0 : i32
      %add3A_113 = arith.addi %mul3A_111, %add3A_112 : i32
      %lt3A = arith.cmpi slt, %add3A_113, %select_n3A : i32
      %convert_element_type3A_114 = arith.extui %lt3A : i1 to i32
      %cond3A_115 = arith.constant 0 : i32
      %cond3A_116 = arith.cmpi ne, %convert_element_type3A_114, %cond3A_115 : i32
      scf.if %cond3A_116 {
        %dma_wait3A = arith.constant 0 : i32
        %dma_wait3A_278 = arith.constant 0 : i32
        %dma_wait3A_279 = arith.constant 0 : i32
        %dma_wait3A_280 = arith.constant 0 : i32
        %dma_wait3A_281 = tpu.memref_slice %arg9[%dma_wait3A, %dma_wait3A_279, %dma_wait3A_280] : memref<8x128x64xf32, #tpu.memory_space<vmem>> -> memref<1x128x64xf32, #tpu.memory_space<vmem>>
        %dma_wait3A_282 = tpu.memref_squeeze %dma_wait3A_281 : memref<1x128x64xf32, #tpu.memory_space<vmem>> -> memref<128x64xf32, #tpu.memory_space<vmem>>
        %dma_wait3A_283 = arith.constant 0 : i32
        %dma_wait3A_284 = tpu.memref_slice %arg7[%add3A_113, %dma_wait3A_283] : memref<80x128xi32, #tpu.memory_space<vmem>> -> memref<1x128xi32, #tpu.memory_space<vmem>>
        %dma_wait3A_285 = tpu.memref_squeeze %dma_wait3A_284 : memref<1x128xi32, #tpu.memory_space<vmem>> -> memref<128xi32, #tpu.memory_space<vmem>>
        %dma_wait3A_286 = arith.constant 0 : i32
        %dma_wait3A_287 = arith.constant 0 : i32
        %dma_wait3A_288 = tpu.memref_slice %arg2[%dma_wait3A_286, %dma_wait3A_287] : memref<10000x64xf32, #tpu.memory_space<hbm>> -> memref<10000x64xf32, #tpu.memory_space<hbm>>
        %dma_wait3A_289 = tpu.memref_slice %arg11[%dma_wait3A_278] : memref<8x!tpu.dma_semaphore, #tpu.memory_space<semaphore_mem>> -> memref<1x!tpu.dma_semaphore, #tpu.memory_space<semaphore_mem>>
        %dma_wait3A_290 = tpu.memref_squeeze %dma_wait3A_289 : memref<1x!tpu.dma_semaphore, #tpu.memory_space<semaphore_mem>> -> memref<!tpu.dma_semaphore, #tpu.memory_space<semaphore_mem>>
        tpu.wait_indirect_dma semaphore(%dma_wait3A_290 : memref<!tpu.dma_semaphore, #tpu.memory_space<semaphore_mem>>) src(%dma_wait3A_288 : memref<10000x64xf32, #tpu.memory_space<hbm>>) dst(%dma_wait3A_282 : memref<128x64xf32, #tpu.memory_space<vmem>>)
        %dma_start3A_291 = arith.constant 0 : i32
        %dma_start3A_292 = arith.constant 0 : i32
        %dma_start3A_293 = arith.constant 0 : i32
        %dma_start3A_294 = arith.constant 0 : i32
        %dma_start3A_295 = tpu.memref_slice %arg9[%dma_start3A_291, %dma_start3A_293, %dma_start3A_294] : memref<8x128x64xf32, #tpu.memory_space<vmem>> -> memref<1x128x64xf32, #tpu.memory_space<vmem>>
        %dma_start3A_296 = tpu.memref_squeeze %dma_start3A_295 : memref<1x128x64xf32, #tpu.memory_space<vmem>> -> memref<128x64xf32, #tpu.memory_space<vmem>>
        %dma_start3A_297 = arith.constant 0 : i32
        %dma_start3A_298 = tpu.memref_slice %arg8[%add3A_113, %dma_start3A_297] : memref<80x128xi32, #tpu.memory_space<vmem>> -> memref<1x128xi32, #tpu.memory_space<vmem>>
        %dma_start3A_299 = tpu.memref_squeeze %dma_start3A_298 : memref<1x128xi32, #tpu.memory_space<vmem>> -> memref<128xi32, #tpu.memory_space<vmem>>
        %dma_start3A_300 = arith.constant 0 : i32
        %dma_start3A_301 = arith.constant 0 : i32
        %dma_start3A_302 = tpu.memref_slice %arg10[%dma_start3A_300, %dma_start3A_301] : memref<10000x64xf32, #tpu.memory_space<vmem_shared>> -> memref<10000x64xf32, #tpu.memory_space<vmem_shared>>
        %dma_start3A_303 = tpu.memref_slice %arg12[%dma_start3A_292] : memref<8x!tpu.dma_semaphore, #tpu.memory_space<semaphore_mem>> -> memref<1x!tpu.dma_semaphore, #tpu.memory_space<semaphore_mem>>
        %dma_start3A_304 = tpu.memref_squeeze %dma_start3A_303 : memref<1x!tpu.dma_semaphore, #tpu.memory_space<semaphore_mem>> -> memref<!tpu.dma_semaphore, #tpu.memory_space<semaphore_mem>>
        tpu.enqueue_indirect_dma source(%dma_start3A_296 : memref<128x64xf32, #tpu.memory_space<vmem>>) target(%dma_start3A_302 : memref<10000x64xf32, #tpu.memory_space<vmem_shared>>) offsets(%dma_start3A_299 : memref<128xi32, #tpu.memory_space<vmem>>) semaphore(%dma_start3A_304 : memref<!tpu.dma_semaphore, #tpu.memory_space<semaphore_mem>>) {add = true}
      } else {
      }
      %sub3A_117 = arith.constant 4 : i32
      %sub3A_118 = arith.subi %add3A_113, %sub3A_117 : i32
      %ge3A = arith.constant 0 : i32
      %ge3A_119 = arith.cmpi sge, %sub3A_118, %ge3A : i32
      %lt3A_120 = arith.cmpi slt, %sub3A_118, %select_n3A : i32
      %and3A_121 = arith.andi %ge3A_119, %lt3A_120 : i1
      %convert_element_type3A_122 = arith.extui %and3A_121 : i1 to i32
      %cond3A_123 = arith.constant 0 : i32
      %cond3A_124 = arith.cmpi ne, %convert_element_type3A_122, %cond3A_123 : i32
      scf.if %cond3A_124 {
        %dma_wait3A = arith.constant 4 : i32
        %dma_wait3A_278 = arith.constant 4 : i32
        %dma_wait3A_279 = arith.constant 0 : i32
        %dma_wait3A_280 = arith.constant 0 : i32
        %dma_wait3A_281 = tpu.memref_slice %arg9[%dma_wait3A, %dma_wait3A_279, %dma_wait3A_280] : memref<8x128x64xf32, #tpu.memory_space<vmem>> -> memref<1x128x64xf32, #tpu.memory_space<vmem>>
        %dma_wait3A_282 = tpu.memref_squeeze %dma_wait3A_281 : memref<1x128x64xf32, #tpu.memory_space<vmem>> -> memref<128x64xf32, #tpu.memory_space<vmem>>
        %dma_wait3A_283 = arith.constant 0 : i32
        %dma_wait3A_284 = tpu.memref_slice %arg8[%sub3A_118, %dma_wait3A_283] : memref<80x128xi32, #tpu.memory_space<vmem>> -> memref<1x128xi32, #tpu.memory_space<vmem>>
        %dma_wait3A_285 = tpu.memref_squeeze %dma_wait3A_284 : memref<1x128xi32, #tpu.memory_space<vmem>> -> memref<128xi32, #tpu.memory_space<vmem>>
        %dma_wait3A_286 = arith.constant 0 : i32
        %dma_wait3A_287 = arith.constant 0 : i32
        %dma_wait3A_288 = tpu.memref_slice %arg10[%dma_wait3A_286, %dma_wait3A_287] : memref<10000x64xf32, #tpu.memory_space<vmem_shared>> -> memref<10000x64xf32, #tpu.memory_space<vmem_shared>>
        %dma_wait3A_289 = tpu.memref_slice %arg12[%dma_wait3A_278] : memref<8x!tpu.dma_semaphore, #tpu.memory_space<semaphore_mem>> -> memref<1x!tpu.dma_semaphore, #tpu.memory_space<semaphore_mem>>
        %dma_wait3A_290 = tpu.memref_squeeze %dma_wait3A_289 : memref<1x!tpu.dma_semaphore, #tpu.memory_space<semaphore_mem>> -> memref<!tpu.dma_semaphore, #tpu.memory_space<semaphore_mem>>
        tpu.wait_indirect_dma semaphore(%dma_wait3A_290 : memref<!tpu.dma_semaphore, #tpu.memory_space<semaphore_mem>>) src(%dma_wait3A_282 : memref<128x64xf32, #tpu.memory_space<vmem>>) dst(%dma_wait3A_288 : memref<10000x64xf32, #tpu.memory_space<vmem_shared>>)
      } else {
      }
      %add3A_125 = arith.constant 4 : i32
      %add3A_126 = arith.addi %add3A_113, %add3A_125 : i32
      %lt3A_127 = arith.cmpi slt, %add3A_126, %select_n3A : i32
      %convert_element_type3A_128 = arith.extui %lt3A_127 : i1 to i32
      %cond3A_129 = arith.constant 0 : i32
      %cond3A_130 = arith.cmpi ne, %convert_element_type3A_128, %cond3A_129 : i32
      scf.if %cond3A_130 {
        %dma_start3A_278 = arith.constant 4 : i32
        %dma_start3A_279 = arith.constant 4 : i32
        %dma_start3A_280 = arith.constant 0 : i32
        %dma_start3A_281 = arith.constant 0 : i32
        %dma_start3A_282 = tpu.memref_slice %arg9[%dma_start3A_278, %dma_start3A_280, %dma_start3A_281] : memref<8x128x64xf32, #tpu.memory_space<vmem>> -> memref<1x128x64xf32, #tpu.memory_space<vmem>>
        %dma_start3A_283 = tpu.memref_squeeze %dma_start3A_282 : memref<1x128x64xf32, #tpu.memory_space<vmem>> -> memref<128x64xf32, #tpu.memory_space<vmem>>
        %dma_start3A_284 = arith.constant 0 : i32
        %dma_start3A_285 = tpu.memref_slice %arg7[%add3A_126, %dma_start3A_284] : memref<80x128xi32, #tpu.memory_space<vmem>> -> memref<1x128xi32, #tpu.memory_space<vmem>>
        %dma_start3A_286 = tpu.memref_squeeze %dma_start3A_285 : memref<1x128xi32, #tpu.memory_space<vmem>> -> memref<128xi32, #tpu.memory_space<vmem>>
        %dma_start3A_287 = arith.constant 0 : i32
        %dma_start3A_288 = arith.constant 0 : i32
        %dma_start3A_289 = tpu.memref_slice %arg2[%dma_start3A_287, %dma_start3A_288] : memref<10000x64xf32, #tpu.memory_space<hbm>> -> memref<10000x64xf32, #tpu.memory_space<hbm>>
        %dma_start3A_290 = tpu.memref_slice %arg11[%dma_start3A_279] : memref<8x!tpu.dma_semaphore, #tpu.memory_space<semaphore_mem>> -> memref<1x!tpu.dma_semaphore, #tpu.memory_space<semaphore_mem>>
        %dma_start3A_291 = tpu.memref_squeeze %dma_start3A_290 : memref<1x!tpu.dma_semaphore, #tpu.memory_space<semaphore_mem>> -> memref<!tpu.dma_semaphore, #tpu.memory_space<semaphore_mem>>
        tpu.enqueue_indirect_dma source(%dma_start3A_289 : memref<10000x64xf32, #tpu.memory_space<hbm>>) target(%dma_start3A_283 : memref<128x64xf32, #tpu.memory_space<vmem>>) offsets(%dma_start3A_286 : memref<128xi32, #tpu.memory_space<vmem>>) semaphore(%dma_start3A_291 : memref<!tpu.dma_semaphore, #tpu.memory_space<semaphore_mem>>)
      } else {
      }
      %add3A_131 = arith.constant 1 : i32
      %add3A_132 = arith.addi %mul3A_111, %add3A_131 : i32
      %lt3A_133 = arith.cmpi slt, %add3A_132, %select_n3A : i32
      %convert_element_type3A_134 = arith.extui %lt3A_133 : i1 to i32
      %cond3A_135 = arith.constant 0 : i32
      %cond3A_136 = arith.cmpi ne, %convert_element_type3A_134, %cond3A_135 : i32
      scf.if %cond3A_136 {
        %dma_wait3A = arith.constant 1 : i32
        %dma_wait3A_278 = arith.constant 1 : i32
        %dma_wait3A_279 = arith.constant 0 : i32
        %dma_wait3A_280 = arith.constant 0 : i32
        %dma_wait3A_281 = tpu.memref_slice %arg9[%dma_wait3A, %dma_wait3A_279, %dma_wait3A_280] : memref<8x128x64xf32, #tpu.memory_space<vmem>> -> memref<1x128x64xf32, #tpu.memory_space<vmem>>
        %dma_wait3A_282 = tpu.memref_squeeze %dma_wait3A_281 : memref<1x128x64xf32, #tpu.memory_space<vmem>> -> memref<128x64xf32, #tpu.memory_space<vmem>>
        %dma_wait3A_283 = arith.constant 0 : i32
        %dma_wait3A_284 = tpu.memref_slice %arg7[%add3A_132, %dma_wait3A_283] : memref<80x128xi32, #tpu.memory_space<vmem>> -> memref<1x128xi32, #tpu.memory_space<vmem>>
        %dma_wait3A_285 = tpu.memref_squeeze %dma_wait3A_284 : memref<1x128xi32, #tpu.memory_space<vmem>> -> memref<128xi32, #tpu.memory_space<vmem>>
        %dma_wait3A_286 = arith.constant 0 : i32
        %dma_wait3A_287 = arith.constant 0 : i32
        %dma_wait3A_288 = tpu.memref_slice %arg2[%dma_wait3A_286, %dma_wait3A_287] : memref<10000x64xf32, #tpu.memory_space<hbm>> -> memref<10000x64xf32, #tpu.memory_space<hbm>>
        %dma_wait3A_289 = tpu.memref_slice %arg11[%dma_wait3A_278] : memref<8x!tpu.dma_semaphore, #tpu.memory_space<semaphore_mem>> -> memref<1x!tpu.dma_semaphore, #tpu.memory_space<semaphore_mem>>
        %dma_wait3A_290 = tpu.memref_squeeze %dma_wait3A_289 : memref<1x!tpu.dma_semaphore, #tpu.memory_space<semaphore_mem>> -> memref<!tpu.dma_semaphore, #tpu.memory_space<semaphore_mem>>
        tpu.wait_indirect_dma semaphore(%dma_wait3A_290 : memref<!tpu.dma_semaphore, #tpu.memory_space<semaphore_mem>>) src(%dma_wait3A_288 : memref<10000x64xf32, #tpu.memory_space<hbm>>) dst(%dma_wait3A_282 : memref<128x64xf32, #tpu.memory_space<vmem>>)
        %dma_start3A_291 = arith.constant 1 : i32
        %dma_start3A_292 = arith.constant 1 : i32
        %dma_start3A_293 = arith.constant 0 : i32
        %dma_start3A_294 = arith.constant 0 : i32
        %dma_start3A_295 = tpu.memref_slice %arg9[%dma_start3A_291, %dma_start3A_293, %dma_start3A_294] : memref<8x128x64xf32, #tpu.memory_space<vmem>> -> memref<1x128x64xf32, #tpu.memory_space<vmem>>
        %dma_start3A_296 = tpu.memref_squeeze %dma_start3A_295 : memref<1x128x64xf32, #tpu.memory_space<vmem>> -> memref<128x64xf32, #tpu.memory_space<vmem>>
        %dma_start3A_297 = arith.constant 0 : i32
        %dma_start3A_298 = tpu.memref_slice %arg8[%add3A_132, %dma_start3A_297] : memref<80x128xi32, #tpu.memory_space<vmem>> -> memref<1x128xi32, #tpu.memory_space<vmem>>
        %dma_start3A_299 = tpu.memref_squeeze %dma_start3A_298 : memref<1x128xi32, #tpu.memory_space<vmem>> -> memref<128xi32, #tpu.memory_space<vmem>>
        %dma_start3A_300 = arith.constant 0 : i32
        %dma_start3A_301 = arith.constant 0 : i32
        %dma_start3A_302 = tpu.memref_slice %arg10[%dma_start3A_300, %dma_start3A_301] : memref<10000x64xf32, #tpu.memory_space<vmem_shared>> -> memref<10000x64xf32, #tpu.memory_space<vmem_shared>>
        %dma_start3A_303 = tpu.memref_slice %arg12[%dma_start3A_292] : memref<8x!tpu.dma_semaphore, #tpu.memory_space<semaphore_mem>> -> memref<1x!tpu.dma_semaphore, #tpu.memory_space<semaphore_mem>>
        %dma_start3A_304 = tpu.memref_squeeze %dma_start3A_303 : memref<1x!tpu.dma_semaphore, #tpu.memory_space<semaphore_mem>> -> memref<!tpu.dma_semaphore, #tpu.memory_space<semaphore_mem>>
        tpu.enqueue_indirect_dma source(%dma_start3A_296 : memref<128x64xf32, #tpu.memory_space<vmem>>) target(%dma_start3A_302 : memref<10000x64xf32, #tpu.memory_space<vmem_shared>>) offsets(%dma_start3A_299 : memref<128xi32, #tpu.memory_space<vmem>>) semaphore(%dma_start3A_304 : memref<!tpu.dma_semaphore, #tpu.memory_space<semaphore_mem>>) {add = true}
      } else {
      }
      %sub3A_137 = arith.constant 4 : i32
      %sub3A_138 = arith.subi %add3A_132, %sub3A_137 : i32
      %ge3A_139 = arith.constant 0 : i32
      %ge3A_140 = arith.cmpi sge, %sub3A_138, %ge3A_139 : i32
      %lt3A_141 = arith.cmpi slt, %sub3A_138, %select_n3A : i32
      %and3A_142 = arith.andi %ge3A_140, %lt3A_141 : i1
      %convert_element_type3A_143 = arith.extui %and3A_142 : i1 to i32
      %cond3A_144 = arith.constant 0 : i32
      %cond3A_145 = arith.cmpi ne, %convert_element_type3A_143, %cond3A_144 : i32
      scf.if %cond3A_145 {
        %dma_wait3A = arith.constant 5 : i32
        %dma_wait3A_278 = arith.constant 5 : i32
        %dma_wait3A_279 = arith.constant 0 : i32
        %dma_wait3A_280 = arith.constant 0 : i32
        %dma_wait3A_281 = tpu.memref_slice %arg9[%dma_wait3A, %dma_wait3A_279, %dma_wait3A_280] : memref<8x128x64xf32, #tpu.memory_space<vmem>> -> memref<1x128x64xf32, #tpu.memory_space<vmem>>
        %dma_wait3A_282 = tpu.memref_squeeze %dma_wait3A_281 : memref<1x128x64xf32, #tpu.memory_space<vmem>> -> memref<128x64xf32, #tpu.memory_space<vmem>>
        %dma_wait3A_283 = arith.constant 0 : i32
        %dma_wait3A_284 = tpu.memref_slice %arg8[%sub3A_138, %dma_wait3A_283] : memref<80x128xi32, #tpu.memory_space<vmem>> -> memref<1x128xi32, #tpu.memory_space<vmem>>
        %dma_wait3A_285 = tpu.memref_squeeze %dma_wait3A_284 : memref<1x128xi32, #tpu.memory_space<vmem>> -> memref<128xi32, #tpu.memory_space<vmem>>
        %dma_wait3A_286 = arith.constant 0 : i32
        %dma_wait3A_287 = arith.constant 0 : i32
        %dma_wait3A_288 = tpu.memref_slice %arg10[%dma_wait3A_286, %dma_wait3A_287] : memref<10000x64xf32, #tpu.memory_space<vmem_shared>> -> memref<10000x64xf32, #tpu.memory_space<vmem_shared>>
        %dma_wait3A_289 = tpu.memref_slice %arg12[%dma_wait3A_278] : memref<8x!tpu.dma_semaphore, #tpu.memory_space<semaphore_mem>> -> memref<1x!tpu.dma_semaphore, #tpu.memory_space<semaphore_mem>>
        %dma_wait3A_290 = tpu.memref_squeeze %dma_wait3A_289 : memref<1x!tpu.dma_semaphore, #tpu.memory_space<semaphore_mem>> -> memref<!tpu.dma_semaphore, #tpu.memory_space<semaphore_mem>>
        tpu.wait_indirect_dma semaphore(%dma_wait3A_290 : memref<!tpu.dma_semaphore, #tpu.memory_space<semaphore_mem>>) src(%dma_wait3A_282 : memref<128x64xf32, #tpu.memory_space<vmem>>) dst(%dma_wait3A_288 : memref<10000x64xf32, #tpu.memory_space<vmem_shared>>)
      } else {
      }
      %add3A_146 = arith.constant 4 : i32
      %add3A_147 = arith.addi %add3A_132, %add3A_146 : i32
      %lt3A_148 = arith.cmpi slt, %add3A_147, %select_n3A : i32
      %convert_element_type3A_149 = arith.extui %lt3A_148 : i1 to i32
      %cond3A_150 = arith.constant 0 : i32
      %cond3A_151 = arith.cmpi ne, %convert_element_type3A_149, %cond3A_150 : i32
      scf.if %cond3A_151 {
        %dma_start3A_278 = arith.constant 5 : i32
        %dma_start3A_279 = arith.constant 5 : i32
        %dma_start3A_280 = arith.constant 0 : i32
        %dma_start3A_281 = arith.constant 0 : i32
        %dma_start3A_282 = tpu.memref_slice %arg9[%dma_start3A_278, %dma_start3A_280, %dma_start3A_281] : memref<8x128x64xf32, #tpu.memory_space<vmem>> -> memref<1x128x64xf32, #tpu.memory_space<vmem>>
        %dma_start3A_283 = tpu.memref_squeeze %dma_start3A_282 : memref<1x128x64xf32, #tpu.memory_space<vmem>> -> memref<128x64xf32, #tpu.memory_space<vmem>>
        %dma_start3A_284 = arith.constant 0 : i32
        %dma_start3A_285 = tpu.memref_slice %arg7[%add3A_147, %dma_start3A_284] : memref<80x128xi32, #tpu.memory_space<vmem>> -> memref<1x128xi32, #tpu.memory_space<vmem>>
        %dma_start3A_286 = tpu.memref_squeeze %dma_start3A_285 : memref<1x128xi32, #tpu.memory_space<vmem>> -> memref<128xi32, #tpu.memory_space<vmem>>
        %dma_start3A_287 = arith.constant 0 : i32
        %dma_start3A_288 = arith.constant 0 : i32
        %dma_start3A_289 = tpu.memref_slice %arg2[%dma_start3A_287, %dma_start3A_288] : memref<10000x64xf32, #tpu.memory_space<hbm>> -> memref<10000x64xf32, #tpu.memory_space<hbm>>
        %dma_start3A_290 = tpu.memref_slice %arg11[%dma_start3A_279] : memref<8x!tpu.dma_semaphore, #tpu.memory_space<semaphore_mem>> -> memref<1x!tpu.dma_semaphore, #tpu.memory_space<semaphore_mem>>
        %dma_start3A_291 = tpu.memref_squeeze %dma_start3A_290 : memref<1x!tpu.dma_semaphore, #tpu.memory_space<semaphore_mem>> -> memref<!tpu.dma_semaphore, #tpu.memory_space<semaphore_mem>>
        tpu.enqueue_indirect_dma source(%dma_start3A_289 : memref<10000x64xf32, #tpu.memory_space<hbm>>) target(%dma_start3A_283 : memref<128x64xf32, #tpu.memory_space<vmem>>) offsets(%dma_start3A_286 : memref<128xi32, #tpu.memory_space<vmem>>) semaphore(%dma_start3A_291 : memref<!tpu.dma_semaphore, #tpu.memory_space<semaphore_mem>>)
      } else {
      }
      %add3A_152 = arith.constant 2 : i32
      %add3A_153 = arith.addi %mul3A_111, %add3A_152 : i32
      %lt3A_154 = arith.cmpi slt, %add3A_153, %select_n3A : i32
      %convert_element_type3A_155 = arith.extui %lt3A_154 : i1 to i32
      %cond3A_156 = arith.constant 0 : i32
      %cond3A_157 = arith.cmpi ne, %convert_element_type3A_155, %cond3A_156 : i32
      scf.if %cond3A_157 {
        %dma_wait3A = arith.constant 2 : i32
        %dma_wait3A_278 = arith.constant 2 : i32
        %dma_wait3A_279 = arith.constant 0 : i32
        %dma_wait3A_280 = arith.constant 0 : i32
        %dma_wait3A_281 = tpu.memref_slice %arg9[%dma_wait3A, %dma_wait3A_279, %dma_wait3A_280] : memref<8x128x64xf32, #tpu.memory_space<vmem>> -> memref<1x128x64xf32, #tpu.memory_space<vmem>>
        %dma_wait3A_282 = tpu.memref_squeeze %dma_wait3A_281 : memref<1x128x64xf32, #tpu.memory_space<vmem>> -> memref<128x64xf32, #tpu.memory_space<vmem>>
        %dma_wait3A_283 = arith.constant 0 : i32
        %dma_wait3A_284 = tpu.memref_slice %arg7[%add3A_153, %dma_wait3A_283] : memref<80x128xi32, #tpu.memory_space<vmem>> -> memref<1x128xi32, #tpu.memory_space<vmem>>
        %dma_wait3A_285 = tpu.memref_squeeze %dma_wait3A_284 : memref<1x128xi32, #tpu.memory_space<vmem>> -> memref<128xi32, #tpu.memory_space<vmem>>
        %dma_wait3A_286 = arith.constant 0 : i32
        %dma_wait3A_287 = arith.constant 0 : i32
        %dma_wait3A_288 = tpu.memref_slice %arg2[%dma_wait3A_286, %dma_wait3A_287] : memref<10000x64xf32, #tpu.memory_space<hbm>> -> memref<10000x64xf32, #tpu.memory_space<hbm>>
        %dma_wait3A_289 = tpu.memref_slice %arg11[%dma_wait3A_278] : memref<8x!tpu.dma_semaphore, #tpu.memory_space<semaphore_mem>> -> memref<1x!tpu.dma_semaphore, #tpu.memory_space<semaphore_mem>>
        %dma_wait3A_290 = tpu.memref_squeeze %dma_wait3A_289 : memref<1x!tpu.dma_semaphore, #tpu.memory_space<semaphore_mem>> -> memref<!tpu.dma_semaphore, #tpu.memory_space<semaphore_mem>>
        tpu.wait_indirect_dma semaphore(%dma_wait3A_290 : memref<!tpu.dma_semaphore, #tpu.memory_space<semaphore_mem>>) src(%dma_wait3A_288 : memref<10000x64xf32, #tpu.memory_space<hbm>>) dst(%dma_wait3A_282 : memref<128x64xf32, #tpu.memory_space<vmem>>)
        %dma_start3A_291 = arith.constant 2 : i32
        %dma_start3A_292 = arith.constant 2 : i32
        %dma_start3A_293 = arith.constant 0 : i32
        %dma_start3A_294 = arith.constant 0 : i32
        %dma_start3A_295 = tpu.memref_slice %arg9[%dma_start3A_291, %dma_start3A_293, %dma_start3A_294] : memref<8x128x64xf32, #tpu.memory_space<vmem>> -> memref<1x128x64xf32, #tpu.memory_space<vmem>>
        %dma_start3A_296 = tpu.memref_squeeze %dma_start3A_295 : memref<1x128x64xf32, #tpu.memory_space<vmem>> -> memref<128x64xf32, #tpu.memory_space<vmem>>
        %dma_start3A_297 = arith.constant 0 : i32
        %dma_start3A_298 = tpu.memref_slice %arg8[%add3A_153, %dma_start3A_297] : memref<80x128xi32, #tpu.memory_space<vmem>> -> memref<1x128xi32, #tpu.memory_space<vmem>>
        %dma_start3A_299 = tpu.memref_squeeze %dma_start3A_298 : memref<1x128xi32, #tpu.memory_space<vmem>> -> memref<128xi32, #tpu.memory_space<vmem>>
        %dma_start3A_300 = arith.constant 0 : i32
        %dma_start3A_301 = arith.constant 0 : i32
        %dma_start3A_302 = tpu.memref_slice %arg10[%dma_start3A_300, %dma_start3A_301] : memref<10000x64xf32, #tpu.memory_space<vmem_shared>> -> memref<10000x64xf32, #tpu.memory_space<vmem_shared>>
        %dma_start3A_303 = tpu.memref_slice %arg12[%dma_start3A_292] : memref<8x!tpu.dma_semaphore, #tpu.memory_space<semaphore_mem>> -> memref<1x!tpu.dma_semaphore, #tpu.memory_space<semaphore_mem>>
        %dma_start3A_304 = tpu.memref_squeeze %dma_start3A_303 : memref<1x!tpu.dma_semaphore, #tpu.memory_space<semaphore_mem>> -> memref<!tpu.dma_semaphore, #tpu.memory_space<semaphore_mem>>
        tpu.enqueue_indirect_dma source(%dma_start3A_296 : memref<128x64xf32, #tpu.memory_space<vmem>>) target(%dma_start3A_302 : memref<10000x64xf32, #tpu.memory_space<vmem_shared>>) offsets(%dma_start3A_299 : memref<128xi32, #tpu.memory_space<vmem>>) semaphore(%dma_start3A_304 : memref<!tpu.dma_semaphore, #tpu.memory_space<semaphore_mem>>) {add = true}
      } else {
      }
      %sub3A_158 = arith.constant 4 : i32
      %sub3A_159 = arith.subi %add3A_153, %sub3A_158 : i32
      %ge3A_160 = arith.constant 0 : i32
      %ge3A_161 = arith.cmpi sge, %sub3A_159, %ge3A_160 : i32
      %lt3A_162 = arith.cmpi slt, %sub3A_159, %select_n3A : i32
      %and3A_163 = arith.andi %ge3A_161, %lt3A_162 : i1
      %convert_element_type3A_164 = arith.extui %and3A_163 : i1 to i32
      %cond3A_165 = arith.constant 0 : i32
      %cond3A_166 = arith.cmpi ne, %convert_element_type3A_164, %cond3A_165 : i32
      scf.if %cond3A_166 {
        %dma_wait3A = arith.constant 6 : i32
        %dma_wait3A_278 = arith.constant 6 : i32
        %dma_wait3A_279 = arith.constant 0 : i32
        %dma_wait3A_280 = arith.constant 0 : i32
        %dma_wait3A_281 = tpu.memref_slice %arg9[%dma_wait3A, %dma_wait3A_279, %dma_wait3A_280] : memref<8x128x64xf32, #tpu.memory_space<vmem>> -> memref<1x128x64xf32, #tpu.memory_space<vmem>>
        %dma_wait3A_282 = tpu.memref_squeeze %dma_wait3A_281 : memref<1x128x64xf32, #tpu.memory_space<vmem>> -> memref<128x64xf32, #tpu.memory_space<vmem>>
        %dma_wait3A_283 = arith.constant 0 : i32
        %dma_wait3A_284 = tpu.memref_slice %arg8[%sub3A_159, %dma_wait3A_283] : memref<80x128xi32, #tpu.memory_space<vmem>> -> memref<1x128xi32, #tpu.memory_space<vmem>>
        %dma_wait3A_285 = tpu.memref_squeeze %dma_wait3A_284 : memref<1x128xi32, #tpu.memory_space<vmem>> -> memref<128xi32, #tpu.memory_space<vmem>>
        %dma_wait3A_286 = arith.constant 0 : i32
        %dma_wait3A_287 = arith.constant 0 : i32
        %dma_wait3A_288 = tpu.memref_slice %arg10[%dma_wait3A_286, %dma_wait3A_287] : memref<10000x64xf32, #tpu.memory_space<vmem_shared>> -> memref<10000x64xf32, #tpu.memory_space<vmem_shared>>
        %dma_wait3A_289 = tpu.memref_slice %arg12[%dma_wait3A_278] : memref<8x!tpu.dma_semaphore, #tpu.memory_space<semaphore_mem>> -> memref<1x!tpu.dma_semaphore, #tpu.memory_space<semaphore_mem>>
        %dma_wait3A_290 = tpu.memref_squeeze %dma_wait3A_289 : memref<1x!tpu.dma_semaphore, #tpu.memory_space<semaphore_mem>> -> memref<!tpu.dma_semaphore, #tpu.memory_space<semaphore_mem>>
        tpu.wait_indirect_dma semaphore(%dma_wait3A_290 : memref<!tpu.dma_semaphore, #tpu.memory_space<semaphore_mem>>) src(%dma_wait3A_282 : memref<128x64xf32, #tpu.memory_space<vmem>>) dst(%dma_wait3A_288 : memref<10000x64xf32, #tpu.memory_space<vmem_shared>>)
      } else {
      }
      %add3A_167 = arith.constant 4 : i32
      %add3A_168 = arith.addi %add3A_153, %add3A_167 : i32
      %lt3A_169 = arith.cmpi slt, %add3A_168, %select_n3A : i32
      %convert_element_type3A_170 = arith.extui %lt3A_169 : i1 to i32
      %cond3A_171 = arith.constant 0 : i32
      %cond3A_172 = arith.cmpi ne, %convert_element_type3A_170, %cond3A_171 : i32
      scf.if %cond3A_172 {
        %dma_start3A_278 = arith.constant 6 : i32
        %dma_start3A_279 = arith.constant 6 : i32
        %dma_start3A_280 = arith.constant 0 : i32
        %dma_start3A_281 = arith.constant 0 : i32
        %dma_start3A_282 = tpu.memref_slice %arg9[%dma_start3A_278, %dma_start3A_280, %dma_start3A_281] : memref<8x128x64xf32, #tpu.memory_space<vmem>> -> memref<1x128x64xf32, #tpu.memory_space<vmem>>
        %dma_start3A_283 = tpu.memref_squeeze %dma_start3A_282 : memref<1x128x64xf32, #tpu.memory_space<vmem>> -> memref<128x64xf32, #tpu.memory_space<vmem>>
        %dma_start3A_284 = arith.constant 0 : i32
        %dma_start3A_285 = tpu.memref_slice %arg7[%add3A_168, %dma_start3A_284] : memref<80x128xi32, #tpu.memory_space<vmem>> -> memref<1x128xi32, #tpu.memory_space<vmem>>
        %dma_start3A_286 = tpu.memref_squeeze %dma_start3A_285 : memref<1x128xi32, #tpu.memory_space<vmem>> -> memref<128xi32, #tpu.memory_space<vmem>>
        %dma_start3A_287 = arith.constant 0 : i32
        %dma_start3A_288 = arith.constant 0 : i32
        %dma_start3A_289 = tpu.memref_slice %arg2[%dma_start3A_287, %dma_start3A_288] : memref<10000x64xf32, #tpu.memory_space<hbm>> -> memref<10000x64xf32, #tpu.memory_space<hbm>>
        %dma_start3A_290 = tpu.memref_slice %arg11[%dma_start3A_279] : memref<8x!tpu.dma_semaphore, #tpu.memory_space<semaphore_mem>> -> memref<1x!tpu.dma_semaphore, #tpu.memory_space<semaphore_mem>>
        %dma_start3A_291 = tpu.memref_squeeze %dma_start3A_290 : memref<1x!tpu.dma_semaphore, #tpu.memory_space<semaphore_mem>> -> memref<!tpu.dma_semaphore, #tpu.memory_space<semaphore_mem>>
        tpu.enqueue_indirect_dma source(%dma_start3A_289 : memref<10000x64xf32, #tpu.memory_space<hbm>>) target(%dma_start3A_283 : memref<128x64xf32, #tpu.memory_space<vmem>>) offsets(%dma_start3A_286 : memref<128xi32, #tpu.memory_space<vmem>>) semaphore(%dma_start3A_291 : memref<!tpu.dma_semaphore, #tpu.memory_space<semaphore_mem>>)
      } else {
      }
      %add3A_173 = arith.constant 3 : i32
      %add3A_174 = arith.addi %mul3A_111, %add3A_173 : i32
      %lt3A_175 = arith.cmpi slt, %add3A_174, %select_n3A : i32
      %convert_element_type3A_176 = arith.extui %lt3A_175 : i1 to i32
      %cond3A_177 = arith.constant 0 : i32
      %cond3A_178 = arith.cmpi ne, %convert_element_type3A_176, %cond3A_177 : i32
      scf.if %cond3A_178 {
        %dma_wait3A = arith.constant 3 : i32
        %dma_wait3A_278 = arith.constant 3 : i32
        %dma_wait3A_279 = arith.constant 0 : i32
        %dma_wait3A_280 = arith.constant 0 : i32
        %dma_wait3A_281 = tpu.memref_slice %arg9[%dma_wait3A, %dma_wait3A_279, %dma_wait3A_280] : memref<8x128x64xf32, #tpu.memory_space<vmem>> -> memref<1x128x64xf32, #tpu.memory_space<vmem>>
        %dma_wait3A_282 = tpu.memref_squeeze %dma_wait3A_281 : memref<1x128x64xf32, #tpu.memory_space<vmem>> -> memref<128x64xf32, #tpu.memory_space<vmem>>
        %dma_wait3A_283 = arith.constant 0 : i32
        %dma_wait3A_284 = tpu.memref_slice %arg7[%add3A_174, %dma_wait3A_283] : memref<80x128xi32, #tpu.memory_space<vmem>> -> memref<1x128xi32, #tpu.memory_space<vmem>>
        %dma_wait3A_285 = tpu.memref_squeeze %dma_wait3A_284 : memref<1x128xi32, #tpu.memory_space<vmem>> -> memref<128xi32, #tpu.memory_space<vmem>>
        %dma_wait3A_286 = arith.constant 0 : i32
        %dma_wait3A_287 = arith.constant 0 : i32
        %dma_wait3A_288 = tpu.memref_slice %arg2[%dma_wait3A_286, %dma_wait3A_287] : memref<10000x64xf32, #tpu.memory_space<hbm>> -> memref<10000x64xf32, #tpu.memory_space<hbm>>
        %dma_wait3A_289 = tpu.memref_slice %arg11[%dma_wait3A_278] : memref<8x!tpu.dma_semaphore, #tpu.memory_space<semaphore_mem>> -> memref<1x!tpu.dma_semaphore, #tpu.memory_space<semaphore_mem>>
        %dma_wait3A_290 = tpu.memref_squeeze %dma_wait3A_289 : memref<1x!tpu.dma_semaphore, #tpu.memory_space<semaphore_mem>> -> memref<!tpu.dma_semaphore, #tpu.memory_space<semaphore_mem>>
        tpu.wait_indirect_dma semaphore(%dma_wait3A_290 : memref<!tpu.dma_semaphore, #tpu.memory_space<semaphore_mem>>) src(%dma_wait3A_288 : memref<10000x64xf32, #tpu.memory_space<hbm>>) dst(%dma_wait3A_282 : memref<128x64xf32, #tpu.memory_space<vmem>>)
        %dma_start3A_291 = arith.constant 3 : i32
        %dma_start3A_292 = arith.constant 3 : i32
        %dma_start3A_293 = arith.constant 0 : i32
        %dma_start3A_294 = arith.constant 0 : i32
        %dma_start3A_295 = tpu.memref_slice %arg9[%dma_start3A_291, %dma_start3A_293, %dma_start3A_294] : memref<8x128x64xf32, #tpu.memory_space<vmem>> -> memref<1x128x64xf32, #tpu.memory_space<vmem>>
        %dma_start3A_296 = tpu.memref_squeeze %dma_start3A_295 : memref<1x128x64xf32, #tpu.memory_space<vmem>> -> memref<128x64xf32, #tpu.memory_space<vmem>>
        %dma_start3A_297 = arith.constant 0 : i32
        %dma_start3A_298 = tpu.memref_slice %arg8[%add3A_174, %dma_start3A_297] : memref<80x128xi32, #tpu.memory_space<vmem>> -> memref<1x128xi32, #tpu.memory_space<vmem>>
        %dma_start3A_299 = tpu.memref_squeeze %dma_start3A_298 : memref<1x128xi32, #tpu.memory_space<vmem>> -> memref<128xi32, #tpu.memory_space<vmem>>
        %dma_start3A_300 = arith.constant 0 : i32
        %dma_start3A_301 = arith.constant 0 : i32
        %dma_start3A_302 = tpu.memref_slice %arg10[%dma_start3A_300, %dma_start3A_301] : memref<10000x64xf32, #tpu.memory_space<vmem_shared>> -> memref<10000x64xf32, #tpu.memory_space<vmem_shared>>
        %dma_start3A_303 = tpu.memref_slice %arg12[%dma_start3A_292] : memref<8x!tpu.dma_semaphore, #tpu.memory_space<semaphore_mem>> -> memref<1x!tpu.dma_semaphore, #tpu.memory_space<semaphore_mem>>
        %dma_start3A_304 = tpu.memref_squeeze %dma_start3A_303 : memref<1x!tpu.dma_semaphore, #tpu.memory_space<semaphore_mem>> -> memref<!tpu.dma_semaphore, #tpu.memory_space<semaphore_mem>>
        tpu.enqueue_indirect_dma source(%dma_start3A_296 : memref<128x64xf32, #tpu.memory_space<vmem>>) target(%dma_start3A_302 : memref<10000x64xf32, #tpu.memory_space<vmem_shared>>) offsets(%dma_start3A_299 : memref<128xi32, #tpu.memory_space<vmem>>) semaphore(%dma_start3A_304 : memref<!tpu.dma_semaphore, #tpu.memory_space<semaphore_mem>>) {add = true}
      } else {
      }
      %sub3A_179 = arith.constant 4 : i32
      %sub3A_180 = arith.subi %add3A_174, %sub3A_179 : i32
      %ge3A_181 = arith.constant 0 : i32
      %ge3A_182 = arith.cmpi sge, %sub3A_180, %ge3A_181 : i32
      %lt3A_183 = arith.cmpi slt, %sub3A_180, %select_n3A : i32
      %and3A_184 = arith.andi %ge3A_182, %lt3A_183 : i1
      %convert_element_type3A_185 = arith.extui %and3A_184 : i1 to i32
      %cond3A_186 = arith.constant 0 : i32
      %cond3A_187 = arith.cmpi ne, %convert_element_type3A_185, %cond3A_186 : i32
      scf.if %cond3A_187 {
        %dma_wait3A = arith.constant 7 : i32
        %dma_wait3A_278 = arith.constant 7 : i32
        %dma_wait3A_279 = arith.constant 0 : i32
        %dma_wait3A_280 = arith.constant 0 : i32
        %dma_wait3A_281 = tpu.memref_slice %arg9[%dma_wait3A, %dma_wait3A_279, %dma_wait3A_280] : memref<8x128x64xf32, #tpu.memory_space<vmem>> -> memref<1x128x64xf32, #tpu.memory_space<vmem>>
        %dma_wait3A_282 = tpu.memref_squeeze %dma_wait3A_281 : memref<1x128x64xf32, #tpu.memory_space<vmem>> -> memref<128x64xf32, #tpu.memory_space<vmem>>
        %dma_wait3A_283 = arith.constant 0 : i32
        %dma_wait3A_284 = tpu.memref_slice %arg8[%sub3A_180, %dma_wait3A_283] : memref<80x128xi32, #tpu.memory_space<vmem>> -> memref<1x128xi32, #tpu.memory_space<vmem>>
        %dma_wait3A_285 = tpu.memref_squeeze %dma_wait3A_284 : memref<1x128xi32, #tpu.memory_space<vmem>> -> memref<128xi32, #tpu.memory_space<vmem>>
        %dma_wait3A_286 = arith.constant 0 : i32
        %dma_wait3A_287 = arith.constant 0 : i32
        %dma_wait3A_288 = tpu.memref_slice %arg10[%dma_wait3A_286, %dma_wait3A_287] : memref<10000x64xf32, #tpu.memory_space<vmem_shared>> -> memref<10000x64xf32, #tpu.memory_space<vmem_shared>>
        %dma_wait3A_289 = tpu.memref_slice %arg12[%dma_wait3A_278] : memref<8x!tpu.dma_semaphore, #tpu.memory_space<semaphore_mem>> -> memref<1x!tpu.dma_semaphore, #tpu.memory_space<semaphore_mem>>
        %dma_wait3A_290 = tpu.memref_squeeze %dma_wait3A_289 : memref<1x!tpu.dma_semaphore, #tpu.memory_space<semaphore_mem>> -> memref<!tpu.dma_semaphore, #tpu.memory_space<semaphore_mem>>
        tpu.wait_indirect_dma semaphore(%dma_wait3A_290 : memref<!tpu.dma_semaphore, #tpu.memory_space<semaphore_mem>>) src(%dma_wait3A_282 : memref<128x64xf32, #tpu.memory_space<vmem>>) dst(%dma_wait3A_288 : memref<10000x64xf32, #tpu.memory_space<vmem_shared>>)
      } else {
      }
      %add3A_188 = arith.constant 4 : i32
      %add3A_189 = arith.addi %add3A_174, %add3A_188 : i32
      %lt3A_190 = arith.cmpi slt, %add3A_189, %select_n3A : i32
      %convert_element_type3A_191 = arith.extui %lt3A_190 : i1 to i32
      %cond3A_192 = arith.constant 0 : i32
      %cond3A_193 = arith.cmpi ne, %convert_element_type3A_191, %cond3A_192 : i32
      scf.if %cond3A_193 {
        %dma_start3A_278 = arith.constant 7 : i32
        %dma_start3A_279 = arith.constant 7 : i32
        %dma_start3A_280 = arith.constant 0 : i32
        %dma_start3A_281 = arith.constant 0 : i32
        %dma_start3A_282 = tpu.memref_slice %arg9[%dma_start3A_278, %dma_start3A_280, %dma_start3A_281] : memref<8x128x64xf32, #tpu.memory_space<vmem>> -> memref<1x128x64xf32, #tpu.memory_space<vmem>>
        %dma_start3A_283 = tpu.memref_squeeze %dma_start3A_282 : memref<1x128x64xf32, #tpu.memory_space<vmem>> -> memref<128x64xf32, #tpu.memory_space<vmem>>
        %dma_start3A_284 = arith.constant 0 : i32
        %dma_start3A_285 = tpu.memref_slice %arg7[%add3A_189, %dma_start3A_284] : memref<80x128xi32, #tpu.memory_space<vmem>> -> memref<1x128xi32, #tpu.memory_space<vmem>>
        %dma_start3A_286 = tpu.memref_squeeze %dma_start3A_285 : memref<1x128xi32, #tpu.memory_space<vmem>> -> memref<128xi32, #tpu.memory_space<vmem>>
        %dma_start3A_287 = arith.constant 0 : i32
        %dma_start3A_288 = arith.constant 0 : i32
        %dma_start3A_289 = tpu.memref_slice %arg2[%dma_start3A_287, %dma_start3A_288] : memref<10000x64xf32, #tpu.memory_space<hbm>> -> memref<10000x64xf32, #tpu.memory_space<hbm>>
        %dma_start3A_290 = tpu.memref_slice %arg11[%dma_start3A_279] : memref<8x!tpu.dma_semaphore, #tpu.memory_space<semaphore_mem>> -> memref<1x!tpu.dma_semaphore, #tpu.memory_space<semaphore_mem>>
        %dma_start3A_291 = tpu.memref_squeeze %dma_start3A_290 : memref<1x!tpu.dma_semaphore, #tpu.memory_space<semaphore_mem>> -> memref<!tpu.dma_semaphore, #tpu.memory_space<semaphore_mem>>
        tpu.enqueue_indirect_dma source(%dma_start3A_289 : memref<10000x64xf32, #tpu.memory_space<hbm>>) target(%dma_start3A_283 : memref<128x64xf32, #tpu.memory_space<vmem>>) offsets(%dma_start3A_286 : memref<128xi32, #tpu.memory_space<vmem>>) semaphore(%dma_start3A_291 : memref<!tpu.dma_semaphore, #tpu.memory_space<semaphore_mem>>)
      } else {
      }
      %add3A_194 = arith.constant 4 : i32
      %add3A_195 = arith.addi %mul3A_111, %add3A_194 : i32
      %lt3A_196 = arith.cmpi slt, %add3A_195, %select_n3A : i32
      %convert_element_type3A_197 = arith.extui %lt3A_196 : i1 to i32
      %cond3A_198 = arith.constant 0 : i32
      %cond3A_199 = arith.cmpi ne, %convert_element_type3A_197, %cond3A_198 : i32
      scf.if %cond3A_199 {
        %dma_wait3A = arith.constant 4 : i32
        %dma_wait3A_278 = arith.constant 4 : i32
        %dma_wait3A_279 = arith.constant 0 : i32
        %dma_wait3A_280 = arith.constant 0 : i32
        %dma_wait3A_281 = tpu.memref_slice %arg9[%dma_wait3A, %dma_wait3A_279, %dma_wait3A_280] : memref<8x128x64xf32, #tpu.memory_space<vmem>> -> memref<1x128x64xf32, #tpu.memory_space<vmem>>
        %dma_wait3A_282 = tpu.memref_squeeze %dma_wait3A_281 : memref<1x128x64xf32, #tpu.memory_space<vmem>> -> memref<128x64xf32, #tpu.memory_space<vmem>>
        %dma_wait3A_283 = arith.constant 0 : i32
        %dma_wait3A_284 = tpu.memref_slice %arg7[%add3A_195, %dma_wait3A_283] : memref<80x128xi32, #tpu.memory_space<vmem>> -> memref<1x128xi32, #tpu.memory_space<vmem>>
        %dma_wait3A_285 = tpu.memref_squeeze %dma_wait3A_284 : memref<1x128xi32, #tpu.memory_space<vmem>> -> memref<128xi32, #tpu.memory_space<vmem>>
        %dma_wait3A_286 = arith.constant 0 : i32
        %dma_wait3A_287 = arith.constant 0 : i32
        %dma_wait3A_288 = tpu.memref_slice %arg2[%dma_wait3A_286, %dma_wait3A_287] : memref<10000x64xf32, #tpu.memory_space<hbm>> -> memref<10000x64xf32, #tpu.memory_space<hbm>>
        %dma_wait3A_289 = tpu.memref_slice %arg11[%dma_wait3A_278] : memref<8x!tpu.dma_semaphore, #tpu.memory_space<semaphore_mem>> -> memref<1x!tpu.dma_semaphore, #tpu.memory_space<semaphore_mem>>
        %dma_wait3A_290 = tpu.memref_squeeze %dma_wait3A_289 : memref<1x!tpu.dma_semaphore, #tpu.memory_space<semaphore_mem>> -> memref<!tpu.dma_semaphore, #tpu.memory_space<semaphore_mem>>
        tpu.wait_indirect_dma semaphore(%dma_wait3A_290 : memref<!tpu.dma_semaphore, #tpu.memory_space<semaphore_mem>>) src(%dma_wait3A_288 : memref<10000x64xf32, #tpu.memory_space<hbm>>) dst(%dma_wait3A_282 : memref<128x64xf32, #tpu.memory_space<vmem>>)
        %dma_start3A_291 = arith.constant 4 : i32
        %dma_start3A_292 = arith.constant 4 : i32
        %dma_start3A_293 = arith.constant 0 : i32
        %dma_start3A_294 = arith.constant 0 : i32
        %dma_start3A_295 = tpu.memref_slice %arg9[%dma_start3A_291, %dma_start3A_293, %dma_start3A_294] : memref<8x128x64xf32, #tpu.memory_space<vmem>> -> memref<1x128x64xf32, #tpu.memory_space<vmem>>
        %dma_start3A_296 = tpu.memref_squeeze %dma_start3A_295 : memref<1x128x64xf32, #tpu.memory_space<vmem>> -> memref<128x64xf32, #tpu.memory_space<vmem>>
        %dma_start3A_297 = arith.constant 0 : i32
        %dma_start3A_298 = tpu.memref_slice %arg8[%add3A_195, %dma_start3A_297] : memref<80x128xi32, #tpu.memory_space<vmem>> -> memref<1x128xi32, #tpu.memory_space<vmem>>
        %dma_start3A_299 = tpu.memref_squeeze %dma_start3A_298 : memref<1x128xi32, #tpu.memory_space<vmem>> -> memref<128xi32, #tpu.memory_space<vmem>>
        %dma_start3A_300 = arith.constant 0 : i32
        %dma_start3A_301 = arith.constant 0 : i32
        %dma_start3A_302 = tpu.memref_slice %arg10[%dma_start3A_300, %dma_start3A_301] : memref<10000x64xf32, #tpu.memory_space<vmem_shared>> -> memref<10000x64xf32, #tpu.memory_space<vmem_shared>>
        %dma_start3A_303 = tpu.memref_slice %arg12[%dma_start3A_292] : memref<8x!tpu.dma_semaphore, #tpu.memory_space<semaphore_mem>> -> memref<1x!tpu.dma_semaphore, #tpu.memory_space<semaphore_mem>>
        %dma_start3A_304 = tpu.memref_squeeze %dma_start3A_303 : memref<1x!tpu.dma_semaphore, #tpu.memory_space<semaphore_mem>> -> memref<!tpu.dma_semaphore, #tpu.memory_space<semaphore_mem>>
        tpu.enqueue_indirect_dma source(%dma_start3A_296 : memref<128x64xf32, #tpu.memory_space<vmem>>) target(%dma_start3A_302 : memref<10000x64xf32, #tpu.memory_space<vmem_shared>>) offsets(%dma_start3A_299 : memref<128xi32, #tpu.memory_space<vmem>>) semaphore(%dma_start3A_304 : memref<!tpu.dma_semaphore, #tpu.memory_space<semaphore_mem>>) {add = true}
      } else {
      }
      %sub3A_200 = arith.constant 4 : i32
      %sub3A_201 = arith.subi %add3A_195, %sub3A_200 : i32
      %ge3A_202 = arith.constant 0 : i32
      %ge3A_203 = arith.cmpi sge, %sub3A_201, %ge3A_202 : i32
      %lt3A_204 = arith.cmpi slt, %sub3A_201, %select_n3A : i32
      %and3A_205 = arith.andi %ge3A_203, %lt3A_204 : i1
      %convert_element_type3A_206 = arith.extui %and3A_205 : i1 to i32
      %cond3A_207 = arith.constant 0 : i32
      %cond3A_208 = arith.cmpi ne, %convert_element_type3A_206, %cond3A_207 : i32
      scf.if %cond3A_208 {
        %dma_wait3A = arith.constant 0 : i32
        %dma_wait3A_278 = arith.constant 0 : i32
        %dma_wait3A_279 = arith.constant 0 : i32
        %dma_wait3A_280 = arith.constant 0 : i32
        %dma_wait3A_281 = tpu.memref_slice %arg9[%dma_wait3A, %dma_wait3A_279, %dma_wait3A_280] : memref<8x128x64xf32, #tpu.memory_space<vmem>> -> memref<1x128x64xf32, #tpu.memory_space<vmem>>
        %dma_wait3A_282 = tpu.memref_squeeze %dma_wait3A_281 : memref<1x128x64xf32, #tpu.memory_space<vmem>> -> memref<128x64xf32, #tpu.memory_space<vmem>>
        %dma_wait3A_283 = arith.constant 0 : i32
        %dma_wait3A_284 = tpu.memref_slice %arg8[%sub3A_201, %dma_wait3A_283] : memref<80x128xi32, #tpu.memory_space<vmem>> -> memref<1x128xi32, #tpu.memory_space<vmem>>
        %dma_wait3A_285 = tpu.memref_squeeze %dma_wait3A_284 : memref<1x128xi32, #tpu.memory_space<vmem>> -> memref<128xi32, #tpu.memory_space<vmem>>
        %dma_wait3A_286 = arith.constant 0 : i32
        %dma_wait3A_287 = arith.constant 0 : i32
        %dma_wait3A_288 = tpu.memref_slice %arg10[%dma_wait3A_286, %dma_wait3A_287] : memref<10000x64xf32, #tpu.memory_space<vmem_shared>> -> memref<10000x64xf32, #tpu.memory_space<vmem_shared>>
        %dma_wait3A_289 = tpu.memref_slice %arg12[%dma_wait3A_278] : memref<8x!tpu.dma_semaphore, #tpu.memory_space<semaphore_mem>> -> memref<1x!tpu.dma_semaphore, #tpu.memory_space<semaphore_mem>>
        %dma_wait3A_290 = tpu.memref_squeeze %dma_wait3A_289 : memref<1x!tpu.dma_semaphore, #tpu.memory_space<semaphore_mem>> -> memref<!tpu.dma_semaphore, #tpu.memory_space<semaphore_mem>>
        tpu.wait_indirect_dma semaphore(%dma_wait3A_290 : memref<!tpu.dma_semaphore, #tpu.memory_space<semaphore_mem>>) src(%dma_wait3A_282 : memref<128x64xf32, #tpu.memory_space<vmem>>) dst(%dma_wait3A_288 : memref<10000x64xf32, #tpu.memory_space<vmem_shared>>)
      } else {
      }
      %add3A_209 = arith.constant 4 : i32
      %add3A_210 = arith.addi %add3A_195, %add3A_209 : i32
      %lt3A_211 = arith.cmpi slt, %add3A_210, %select_n3A : i32
      %convert_element_type3A_212 = arith.extui %lt3A_211 : i1 to i32
      %cond3A_213 = arith.constant 0 : i32
      %cond3A_214 = arith.cmpi ne, %convert_element_type3A_212, %cond3A_213 : i32
      scf.if %cond3A_214 {
        %dma_start3A_278 = arith.constant 0 : i32
        %dma_start3A_279 = arith.constant 0 : i32
        %dma_start3A_280 = arith.constant 0 : i32
        %dma_start3A_281 = arith.constant 0 : i32
        %dma_start3A_282 = tpu.memref_slice %arg9[%dma_start3A_278, %dma_start3A_280, %dma_start3A_281] : memref<8x128x64xf32, #tpu.memory_space<vmem>> -> memref<1x128x64xf32, #tpu.memory_space<vmem>>
        %dma_start3A_283 = tpu.memref_squeeze %dma_start3A_282 : memref<1x128x64xf32, #tpu.memory_space<vmem>> -> memref<128x64xf32, #tpu.memory_space<vmem>>
        %dma_start3A_284 = arith.constant 0 : i32
        %dma_start3A_285 = tpu.memref_slice %arg7[%add3A_210, %dma_start3A_284] : memref<80x128xi32, #tpu.memory_space<vmem>> -> memref<1x128xi32, #tpu.memory_space<vmem>>
        %dma_start3A_286 = tpu.memref_squeeze %dma_start3A_285 : memref<1x128xi32, #tpu.memory_space<vmem>> -> memref<128xi32, #tpu.memory_space<vmem>>
        %dma_start3A_287 = arith.constant 0 : i32
        %dma_start3A_288 = arith.constant 0 : i32
        %dma_start3A_289 = tpu.memref_slice %arg2[%dma_start3A_287, %dma_start3A_288] : memref<10000x64xf32, #tpu.memory_space<hbm>> -> memref<10000x64xf32, #tpu.memory_space<hbm>>
        %dma_start3A_290 = tpu.memref_slice %arg11[%dma_start3A_279] : memref<8x!tpu.dma_semaphore, #tpu.memory_space<semaphore_mem>> -> memref<1x!tpu.dma_semaphore, #tpu.memory_space<semaphore_mem>>
        %dma_start3A_291 = tpu.memref_squeeze %dma_start3A_290 : memref<1x!tpu.dma_semaphore, #tpu.memory_space<semaphore_mem>> -> memref<!tpu.dma_semaphore, #tpu.memory_space<semaphore_mem>>
        tpu.enqueue_indirect_dma source(%dma_start3A_289 : memref<10000x64xf32, #tpu.memory_space<hbm>>) target(%dma_start3A_283 : memref<128x64xf32, #tpu.memory_space<vmem>>) offsets(%dma_start3A_286 : memref<128xi32, #tpu.memory_space<vmem>>) semaphore(%dma_start3A_291 : memref<!tpu.dma_semaphore, #tpu.memory_space<semaphore_mem>>)
      } else {
      }
      %add3A_215 = arith.constant 5 : i32
      %add3A_216 = arith.addi %mul3A_111, %add3A_215 : i32
      %lt3A_217 = arith.cmpi slt, %add3A_216, %select_n3A : i32
      %convert_element_type3A_218 = arith.extui %lt3A_217 : i1 to i32
      %cond3A_219 = arith.constant 0 : i32
      %cond3A_220 = arith.cmpi ne, %convert_element_type3A_218, %cond3A_219 : i32
      scf.if %cond3A_220 {
        %dma_wait3A = arith.constant 5 : i32
        %dma_wait3A_278 = arith.constant 5 : i32
        %dma_wait3A_279 = arith.constant 0 : i32
        %dma_wait3A_280 = arith.constant 0 : i32
        %dma_wait3A_281 = tpu.memref_slice %arg9[%dma_wait3A, %dma_wait3A_279, %dma_wait3A_280] : memref<8x128x64xf32, #tpu.memory_space<vmem>> -> memref<1x128x64xf32, #tpu.memory_space<vmem>>
        %dma_wait3A_282 = tpu.memref_squeeze %dma_wait3A_281 : memref<1x128x64xf32, #tpu.memory_space<vmem>> -> memref<128x64xf32, #tpu.memory_space<vmem>>
        %dma_wait3A_283 = arith.constant 0 : i32
        %dma_wait3A_284 = tpu.memref_slice %arg7[%add3A_216, %dma_wait3A_283] : memref<80x128xi32, #tpu.memory_space<vmem>> -> memref<1x128xi32, #tpu.memory_space<vmem>>
        %dma_wait3A_285 = tpu.memref_squeeze %dma_wait3A_284 : memref<1x128xi32, #tpu.memory_space<vmem>> -> memref<128xi32, #tpu.memory_space<vmem>>
        %dma_wait3A_286 = arith.constant 0 : i32
        %dma_wait3A_287 = arith.constant 0 : i32
        %dma_wait3A_288 = tpu.memref_slice %arg2[%dma_wait3A_286, %dma_wait3A_287] : memref<10000x64xf32, #tpu.memory_space<hbm>> -> memref<10000x64xf32, #tpu.memory_space<hbm>>
        %dma_wait3A_289 = tpu.memref_slice %arg11[%dma_wait3A_278] : memref<8x!tpu.dma_semaphore, #tpu.memory_space<semaphore_mem>> -> memref<1x!tpu.dma_semaphore, #tpu.memory_space<semaphore_mem>>
        %dma_wait3A_290 = tpu.memref_squeeze %dma_wait3A_289 : memref<1x!tpu.dma_semaphore, #tpu.memory_space<semaphore_mem>> -> memref<!tpu.dma_semaphore, #tpu.memory_space<semaphore_mem>>
        tpu.wait_indirect_dma semaphore(%dma_wait3A_290 : memref<!tpu.dma_semaphore, #tpu.memory_space<semaphore_mem>>) src(%dma_wait3A_288 : memref<10000x64xf32, #tpu.memory_space<hbm>>) dst(%dma_wait3A_282 : memref<128x64xf32, #tpu.memory_space<vmem>>)
        %dma_start3A_291 = arith.constant 5 : i32
        %dma_start3A_292 = arith.constant 5 : i32
        %dma_start3A_293 = arith.constant 0 : i32
        %dma_start3A_294 = arith.constant 0 : i32
        %dma_start3A_295 = tpu.memref_slice %arg9[%dma_start3A_291, %dma_start3A_293, %dma_start3A_294] : memref<8x128x64xf32, #tpu.memory_space<vmem>> -> memref<1x128x64xf32, #tpu.memory_space<vmem>>
        %dma_start3A_296 = tpu.memref_squeeze %dma_start3A_295 : memref<1x128x64xf32, #tpu.memory_space<vmem>> -> memref<128x64xf32, #tpu.memory_space<vmem>>
        %dma_start3A_297 = arith.constant 0 : i32
        %dma_start3A_298 = tpu.memref_slice %arg8[%add3A_216, %dma_start3A_297] : memref<80x128xi32, #tpu.memory_space<vmem>> -> memref<1x128xi32, #tpu.memory_space<vmem>>
        %dma_start3A_299 = tpu.memref_squeeze %dma_start3A_298 : memref<1x128xi32, #tpu.memory_space<vmem>> -> memref<128xi32, #tpu.memory_space<vmem>>
        %dma_start3A_300 = arith.constant 0 : i32
        %dma_start3A_301 = arith.constant 0 : i32
        %dma_start3A_302 = tpu.memref_slice %arg10[%dma_start3A_300, %dma_start3A_301] : memref<10000x64xf32, #tpu.memory_space<vmem_shared>> -> memref<10000x64xf32, #tpu.memory_space<vmem_shared>>
        %dma_start3A_303 = tpu.memref_slice %arg12[%dma_start3A_292] : memref<8x!tpu.dma_semaphore, #tpu.memory_space<semaphore_mem>> -> memref<1x!tpu.dma_semaphore, #tpu.memory_space<semaphore_mem>>
        %dma_start3A_304 = tpu.memref_squeeze %dma_start3A_303 : memref<1x!tpu.dma_semaphore, #tpu.memory_space<semaphore_mem>> -> memref<!tpu.dma_semaphore, #tpu.memory_space<semaphore_mem>>
        tpu.enqueue_indirect_dma source(%dma_start3A_296 : memref<128x64xf32, #tpu.memory_space<vmem>>) target(%dma_start3A_302 : memref<10000x64xf32, #tpu.memory_space<vmem_shared>>) offsets(%dma_start3A_299 : memref<128xi32, #tpu.memory_space<vmem>>) semaphore(%dma_start3A_304 : memref<!tpu.dma_semaphore, #tpu.memory_space<semaphore_mem>>) {add = true}
      } else {
      }
      %sub3A_221 = arith.constant 4 : i32
      %sub3A_222 = arith.subi %add3A_216, %sub3A_221 : i32
      %ge3A_223 = arith.constant 0 : i32
      %ge3A_224 = arith.cmpi sge, %sub3A_222, %ge3A_223 : i32
      %lt3A_225 = arith.cmpi slt, %sub3A_222, %select_n3A : i32
      %and3A_226 = arith.andi %ge3A_224, %lt3A_225 : i1
      %convert_element_type3A_227 = arith.extui %and3A_226 : i1 to i32
      %cond3A_228 = arith.constant 0 : i32
      %cond3A_229 = arith.cmpi ne, %convert_element_type3A_227, %cond3A_228 : i32
      scf.if %cond3A_229 {
        %dma_wait3A = arith.constant 1 : i32
        %dma_wait3A_278 = arith.constant 1 : i32
        %dma_wait3A_279 = arith.constant 0 : i32
        %dma_wait3A_280 = arith.constant 0 : i32
        %dma_wait3A_281 = tpu.memref_slice %arg9[%dma_wait3A, %dma_wait3A_279, %dma_wait3A_280] : memref<8x128x64xf32, #tpu.memory_space<vmem>> -> memref<1x128x64xf32, #tpu.memory_space<vmem>>
        %dma_wait3A_282 = tpu.memref_squeeze %dma_wait3A_281 : memref<1x128x64xf32, #tpu.memory_space<vmem>> -> memref<128x64xf32, #tpu.memory_space<vmem>>
        %dma_wait3A_283 = arith.constant 0 : i32
        %dma_wait3A_284 = tpu.memref_slice %arg8[%sub3A_222, %dma_wait3A_283] : memref<80x128xi32, #tpu.memory_space<vmem>> -> memref<1x128xi32, #tpu.memory_space<vmem>>
        %dma_wait3A_285 = tpu.memref_squeeze %dma_wait3A_284 : memref<1x128xi32, #tpu.memory_space<vmem>> -> memref<128xi32, #tpu.memory_space<vmem>>
        %dma_wait3A_286 = arith.constant 0 : i32
        %dma_wait3A_287 = arith.constant 0 : i32
        %dma_wait3A_288 = tpu.memref_slice %arg10[%dma_wait3A_286, %dma_wait3A_287] : memref<10000x64xf32, #tpu.memory_space<vmem_shared>> -> memref<10000x64xf32, #tpu.memory_space<vmem_shared>>
        %dma_wait3A_289 = tpu.memref_slice %arg12[%dma_wait3A_278] : memref<8x!tpu.dma_semaphore, #tpu.memory_space<semaphore_mem>> -> memref<1x!tpu.dma_semaphore, #tpu.memory_space<semaphore_mem>>
        %dma_wait3A_290 = tpu.memref_squeeze %dma_wait3A_289 : memref<1x!tpu.dma_semaphore, #tpu.memory_space<semaphore_mem>> -> memref<!tpu.dma_semaphore, #tpu.memory_space<semaphore_mem>>
        tpu.wait_indirect_dma semaphore(%dma_wait3A_290 : memref<!tpu.dma_semaphore, #tpu.memory_space<semaphore_mem>>) src(%dma_wait3A_282 : memref<128x64xf32, #tpu.memory_space<vmem>>) dst(%dma_wait3A_288 : memref<10000x64xf32, #tpu.memory_space<vmem_shared>>)
      } else {
      }
      %add3A_230 = arith.constant 4 : i32
      %add3A_231 = arith.addi %add3A_216, %add3A_230 : i32
      %lt3A_232 = arith.cmpi slt, %add3A_231, %select_n3A : i32
      %convert_element_type3A_233 = arith.extui %lt3A_232 : i1 to i32
      %cond3A_234 = arith.constant 0 : i32
      %cond3A_235 = arith.cmpi ne, %convert_element_type3A_233, %cond3A_234 : i32
      scf.if %cond3A_235 {
        %dma_start3A_278 = arith.constant 1 : i32
        %dma_start3A_279 = arith.constant 1 : i32
        %dma_start3A_280 = arith.constant 0 : i32
        %dma_start3A_281 = arith.constant 0 : i32
        %dma_start3A_282 = tpu.memref_slice %arg9[%dma_start3A_278, %dma_start3A_280, %dma_start3A_281] : memref<8x128x64xf32, #tpu.memory_space<vmem>> -> memref<1x128x64xf32, #tpu.memory_space<vmem>>
        %dma_start3A_283 = tpu.memref_squeeze %dma_start3A_282 : memref<1x128x64xf32, #tpu.memory_space<vmem>> -> memref<128x64xf32, #tpu.memory_space<vmem>>
        %dma_start3A_284 = arith.constant 0 : i32
        %dma_start3A_285 = tpu.memref_slice %arg7[%add3A_231, %dma_start3A_284] : memref<80x128xi32, #tpu.memory_space<vmem>> -> memref<1x128xi32, #tpu.memory_space<vmem>>
        %dma_start3A_286 = tpu.memref_squeeze %dma_start3A_285 : memref<1x128xi32, #tpu.memory_space<vmem>> -> memref<128xi32, #tpu.memory_space<vmem>>
        %dma_start3A_287 = arith.constant 0 : i32
        %dma_start3A_288 = arith.constant 0 : i32
        %dma_start3A_289 = tpu.memref_slice %arg2[%dma_start3A_287, %dma_start3A_288] : memref<10000x64xf32, #tpu.memory_space<hbm>> -> memref<10000x64xf32, #tpu.memory_space<hbm>>
        %dma_start3A_290 = tpu.memref_slice %arg11[%dma_start3A_279] : memref<8x!tpu.dma_semaphore, #tpu.memory_space<semaphore_mem>> -> memref<1x!tpu.dma_semaphore, #tpu.memory_space<semaphore_mem>>
        %dma_start3A_291 = tpu.memref_squeeze %dma_start3A_290 : memref<1x!tpu.dma_semaphore, #tpu.memory_space<semaphore_mem>> -> memref<!tpu.dma_semaphore, #tpu.memory_space<semaphore_mem>>
        tpu.enqueue_indirect_dma source(%dma_start3A_289 : memref<10000x64xf32, #tpu.memory_space<hbm>>) target(%dma_start3A_283 : memref<128x64xf32, #tpu.memory_space<vmem>>) offsets(%dma_start3A_286 : memref<128xi32, #tpu.memory_space<vmem>>) semaphore(%dma_start3A_291 : memref<!tpu.dma_semaphore, #tpu.memory_space<semaphore_mem>>)
      } else {
      }
      %add3A_236 = arith.constant 6 : i32
      %add3A_237 = arith.addi %mul3A_111, %add3A_236 : i32
      %lt3A_238 = arith.cmpi slt, %add3A_237, %select_n3A : i32
      %convert_element_type3A_239 = arith.extui %lt3A_238 : i1 to i32
      %cond3A_240 = arith.constant 0 : i32
      %cond3A_241 = arith.cmpi ne, %convert_element_type3A_239, %cond3A_240 : i32
      scf.if %cond3A_241 {
        %dma_wait3A = arith.constant 6 : i32
        %dma_wait3A_278 = arith.constant 6 : i32
        %dma_wait3A_279 = arith.constant 0 : i32
        %dma_wait3A_280 = arith.constant 0 : i32
        %dma_wait3A_281 = tpu.memref_slice %arg9[%dma_wait3A, %dma_wait3A_279, %dma_wait3A_280] : memref<8x128x64xf32, #tpu.memory_space<vmem>> -> memref<1x128x64xf32, #tpu.memory_space<vmem>>
        %dma_wait3A_282 = tpu.memref_squeeze %dma_wait3A_281 : memref<1x128x64xf32, #tpu.memory_space<vmem>> -> memref<128x64xf32, #tpu.memory_space<vmem>>
        %dma_wait3A_283 = arith.constant 0 : i32
        %dma_wait3A_284 = tpu.memref_slice %arg7[%add3A_237, %dma_wait3A_283] : memref<80x128xi32, #tpu.memory_space<vmem>> -> memref<1x128xi32, #tpu.memory_space<vmem>>
        %dma_wait3A_285 = tpu.memref_squeeze %dma_wait3A_284 : memref<1x128xi32, #tpu.memory_space<vmem>> -> memref<128xi32, #tpu.memory_space<vmem>>
        %dma_wait3A_286 = arith.constant 0 : i32
        %dma_wait3A_287 = arith.constant 0 : i32
        %dma_wait3A_288 = tpu.memref_slice %arg2[%dma_wait3A_286, %dma_wait3A_287] : memref<10000x64xf32, #tpu.memory_space<hbm>> -> memref<10000x64xf32, #tpu.memory_space<hbm>>
        %dma_wait3A_289 = tpu.memref_slice %arg11[%dma_wait3A_278] : memref<8x!tpu.dma_semaphore, #tpu.memory_space<semaphore_mem>> -> memref<1x!tpu.dma_semaphore, #tpu.memory_space<semaphore_mem>>
        %dma_wait3A_290 = tpu.memref_squeeze %dma_wait3A_289 : memref<1x!tpu.dma_semaphore, #tpu.memory_space<semaphore_mem>> -> memref<!tpu.dma_semaphore, #tpu.memory_space<semaphore_mem>>
        tpu.wait_indirect_dma semaphore(%dma_wait3A_290 : memref<!tpu.dma_semaphore, #tpu.memory_space<semaphore_mem>>) src(%dma_wait3A_288 : memref<10000x64xf32, #tpu.memory_space<hbm>>) dst(%dma_wait3A_282 : memref<128x64xf32, #tpu.memory_space<vmem>>)
        %dma_start3A_291 = arith.constant 6 : i32
        %dma_start3A_292 = arith.constant 6 : i32
        %dma_start3A_293 = arith.constant 0 : i32
        %dma_start3A_294 = arith.constant 0 : i32
        %dma_start3A_295 = tpu.memref_slice %arg9[%dma_start3A_291, %dma_start3A_293, %dma_start3A_294] : memref<8x128x64xf32, #tpu.memory_space<vmem>> -> memref<1x128x64xf32, #tpu.memory_space<vmem>>
        %dma_start3A_296 = tpu.memref_squeeze %dma_start3A_295 : memref<1x128x64xf32, #tpu.memory_space<vmem>> -> memref<128x64xf32, #tpu.memory_space<vmem>>
        %dma_start3A_297 = arith.constant 0 : i32
        %dma_start3A_298 = tpu.memref_slice %arg8[%add3A_237, %dma_start3A_297] : memref<80x128xi32, #tpu.memory_space<vmem>> -> memref<1x128xi32, #tpu.memory_space<vmem>>
        %dma_start3A_299 = tpu.memref_squeeze %dma_start3A_298 : memref<1x128xi32, #tpu.memory_space<vmem>> -> memref<128xi32, #tpu.memory_space<vmem>>
        %dma_start3A_300 = arith.constant 0 : i32
        %dma_start3A_301 = arith.constant 0 : i32
        %dma_start3A_302 = tpu.memref_slice %arg10[%dma_start3A_300, %dma_start3A_301] : memref<10000x64xf32, #tpu.memory_space<vmem_shared>> -> memref<10000x64xf32, #tpu.memory_space<vmem_shared>>
        %dma_start3A_303 = tpu.memref_slice %arg12[%dma_start3A_292] : memref<8x!tpu.dma_semaphore, #tpu.memory_space<semaphore_mem>> -> memref<1x!tpu.dma_semaphore, #tpu.memory_space<semaphore_mem>>
        %dma_start3A_304 = tpu.memref_squeeze %dma_start3A_303 : memref<1x!tpu.dma_semaphore, #tpu.memory_space<semaphore_mem>> -> memref<!tpu.dma_semaphore, #tpu.memory_space<semaphore_mem>>
        tpu.enqueue_indirect_dma source(%dma_start3A_296 : memref<128x64xf32, #tpu.memory_space<vmem>>) target(%dma_start3A_302 : memref<10000x64xf32, #tpu.memory_space<vmem_shared>>) offsets(%dma_start3A_299 : memref<128xi32, #tpu.memory_space<vmem>>) semaphore(%dma_start3A_304 : memref<!tpu.dma_semaphore, #tpu.memory_space<semaphore_mem>>) {add = true}
      } else {
      }
      %sub3A_242 = arith.constant 4 : i32
      %sub3A_243 = arith.subi %add3A_237, %sub3A_242 : i32
      %ge3A_244 = arith.constant 0 : i32
      %ge3A_245 = arith.cmpi sge, %sub3A_243, %ge3A_244 : i32
      %lt3A_246 = arith.cmpi slt, %sub3A_243, %select_n3A : i32
      %and3A_247 = arith.andi %ge3A_245, %lt3A_246 : i1
      %convert_element_type3A_248 = arith.extui %and3A_247 : i1 to i32
      %cond3A_249 = arith.constant 0 : i32
      %cond3A_250 = arith.cmpi ne, %convert_element_type3A_248, %cond3A_249 : i32
      scf.if %cond3A_250 {
        %dma_wait3A = arith.constant 2 : i32
        %dma_wait3A_278 = arith.constant 2 : i32
        %dma_wait3A_279 = arith.constant 0 : i32
        %dma_wait3A_280 = arith.constant 0 : i32
        %dma_wait3A_281 = tpu.memref_slice %arg9[%dma_wait3A, %dma_wait3A_279, %dma_wait3A_280] : memref<8x128x64xf32, #tpu.memory_space<vmem>> -> memref<1x128x64xf32, #tpu.memory_space<vmem>>
        %dma_wait3A_282 = tpu.memref_squeeze %dma_wait3A_281 : memref<1x128x64xf32, #tpu.memory_space<vmem>> -> memref<128x64xf32, #tpu.memory_space<vmem>>
        %dma_wait3A_283 = arith.constant 0 : i32
        %dma_wait3A_284 = tpu.memref_slice %arg8[%sub3A_243, %dma_wait3A_283] : memref<80x128xi32, #tpu.memory_space<vmem>> -> memref<1x128xi32, #tpu.memory_space<vmem>>
        %dma_wait3A_285 = tpu.memref_squeeze %dma_wait3A_284 : memref<1x128xi32, #tpu.memory_space<vmem>> -> memref<128xi32, #tpu.memory_space<vmem>>
        %dma_wait3A_286 = arith.constant 0 : i32
        %dma_wait3A_287 = arith.constant 0 : i32
        %dma_wait3A_288 = tpu.memref_slice %arg10[%dma_wait3A_286, %dma_wait3A_287] : memref<10000x64xf32, #tpu.memory_space<vmem_shared>> -> memref<10000x64xf32, #tpu.memory_space<vmem_shared>>
        %dma_wait3A_289 = tpu.memref_slice %arg12[%dma_wait3A_278] : memref<8x!tpu.dma_semaphore, #tpu.memory_space<semaphore_mem>> -> memref<1x!tpu.dma_semaphore, #tpu.memory_space<semaphore_mem>>
        %dma_wait3A_290 = tpu.memref_squeeze %dma_wait3A_289 : memref<1x!tpu.dma_semaphore, #tpu.memory_space<semaphore_mem>> -> memref<!tpu.dma_semaphore, #tpu.memory_space<semaphore_mem>>
        tpu.wait_indirect_dma semaphore(%dma_wait3A_290 : memref<!tpu.dma_semaphore, #tpu.memory_space<semaphore_mem>>) src(%dma_wait3A_282 : memref<128x64xf32, #tpu.memory_space<vmem>>) dst(%dma_wait3A_288 : memref<10000x64xf32, #tpu.memory_space<vmem_shared>>)
      } else {
      }
      %add3A_251 = arith.constant 4 : i32
      %add3A_252 = arith.addi %add3A_237, %add3A_251 : i32
      %lt3A_253 = arith.cmpi slt, %add3A_252, %select_n3A : i32
      %convert_element_type3A_254 = arith.extui %lt3A_253 : i1 to i32
      %cond3A_255 = arith.constant 0 : i32
      %cond3A_256 = arith.cmpi ne, %convert_element_type3A_254, %cond3A_255 : i32
      scf.if %cond3A_256 {
        %dma_start3A_278 = arith.constant 2 : i32
        %dma_start3A_279 = arith.constant 2 : i32
        %dma_start3A_280 = arith.constant 0 : i32
        %dma_start3A_281 = arith.constant 0 : i32
        %dma_start3A_282 = tpu.memref_slice %arg9[%dma_start3A_278, %dma_start3A_280, %dma_start3A_281] : memref<8x128x64xf32, #tpu.memory_space<vmem>> -> memref<1x128x64xf32, #tpu.memory_space<vmem>>
        %dma_start3A_283 = tpu.memref_squeeze %dma_start3A_282 : memref<1x128x64xf32, #tpu.memory_space<vmem>> -> memref<128x64xf32, #tpu.memory_space<vmem>>
        %dma_start3A_284 = arith.constant 0 : i32
        %dma_start3A_285 = tpu.memref_slice %arg7[%add3A_252, %dma_start3A_284] : memref<80x128xi32, #tpu.memory_space<vmem>> -> memref<1x128xi32, #tpu.memory_space<vmem>>
        %dma_start3A_286 = tpu.memref_squeeze %dma_start3A_285 : memref<1x128xi32, #tpu.memory_space<vmem>> -> memref<128xi32, #tpu.memory_space<vmem>>
        %dma_start3A_287 = arith.constant 0 : i32
        %dma_start3A_288 = arith.constant 0 : i32
        %dma_start3A_289 = tpu.memref_slice %arg2[%dma_start3A_287, %dma_start3A_288] : memref<10000x64xf32, #tpu.memory_space<hbm>> -> memref<10000x64xf32, #tpu.memory_space<hbm>>
        %dma_start3A_290 = tpu.memref_slice %arg11[%dma_start3A_279] : memref<8x!tpu.dma_semaphore, #tpu.memory_space<semaphore_mem>> -> memref<1x!tpu.dma_semaphore, #tpu.memory_space<semaphore_mem>>
        %dma_start3A_291 = tpu.memref_squeeze %dma_start3A_290 : memref<1x!tpu.dma_semaphore, #tpu.memory_space<semaphore_mem>> -> memref<!tpu.dma_semaphore, #tpu.memory_space<semaphore_mem>>
        tpu.enqueue_indirect_dma source(%dma_start3A_289 : memref<10000x64xf32, #tpu.memory_space<hbm>>) target(%dma_start3A_283 : memref<128x64xf32, #tpu.memory_space<vmem>>) offsets(%dma_start3A_286 : memref<128xi32, #tpu.memory_space<vmem>>) semaphore(%dma_start3A_291 : memref<!tpu.dma_semaphore, #tpu.memory_space<semaphore_mem>>)
      } else {
      }
      %add3A_257 = arith.constant 7 : i32
      %add3A_258 = arith.addi %mul3A_111, %add3A_257 : i32
      %lt3A_259 = arith.cmpi slt, %add3A_258, %select_n3A : i32
      %convert_element_type3A_260 = arith.extui %lt3A_259 : i1 to i32
      %cond3A_261 = arith.constant 0 : i32
      %cond3A_262 = arith.cmpi ne, %convert_element_type3A_260, %cond3A_261 : i32
      scf.if %cond3A_262 {
        %dma_wait3A = arith.constant 7 : i32
        %dma_wait3A_278 = arith.constant 7 : i32
        %dma_wait3A_279 = arith.constant 0 : i32
        %dma_wait3A_280 = arith.constant 0 : i32
        %dma_wait3A_281 = tpu.memref_slice %arg9[%dma_wait3A, %dma_wait3A_279, %dma_wait3A_280] : memref<8x128x64xf32, #tpu.memory_space<vmem>> -> memref<1x128x64xf32, #tpu.memory_space<vmem>>
        %dma_wait3A_282 = tpu.memref_squeeze %dma_wait3A_281 : memref<1x128x64xf32, #tpu.memory_space<vmem>> -> memref<128x64xf32, #tpu.memory_space<vmem>>
        %dma_wait3A_283 = arith.constant 0 : i32
        %dma_wait3A_284 = tpu.memref_slice %arg7[%add3A_258, %dma_wait3A_283] : memref<80x128xi32, #tpu.memory_space<vmem>> -> memref<1x128xi32, #tpu.memory_space<vmem>>
        %dma_wait3A_285 = tpu.memref_squeeze %dma_wait3A_284 : memref<1x128xi32, #tpu.memory_space<vmem>> -> memref<128xi32, #tpu.memory_space<vmem>>
        %dma_wait3A_286 = arith.constant 0 : i32
        %dma_wait3A_287 = arith.constant 0 : i32
        %dma_wait3A_288 = tpu.memref_slice %arg2[%dma_wait3A_286, %dma_wait3A_287] : memref<10000x64xf32, #tpu.memory_space<hbm>> -> memref<10000x64xf32, #tpu.memory_space<hbm>>
        %dma_wait3A_289 = tpu.memref_slice %arg11[%dma_wait3A_278] : memref<8x!tpu.dma_semaphore, #tpu.memory_space<semaphore_mem>> -> memref<1x!tpu.dma_semaphore, #tpu.memory_space<semaphore_mem>>
        %dma_wait3A_290 = tpu.memref_squeeze %dma_wait3A_289 : memref<1x!tpu.dma_semaphore, #tpu.memory_space<semaphore_mem>> -> memref<!tpu.dma_semaphore, #tpu.memory_space<semaphore_mem>>
        tpu.wait_indirect_dma semaphore(%dma_wait3A_290 : memref<!tpu.dma_semaphore, #tpu.memory_space<semaphore_mem>>) src(%dma_wait3A_288 : memref<10000x64xf32, #tpu.memory_space<hbm>>) dst(%dma_wait3A_282 : memref<128x64xf32, #tpu.memory_space<vmem>>)
        %dma_start3A_291 = arith.constant 7 : i32
        %dma_start3A_292 = arith.constant 7 : i32
        %dma_start3A_293 = arith.constant 0 : i32
        %dma_start3A_294 = arith.constant 0 : i32
        %dma_start3A_295 = tpu.memref_slice %arg9[%dma_start3A_291, %dma_start3A_293, %dma_start3A_294] : memref<8x128x64xf32, #tpu.memory_space<vmem>> -> memref<1x128x64xf32, #tpu.memory_space<vmem>>
        %dma_start3A_296 = tpu.memref_squeeze %dma_start3A_295 : memref<1x128x64xf32, #tpu.memory_space<vmem>> -> memref<128x64xf32, #tpu.memory_space<vmem>>
        %dma_start3A_297 = arith.constant 0 : i32
        %dma_start3A_298 = tpu.memref_slice %arg8[%add3A_258, %dma_start3A_297] : memref<80x128xi32, #tpu.memory_space<vmem>> -> memref<1x128xi32, #tpu.memory_space<vmem>>
        %dma_start3A_299 = tpu.memref_squeeze %dma_start3A_298 : memref<1x128xi32, #tpu.memory_space<vmem>> -> memref<128xi32, #tpu.memory_space<vmem>>
        %dma_start3A_300 = arith.constant 0 : i32
        %dma_start3A_301 = arith.constant 0 : i32
        %dma_start3A_302 = tpu.memref_slice %arg10[%dma_start3A_300, %dma_start3A_301] : memref<10000x64xf32, #tpu.memory_space<vmem_shared>> -> memref<10000x64xf32, #tpu.memory_space<vmem_shared>>
        %dma_start3A_303 = tpu.memref_slice %arg12[%dma_start3A_292] : memref<8x!tpu.dma_semaphore, #tpu.memory_space<semaphore_mem>> -> memref<1x!tpu.dma_semaphore, #tpu.memory_space<semaphore_mem>>
        %dma_start3A_304 = tpu.memref_squeeze %dma_start3A_303 : memref<1x!tpu.dma_semaphore, #tpu.memory_space<semaphore_mem>> -> memref<!tpu.dma_semaphore, #tpu.memory_space<semaphore_mem>>
        tpu.enqueue_indirect_dma source(%dma_start3A_296 : memref<128x64xf32, #tpu.memory_space<vmem>>) target(%dma_start3A_302 : memref<10000x64xf32, #tpu.memory_space<vmem_shared>>) offsets(%dma_start3A_299 : memref<128xi32, #tpu.memory_space<vmem>>) semaphore(%dma_start3A_304 : memref<!tpu.dma_semaphore, #tpu.memory_space<semaphore_mem>>) {add = true}
      } else {
      }
      %sub3A_263 = arith.constant 4 : i32
      %sub3A_264 = arith.subi %add3A_258, %sub3A_263 : i32
      %ge3A_265 = arith.constant 0 : i32
      %ge3A_266 = arith.cmpi sge, %sub3A_264, %ge3A_265 : i32
      %lt3A_267 = arith.cmpi slt, %sub3A_264, %select_n3A : i32
      %and3A_268 = arith.andi %ge3A_266, %lt3A_267 : i1
      %convert_element_type3A_269 = arith.extui %and3A_268 : i1 to i32
      %cond3A_270 = arith.constant 0 : i32
      %cond3A_271 = arith.cmpi ne, %convert_element_type3A_269, %cond3A_270 : i32
      scf.if %cond3A_271 {
        %dma_wait3A = arith.constant 3 : i32
        %dma_wait3A_278 = arith.constant 3 : i32
        %dma_wait3A_279 = arith.constant 0 : i32
        %dma_wait3A_280 = arith.constant 0 : i32
        %dma_wait3A_281 = tpu.memref_slice %arg9[%dma_wait3A, %dma_wait3A_279, %dma_wait3A_280] : memref<8x128x64xf32, #tpu.memory_space<vmem>> -> memref<1x128x64xf32, #tpu.memory_space<vmem>>
        %dma_wait3A_282 = tpu.memref_squeeze %dma_wait3A_281 : memref<1x128x64xf32, #tpu.memory_space<vmem>> -> memref<128x64xf32, #tpu.memory_space<vmem>>
        %dma_wait3A_283 = arith.constant 0 : i32
        %dma_wait3A_284 = tpu.memref_slice %arg8[%sub3A_264, %dma_wait3A_283] : memref<80x128xi32, #tpu.memory_space<vmem>> -> memref<1x128xi32, #tpu.memory_space<vmem>>
        %dma_wait3A_285 = tpu.memref_squeeze %dma_wait3A_284 : memref<1x128xi32, #tpu.memory_space<vmem>> -> memref<128xi32, #tpu.memory_space<vmem>>
        %dma_wait3A_286 = arith.constant 0 : i32
        %dma_wait3A_287 = arith.constant 0 : i32
        %dma_wait3A_288 = tpu.memref_slice %arg10[%dma_wait3A_286, %dma_wait3A_287] : memref<10000x64xf32, #tpu.memory_space<vmem_shared>> -> memref<10000x64xf32, #tpu.memory_space<vmem_shared>>
        %dma_wait3A_289 = tpu.memref_slice %arg12[%dma_wait3A_278] : memref<8x!tpu.dma_semaphore, #tpu.memory_space<semaphore_mem>> -> memref<1x!tpu.dma_semaphore, #tpu.memory_space<semaphore_mem>>
        %dma_wait3A_290 = tpu.memref_squeeze %dma_wait3A_289 : memref<1x!tpu.dma_semaphore, #tpu.memory_space<semaphore_mem>> -> memref<!tpu.dma_semaphore, #tpu.memory_space<semaphore_mem>>
        tpu.wait_indirect_dma semaphore(%dma_wait3A_290 : memref<!tpu.dma_semaphore, #tpu.memory_space<semaphore_mem>>) src(%dma_wait3A_282 : memref<128x64xf32, #tpu.memory_space<vmem>>) dst(%dma_wait3A_288 : memref<10000x64xf32, #tpu.memory_space<vmem_shared>>)
      } else {
      }
      %add3A_272 = arith.constant 4 : i32
      %add3A_273 = arith.addi %add3A_258, %add3A_272 : i32
      %lt3A_274 = arith.cmpi slt, %add3A_273, %select_n3A : i32
      %convert_element_type3A_275 = arith.extui %lt3A_274 : i1 to i32
      %cond3A_276 = arith.constant 0 : i32
      %cond3A_277 = arith.cmpi ne, %convert_element_type3A_275, %cond3A_276 : i32
      scf.if %cond3A_277 {
        %dma_start3A_278 = arith.constant 3 : i32
        %dma_start3A_279 = arith.constant 3 : i32
        %dma_start3A_280 = arith.constant 0 : i32
        %dma_start3A_281 = arith.constant 0 : i32
        %dma_start3A_282 = tpu.memref_slice %arg9[%dma_start3A_278, %dma_start3A_280, %dma_start3A_281] : memref<8x128x64xf32, #tpu.memory_space<vmem>> -> memref<1x128x64xf32, #tpu.memory_space<vmem>>
        %dma_start3A_283 = tpu.memref_squeeze %dma_start3A_282 : memref<1x128x64xf32, #tpu.memory_space<vmem>> -> memref<128x64xf32, #tpu.memory_space<vmem>>
        %dma_start3A_284 = arith.constant 0 : i32
        %dma_start3A_285 = tpu.memref_slice %arg7[%add3A_273, %dma_start3A_284] : memref<80x128xi32, #tpu.memory_space<vmem>> -> memref<1x128xi32, #tpu.memory_space<vmem>>
        %dma_start3A_286 = tpu.memref_squeeze %dma_start3A_285 : memref<1x128xi32, #tpu.memory_space<vmem>> -> memref<128xi32, #tpu.memory_space<vmem>>
        %dma_start3A_287 = arith.constant 0 : i32
        %dma_start3A_288 = arith.constant 0 : i32
        %dma_start3A_289 = tpu.memref_slice %arg2[%dma_start3A_287, %dma_start3A_288] : memref<10000x64xf32, #tpu.memory_space<hbm>> -> memref<10000x64xf32, #tpu.memory_space<hbm>>
        %dma_start3A_290 = tpu.memref_slice %arg11[%dma_start3A_279] : memref<8x!tpu.dma_semaphore, #tpu.memory_space<semaphore_mem>> -> memref<1x!tpu.dma_semaphore, #tpu.memory_space<semaphore_mem>>
        %dma_start3A_291 = tpu.memref_squeeze %dma_start3A_290 : memref<1x!tpu.dma_semaphore, #tpu.memory_space<semaphore_mem>> -> memref<!tpu.dma_semaphore, #tpu.memory_space<semaphore_mem>>
        tpu.enqueue_indirect_dma source(%dma_start3A_289 : memref<10000x64xf32, #tpu.memory_space<hbm>>) target(%dma_start3A_283 : memref<128x64xf32, #tpu.memory_space<vmem>>) offsets(%dma_start3A_286 : memref<128xi32, #tpu.memory_space<vmem>>) semaphore(%dma_start3A_291 : memref<!tpu.dma_semaphore, #tpu.memory_space<semaphore_mem>>)
      } else {
      }
    }
    %while3A_103 = arith.constant 1 : i32
    scf.for %while3A_109 = %while3A_101 to %while3A_97 step %while3A_103  : i32 {
      %mul3A_110 = arith.constant 8 : i32
      %mul3A_111 = arith.muli %while3A_109, %mul3A_110 : i32
      %add3A_112 = arith.constant 0 : i32
      %add3A_113 = arith.addi %mul3A_111, %add3A_112 : i32
      %lt3A = arith.cmpi slt, %add3A_113, %select_n3A : i32
      %convert_element_type3A_114 = arith.extui %lt3A : i1 to i32
      %cond3A_115 = arith.constant 0 : i32
      %cond3A_116 = arith.cmpi ne, %convert_element_type3A_114, %cond3A_115 : i32
      scf.if %cond3A_116 {
        %dma_wait3A = arith.constant 0 : i32
        %dma_wait3A_278 = arith.constant 0 : i32
        %dma_wait3A_279 = arith.constant 0 : i32
        %dma_wait3A_280 = arith.constant 0 : i32
        %dma_wait3A_281 = tpu.memref_slice %arg9[%dma_wait3A, %dma_wait3A_279, %dma_wait3A_280] : memref<8x128x64xf32, #tpu.memory_space<vmem>> -> memref<1x128x64xf32, #tpu.memory_space<vmem>>
        %dma_wait3A_282 = tpu.memref_squeeze %dma_wait3A_281 : memref<1x128x64xf32, #tpu.memory_space<vmem>> -> memref<128x64xf32, #tpu.memory_space<vmem>>
        %dma_wait3A_283 = arith.constant 0 : i32
        %dma_wait3A_284 = tpu.memref_slice %arg7[%add3A_113, %dma_wait3A_283] : memref<80x128xi32, #tpu.memory_space<vmem>> -> memref<1x128xi32, #tpu.memory_space<vmem>>
        %dma_wait3A_285 = tpu.memref_squeeze %dma_wait3A_284 : memref<1x128xi32, #tpu.memory_space<vmem>> -> memref<128xi32, #tpu.memory_space<vmem>>
        %dma_wait3A_286 = arith.constant 0 : i32
        %dma_wait3A_287 = arith.constant 0 : i32
        %dma_wait3A_288 = tpu.memref_slice %arg2[%dma_wait3A_286, %dma_wait3A_287] : memref<10000x64xf32, #tpu.memory_space<hbm>> -> memref<10000x64xf32, #tpu.memory_space<hbm>>
        %dma_wait3A_289 = tpu.memref_slice %arg11[%dma_wait3A_278] : memref<8x!tpu.dma_semaphore, #tpu.memory_space<semaphore_mem>> -> memref<1x!tpu.dma_semaphore, #tpu.memory_space<semaphore_mem>>
        %dma_wait3A_290 = tpu.memref_squeeze %dma_wait3A_289 : memref<1x!tpu.dma_semaphore, #tpu.memory_space<semaphore_mem>> -> memref<!tpu.dma_semaphore, #tpu.memory_space<semaphore_mem>>
        tpu.wait_indirect_dma semaphore(%dma_wait3A_290 : memref<!tpu.dma_semaphore, #tpu.memory_space<semaphore_mem>>) src(%dma_wait3A_288 : memref<10000x64xf32, #tpu.memory_space<hbm>>) dst(%dma_wait3A_282 : memref<128x64xf32, #tpu.memory_space<vmem>>)
        %dma_start3A_291 = arith.constant 0 : i32
        %dma_start3A_292 = arith.constant 0 : i32
        %dma_start3A_293 = arith.constant 0 : i32
        %dma_start3A_294 = arith.constant 0 : i32
        %dma_start3A_295 = tpu.memref_slice %arg9[%dma_start3A_291, %dma_start3A_293, %dma_start3A_294] : memref<8x128x64xf32, #tpu.memory_space<vmem>> -> memref<1x128x64xf32, #tpu.memory_space<vmem>>
        %dma_start3A_296 = tpu.memref_squeeze %dma_start3A_295 : memref<1x128x64xf32, #tpu.memory_space<vmem>> -> memref<128x64xf32, #tpu.memory_space<vmem>>
        %dma_start3A_297 = arith.constant 0 : i32
        %dma_start3A_298 = tpu.memref_slice %arg8[%add3A_113, %dma_start3A_297] : memref<80x128xi32, #tpu.memory_space<vmem>> -> memref<1x128xi32, #tpu.memory_space<vmem>>
        %dma_start3A_299 = tpu.memref_squeeze %dma_start3A_298 : memref<1x128xi32, #tpu.memory_space<vmem>> -> memref<128xi32, #tpu.memory_space<vmem>>
        %dma_start3A_300 = arith.constant 0 : i32
        %dma_start3A_301 = arith.constant 0 : i32
        %dma_start3A_302 = tpu.memref_slice %arg10[%dma_start3A_300, %dma_start3A_301] : memref<10000x64xf32, #tpu.memory_space<vmem_shared>> -> memref<10000x64xf32, #tpu.memory_space<vmem_shared>>
        %dma_start3A_303 = tpu.memref_slice %arg12[%dma_start3A_292] : memref<8x!tpu.dma_semaphore, #tpu.memory_space<semaphore_mem>> -> memref<1x!tpu.dma_semaphore, #tpu.memory_space<semaphore_mem>>
        %dma_start3A_304 = tpu.memref_squeeze %dma_start3A_303 : memref<1x!tpu.dma_semaphore, #tpu.memory_space<semaphore_mem>> -> memref<!tpu.dma_semaphore, #tpu.memory_space<semaphore_mem>>
        tpu.enqueue_indirect_dma source(%dma_start3A_296 : memref<128x64xf32, #tpu.memory_space<vmem>>) target(%dma_start3A_302 : memref<10000x64xf32, #tpu.memory_space<vmem_shared>>) offsets(%dma_start3A_299 : memref<128xi32, #tpu.memory_space<vmem>>) semaphore(%dma_start3A_304 : memref<!tpu.dma_semaphore, #tpu.memory_space<semaphore_mem>>) {add = true}
      } else {
      }
      %sub3A_117 = arith.constant 4 : i32
      %sub3A_118 = arith.subi %add3A_113, %sub3A_117 : i32
      %ge3A = arith.constant 0 : i32
      %ge3A_119 = arith.cmpi sge, %sub3A_118, %ge3A : i32
      %lt3A_120 = arith.cmpi slt, %sub3A_118, %select_n3A : i32
      %and3A_121 = arith.andi %ge3A_119, %lt3A_120 : i1
      %convert_element_type3A_122 = arith.extui %and3A_121 : i1 to i32
      %cond3A_123 = arith.constant 0 : i32
      %cond3A_124 = arith.cmpi ne, %convert_element_type3A_122, %cond3A_123 : i32
      scf.if %cond3A_124 {
        %dma_wait3A = arith.constant 4 : i32
        %dma_wait3A_278 = arith.constant 4 : i32
        %dma_wait3A_279 = arith.constant 0 : i32
        %dma_wait3A_280 = arith.constant 0 : i32
        %dma_wait3A_281 = tpu.memref_slice %arg9[%dma_wait3A, %dma_wait3A_279, %dma_wait3A_280] : memref<8x128x64xf32, #tpu.memory_space<vmem>> -> memref<1x128x64xf32, #tpu.memory_space<vmem>>
        %dma_wait3A_282 = tpu.memref_squeeze %dma_wait3A_281 : memref<1x128x64xf32, #tpu.memory_space<vmem>> -> memref<128x64xf32, #tpu.memory_space<vmem>>
        %dma_wait3A_283 = arith.constant 0 : i32
        %dma_wait3A_284 = tpu.memref_slice %arg8[%sub3A_118, %dma_wait3A_283] : memref<80x128xi32, #tpu.memory_space<vmem>> -> memref<1x128xi32, #tpu.memory_space<vmem>>
        %dma_wait3A_285 = tpu.memref_squeeze %dma_wait3A_284 : memref<1x128xi32, #tpu.memory_space<vmem>> -> memref<128xi32, #tpu.memory_space<vmem>>
        %dma_wait3A_286 = arith.constant 0 : i32
        %dma_wait3A_287 = arith.constant 0 : i32
        %dma_wait3A_288 = tpu.memref_slice %arg10[%dma_wait3A_286, %dma_wait3A_287] : memref<10000x64xf32, #tpu.memory_space<vmem_shared>> -> memref<10000x64xf32, #tpu.memory_space<vmem_shared>>
        %dma_wait3A_289 = tpu.memref_slice %arg12[%dma_wait3A_278] : memref<8x!tpu.dma_semaphore, #tpu.memory_space<semaphore_mem>> -> memref<1x!tpu.dma_semaphore, #tpu.memory_space<semaphore_mem>>
        %dma_wait3A_290 = tpu.memref_squeeze %dma_wait3A_289 : memref<1x!tpu.dma_semaphore, #tpu.memory_space<semaphore_mem>> -> memref<!tpu.dma_semaphore, #tpu.memory_space<semaphore_mem>>
        tpu.wait_indirect_dma semaphore(%dma_wait3A_290 : memref<!tpu.dma_semaphore, #tpu.memory_space<semaphore_mem>>) src(%dma_wait3A_282 : memref<128x64xf32, #tpu.memory_space<vmem>>) dst(%dma_wait3A_288 : memref<10000x64xf32, #tpu.memory_space<vmem_shared>>)
      } else {
      }
      %add3A_125 = arith.constant 4 : i32
      %add3A_126 = arith.addi %add3A_113, %add3A_125 : i32
      %lt3A_127 = arith.cmpi slt, %add3A_126, %select_n3A : i32
      %convert_element_type3A_128 = arith.extui %lt3A_127 : i1 to i32
      %cond3A_129 = arith.constant 0 : i32
      %cond3A_130 = arith.cmpi ne, %convert_element_type3A_128, %cond3A_129 : i32
      scf.if %cond3A_130 {
        %dma_start3A_278 = arith.constant 4 : i32
        %dma_start3A_279 = arith.constant 4 : i32
        %dma_start3A_280 = arith.constant 0 : i32
        %dma_start3A_281 = arith.constant 0 : i32
        %dma_start3A_282 = tpu.memref_slice %arg9[%dma_start3A_278, %dma_start3A_280, %dma_start3A_281] : memref<8x128x64xf32, #tpu.memory_space<vmem>> -> memref<1x128x64xf32, #tpu.memory_space<vmem>>
        %dma_start3A_283 = tpu.memref_squeeze %dma_start3A_282 : memref<1x128x64xf32, #tpu.memory_space<vmem>> -> memref<128x64xf32, #tpu.memory_space<vmem>>
        %dma_start3A_284 = arith.constant 0 : i32
        %dma_start3A_285 = tpu.memref_slice %arg7[%add3A_126, %dma_start3A_284] : memref<80x128xi32, #tpu.memory_space<vmem>> -> memref<1x128xi32, #tpu.memory_space<vmem>>
        %dma_start3A_286 = tpu.memref_squeeze %dma_start3A_285 : memref<1x128xi32, #tpu.memory_space<vmem>> -> memref<128xi32, #tpu.memory_space<vmem>>
        %dma_start3A_287 = arith.constant 0 : i32
        %dma_start3A_288 = arith.constant 0 : i32
        %dma_start3A_289 = tpu.memref_slice %arg2[%dma_start3A_287, %dma_start3A_288] : memref<10000x64xf32, #tpu.memory_space<hbm>> -> memref<10000x64xf32, #tpu.memory_space<hbm>>
        %dma_start3A_290 = tpu.memref_slice %arg11[%dma_start3A_279] : memref<8x!tpu.dma_semaphore, #tpu.memory_space<semaphore_mem>> -> memref<1x!tpu.dma_semaphore, #tpu.memory_space<semaphore_mem>>
        %dma_start3A_291 = tpu.memref_squeeze %dma_start3A_290 : memref<1x!tpu.dma_semaphore, #tpu.memory_space<semaphore_mem>> -> memref<!tpu.dma_semaphore, #tpu.memory_space<semaphore_mem>>
        tpu.enqueue_indirect_dma source(%dma_start3A_289 : memref<10000x64xf32, #tpu.memory_space<hbm>>) target(%dma_start3A_283 : memref<128x64xf32, #tpu.memory_space<vmem>>) offsets(%dma_start3A_286 : memref<128xi32, #tpu.memory_space<vmem>>) semaphore(%dma_start3A_291 : memref<!tpu.dma_semaphore, #tpu.memory_space<semaphore_mem>>)
      } else {
      }
      %add3A_131 = arith.constant 1 : i32
      %add3A_132 = arith.addi %mul3A_111, %add3A_131 : i32
      %lt3A_133 = arith.cmpi slt, %add3A_132, %select_n3A : i32
      %convert_element_type3A_134 = arith.extui %lt3A_133 : i1 to i32
      %cond3A_135 = arith.constant 0 : i32
      %cond3A_136 = arith.cmpi ne, %convert_element_type3A_134, %cond3A_135 : i32
      scf.if %cond3A_136 {
        %dma_wait3A = arith.constant 1 : i32
        %dma_wait3A_278 = arith.constant 1 : i32
        %dma_wait3A_279 = arith.constant 0 : i32
        %dma_wait3A_280 = arith.constant 0 : i32
        %dma_wait3A_281 = tpu.memref_slice %arg9[%dma_wait3A, %dma_wait3A_279, %dma_wait3A_280] : memref<8x128x64xf32, #tpu.memory_space<vmem>> -> memref<1x128x64xf32, #tpu.memory_space<vmem>>
        %dma_wait3A_282 = tpu.memref_squeeze %dma_wait3A_281 : memref<1x128x64xf32, #tpu.memory_space<vmem>> -> memref<128x64xf32, #tpu.memory_space<vmem>>
        %dma_wait3A_283 = arith.constant 0 : i32
        %dma_wait3A_284 = tpu.memref_slice %arg7[%add3A_132, %dma_wait3A_283] : memref<80x128xi32, #tpu.memory_space<vmem>> -> memref<1x128xi32, #tpu.memory_space<vmem>>
        %dma_wait3A_285 = tpu.memref_squeeze %dma_wait3A_284 : memref<1x128xi32, #tpu.memory_space<vmem>> -> memref<128xi32, #tpu.memory_space<vmem>>
        %dma_wait3A_286 = arith.constant 0 : i32
        %dma_wait3A_287 = arith.constant 0 : i32
        %dma_wait3A_288 = tpu.memref_slice %arg2[%dma_wait3A_286, %dma_wait3A_287] : memref<10000x64xf32, #tpu.memory_space<hbm>> -> memref<10000x64xf32, #tpu.memory_space<hbm>>
        %dma_wait3A_289 = tpu.memref_slice %arg11[%dma_wait3A_278] : memref<8x!tpu.dma_semaphore, #tpu.memory_space<semaphore_mem>> -> memref<1x!tpu.dma_semaphore, #tpu.memory_space<semaphore_mem>>
        %dma_wait3A_290 = tpu.memref_squeeze %dma_wait3A_289 : memref<1x!tpu.dma_semaphore, #tpu.memory_space<semaphore_mem>> -> memref<!tpu.dma_semaphore, #tpu.memory_space<semaphore_mem>>
        tpu.wait_indirect_dma semaphore(%dma_wait3A_290 : memref<!tpu.dma_semaphore, #tpu.memory_space<semaphore_mem>>) src(%dma_wait3A_288 : memref<10000x64xf32, #tpu.memory_space<hbm>>) dst(%dma_wait3A_282 : memref<128x64xf32, #tpu.memory_space<vmem>>)
        %dma_start3A_291 = arith.constant 1 : i32
        %dma_start3A_292 = arith.constant 1 : i32
        %dma_start3A_293 = arith.constant 0 : i32
        %dma_start3A_294 = arith.constant 0 : i32
        %dma_start3A_295 = tpu.memref_slice %arg9[%dma_start3A_291, %dma_start3A_293, %dma_start3A_294] : memref<8x128x64xf32, #tpu.memory_space<vmem>> -> memref<1x128x64xf32, #tpu.memory_space<vmem>>
        %dma_start3A_296 = tpu.memref_squeeze %dma_start3A_295 : memref<1x128x64xf32, #tpu.memory_space<vmem>> -> memref<128x64xf32, #tpu.memory_space<vmem>>
        %dma_start3A_297 = arith.constant 0 : i32
        %dma_start3A_298 = tpu.memref_slice %arg8[%add3A_132, %dma_start3A_297] : memref<80x128xi32, #tpu.memory_space<vmem>> -> memref<1x128xi32, #tpu.memory_space<vmem>>
        %dma_start3A_299 = tpu.memref_squeeze %dma_start3A_298 : memref<1x128xi32, #tpu.memory_space<vmem>> -> memref<128xi32, #tpu.memory_space<vmem>>
        %dma_start3A_300 = arith.constant 0 : i32
        %dma_start3A_301 = arith.constant 0 : i32
        %dma_start3A_302 = tpu.memref_slice %arg10[%dma_start3A_300, %dma_start3A_301] : memref<10000x64xf32, #tpu.memory_space<vmem_shared>> -> memref<10000x64xf32, #tpu.memory_space<vmem_shared>>
        %dma_start3A_303 = tpu.memref_slice %arg12[%dma_start3A_292] : memref<8x!tpu.dma_semaphore, #tpu.memory_space<semaphore_mem>> -> memref<1x!tpu.dma_semaphore, #tpu.memory_space<semaphore_mem>>
        %dma_start3A_304 = tpu.memref_squeeze %dma_start3A_303 : memref<1x!tpu.dma_semaphore, #tpu.memory_space<semaphore_mem>> -> memref<!tpu.dma_semaphore, #tpu.memory_space<semaphore_mem>>
        tpu.enqueue_indirect_dma source(%dma_start3A_296 : memref<128x64xf32, #tpu.memory_space<vmem>>) target(%dma_start3A_302 : memref<10000x64xf32, #tpu.memory_space<vmem_shared>>) offsets(%dma_start3A_299 : memref<128xi32, #tpu.memory_space<vmem>>) semaphore(%dma_start3A_304 : memref<!tpu.dma_semaphore, #tpu.memory_space<semaphore_mem>>) {add = true}
      } else {
      }
      %sub3A_137 = arith.constant 4 : i32
      %sub3A_138 = arith.subi %add3A_132, %sub3A_137 : i32
      %ge3A_139 = arith.constant 0 : i32
      %ge3A_140 = arith.cmpi sge, %sub3A_138, %ge3A_139 : i32
      %lt3A_141 = arith.cmpi slt, %sub3A_138, %select_n3A : i32
      %and3A_142 = arith.andi %ge3A_140, %lt3A_141 : i1
      %convert_element_type3A_143 = arith.extui %and3A_142 : i1 to i32
      %cond3A_144 = arith.constant 0 : i32
      %cond3A_145 = arith.cmpi ne, %convert_element_type3A_143, %cond3A_144 : i32
      scf.if %cond3A_145 {
        %dma_wait3A = arith.constant 5 : i32
        %dma_wait3A_278 = arith.constant 5 : i32
        %dma_wait3A_279 = arith.constant 0 : i32
        %dma_wait3A_280 = arith.constant 0 : i32
        %dma_wait3A_281 = tpu.memref_slice %arg9[%dma_wait3A, %dma_wait3A_279, %dma_wait3A_280] : memref<8x128x64xf32, #tpu.memory_space<vmem>> -> memref<1x128x64xf32, #tpu.memory_space<vmem>>
        %dma_wait3A_282 = tpu.memref_squeeze %dma_wait3A_281 : memref<1x128x64xf32, #tpu.memory_space<vmem>> -> memref<128x64xf32, #tpu.memory_space<vmem>>
        %dma_wait3A_283 = arith.constant 0 : i32
        %dma_wait3A_284 = tpu.memref_slice %arg8[%sub3A_138, %dma_wait3A_283] : memref<80x128xi32, #tpu.memory_space<vmem>> -> memref<1x128xi32, #tpu.memory_space<vmem>>
        %dma_wait3A_285 = tpu.memref_squeeze %dma_wait3A_284 : memref<1x128xi32, #tpu.memory_space<vmem>> -> memref<128xi32, #tpu.memory_space<vmem>>
        %dma_wait3A_286 = arith.constant 0 : i32
        %dma_wait3A_287 = arith.constant 0 : i32
        %dma_wait3A_288 = tpu.memref_slice %arg10[%dma_wait3A_286, %dma_wait3A_287] : memref<10000x64xf32, #tpu.memory_space<vmem_shared>> -> memref<10000x64xf32, #tpu.memory_space<vmem_shared>>
        %dma_wait3A_289 = tpu.memref_slice %arg12[%dma_wait3A_278] : memref<8x!tpu.dma_semaphore, #tpu.memory_space<semaphore_mem>> -> memref<1x!tpu.dma_semaphore, #tpu.memory_space<semaphore_mem>>
        %dma_wait3A_290 = tpu.memref_squeeze %dma_wait3A_289 : memref<1x!tpu.dma_semaphore, #tpu.memory_space<semaphore_mem>> -> memref<!tpu.dma_semaphore, #tpu.memory_space<semaphore_mem>>
        tpu.wait_indirect_dma semaphore(%dma_wait3A_290 : memref<!tpu.dma_semaphore, #tpu.memory_space<semaphore_mem>>) src(%dma_wait3A_282 : memref<128x64xf32, #tpu.memory_space<vmem>>) dst(%dma_wait3A_288 : memref<10000x64xf32, #tpu.memory_space<vmem_shared>>)
      } else {
      }
      %add3A_146 = arith.constant 4 : i32
      %add3A_147 = arith.addi %add3A_132, %add3A_146 : i32
      %lt3A_148 = arith.cmpi slt, %add3A_147, %select_n3A : i32
      %convert_element_type3A_149 = arith.extui %lt3A_148 : i1 to i32
      %cond3A_150 = arith.constant 0 : i32
      %cond3A_151 = arith.cmpi ne, %convert_element_type3A_149, %cond3A_150 : i32
      scf.if %cond3A_151 {
        %dma_start3A_278 = arith.constant 5 : i32
        %dma_start3A_279 = arith.constant 5 : i32
        %dma_start3A_280 = arith.constant 0 : i32
        %dma_start3A_281 = arith.constant 0 : i32
        %dma_start3A_282 = tpu.memref_slice %arg9[%dma_start3A_278, %dma_start3A_280, %dma_start3A_281] : memref<8x128x64xf32, #tpu.memory_space<vmem>> -> memref<1x128x64xf32, #tpu.memory_space<vmem>>
        %dma_start3A_283 = tpu.memref_squeeze %dma_start3A_282 : memref<1x128x64xf32, #tpu.memory_space<vmem>> -> memref<128x64xf32, #tpu.memory_space<vmem>>
        %dma_start3A_284 = arith.constant 0 : i32
        %dma_start3A_285 = tpu.memref_slice %arg7[%add3A_147, %dma_start3A_284] : memref<80x128xi32, #tpu.memory_space<vmem>> -> memref<1x128xi32, #tpu.memory_space<vmem>>
        %dma_start3A_286 = tpu.memref_squeeze %dma_start3A_285 : memref<1x128xi32, #tpu.memory_space<vmem>> -> memref<128xi32, #tpu.memory_space<vmem>>
        %dma_start3A_287 = arith.constant 0 : i32
        %dma_start3A_288 = arith.constant 0 : i32
        %dma_start3A_289 = tpu.memref_slice %arg2[%dma_start3A_287, %dma_start3A_288] : memref<10000x64xf32, #tpu.memory_space<hbm>> -> memref<10000x64xf32, #tpu.memory_space<hbm>>
        %dma_start3A_290 = tpu.memref_slice %arg11[%dma_start3A_279] : memref<8x!tpu.dma_semaphore, #tpu.memory_space<semaphore_mem>> -> memref<1x!tpu.dma_semaphore, #tpu.memory_space<semaphore_mem>>
        %dma_start3A_291 = tpu.memref_squeeze %dma_start3A_290 : memref<1x!tpu.dma_semaphore, #tpu.memory_space<semaphore_mem>> -> memref<!tpu.dma_semaphore, #tpu.memory_space<semaphore_mem>>
        tpu.enqueue_indirect_dma source(%dma_start3A_289 : memref<10000x64xf32, #tpu.memory_space<hbm>>) target(%dma_start3A_283 : memref<128x64xf32, #tpu.memory_space<vmem>>) offsets(%dma_start3A_286 : memref<128xi32, #tpu.memory_space<vmem>>) semaphore(%dma_start3A_291 : memref<!tpu.dma_semaphore, #tpu.memory_space<semaphore_mem>>)
      } else {
      }
      %add3A_152 = arith.constant 2 : i32
      %add3A_153 = arith.addi %mul3A_111, %add3A_152 : i32
      %lt3A_154 = arith.cmpi slt, %add3A_153, %select_n3A : i32
      %convert_element_type3A_155 = arith.extui %lt3A_154 : i1 to i32
      %cond3A_156 = arith.constant 0 : i32
      %cond3A_157 = arith.cmpi ne, %convert_element_type3A_155, %cond3A_156 : i32
      scf.if %cond3A_157 {
        %dma_wait3A = arith.constant 2 : i32
        %dma_wait3A_278 = arith.constant 2 : i32
        %dma_wait3A_279 = arith.constant 0 : i32
        %dma_wait3A_280 = arith.constant 0 : i32
        %dma_wait3A_281 = tpu.memref_slice %arg9[%dma_wait3A, %dma_wait3A_279, %dma_wait3A_280] : memref<8x128x64xf32, #tpu.memory_space<vmem>> -> memref<1x128x64xf32, #tpu.memory_space<vmem>>
        %dma_wait3A_282 = tpu.memref_squeeze %dma_wait3A_281 : memref<1x128x64xf32, #tpu.memory_space<vmem>> -> memref<128x64xf32, #tpu.memory_space<vmem>>
        %dma_wait3A_283 = arith.constant 0 : i32
        %dma_wait3A_284 = tpu.memref_slice %arg7[%add3A_153, %dma_wait3A_283] : memref<80x128xi32, #tpu.memory_space<vmem>> -> memref<1x128xi32, #tpu.memory_space<vmem>>
        %dma_wait3A_285 = tpu.memref_squeeze %dma_wait3A_284 : memref<1x128xi32, #tpu.memory_space<vmem>> -> memref<128xi32, #tpu.memory_space<vmem>>
        %dma_wait3A_286 = arith.constant 0 : i32
        %dma_wait3A_287 = arith.constant 0 : i32
        %dma_wait3A_288 = tpu.memref_slice %arg2[%dma_wait3A_286, %dma_wait3A_287] : memref<10000x64xf32, #tpu.memory_space<hbm>> -> memref<10000x64xf32, #tpu.memory_space<hbm>>
        %dma_wait3A_289 = tpu.memref_slice %arg11[%dma_wait3A_278] : memref<8x!tpu.dma_semaphore, #tpu.memory_space<semaphore_mem>> -> memref<1x!tpu.dma_semaphore, #tpu.memory_space<semaphore_mem>>
        %dma_wait3A_290 = tpu.memref_squeeze %dma_wait3A_289 : memref<1x!tpu.dma_semaphore, #tpu.memory_space<semaphore_mem>> -> memref<!tpu.dma_semaphore, #tpu.memory_space<semaphore_mem>>
        tpu.wait_indirect_dma semaphore(%dma_wait3A_290 : memref<!tpu.dma_semaphore, #tpu.memory_space<semaphore_mem>>) src(%dma_wait3A_288 : memref<10000x64xf32, #tpu.memory_space<hbm>>) dst(%dma_wait3A_282 : memref<128x64xf32, #tpu.memory_space<vmem>>)
        %dma_start3A_291 = arith.constant 2 : i32
        %dma_start3A_292 = arith.constant 2 : i32
        %dma_start3A_293 = arith.constant 0 : i32
        %dma_start3A_294 = arith.constant 0 : i32
        %dma_start3A_295 = tpu.memref_slice %arg9[%dma_start3A_291, %dma_start3A_293, %dma_start3A_294] : memref<8x128x64xf32, #tpu.memory_space<vmem>> -> memref<1x128x64xf32, #tpu.memory_space<vmem>>
        %dma_start3A_296 = tpu.memref_squeeze %dma_start3A_295 : memref<1x128x64xf32, #tpu.memory_space<vmem>> -> memref<128x64xf32, #tpu.memory_space<vmem>>
        %dma_start3A_297 = arith.constant 0 : i32
        %dma_start3A_298 = tpu.memref_slice %arg8[%add3A_153, %dma_start3A_297] : memref<80x128xi32, #tpu.memory_space<vmem>> -> memref<1x128xi32, #tpu.memory_space<vmem>>
        %dma_start3A_299 = tpu.memref_squeeze %dma_start3A_298 : memref<1x128xi32, #tpu.memory_space<vmem>> -> memref<128xi32, #tpu.memory_space<vmem>>
        %dma_start3A_300 = arith.constant 0 : i32
        %dma_start3A_301 = arith.constant 0 : i32
        %dma_start3A_302 = tpu.memref_slice %arg10[%dma_start3A_300, %dma_start3A_301] : memref<10000x64xf32, #tpu.memory_space<vmem_shared>> -> memref<10000x64xf32, #tpu.memory_space<vmem_shared>>
        %dma_start3A_303 = tpu.memref_slice %arg12[%dma_start3A_292] : memref<8x!tpu.dma_semaphore, #tpu.memory_space<semaphore_mem>> -> memref<1x!tpu.dma_semaphore, #tpu.memory_space<semaphore_mem>>
        %dma_start3A_304 = tpu.memref_squeeze %dma_start3A_303 : memref<1x!tpu.dma_semaphore, #tpu.memory_space<semaphore_mem>> -> memref<!tpu.dma_semaphore, #tpu.memory_space<semaphore_mem>>
        tpu.enqueue_indirect_dma source(%dma_start3A_296 : memref<128x64xf32, #tpu.memory_space<vmem>>) target(%dma_start3A_302 : memref<10000x64xf32, #tpu.memory_space<vmem_shared>>) offsets(%dma_start3A_299 : memref<128xi32, #tpu.memory_space<vmem>>) semaphore(%dma_start3A_304 : memref<!tpu.dma_semaphore, #tpu.memory_space<semaphore_mem>>) {add = true}
      } else {
      }
      %sub3A_158 = arith.constant 4 : i32
      %sub3A_159 = arith.subi %add3A_153, %sub3A_158 : i32
      %ge3A_160 = arith.constant 0 : i32
      %ge3A_161 = arith.cmpi sge, %sub3A_159, %ge3A_160 : i32
      %lt3A_162 = arith.cmpi slt, %sub3A_159, %select_n3A : i32
      %and3A_163 = arith.andi %ge3A_161, %lt3A_162 : i1
      %convert_element_type3A_164 = arith.extui %and3A_163 : i1 to i32
      %cond3A_165 = arith.constant 0 : i32
      %cond3A_166 = arith.cmpi ne, %convert_element_type3A_164, %cond3A_165 : i32
      scf.if %cond3A_166 {
        %dma_wait3A = arith.constant 6 : i32
        %dma_wait3A_278 = arith.constant 6 : i32
        %dma_wait3A_279 = arith.constant 0 : i32
        %dma_wait3A_280 = arith.constant 0 : i32
        %dma_wait3A_281 = tpu.memref_slice %arg9[%dma_wait3A, %dma_wait3A_279, %dma_wait3A_280] : memref<8x128x64xf32, #tpu.memory_space<vmem>> -> memref<1x128x64xf32, #tpu.memory_space<vmem>>
        %dma_wait3A_282 = tpu.memref_squeeze %dma_wait3A_281 : memref<1x128x64xf32, #tpu.memory_space<vmem>> -> memref<128x64xf32, #tpu.memory_space<vmem>>
        %dma_wait3A_283 = arith.constant 0 : i32
        %dma_wait3A_284 = tpu.memref_slice %arg8[%sub3A_159, %dma_wait3A_283] : memref<80x128xi32, #tpu.memory_space<vmem>> -> memref<1x128xi32, #tpu.memory_space<vmem>>
        %dma_wait3A_285 = tpu.memref_squeeze %dma_wait3A_284 : memref<1x128xi32, #tpu.memory_space<vmem>> -> memref<128xi32, #tpu.memory_space<vmem>>
        %dma_wait3A_286 = arith.constant 0 : i32
        %dma_wait3A_287 = arith.constant 0 : i32
        %dma_wait3A_288 = tpu.memref_slice %arg10[%dma_wait3A_286, %dma_wait3A_287] : memref<10000x64xf32, #tpu.memory_space<vmem_shared>> -> memref<10000x64xf32, #tpu.memory_space<vmem_shared>>
        %dma_wait3A_289 = tpu.memref_slice %arg12[%dma_wait3A_278] : memref<8x!tpu.dma_semaphore, #tpu.memory_space<semaphore_mem>> -> memref<1x!tpu.dma_semaphore, #tpu.memory_space<semaphore_mem>>
        %dma_wait3A_290 = tpu.memref_squeeze %dma_wait3A_289 : memref<1x!tpu.dma_semaphore, #tpu.memory_space<semaphore_mem>> -> memref<!tpu.dma_semaphore, #tpu.memory_space<semaphore_mem>>
        tpu.wait_indirect_dma semaphore(%dma_wait3A_290 : memref<!tpu.dma_semaphore, #tpu.memory_space<semaphore_mem>>) src(%dma_wait3A_282 : memref<128x64xf32, #tpu.memory_space<vmem>>) dst(%dma_wait3A_288 : memref<10000x64xf32, #tpu.memory_space<vmem_shared>>)
      } else {
      }
      %add3A_167 = arith.constant 4 : i32
      %add3A_168 = arith.addi %add3A_153, %add3A_167 : i32
      %lt3A_169 = arith.cmpi slt, %add3A_168, %select_n3A : i32
      %convert_element_type3A_170 = arith.extui %lt3A_169 : i1 to i32
      %cond3A_171 = arith.constant 0 : i32
      %cond3A_172 = arith.cmpi ne, %convert_element_type3A_170, %cond3A_171 : i32
      scf.if %cond3A_172 {
        %dma_start3A_278 = arith.constant 6 : i32
        %dma_start3A_279 = arith.constant 6 : i32
        %dma_start3A_280 = arith.constant 0 : i32
        %dma_start3A_281 = arith.constant 0 : i32
        %dma_start3A_282 = tpu.memref_slice %arg9[%dma_start3A_278, %dma_start3A_280, %dma_start3A_281] : memref<8x128x64xf32, #tpu.memory_space<vmem>> -> memref<1x128x64xf32, #tpu.memory_space<vmem>>
        %dma_start3A_283 = tpu.memref_squeeze %dma_start3A_282 : memref<1x128x64xf32, #tpu.memory_space<vmem>> -> memref<128x64xf32, #tpu.memory_space<vmem>>
        %dma_start3A_284 = arith.constant 0 : i32
        %dma_start3A_285 = tpu.memref_slice %arg7[%add3A_168, %dma_start3A_284] : memref<80x128xi32, #tpu.memory_space<vmem>> -> memref<1x128xi32, #tpu.memory_space<vmem>>
        %dma_start3A_286 = tpu.memref_squeeze %dma_start3A_285 : memref<1x128xi32, #tpu.memory_space<vmem>> -> memref<128xi32, #tpu.memory_space<vmem>>
        %dma_start3A_287 = arith.constant 0 : i32
        %dma_start3A_288 = arith.constant 0 : i32
        %dma_start3A_289 = tpu.memref_slice %arg2[%dma_start3A_287, %dma_start3A_288] : memref<10000x64xf32, #tpu.memory_space<hbm>> -> memref<10000x64xf32, #tpu.memory_space<hbm>>
        %dma_start3A_290 = tpu.memref_slice %arg11[%dma_start3A_279] : memref<8x!tpu.dma_semaphore, #tpu.memory_space<semaphore_mem>> -> memref<1x!tpu.dma_semaphore, #tpu.memory_space<semaphore_mem>>
        %dma_start3A_291 = tpu.memref_squeeze %dma_start3A_290 : memref<1x!tpu.dma_semaphore, #tpu.memory_space<semaphore_mem>> -> memref<!tpu.dma_semaphore, #tpu.memory_space<semaphore_mem>>
        tpu.enqueue_indirect_dma source(%dma_start3A_289 : memref<10000x64xf32, #tpu.memory_space<hbm>>) target(%dma_start3A_283 : memref<128x64xf32, #tpu.memory_space<vmem>>) offsets(%dma_start3A_286 : memref<128xi32, #tpu.memory_space<vmem>>) semaphore(%dma_start3A_291 : memref<!tpu.dma_semaphore, #tpu.memory_space<semaphore_mem>>)
      } else {
      }
      %add3A_173 = arith.constant 3 : i32
      %add3A_174 = arith.addi %mul3A_111, %add3A_173 : i32
      %lt3A_175 = arith.cmpi slt, %add3A_174, %select_n3A : i32
      %convert_element_type3A_176 = arith.extui %lt3A_175 : i1 to i32
      %cond3A_177 = arith.constant 0 : i32
      %cond3A_178 = arith.cmpi ne, %convert_element_type3A_176, %cond3A_177 : i32
      scf.if %cond3A_178 {
        %dma_wait3A = arith.constant 3 : i32
        %dma_wait3A_278 = arith.constant 3 : i32
        %dma_wait3A_279 = arith.constant 0 : i32
        %dma_wait3A_280 = arith.constant 0 : i32
        %dma_wait3A_281 = tpu.memref_slice %arg9[%dma_wait3A, %dma_wait3A_279, %dma_wait3A_280] : memref<8x128x64xf32, #tpu.memory_space<vmem>> -> memref<1x128x64xf32, #tpu.memory_space<vmem>>
        %dma_wait3A_282 = tpu.memref_squeeze %dma_wait3A_281 : memref<1x128x64xf32, #tpu.memory_space<vmem>> -> memref<128x64xf32, #tpu.memory_space<vmem>>
        %dma_wait3A_283 = arith.constant 0 : i32
        %dma_wait3A_284 = tpu.memref_slice %arg7[%add3A_174, %dma_wait3A_283] : memref<80x128xi32, #tpu.memory_space<vmem>> -> memref<1x128xi32, #tpu.memory_space<vmem>>
        %dma_wait3A_285 = tpu.memref_squeeze %dma_wait3A_284 : memref<1x128xi32, #tpu.memory_space<vmem>> -> memref<128xi32, #tpu.memory_space<vmem>>
        %dma_wait3A_286 = arith.constant 0 : i32
        %dma_wait3A_287 = arith.constant 0 : i32
        %dma_wait3A_288 = tpu.memref_slice %arg2[%dma_wait3A_286, %dma_wait3A_287] : memref<10000x64xf32, #tpu.memory_space<hbm>> -> memref<10000x64xf32, #tpu.memory_space<hbm>>
        %dma_wait3A_289 = tpu.memref_slice %arg11[%dma_wait3A_278] : memref<8x!tpu.dma_semaphore, #tpu.memory_space<semaphore_mem>> -> memref<1x!tpu.dma_semaphore, #tpu.memory_space<semaphore_mem>>
        %dma_wait3A_290 = tpu.memref_squeeze %dma_wait3A_289 : memref<1x!tpu.dma_semaphore, #tpu.memory_space<semaphore_mem>> -> memref<!tpu.dma_semaphore, #tpu.memory_space<semaphore_mem>>
        tpu.wait_indirect_dma semaphore(%dma_wait3A_290 : memref<!tpu.dma_semaphore, #tpu.memory_space<semaphore_mem>>) src(%dma_wait3A_288 : memref<10000x64xf32, #tpu.memory_space<hbm>>) dst(%dma_wait3A_282 : memref<128x64xf32, #tpu.memory_space<vmem>>)
        %dma_start3A_291 = arith.constant 3 : i32
        %dma_start3A_292 = arith.constant 3 : i32
        %dma_start3A_293 = arith.constant 0 : i32
        %dma_start3A_294 = arith.constant 0 : i32
        %dma_start3A_295 = tpu.memref_slice %arg9[%dma_start3A_291, %dma_start3A_293, %dma_start3A_294] : memref<8x128x64xf32, #tpu.memory_space<vmem>> -> memref<1x128x64xf32, #tpu.memory_space<vmem>>
        %dma_start3A_296 = tpu.memref_squeeze %dma_start3A_295 : memref<1x128x64xf32, #tpu.memory_space<vmem>> -> memref<128x64xf32, #tpu.memory_space<vmem>>
        %dma_start3A_297 = arith.constant 0 : i32
        %dma_start3A_298 = tpu.memref_slice %arg8[%add3A_174, %dma_start3A_297] : memref<80x128xi32, #tpu.memory_space<vmem>> -> memref<1x128xi32, #tpu.memory_space<vmem>>
        %dma_start3A_299 = tpu.memref_squeeze %dma_start3A_298 : memref<1x128xi32, #tpu.memory_space<vmem>> -> memref<128xi32, #tpu.memory_space<vmem>>
        %dma_start3A_300 = arith.constant 0 : i32
        %dma_start3A_301 = arith.constant 0 : i32
        %dma_start3A_302 = tpu.memref_slice %arg10[%dma_start3A_300, %dma_start3A_301] : memref<10000x64xf32, #tpu.memory_space<vmem_shared>> -> memref<10000x64xf32, #tpu.memory_space<vmem_shared>>
        %dma_start3A_303 = tpu.memref_slice %arg12[%dma_start3A_292] : memref<8x!tpu.dma_semaphore, #tpu.memory_space<semaphore_mem>> -> memref<1x!tpu.dma_semaphore, #tpu.memory_space<semaphore_mem>>
        %dma_start3A_304 = tpu.memref_squeeze %dma_start3A_303 : memref<1x!tpu.dma_semaphore, #tpu.memory_space<semaphore_mem>> -> memref<!tpu.dma_semaphore, #tpu.memory_space<semaphore_mem>>
        tpu.enqueue_indirect_dma source(%dma_start3A_296 : memref<128x64xf32, #tpu.memory_space<vmem>>) target(%dma_start3A_302 : memref<10000x64xf32, #tpu.memory_space<vmem_shared>>) offsets(%dma_start3A_299 : memref<128xi32, #tpu.memory_space<vmem>>) semaphore(%dma_start3A_304 : memref<!tpu.dma_semaphore, #tpu.memory_space<semaphore_mem>>) {add = true}
      } else {
      }
      %sub3A_179 = arith.constant 4 : i32
      %sub3A_180 = arith.subi %add3A_174, %sub3A_179 : i32
      %ge3A_181 = arith.constant 0 : i32
      %ge3A_182 = arith.cmpi sge, %sub3A_180, %ge3A_181 : i32
      %lt3A_183 = arith.cmpi slt, %sub3A_180, %select_n3A : i32
      %and3A_184 = arith.andi %ge3A_182, %lt3A_183 : i1
      %convert_element_type3A_185 = arith.extui %and3A_184 : i1 to i32
      %cond3A_186 = arith.constant 0 : i32
      %cond3A_187 = arith.cmpi ne, %convert_element_type3A_185, %cond3A_186 : i32
      scf.if %cond3A_187 {
        %dma_wait3A = arith.constant 7 : i32
        %dma_wait3A_278 = arith.constant 7 : i32
        %dma_wait3A_279 = arith.constant 0 : i32
        %dma_wait3A_280 = arith.constant 0 : i32
        %dma_wait3A_281 = tpu.memref_slice %arg9[%dma_wait3A, %dma_wait3A_279, %dma_wait3A_280] : memref<8x128x64xf32, #tpu.memory_space<vmem>> -> memref<1x128x64xf32, #tpu.memory_space<vmem>>
        %dma_wait3A_282 = tpu.memref_squeeze %dma_wait3A_281 : memref<1x128x64xf32, #tpu.memory_space<vmem>> -> memref<128x64xf32, #tpu.memory_space<vmem>>
        %dma_wait3A_283 = arith.constant 0 : i32
        %dma_wait3A_284 = tpu.memref_slice %arg8[%sub3A_180, %dma_wait3A_283] : memref<80x128xi32, #tpu.memory_space<vmem>> -> memref<1x128xi32, #tpu.memory_space<vmem>>
        %dma_wait3A_285 = tpu.memref_squeeze %dma_wait3A_284 : memref<1x128xi32, #tpu.memory_space<vmem>> -> memref<128xi32, #tpu.memory_space<vmem>>
        %dma_wait3A_286 = arith.constant 0 : i32
        %dma_wait3A_287 = arith.constant 0 : i32
        %dma_wait3A_288 = tpu.memref_slice %arg10[%dma_wait3A_286, %dma_wait3A_287] : memref<10000x64xf32, #tpu.memory_space<vmem_shared>> -> memref<10000x64xf32, #tpu.memory_space<vmem_shared>>
        %dma_wait3A_289 = tpu.memref_slice %arg12[%dma_wait3A_278] : memref<8x!tpu.dma_semaphore, #tpu.memory_space<semaphore_mem>> -> memref<1x!tpu.dma_semaphore, #tpu.memory_space<semaphore_mem>>
        %dma_wait3A_290 = tpu.memref_squeeze %dma_wait3A_289 : memref<1x!tpu.dma_semaphore, #tpu.memory_space<semaphore_mem>> -> memref<!tpu.dma_semaphore, #tpu.memory_space<semaphore_mem>>
        tpu.wait_indirect_dma semaphore(%dma_wait3A_290 : memref<!tpu.dma_semaphore, #tpu.memory_space<semaphore_mem>>) src(%dma_wait3A_282 : memref<128x64xf32, #tpu.memory_space<vmem>>) dst(%dma_wait3A_288 : memref<10000x64xf32, #tpu.memory_space<vmem_shared>>)
      } else {
      }
      %add3A_188 = arith.constant 4 : i32
      %add3A_189 = arith.addi %add3A_174, %add3A_188 : i32
      %lt3A_190 = arith.cmpi slt, %add3A_189, %select_n3A : i32
      %convert_element_type3A_191 = arith.extui %lt3A_190 : i1 to i32
      %cond3A_192 = arith.constant 0 : i32
      %cond3A_193 = arith.cmpi ne, %convert_element_type3A_191, %cond3A_192 : i32
      scf.if %cond3A_193 {
        %dma_start3A_278 = arith.constant 7 : i32
        %dma_start3A_279 = arith.constant 7 : i32
        %dma_start3A_280 = arith.constant 0 : i32
        %dma_start3A_281 = arith.constant 0 : i32
        %dma_start3A_282 = tpu.memref_slice %arg9[%dma_start3A_278, %dma_start3A_280, %dma_start3A_281] : memref<8x128x64xf32, #tpu.memory_space<vmem>> -> memref<1x128x64xf32, #tpu.memory_space<vmem>>
        %dma_start3A_283 = tpu.memref_squeeze %dma_start3A_282 : memref<1x128x64xf32, #tpu.memory_space<vmem>> -> memref<128x64xf32, #tpu.memory_space<vmem>>
        %dma_start3A_284 = arith.constant 0 : i32
        %dma_start3A_285 = tpu.memref_slice %arg7[%add3A_189, %dma_start3A_284] : memref<80x128xi32, #tpu.memory_space<vmem>> -> memref<1x128xi32, #tpu.memory_space<vmem>>
        %dma_start3A_286 = tpu.memref_squeeze %dma_start3A_285 : memref<1x128xi32, #tpu.memory_space<vmem>> -> memref<128xi32, #tpu.memory_space<vmem>>
        %dma_start3A_287 = arith.constant 0 : i32
        %dma_start3A_288 = arith.constant 0 : i32
        %dma_start3A_289 = tpu.memref_slice %arg2[%dma_start3A_287, %dma_start3A_288] : memref<10000x64xf32, #tpu.memory_space<hbm>> -> memref<10000x64xf32, #tpu.memory_space<hbm>>
        %dma_start3A_290 = tpu.memref_slice %arg11[%dma_start3A_279] : memref<8x!tpu.dma_semaphore, #tpu.memory_space<semaphore_mem>> -> memref<1x!tpu.dma_semaphore, #tpu.memory_space<semaphore_mem>>
        %dma_start3A_291 = tpu.memref_squeeze %dma_start3A_290 : memref<1x!tpu.dma_semaphore, #tpu.memory_space<semaphore_mem>> -> memref<!tpu.dma_semaphore, #tpu.memory_space<semaphore_mem>>
        tpu.enqueue_indirect_dma source(%dma_start3A_289 : memref<10000x64xf32, #tpu.memory_space<hbm>>) target(%dma_start3A_283 : memref<128x64xf32, #tpu.memory_space<vmem>>) offsets(%dma_start3A_286 : memref<128xi32, #tpu.memory_space<vmem>>) semaphore(%dma_start3A_291 : memref<!tpu.dma_semaphore, #tpu.memory_space<semaphore_mem>>)
      } else {
      }
      %add3A_194 = arith.constant 4 : i32
      %add3A_195 = arith.addi %mul3A_111, %add3A_194 : i32
      %lt3A_196 = arith.cmpi slt, %add3A_195, %select_n3A : i32
      %convert_element_type3A_197 = arith.extui %lt3A_196 : i1 to i32
      %cond3A_198 = arith.constant 0 : i32
      %cond3A_199 = arith.cmpi ne, %convert_element_type3A_197, %cond3A_198 : i32
      scf.if %cond3A_199 {
        %dma_wait3A = arith.constant 4 : i32
        %dma_wait3A_278 = arith.constant 4 : i32
        %dma_wait3A_279 = arith.constant 0 : i32
        %dma_wait3A_280 = arith.constant 0 : i32
        %dma_wait3A_281 = tpu.memref_slice %arg9[%dma_wait3A, %dma_wait3A_279, %dma_wait3A_280] : memref<8x128x64xf32, #tpu.memory_space<vmem>> -> memref<1x128x64xf32, #tpu.memory_space<vmem>>
        %dma_wait3A_282 = tpu.memref_squeeze %dma_wait3A_281 : memref<1x128x64xf32, #tpu.memory_space<vmem>> -> memref<128x64xf32, #tpu.memory_space<vmem>>
        %dma_wait3A_283 = arith.constant 0 : i32
        %dma_wait3A_284 = tpu.memref_slice %arg7[%add3A_195, %dma_wait3A_283] : memref<80x128xi32, #tpu.memory_space<vmem>> -> memref<1x128xi32, #tpu.memory_space<vmem>>
        %dma_wait3A_285 = tpu.memref_squeeze %dma_wait3A_284 : memref<1x128xi32, #tpu.memory_space<vmem>> -> memref<128xi32, #tpu.memory_space<vmem>>
        %dma_wait3A_286 = arith.constant 0 : i32
        %dma_wait3A_287 = arith.constant 0 : i32
        %dma_wait3A_288 = tpu.memref_slice %arg2[%dma_wait3A_286, %dma_wait3A_287] : memref<10000x64xf32, #tpu.memory_space<hbm>> -> memref<10000x64xf32, #tpu.memory_space<hbm>>
        %dma_wait3A_289 = tpu.memref_slice %arg11[%dma_wait3A_278] : memref<8x!tpu.dma_semaphore, #tpu.memory_space<semaphore_mem>> -> memref<1x!tpu.dma_semaphore, #tpu.memory_space<semaphore_mem>>
        %dma_wait3A_290 = tpu.memref_squeeze %dma_wait3A_289 : memref<1x!tpu.dma_semaphore, #tpu.memory_space<semaphore_mem>> -> memref<!tpu.dma_semaphore, #tpu.memory_space<semaphore_mem>>
        tpu.wait_indirect_dma semaphore(%dma_wait3A_290 : memref<!tpu.dma_semaphore, #tpu.memory_space<semaphore_mem>>) src(%dma_wait3A_288 : memref<10000x64xf32, #tpu.memory_space<hbm>>) dst(%dma_wait3A_282 : memref<128x64xf32, #tpu.memory_space<vmem>>)
        %dma_start3A_291 = arith.constant 4 : i32
        %dma_start3A_292 = arith.constant 4 : i32
        %dma_start3A_293 = arith.constant 0 : i32
        %dma_start3A_294 = arith.constant 0 : i32
        %dma_start3A_295 = tpu.memref_slice %arg9[%dma_start3A_291, %dma_start3A_293, %dma_start3A_294] : memref<8x128x64xf32, #tpu.memory_space<vmem>> -> memref<1x128x64xf32, #tpu.memory_space<vmem>>
        %dma_start3A_296 = tpu.memref_squeeze %dma_start3A_295 : memref<1x128x64xf32, #tpu.memory_space<vmem>> -> memref<128x64xf32, #tpu.memory_space<vmem>>
        %dma_start3A_297 = arith.constant 0 : i32
        %dma_start3A_298 = tpu.memref_slice %arg8[%add3A_195, %dma_start3A_297] : memref<80x128xi32, #tpu.memory_space<vmem>> -> memref<1x128xi32, #tpu.memory_space<vmem>>
        %dma_start3A_299 = tpu.memref_squeeze %dma_start3A_298 : memref<1x128xi32, #tpu.memory_space<vmem>> -> memref<128xi32, #tpu.memory_space<vmem>>
        %dma_start3A_300 = arith.constant 0 : i32
        %dma_start3A_301 = arith.constant 0 : i32
        %dma_start3A_302 = tpu.memref_slice %arg10[%dma_start3A_300, %dma_start3A_301] : memref<10000x64xf32, #tpu.memory_space<vmem_shared>> -> memref<10000x64xf32, #tpu.memory_space<vmem_shared>>
        %dma_start3A_303 = tpu.memref_slice %arg12[%dma_start3A_292] : memref<8x!tpu.dma_semaphore, #tpu.memory_space<semaphore_mem>> -> memref<1x!tpu.dma_semaphore, #tpu.memory_space<semaphore_mem>>
        %dma_start3A_304 = tpu.memref_squeeze %dma_start3A_303 : memref<1x!tpu.dma_semaphore, #tpu.memory_space<semaphore_mem>> -> memref<!tpu.dma_semaphore, #tpu.memory_space<semaphore_mem>>
        tpu.enqueue_indirect_dma source(%dma_start3A_296 : memref<128x64xf32, #tpu.memory_space<vmem>>) target(%dma_start3A_302 : memref<10000x64xf32, #tpu.memory_space<vmem_shared>>) offsets(%dma_start3A_299 : memref<128xi32, #tpu.memory_space<vmem>>) semaphore(%dma_start3A_304 : memref<!tpu.dma_semaphore, #tpu.memory_space<semaphore_mem>>) {add = true}
      } else {
      }
      %sub3A_200 = arith.constant 4 : i32
      %sub3A_201 = arith.subi %add3A_195, %sub3A_200 : i32
      %ge3A_202 = arith.constant 0 : i32
      %ge3A_203 = arith.cmpi sge, %sub3A_201, %ge3A_202 : i32
      %lt3A_204 = arith.cmpi slt, %sub3A_201, %select_n3A : i32
      %and3A_205 = arith.andi %ge3A_203, %lt3A_204 : i1
      %convert_element_type3A_206 = arith.extui %and3A_205 : i1 to i32
      %cond3A_207 = arith.constant 0 : i32
      %cond3A_208 = arith.cmpi ne, %convert_element_type3A_206, %cond3A_207 : i32
      scf.if %cond3A_208 {
        %dma_wait3A = arith.constant 0 : i32
        %dma_wait3A_278 = arith.constant 0 : i32
        %dma_wait3A_279 = arith.constant 0 : i32
        %dma_wait3A_280 = arith.constant 0 : i32
        %dma_wait3A_281 = tpu.memref_slice %arg9[%dma_wait3A, %dma_wait3A_279, %dma_wait3A_280] : memref<8x128x64xf32, #tpu.memory_space<vmem>> -> memref<1x128x64xf32, #tpu.memory_space<vmem>>
        %dma_wait3A_282 = tpu.memref_squeeze %dma_wait3A_281 : memref<1x128x64xf32, #tpu.memory_space<vmem>> -> memref<128x64xf32, #tpu.memory_space<vmem>>
        %dma_wait3A_283 = arith.constant 0 : i32
        %dma_wait3A_284 = tpu.memref_slice %arg8[%sub3A_201, %dma_wait3A_283] : memref<80x128xi32, #tpu.memory_space<vmem>> -> memref<1x128xi32, #tpu.memory_space<vmem>>
        %dma_wait3A_285 = tpu.memref_squeeze %dma_wait3A_284 : memref<1x128xi32, #tpu.memory_space<vmem>> -> memref<128xi32, #tpu.memory_space<vmem>>
        %dma_wait3A_286 = arith.constant 0 : i32
        %dma_wait3A_287 = arith.constant 0 : i32
        %dma_wait3A_288 = tpu.memref_slice %arg10[%dma_wait3A_286, %dma_wait3A_287] : memref<10000x64xf32, #tpu.memory_space<vmem_shared>> -> memref<10000x64xf32, #tpu.memory_space<vmem_shared>>
        %dma_wait3A_289 = tpu.memref_slice %arg12[%dma_wait3A_278] : memref<8x!tpu.dma_semaphore, #tpu.memory_space<semaphore_mem>> -> memref<1x!tpu.dma_semaphore, #tpu.memory_space<semaphore_mem>>
        %dma_wait3A_290 = tpu.memref_squeeze %dma_wait3A_289 : memref<1x!tpu.dma_semaphore, #tpu.memory_space<semaphore_mem>> -> memref<!tpu.dma_semaphore, #tpu.memory_space<semaphore_mem>>
        tpu.wait_indirect_dma semaphore(%dma_wait3A_290 : memref<!tpu.dma_semaphore, #tpu.memory_space<semaphore_mem>>) src(%dma_wait3A_282 : memref<128x64xf32, #tpu.memory_space<vmem>>) dst(%dma_wait3A_288 : memref<10000x64xf32, #tpu.memory_space<vmem_shared>>)
      } else {
      }
      %add3A_209 = arith.constant 4 : i32
      %add3A_210 = arith.addi %add3A_195, %add3A_209 : i32
      %lt3A_211 = arith.cmpi slt, %add3A_210, %select_n3A : i32
      %convert_element_type3A_212 = arith.extui %lt3A_211 : i1 to i32
      %cond3A_213 = arith.constant 0 : i32
      %cond3A_214 = arith.cmpi ne, %convert_element_type3A_212, %cond3A_213 : i32
      scf.if %cond3A_214 {
        %dma_start3A_278 = arith.constant 0 : i32
        %dma_start3A_279 = arith.constant 0 : i32
        %dma_start3A_280 = arith.constant 0 : i32
        %dma_start3A_281 = arith.constant 0 : i32
        %dma_start3A_282 = tpu.memref_slice %arg9[%dma_start3A_278, %dma_start3A_280, %dma_start3A_281] : memref<8x128x64xf32, #tpu.memory_space<vmem>> -> memref<1x128x64xf32, #tpu.memory_space<vmem>>
        %dma_start3A_283 = tpu.memref_squeeze %dma_start3A_282 : memref<1x128x64xf32, #tpu.memory_space<vmem>> -> memref<128x64xf32, #tpu.memory_space<vmem>>
        %dma_start3A_284 = arith.constant 0 : i32
        %dma_start3A_285 = tpu.memref_slice %arg7[%add3A_210, %dma_start3A_284] : memref<80x128xi32, #tpu.memory_space<vmem>> -> memref<1x128xi32, #tpu.memory_space<vmem>>
        %dma_start3A_286 = tpu.memref_squeeze %dma_start3A_285 : memref<1x128xi32, #tpu.memory_space<vmem>> -> memref<128xi32, #tpu.memory_space<vmem>>
        %dma_start3A_287 = arith.constant 0 : i32
        %dma_start3A_288 = arith.constant 0 : i32
        %dma_start3A_289 = tpu.memref_slice %arg2[%dma_start3A_287, %dma_start3A_288] : memref<10000x64xf32, #tpu.memory_space<hbm>> -> memref<10000x64xf32, #tpu.memory_space<hbm>>
        %dma_start3A_290 = tpu.memref_slice %arg11[%dma_start3A_279] : memref<8x!tpu.dma_semaphore, #tpu.memory_space<semaphore_mem>> -> memref<1x!tpu.dma_semaphore, #tpu.memory_space<semaphore_mem>>
        %dma_start3A_291 = tpu.memref_squeeze %dma_start3A_290 : memref<1x!tpu.dma_semaphore, #tpu.memory_space<semaphore_mem>> -> memref<!tpu.dma_semaphore, #tpu.memory_space<semaphore_mem>>
        tpu.enqueue_indirect_dma source(%dma_start3A_289 : memref<10000x64xf32, #tpu.memory_space<hbm>>) target(%dma_start3A_283 : memref<128x64xf32, #tpu.memory_space<vmem>>) offsets(%dma_start3A_286 : memref<128xi32, #tpu.memory_space<vmem>>) semaphore(%dma_start3A_291 : memref<!tpu.dma_semaphore, #tpu.memory_space<semaphore_mem>>)
      } else {
      }
      %add3A_215 = arith.constant 5 : i32
      %add3A_216 = arith.addi %mul3A_111, %add3A_215 : i32
      %lt3A_217 = arith.cmpi slt, %add3A_216, %select_n3A : i32
      %convert_element_type3A_218 = arith.extui %lt3A_217 : i1 to i32
      %cond3A_219 = arith.constant 0 : i32
      %cond3A_220 = arith.cmpi ne, %convert_element_type3A_218, %cond3A_219 : i32
      scf.if %cond3A_220 {
        %dma_wait3A = arith.constant 5 : i32
        %dma_wait3A_278 = arith.constant 5 : i32
        %dma_wait3A_279 = arith.constant 0 : i32
        %dma_wait3A_280 = arith.constant 0 : i32
        %dma_wait3A_281 = tpu.memref_slice %arg9[%dma_wait3A, %dma_wait3A_279, %dma_wait3A_280] : memref<8x128x64xf32, #tpu.memory_space<vmem>> -> memref<1x128x64xf32, #tpu.memory_space<vmem>>
        %dma_wait3A_282 = tpu.memref_squeeze %dma_wait3A_281 : memref<1x128x64xf32, #tpu.memory_space<vmem>> -> memref<128x64xf32, #tpu.memory_space<vmem>>
        %dma_wait3A_283 = arith.constant 0 : i32
        %dma_wait3A_284 = tpu.memref_slice %arg7[%add3A_216, %dma_wait3A_283] : memref<80x128xi32, #tpu.memory_space<vmem>> -> memref<1x128xi32, #tpu.memory_space<vmem>>
        %dma_wait3A_285 = tpu.memref_squeeze %dma_wait3A_284 : memref<1x128xi32, #tpu.memory_space<vmem>> -> memref<128xi32, #tpu.memory_space<vmem>>
        %dma_wait3A_286 = arith.constant 0 : i32
        %dma_wait3A_287 = arith.constant 0 : i32
        %dma_wait3A_288 = tpu.memref_slice %arg2[%dma_wait3A_286, %dma_wait3A_287] : memref<10000x64xf32, #tpu.memory_space<hbm>> -> memref<10000x64xf32, #tpu.memory_space<hbm>>
        %dma_wait3A_289 = tpu.memref_slice %arg11[%dma_wait3A_278] : memref<8x!tpu.dma_semaphore, #tpu.memory_space<semaphore_mem>> -> memref<1x!tpu.dma_semaphore, #tpu.memory_space<semaphore_mem>>
        %dma_wait3A_290 = tpu.memref_squeeze %dma_wait3A_289 : memref<1x!tpu.dma_semaphore, #tpu.memory_space<semaphore_mem>> -> memref<!tpu.dma_semaphore, #tpu.memory_space<semaphore_mem>>
        tpu.wait_indirect_dma semaphore(%dma_wait3A_290 : memref<!tpu.dma_semaphore, #tpu.memory_space<semaphore_mem>>) src(%dma_wait3A_288 : memref<10000x64xf32, #tpu.memory_space<hbm>>) dst(%dma_wait3A_282 : memref<128x64xf32, #tpu.memory_space<vmem>>)
        %dma_start3A_291 = arith.constant 5 : i32
        %dma_start3A_292 = arith.constant 5 : i32
        %dma_start3A_293 = arith.constant 0 : i32
        %dma_start3A_294 = arith.constant 0 : i32
        %dma_start3A_295 = tpu.memref_slice %arg9[%dma_start3A_291, %dma_start3A_293, %dma_start3A_294] : memref<8x128x64xf32, #tpu.memory_space<vmem>> -> memref<1x128x64xf32, #tpu.memory_space<vmem>>
        %dma_start3A_296 = tpu.memref_squeeze %dma_start3A_295 : memref<1x128x64xf32, #tpu.memory_space<vmem>> -> memref<128x64xf32, #tpu.memory_space<vmem>>
        %dma_start3A_297 = arith.constant 0 : i32
        %dma_start3A_298 = tpu.memref_slice %arg8[%add3A_216, %dma_start3A_297] : memref<80x128xi32, #tpu.memory_space<vmem>> -> memref<1x128xi32, #tpu.memory_space<vmem>>
        %dma_start3A_299 = tpu.memref_squeeze %dma_start3A_298 : memref<1x128xi32, #tpu.memory_space<vmem>> -> memref<128xi32, #tpu.memory_space<vmem>>
        %dma_start3A_300 = arith.constant 0 : i32
        %dma_start3A_301 = arith.constant 0 : i32
        %dma_start3A_302 = tpu.memref_slice %arg10[%dma_start3A_300, %dma_start3A_301] : memref<10000x64xf32, #tpu.memory_space<vmem_shared>> -> memref<10000x64xf32, #tpu.memory_space<vmem_shared>>
        %dma_start3A_303 = tpu.memref_slice %arg12[%dma_start3A_292] : memref<8x!tpu.dma_semaphore, #tpu.memory_space<semaphore_mem>> -> memref<1x!tpu.dma_semaphore, #tpu.memory_space<semaphore_mem>>
        %dma_start3A_304 = tpu.memref_squeeze %dma_start3A_303 : memref<1x!tpu.dma_semaphore, #tpu.memory_space<semaphore_mem>> -> memref<!tpu.dma_semaphore, #tpu.memory_space<semaphore_mem>>
        tpu.enqueue_indirect_dma source(%dma_start3A_296 : memref<128x64xf32, #tpu.memory_space<vmem>>) target(%dma_start3A_302 : memref<10000x64xf32, #tpu.memory_space<vmem_shared>>) offsets(%dma_start3A_299 : memref<128xi32, #tpu.memory_space<vmem>>) semaphore(%dma_start3A_304 : memref<!tpu.dma_semaphore, #tpu.memory_space<semaphore_mem>>) {add = true}
      } else {
      }
      %sub3A_221 = arith.constant 4 : i32
      %sub3A_222 = arith.subi %add3A_216, %sub3A_221 : i32
      %ge3A_223 = arith.constant 0 : i32
      %ge3A_224 = arith.cmpi sge, %sub3A_222, %ge3A_223 : i32
      %lt3A_225 = arith.cmpi slt, %sub3A_222, %select_n3A : i32
      %and3A_226 = arith.andi %ge3A_224, %lt3A_225 : i1
      %convert_element_type3A_227 = arith.extui %and3A_226 : i1 to i32
      %cond3A_228 = arith.constant 0 : i32
      %cond3A_229 = arith.cmpi ne, %convert_element_type3A_227, %cond3A_228 : i32
      scf.if %cond3A_229 {
        %dma_wait3A = arith.constant 1 : i32
        %dma_wait3A_278 = arith.constant 1 : i32
        %dma_wait3A_279 = arith.constant 0 : i32
        %dma_wait3A_280 = arith.constant 0 : i32
        %dma_wait3A_281 = tpu.memref_slice %arg9[%dma_wait3A, %dma_wait3A_279, %dma_wait3A_280] : memref<8x128x64xf32, #tpu.memory_space<vmem>> -> memref<1x128x64xf32, #tpu.memory_space<vmem>>
        %dma_wait3A_282 = tpu.memref_squeeze %dma_wait3A_281 : memref<1x128x64xf32, #tpu.memory_space<vmem>> -> memref<128x64xf32, #tpu.memory_space<vmem>>
        %dma_wait3A_283 = arith.constant 0 : i32
        %dma_wait3A_284 = tpu.memref_slice %arg8[%sub3A_222, %dma_wait3A_283] : memref<80x128xi32, #tpu.memory_space<vmem>> -> memref<1x128xi32, #tpu.memory_space<vmem>>
        %dma_wait3A_285 = tpu.memref_squeeze %dma_wait3A_284 : memref<1x128xi32, #tpu.memory_space<vmem>> -> memref<128xi32, #tpu.memory_space<vmem>>
        %dma_wait3A_286 = arith.constant 0 : i32
        %dma_wait3A_287 = arith.constant 0 : i32
        %dma_wait3A_288 = tpu.memref_slice %arg10[%dma_wait3A_286, %dma_wait3A_287] : memref<10000x64xf32, #tpu.memory_space<vmem_shared>> -> memref<10000x64xf32, #tpu.memory_space<vmem_shared>>
        %dma_wait3A_289 = tpu.memref_slice %arg12[%dma_wait3A_278] : memref<8x!tpu.dma_semaphore, #tpu.memory_space<semaphore_mem>> -> memref<1x!tpu.dma_semaphore, #tpu.memory_space<semaphore_mem>>
        %dma_wait3A_290 = tpu.memref_squeeze %dma_wait3A_289 : memref<1x!tpu.dma_semaphore, #tpu.memory_space<semaphore_mem>> -> memref<!tpu.dma_semaphore, #tpu.memory_space<semaphore_mem>>
        tpu.wait_indirect_dma semaphore(%dma_wait3A_290 : memref<!tpu.dma_semaphore, #tpu.memory_space<semaphore_mem>>) src(%dma_wait3A_282 : memref<128x64xf32, #tpu.memory_space<vmem>>) dst(%dma_wait3A_288 : memref<10000x64xf32, #tpu.memory_space<vmem_shared>>)
      } else {
      }
      %add3A_230 = arith.constant 4 : i32
      %add3A_231 = arith.addi %add3A_216, %add3A_230 : i32
      %lt3A_232 = arith.cmpi slt, %add3A_231, %select_n3A : i32
      %convert_element_type3A_233 = arith.extui %lt3A_232 : i1 to i32
      %cond3A_234 = arith.constant 0 : i32
      %cond3A_235 = arith.cmpi ne, %convert_element_type3A_233, %cond3A_234 : i32
      scf.if %cond3A_235 {
        %dma_start3A_278 = arith.constant 1 : i32
        %dma_start3A_279 = arith.constant 1 : i32
        %dma_start3A_280 = arith.constant 0 : i32
        %dma_start3A_281 = arith.constant 0 : i32
        %dma_start3A_282 = tpu.memref_slice %arg9[%dma_start3A_278, %dma_start3A_280, %dma_start3A_281] : memref<8x128x64xf32, #tpu.memory_space<vmem>> -> memref<1x128x64xf32, #tpu.memory_space<vmem>>
        %dma_start3A_283 = tpu.memref_squeeze %dma_start3A_282 : memref<1x128x64xf32, #tpu.memory_space<vmem>> -> memref<128x64xf32, #tpu.memory_space<vmem>>
        %dma_start3A_284 = arith.constant 0 : i32
        %dma_start3A_285 = tpu.memref_slice %arg7[%add3A_231, %dma_start3A_284] : memref<80x128xi32, #tpu.memory_space<vmem>> -> memref<1x128xi32, #tpu.memory_space<vmem>>
        %dma_start3A_286 = tpu.memref_squeeze %dma_start3A_285 : memref<1x128xi32, #tpu.memory_space<vmem>> -> memref<128xi32, #tpu.memory_space<vmem>>
        %dma_start3A_287 = arith.constant 0 : i32
        %dma_start3A_288 = arith.constant 0 : i32
        %dma_start3A_289 = tpu.memref_slice %arg2[%dma_start3A_287, %dma_start3A_288] : memref<10000x64xf32, #tpu.memory_space<hbm>> -> memref<10000x64xf32, #tpu.memory_space<hbm>>
        %dma_start3A_290 = tpu.memref_slice %arg11[%dma_start3A_279] : memref<8x!tpu.dma_semaphore, #tpu.memory_space<semaphore_mem>> -> memref<1x!tpu.dma_semaphore, #tpu.memory_space<semaphore_mem>>
        %dma_start3A_291 = tpu.memref_squeeze %dma_start3A_290 : memref<1x!tpu.dma_semaphore, #tpu.memory_space<semaphore_mem>> -> memref<!tpu.dma_semaphore, #tpu.memory_space<semaphore_mem>>
        tpu.enqueue_indirect_dma source(%dma_start3A_289 : memref<10000x64xf32, #tpu.memory_space<hbm>>) target(%dma_start3A_283 : memref<128x64xf32, #tpu.memory_space<vmem>>) offsets(%dma_start3A_286 : memref<128xi32, #tpu.memory_space<vmem>>) semaphore(%dma_start3A_291 : memref<!tpu.dma_semaphore, #tpu.memory_space<semaphore_mem>>)
      } else {
      }
      %add3A_236 = arith.constant 6 : i32
      %add3A_237 = arith.addi %mul3A_111, %add3A_236 : i32
      %lt3A_238 = arith.cmpi slt, %add3A_237, %select_n3A : i32
      %convert_element_type3A_239 = arith.extui %lt3A_238 : i1 to i32
      %cond3A_240 = arith.constant 0 : i32
      %cond3A_241 = arith.cmpi ne, %convert_element_type3A_239, %cond3A_240 : i32
      scf.if %cond3A_241 {
        %dma_wait3A = arith.constant 6 : i32
        %dma_wait3A_278 = arith.constant 6 : i32
        %dma_wait3A_279 = arith.constant 0 : i32
        %dma_wait3A_280 = arith.constant 0 : i32
        %dma_wait3A_281 = tpu.memref_slice %arg9[%dma_wait3A, %dma_wait3A_279, %dma_wait3A_280] : memref<8x128x64xf32, #tpu.memory_space<vmem>> -> memref<1x128x64xf32, #tpu.memory_space<vmem>>
        %dma_wait3A_282 = tpu.memref_squeeze %dma_wait3A_281 : memref<1x128x64xf32, #tpu.memory_space<vmem>> -> memref<128x64xf32, #tpu.memory_space<vmem>>
        %dma_wait3A_283 = arith.constant 0 : i32
        %dma_wait3A_284 = tpu.memref_slice %arg7[%add3A_237, %dma_wait3A_283] : memref<80x128xi32, #tpu.memory_space<vmem>> -> memref<1x128xi32, #tpu.memory_space<vmem>>
        %dma_wait3A_285 = tpu.memref_squeeze %dma_wait3A_284 : memref<1x128xi32, #tpu.memory_space<vmem>> -> memref<128xi32, #tpu.memory_space<vmem>>
        %dma_wait3A_286 = arith.constant 0 : i32
        %dma_wait3A_287 = arith.constant 0 : i32
        %dma_wait3A_288 = tpu.memref_slice %arg2[%dma_wait3A_286, %dma_wait3A_287] : memref<10000x64xf32, #tpu.memory_space<hbm>> -> memref<10000x64xf32, #tpu.memory_space<hbm>>
        %dma_wait3A_289 = tpu.memref_slice %arg11[%dma_wait3A_278] : memref<8x!tpu.dma_semaphore, #tpu.memory_space<semaphore_mem>> -> memref<1x!tpu.dma_semaphore, #tpu.memory_space<semaphore_mem>>
        %dma_wait3A_290 = tpu.memref_squeeze %dma_wait3A_289 : memref<1x!tpu.dma_semaphore, #tpu.memory_space<semaphore_mem>> -> memref<!tpu.dma_semaphore, #tpu.memory_space<semaphore_mem>>
        tpu.wait_indirect_dma semaphore(%dma_wait3A_290 : memref<!tpu.dma_semaphore, #tpu.memory_space<semaphore_mem>>) src(%dma_wait3A_288 : memref<10000x64xf32, #tpu.memory_space<hbm>>) dst(%dma_wait3A_282 : memref<128x64xf32, #tpu.memory_space<vmem>>)
        %dma_start3A_291 = arith.constant 6 : i32
        %dma_start3A_292 = arith.constant 6 : i32
        %dma_start3A_293 = arith.constant 0 : i32
        %dma_start3A_294 = arith.constant 0 : i32
        %dma_start3A_295 = tpu.memref_slice %arg9[%dma_start3A_291, %dma_start3A_293, %dma_start3A_294] : memref<8x128x64xf32, #tpu.memory_space<vmem>> -> memref<1x128x64xf32, #tpu.memory_space<vmem>>
        %dma_start3A_296 = tpu.memref_squeeze %dma_start3A_295 : memref<1x128x64xf32, #tpu.memory_space<vmem>> -> memref<128x64xf32, #tpu.memory_space<vmem>>
        %dma_start3A_297 = arith.constant 0 : i32
        %dma_start3A_298 = tpu.memref_slice %arg8[%add3A_237, %dma_start3A_297] : memref<80x128xi32, #tpu.memory_space<vmem>> -> memref<1x128xi32, #tpu.memory_space<vmem>>
        %dma_start3A_299 = tpu.memref_squeeze %dma_start3A_298 : memref<1x128xi32, #tpu.memory_space<vmem>> -> memref<128xi32, #tpu.memory_space<vmem>>
        %dma_start3A_300 = arith.constant 0 : i32
        %dma_start3A_301 = arith.constant 0 : i32
        %dma_start3A_302 = tpu.memref_slice %arg10[%dma_start3A_300, %dma_start3A_301] : memref<10000x64xf32, #tpu.memory_space<vmem_shared>> -> memref<10000x64xf32, #tpu.memory_space<vmem_shared>>
        %dma_start3A_303 = tpu.memref_slice %arg12[%dma_start3A_292] : memref<8x!tpu.dma_semaphore, #tpu.memory_space<semaphore_mem>> -> memref<1x!tpu.dma_semaphore, #tpu.memory_space<semaphore_mem>>
        %dma_start3A_304 = tpu.memref_squeeze %dma_start3A_303 : memref<1x!tpu.dma_semaphore, #tpu.memory_space<semaphore_mem>> -> memref<!tpu.dma_semaphore, #tpu.memory_space<semaphore_mem>>
        tpu.enqueue_indirect_dma source(%dma_start3A_296 : memref<128x64xf32, #tpu.memory_space<vmem>>) target(%dma_start3A_302 : memref<10000x64xf32, #tpu.memory_space<vmem_shared>>) offsets(%dma_start3A_299 : memref<128xi32, #tpu.memory_space<vmem>>) semaphore(%dma_start3A_304 : memref<!tpu.dma_semaphore, #tpu.memory_space<semaphore_mem>>) {add = true}
      } else {
      }
      %sub3A_242 = arith.constant 4 : i32
      %sub3A_243 = arith.subi %add3A_237, %sub3A_242 : i32
      %ge3A_244 = arith.constant 0 : i32
      %ge3A_245 = arith.cmpi sge, %sub3A_243, %ge3A_244 : i32
      %lt3A_246 = arith.cmpi slt, %sub3A_243, %select_n3A : i32
      %and3A_247 = arith.andi %ge3A_245, %lt3A_246 : i1
      %convert_element_type3A_248 = arith.extui %and3A_247 : i1 to i32
      %cond3A_249 = arith.constant 0 : i32
      %cond3A_250 = arith.cmpi ne, %convert_element_type3A_248, %cond3A_249 : i32
      scf.if %cond3A_250 {
        %dma_wait3A = arith.constant 2 : i32
        %dma_wait3A_278 = arith.constant 2 : i32
        %dma_wait3A_279 = arith.constant 0 : i32
        %dma_wait3A_280 = arith.constant 0 : i32
        %dma_wait3A_281 = tpu.memref_slice %arg9[%dma_wait3A, %dma_wait3A_279, %dma_wait3A_280] : memref<8x128x64xf32, #tpu.memory_space<vmem>> -> memref<1x128x64xf32, #tpu.memory_space<vmem>>
        %dma_wait3A_282 = tpu.memref_squeeze %dma_wait3A_281 : memref<1x128x64xf32, #tpu.memory_space<vmem>> -> memref<128x64xf32, #tpu.memory_space<vmem>>
        %dma_wait3A_283 = arith.constant 0 : i32
        %dma_wait3A_284 = tpu.memref_slice %arg8[%sub3A_243, %dma_wait3A_283] : memref<80x128xi32, #tpu.memory_space<vmem>> -> memref<1x128xi32, #tpu.memory_space<vmem>>
        %dma_wait3A_285 = tpu.memref_squeeze %dma_wait3A_284 : memref<1x128xi32, #tpu.memory_space<vmem>> -> memref<128xi32, #tpu.memory_space<vmem>>
        %dma_wait3A_286 = arith.constant 0 : i32
        %dma_wait3A_287 = arith.constant 0 : i32
        %dma_wait3A_288 = tpu.memref_slice %arg10[%dma_wait3A_286, %dma_wait3A_287] : memref<10000x64xf32, #tpu.memory_space<vmem_shared>> -> memref<10000x64xf32, #tpu.memory_space<vmem_shared>>
        %dma_wait3A_289 = tpu.memref_slice %arg12[%dma_wait3A_278] : memref<8x!tpu.dma_semaphore, #tpu.memory_space<semaphore_mem>> -> memref<1x!tpu.dma_semaphore, #tpu.memory_space<semaphore_mem>>
        %dma_wait3A_290 = tpu.memref_squeeze %dma_wait3A_289 : memref<1x!tpu.dma_semaphore, #tpu.memory_space<semaphore_mem>> -> memref<!tpu.dma_semaphore, #tpu.memory_space<semaphore_mem>>
        tpu.wait_indirect_dma semaphore(%dma_wait3A_290 : memref<!tpu.dma_semaphore, #tpu.memory_space<semaphore_mem>>) src(%dma_wait3A_282 : memref<128x64xf32, #tpu.memory_space<vmem>>) dst(%dma_wait3A_288 : memref<10000x64xf32, #tpu.memory_space<vmem_shared>>)
      } else {
      }
      %add3A_251 = arith.constant 4 : i32
      %add3A_252 = arith.addi %add3A_237, %add3A_251 : i32
      %lt3A_253 = arith.cmpi slt, %add3A_252, %select_n3A : i32
      %convert_element_type3A_254 = arith.extui %lt3A_253 : i1 to i32
      %cond3A_255 = arith.constant 0 : i32
      %cond3A_256 = arith.cmpi ne, %convert_element_type3A_254, %cond3A_255 : i32
      scf.if %cond3A_256 {
        %dma_start3A_278 = arith.constant 2 : i32
        %dma_start3A_279 = arith.constant 2 : i32
        %dma_start3A_280 = arith.constant 0 : i32
        %dma_start3A_281 = arith.constant 0 : i32
        %dma_start3A_282 = tpu.memref_slice %arg9[%dma_start3A_278, %dma_start3A_280, %dma_start3A_281] : memref<8x128x64xf32, #tpu.memory_space<vmem>> -> memref<1x128x64xf32, #tpu.memory_space<vmem>>
        %dma_start3A_283 = tpu.memref_squeeze %dma_start3A_282 : memref<1x128x64xf32, #tpu.memory_space<vmem>> -> memref<128x64xf32, #tpu.memory_space<vmem>>
        %dma_start3A_284 = arith.constant 0 : i32
        %dma_start3A_285 = tpu.memref_slice %arg7[%add3A_252, %dma_start3A_284] : memref<80x128xi32, #tpu.memory_space<vmem>> -> memref<1x128xi32, #tpu.memory_space<vmem>>
        %dma_start3A_286 = tpu.memref_squeeze %dma_start3A_285 : memref<1x128xi32, #tpu.memory_space<vmem>> -> memref<128xi32, #tpu.memory_space<vmem>>
        %dma_start3A_287 = arith.constant 0 : i32
        %dma_start3A_288 = arith.constant 0 : i32
        %dma_start3A_289 = tpu.memref_slice %arg2[%dma_start3A_287, %dma_start3A_288] : memref<10000x64xf32, #tpu.memory_space<hbm>> -> memref<10000x64xf32, #tpu.memory_space<hbm>>
        %dma_start3A_290 = tpu.memref_slice %arg11[%dma_start3A_279] : memref<8x!tpu.dma_semaphore, #tpu.memory_space<semaphore_mem>> -> memref<1x!tpu.dma_semaphore, #tpu.memory_space<semaphore_mem>>
        %dma_start3A_291 = tpu.memref_squeeze %dma_start3A_290 : memref<1x!tpu.dma_semaphore, #tpu.memory_space<semaphore_mem>> -> memref<!tpu.dma_semaphore, #tpu.memory_space<semaphore_mem>>
        tpu.enqueue_indirect_dma source(%dma_start3A_289 : memref<10000x64xf32, #tpu.memory_space<hbm>>) target(%dma_start3A_283 : memref<128x64xf32, #tpu.memory_space<vmem>>) offsets(%dma_start3A_286 : memref<128xi32, #tpu.memory_space<vmem>>) semaphore(%dma_start3A_291 : memref<!tpu.dma_semaphore, #tpu.memory_space<semaphore_mem>>)
      } else {
      }
      %add3A_257 = arith.constant 7 : i32
      %add3A_258 = arith.addi %mul3A_111, %add3A_257 : i32
      %lt3A_259 = arith.cmpi slt, %add3A_258, %select_n3A : i32
      %convert_element_type3A_260 = arith.extui %lt3A_259 : i1 to i32
      %cond3A_261 = arith.constant 0 : i32
      %cond3A_262 = arith.cmpi ne, %convert_element_type3A_260, %cond3A_261 : i32
      scf.if %cond3A_262 {
        %dma_wait3A = arith.constant 7 : i32
        %dma_wait3A_278 = arith.constant 7 : i32
        %dma_wait3A_279 = arith.constant 0 : i32
        %dma_wait3A_280 = arith.constant 0 : i32
        %dma_wait3A_281 = tpu.memref_slice %arg9[%dma_wait3A, %dma_wait3A_279, %dma_wait3A_280] : memref<8x128x64xf32, #tpu.memory_space<vmem>> -> memref<1x128x64xf32, #tpu.memory_space<vmem>>
        %dma_wait3A_282 = tpu.memref_squeeze %dma_wait3A_281 : memref<1x128x64xf32, #tpu.memory_space<vmem>> -> memref<128x64xf32, #tpu.memory_space<vmem>>
        %dma_wait3A_283 = arith.constant 0 : i32
        %dma_wait3A_284 = tpu.memref_slice %arg7[%add3A_258, %dma_wait3A_283] : memref<80x128xi32, #tpu.memory_space<vmem>> -> memref<1x128xi32, #tpu.memory_space<vmem>>
        %dma_wait3A_285 = tpu.memref_squeeze %dma_wait3A_284 : memref<1x128xi32, #tpu.memory_space<vmem>> -> memref<128xi32, #tpu.memory_space<vmem>>
        %dma_wait3A_286 = arith.constant 0 : i32
        %dma_wait3A_287 = arith.constant 0 : i32
        %dma_wait3A_288 = tpu.memref_slice %arg2[%dma_wait3A_286, %dma_wait3A_287] : memref<10000x64xf32, #tpu.memory_space<hbm>> -> memref<10000x64xf32, #tpu.memory_space<hbm>>
        %dma_wait3A_289 = tpu.memref_slice %arg11[%dma_wait3A_278] : memref<8x!tpu.dma_semaphore, #tpu.memory_space<semaphore_mem>> -> memref<1x!tpu.dma_semaphore, #tpu.memory_space<semaphore_mem>>
        %dma_wait3A_290 = tpu.memref_squeeze %dma_wait3A_289 : memref<1x!tpu.dma_semaphore, #tpu.memory_space<semaphore_mem>> -> memref<!tpu.dma_semaphore, #tpu.memory_space<semaphore_mem>>
        tpu.wait_indirect_dma semaphore(%dma_wait3A_290 : memref<!tpu.dma_semaphore, #tpu.memory_space<semaphore_mem>>) src(%dma_wait3A_288 : memref<10000x64xf32, #tpu.memory_space<hbm>>) dst(%dma_wait3A_282 : memref<128x64xf32, #tpu.memory_space<vmem>>)
        %dma_start3A_291 = arith.constant 7 : i32
        %dma_start3A_292 = arith.constant 7 : i32
        %dma_start3A_293 = arith.constant 0 : i32
        %dma_start3A_294 = arith.constant 0 : i32
        %dma_start3A_295 = tpu.memref_slice %arg9[%dma_start3A_291, %dma_start3A_293, %dma_start3A_294] : memref<8x128x64xf32, #tpu.memory_space<vmem>> -> memref<1x128x64xf32, #tpu.memory_space<vmem>>
        %dma_start3A_296 = tpu.memref_squeeze %dma_start3A_295 : memref<1x128x64xf32, #tpu.memory_space<vmem>> -> memref<128x64xf32, #tpu.memory_space<vmem>>
        %dma_start3A_297 = arith.constant 0 : i32
        %dma_start3A_298 = tpu.memref_slice %arg8[%add3A_258, %dma_start3A_297] : memref<80x128xi32, #tpu.memory_space<vmem>> -> memref<1x128xi32, #tpu.memory_space<vmem>>
        %dma_start3A_299 = tpu.memref_squeeze %dma_start3A_298 : memref<1x128xi32, #tpu.memory_space<vmem>> -> memref<128xi32, #tpu.memory_space<vmem>>
        %dma_start3A_300 = arith.constant 0 : i32
        %dma_start3A_301 = arith.constant 0 : i32
        %dma_start3A_302 = tpu.memref_slice %arg10[%dma_start3A_300, %dma_start3A_301] : memref<10000x64xf32, #tpu.memory_space<vmem_shared>> -> memref<10000x64xf32, #tpu.memory_space<vmem_shared>>
        %dma_start3A_303 = tpu.memref_slice %arg12[%dma_start3A_292] : memref<8x!tpu.dma_semaphore, #tpu.memory_space<semaphore_mem>> -> memref<1x!tpu.dma_semaphore, #tpu.memory_space<semaphore_mem>>
        %dma_start3A_304 = tpu.memref_squeeze %dma_start3A_303 : memref<1x!tpu.dma_semaphore, #tpu.memory_space<semaphore_mem>> -> memref<!tpu.dma_semaphore, #tpu.memory_space<semaphore_mem>>
        tpu.enqueue_indirect_dma source(%dma_start3A_296 : memref<128x64xf32, #tpu.memory_space<vmem>>) target(%dma_start3A_302 : memref<10000x64xf32, #tpu.memory_space<vmem_shared>>) offsets(%dma_start3A_299 : memref<128xi32, #tpu.memory_space<vmem>>) semaphore(%dma_start3A_304 : memref<!tpu.dma_semaphore, #tpu.memory_space<semaphore_mem>>) {add = true}
      } else {
      }
      %sub3A_263 = arith.constant 4 : i32
      %sub3A_264 = arith.subi %add3A_258, %sub3A_263 : i32
      %ge3A_265 = arith.constant 0 : i32
      %ge3A_266 = arith.cmpi sge, %sub3A_264, %ge3A_265 : i32
      %lt3A_267 = arith.cmpi slt, %sub3A_264, %select_n3A : i32
      %and3A_268 = arith.andi %ge3A_266, %lt3A_267 : i1
      %convert_element_type3A_269 = arith.extui %and3A_268 : i1 to i32
      %cond3A_270 = arith.constant 0 : i32
      %cond3A_271 = arith.cmpi ne, %convert_element_type3A_269, %cond3A_270 : i32
      scf.if %cond3A_271 {
        %dma_wait3A = arith.constant 3 : i32
        %dma_wait3A_278 = arith.constant 3 : i32
        %dma_wait3A_279 = arith.constant 0 : i32
        %dma_wait3A_280 = arith.constant 0 : i32
        %dma_wait3A_281 = tpu.memref_slice %arg9[%dma_wait3A, %dma_wait3A_279, %dma_wait3A_280] : memref<8x128x64xf32, #tpu.memory_space<vmem>> -> memref<1x128x64xf32, #tpu.memory_space<vmem>>
        %dma_wait3A_282 = tpu.memref_squeeze %dma_wait3A_281 : memref<1x128x64xf32, #tpu.memory_space<vmem>> -> memref<128x64xf32, #tpu.memory_space<vmem>>
        %dma_wait3A_283 = arith.constant 0 : i32
        %dma_wait3A_284 = tpu.memref_slice %arg8[%sub3A_264, %dma_wait3A_283] : memref<80x128xi32, #tpu.memory_space<vmem>> -> memref<1x128xi32, #tpu.memory_space<vmem>>
        %dma_wait3A_285 = tpu.memref_squeeze %dma_wait3A_284 : memref<1x128xi32, #tpu.memory_space<vmem>> -> memref<128xi32, #tpu.memory_space<vmem>>
        %dma_wait3A_286 = arith.constant 0 : i32
        %dma_wait3A_287 = arith.constant 0 : i32
        %dma_wait3A_288 = tpu.memref_slice %arg10[%dma_wait3A_286, %dma_wait3A_287] : memref<10000x64xf32, #tpu.memory_space<vmem_shared>> -> memref<10000x64xf32, #tpu.memory_space<vmem_shared>>
        %dma_wait3A_289 = tpu.memref_slice %arg12[%dma_wait3A_278] : memref<8x!tpu.dma_semaphore, #tpu.memory_space<semaphore_mem>> -> memref<1x!tpu.dma_semaphore, #tpu.memory_space<semaphore_mem>>
        %dma_wait3A_290 = tpu.memref_squeeze %dma_wait3A_289 : memref<1x!tpu.dma_semaphore, #tpu.memory_space<semaphore_mem>> -> memref<!tpu.dma_semaphore, #tpu.memory_space<semaphore_mem>>
        tpu.wait_indirect_dma semaphore(%dma_wait3A_290 : memref<!tpu.dma_semaphore, #tpu.memory_space<semaphore_mem>>) src(%dma_wait3A_282 : memref<128x64xf32, #tpu.memory_space<vmem>>) dst(%dma_wait3A_288 : memref<10000x64xf32, #tpu.memory_space<vmem_shared>>)
      } else {
      }
      %add3A_272 = arith.constant 4 : i32
      %add3A_273 = arith.addi %add3A_258, %add3A_272 : i32
      %lt3A_274 = arith.cmpi slt, %add3A_273, %select_n3A : i32
      %convert_element_type3A_275 = arith.extui %lt3A_274 : i1 to i32
      %cond3A_276 = arith.constant 0 : i32
      %cond3A_277 = arith.cmpi ne, %convert_element_type3A_275, %cond3A_276 : i32
      scf.if %cond3A_277 {
        %dma_start3A_278 = arith.constant 3 : i32
        %dma_start3A_279 = arith.constant 3 : i32
        %dma_start3A_280 = arith.constant 0 : i32
        %dma_start3A_281 = arith.constant 0 : i32
        %dma_start3A_282 = tpu.memref_slice %arg9[%dma_start3A_278, %dma_start3A_280, %dma_start3A_281] : memref<8x128x64xf32, #tpu.memory_space<vmem>> -> memref<1x128x64xf32, #tpu.memory_space<vmem>>
        %dma_start3A_283 = tpu.memref_squeeze %dma_start3A_282 : memref<1x128x64xf32, #tpu.memory_space<vmem>> -> memref<128x64xf32, #tpu.memory_space<vmem>>
        %dma_start3A_284 = arith.constant 0 : i32
        %dma_start3A_285 = tpu.memref_slice %arg7[%add3A_273, %dma_start3A_284] : memref<80x128xi32, #tpu.memory_space<vmem>> -> memref<1x128xi32, #tpu.memory_space<vmem>>
        %dma_start3A_286 = tpu.memref_squeeze %dma_start3A_285 : memref<1x128xi32, #tpu.memory_space<vmem>> -> memref<128xi32, #tpu.memory_space<vmem>>
        %dma_start3A_287 = arith.constant 0 : i32
        %dma_start3A_288 = arith.constant 0 : i32
        %dma_start3A_289 = tpu.memref_slice %arg2[%dma_start3A_287, %dma_start3A_288] : memref<10000x64xf32, #tpu.memory_space<hbm>> -> memref<10000x64xf32, #tpu.memory_space<hbm>>
        %dma_start3A_290 = tpu.memref_slice %arg11[%dma_start3A_279] : memref<8x!tpu.dma_semaphore, #tpu.memory_space<semaphore_mem>> -> memref<1x!tpu.dma_semaphore, #tpu.memory_space<semaphore_mem>>
        %dma_start3A_291 = tpu.memref_squeeze %dma_start3A_290 : memref<1x!tpu.dma_semaphore, #tpu.memory_space<semaphore_mem>> -> memref<!tpu.dma_semaphore, #tpu.memory_space<semaphore_mem>>
        tpu.enqueue_indirect_dma source(%dma_start3A_289 : memref<10000x64xf32, #tpu.memory_space<hbm>>) target(%dma_start3A_283 : memref<128x64xf32, #tpu.memory_space<vmem>>) offsets(%dma_start3A_286 : memref<128xi32, #tpu.memory_space<vmem>>) semaphore(%dma_start3A_291 : memref<!tpu.dma_semaphore, #tpu.memory_space<semaphore_mem>>)
      } else {
      }
    }
    %barrier3A_104 = arith.constant 0 : index
    tpu.barrier barrier_id(%barrier3A_104)
    %mul3A_105 = arith.constant 625 : i32
    %mul3A_106 = arith.muli %arg1, %mul3A_105 : i32
    %mul3A_107 = arith.constant 625 : i32
    %mul3A_108 = arith.muli %arg1, %mul3A_107 : i32
    "tpu.region"() ({
      %run_scoped3A = tpu.sem_alloc : memref<!tpu.dma_semaphore, #tpu.memory_space<semaphore_mem>>
      %dma_start3A_109 = arith.constant 0 : i32
      %dma_start3A_110 = arith.constant 0 : i32
      %dma_start3A_111 = tpu.memref_slice %arg6[%arg0, %dma_start3A_109, %dma_start3A_110] : memref<2x10000x64xf32, #tpu.memory_space<hbm>> -> memref<1x10000x64xf32, #tpu.memory_space<hbm>>
      %dma_start3A_112 = tpu.memref_squeeze %dma_start3A_111 : memref<1x10000x64xf32, #tpu.memory_space<hbm>> -> memref<10000x64xf32, #tpu.memory_space<hbm>>
      %dma_start3A_113 = arith.constant 0 : i32
      %dma_start3A_114 = tpu.memref_slice %dma_start3A_112[%mul3A_108, %dma_start3A_113] : memref<10000x64xf32, #tpu.memory_space<hbm>> -> memref<625x64xf32, #tpu.memory_space<hbm>>
      %dma_start3A_115 = arith.constant 0 : i32
      %dma_start3A_116 = tpu.memref_slice %arg10[%mul3A_106, %dma_start3A_115] : memref<10000x64xf32, #tpu.memory_space<vmem_shared>> -> memref<625x64xf32, #tpu.memory_space<vmem_shared>>
      tpu.enqueue_dma source(%dma_start3A_116 : memref<625x64xf32, #tpu.memory_space<vmem_shared>>) target(%dma_start3A_114 : memref<625x64xf32, #tpu.memory_space<hbm>>) target_semaphore(%run_scoped3A : memref<!tpu.dma_semaphore, #tpu.memory_space<semaphore_mem>>)
      %dma_wait3A = arith.constant 0 : i32
      %dma_wait3A_117 = arith.constant 0 : i32
      %dma_wait3A_118 = tpu.memref_slice %arg6[%arg0, %dma_wait3A, %dma_wait3A_117] : memref<2x10000x64xf32, #tpu.memory_space<hbm>> -> memref<1x10000x64xf32, #tpu.memory_space<hbm>>
      %dma_wait3A_119 = tpu.memref_squeeze %dma_wait3A_118 : memref<1x10000x64xf32, #tpu.memory_space<hbm>> -> memref<10000x64xf32, #tpu.memory_space<hbm>>
      %dma_wait3A_120 = arith.constant 0 : i32
      %dma_wait3A_121 = tpu.memref_slice %dma_wait3A_119[%mul3A_108, %dma_wait3A_120] : memref<10000x64xf32, #tpu.memory_space<hbm>> -> memref<625x64xf32, #tpu.memory_space<hbm>>
      %dma_wait3A_122 = arith.constant 0 : i32
      %dma_wait3A_123 = tpu.memref_slice %arg10[%mul3A_106, %dma_wait3A_122] : memref<10000x64xf32, #tpu.memory_space<vmem_shared>> -> memref<625x64xf32, #tpu.memory_space<vmem_shared>>
      tpu.wait_dma2 semaphore(%run_scoped3A : memref<!tpu.dma_semaphore, #tpu.memory_space<semaphore_mem>>) src(%dma_wait3A_123 : memref<625x64xf32, #tpu.memory_space<vmem_shared>>) dst(%dma_wait3A_121 : memref<625x64xf32, #tpu.memory_space<hbm>>)
      tpu.yield
    }) : () -> ()
    return
  }
}

#map = affine_map<(d0, d1) -> (0, 0)>
#map1 = affine_map<(d0, d1) -> (0, 0, 0)>
module attributes {stable_mosaic.version = 14 : i64} {
  func.func @segsum(%arg0: i32, %arg1: i32, %arg2: memref<10000x16xf32, #tpu.memory_space<hbm>>, %arg3: memref<2500x128xi32, #tpu.memory_space<hbm>>, %arg4: memref<2500x128xi32, #tpu.memory_space<hbm>>, %arg5: memref<10000x16xf32, #tpu.memory_space<hbm>>, %arg6: memref<2x10000x16xf32, #tpu.memory_space<hbm>>, %arg7: memref<80x128xi32, #tpu.memory_space<vmem>>, %arg8: memref<80x128xi32, #tpu.memory_space<vmem>>, %arg9: memref<8x128x16xf32, #tpu.memory_space<vmem>>, %arg10: memref<10000x16xf32, #tpu.memory_space<vmem_shared>>, %arg11: memref<8x!tpu.dma_semaphore, #tpu.memory_space<semaphore_mem>>, %arg12: memref<8x!tpu.dma_semaphore, #tpu.memory_space<semaphore_mem>>) attributes {dimension_semantics = [#tpu.dimension_semantics<core_parallel>, #tpu.dimension_semantics<subcore_parallel>], iteration_bounds = array<i64: 2, 16>, scalar_prefetch = 0 : i64, scratch_operands = 6 : i64, tpu.core_type = #tpu.core_type<sc_vector_subcore>, window_params = [{transform_indices = #map}, {transform_indices = #map}, {transform_indices = #map}, {transform_indices = #map}, {transform_indices = #map1}]} {
    %mul3A = arith.constant 16 : i32
    %mul3A_0 = arith.muli %arg0, %mul3A : i32
    %add3A = arith.addi %mul3A_0, %arg1 : i32
    %eq3A = arith.constant 31 : i32
    %eq3A_1 = arith.cmpi eq, %add3A, %eq3A : i32
    %jit3A = arith.constant 20 : i32
    %jit3A_2 = arith.constant 80 : i32
    %select_n3A = arith.select %eq3A_1, %jit3A, %jit3A_2 : i32
    %mul3A_3 = arith.constant 625 : i32
    %mul3A_4 = arith.muli %arg1, %mul3A_3 : i32
    %mul3A_5 = arith.constant 625 : i32
    %mul3A_6 = arith.muli %arg1, %mul3A_5 : i32
    "tpu.region"() ({
      %run_scoped3A = tpu.sem_alloc : memref<!tpu.dma_semaphore, #tpu.memory_space<semaphore_mem>>
      %dma_start3A_109 = arith.constant 0 : i32
      %dma_start3A_110 = tpu.memref_slice %arg10[%mul3A_6, %dma_start3A_109] : memref<10000x16xf32, #tpu.memory_space<vmem_shared>> -> memref<625x16xf32, #tpu.memory_space<vmem_shared>>
      %dma_start3A_111 = arith.constant 0 : i32
      %dma_start3A_112 = tpu.memref_slice %arg5[%mul3A_4, %dma_start3A_111] : memref<10000x16xf32, #tpu.memory_space<hbm>> -> memref<625x16xf32, #tpu.memory_space<hbm>>
      tpu.enqueue_dma source(%dma_start3A_112 : memref<625x16xf32, #tpu.memory_space<hbm>>) target(%dma_start3A_110 : memref<625x16xf32, #tpu.memory_space<vmem_shared>>) target_semaphore(%run_scoped3A : memref<!tpu.dma_semaphore, #tpu.memory_space<semaphore_mem>>)
      %dma_wait3A = arith.constant 0 : i32
      %dma_wait3A_113 = tpu.memref_slice %arg10[%mul3A_6, %dma_wait3A] : memref<10000x16xf32, #tpu.memory_space<vmem_shared>> -> memref<625x16xf32, #tpu.memory_space<vmem_shared>>
      %dma_wait3A_114 = arith.constant 0 : i32
      %dma_wait3A_115 = tpu.memref_slice %arg5[%mul3A_4, %dma_wait3A_114] : memref<10000x16xf32, #tpu.memory_space<hbm>> -> memref<625x16xf32, #tpu.memory_space<hbm>>
      tpu.wait_dma2 semaphore(%run_scoped3A : memref<!tpu.dma_semaphore, #tpu.memory_space<semaphore_mem>>) src(%dma_wait3A_115 : memref<625x16xf32, #tpu.memory_space<hbm>>) dst(%dma_wait3A_113 : memref<625x16xf32, #tpu.memory_space<vmem_shared>>)
      tpu.yield
    }) : () -> ()
    %not3A = arith.constant true
    %not3A_7 = arith.xori %eq3A_1, %not3A : i1
    %convert_element_type3A = arith.extui %not3A_7 : i1 to i32
    %cond3A = arith.constant 0 : i32
    %cond3A_8 = arith.cmpi ne, %convert_element_type3A, %cond3A : i32
    scf.if %cond3A_8 {
      %mul3A_109 = arith.constant 80 : i32
      %mul3A_110 = arith.muli %add3A, %mul3A_109 : i32
      "tpu.region"() ({
        %run_scoped3A = tpu.sem_alloc : memref<!tpu.dma_semaphore, #tpu.memory_space<semaphore_mem>>
        %dma_start3A_113 = arith.constant 0 : i32
        %dma_start3A_114 = tpu.memref_slice %arg3[%mul3A_110, %dma_start3A_113] : memref<2500x128xi32, #tpu.memory_space<hbm>> -> memref<80x128xi32, #tpu.memory_space<hbm>>
        %dma_start3A_115 = arith.constant 0 : i32
        %dma_start3A_116 = tpu.memref_slice %arg3[%mul3A_110, %dma_start3A_115] : memref<2500x128xi32, #tpu.memory_space<hbm>> -> memref<80x128xi32, #tpu.memory_space<hbm>>
        tpu.enqueue_dma source(%dma_start3A_116 : memref<80x128xi32, #tpu.memory_space<hbm>>) target(%arg7 : memref<80x128xi32, #tpu.memory_space<vmem>>) target_semaphore(%run_scoped3A : memref<!tpu.dma_semaphore, #tpu.memory_space<semaphore_mem>>)
        %dma_wait3A = arith.constant 0 : i32
        %dma_wait3A_117 = tpu.memref_slice %arg3[%mul3A_110, %dma_wait3A] : memref<2500x128xi32, #tpu.memory_space<hbm>> -> memref<80x128xi32, #tpu.memory_space<hbm>>
        %dma_wait3A_118 = arith.constant 0 : i32
        %dma_wait3A_119 = tpu.memref_slice %arg3[%mul3A_110, %dma_wait3A_118] : memref<2500x128xi32, #tpu.memory_space<hbm>> -> memref<80x128xi32, #tpu.memory_space<hbm>>
        tpu.wait_dma2 semaphore(%run_scoped3A : memref<!tpu.dma_semaphore, #tpu.memory_space<semaphore_mem>>) src(%dma_wait3A_119 : memref<80x128xi32, #tpu.memory_space<hbm>>) dst(%arg7 : memref<80x128xi32, #tpu.memory_space<vmem>>)
        tpu.yield
      }) : () -> ()
      %mul3A_111 = arith.constant 80 : i32
      %mul3A_112 = arith.muli %add3A, %mul3A_111 : i32
      "tpu.region"() ({
        %run_scoped3A = tpu.sem_alloc : memref<!tpu.dma_semaphore, #tpu.memory_space<semaphore_mem>>
        %dma_start3A_113 = arith.constant 0 : i32
        %dma_start3A_114 = tpu.memref_slice %arg4[%mul3A_112, %dma_start3A_113] : memref<2500x128xi32, #tpu.memory_space<hbm>> -> memref<80x128xi32, #tpu.memory_space<hbm>>
        %dma_start3A_115 = arith.constant 0 : i32
        %dma_start3A_116 = tpu.memref_slice %arg4[%mul3A_112, %dma_start3A_115] : memref<2500x128xi32, #tpu.memory_space<hbm>> -> memref<80x128xi32, #tpu.memory_space<hbm>>
        tpu.enqueue_dma source(%dma_start3A_116 : memref<80x128xi32, #tpu.memory_space<hbm>>) target(%arg8 : memref<80x128xi32, #tpu.memory_space<vmem>>) target_semaphore(%run_scoped3A : memref<!tpu.dma_semaphore, #tpu.memory_space<semaphore_mem>>)
        %dma_wait3A = arith.constant 0 : i32
        %dma_wait3A_117 = tpu.memref_slice %arg4[%mul3A_112, %dma_wait3A] : memref<2500x128xi32, #tpu.memory_space<hbm>> -> memref<80x128xi32, #tpu.memory_space<hbm>>
        %dma_wait3A_118 = arith.constant 0 : i32
        %dma_wait3A_119 = tpu.memref_slice %arg4[%mul3A_112, %dma_wait3A_118] : memref<2500x128xi32, #tpu.memory_space<hbm>> -> memref<80x128xi32, #tpu.memory_space<hbm>>
        tpu.wait_dma2 semaphore(%run_scoped3A : memref<!tpu.dma_semaphore, #tpu.memory_space<semaphore_mem>>) src(%dma_wait3A_119 : memref<80x128xi32, #tpu.memory_space<hbm>>) dst(%arg8 : memref<80x128xi32, #tpu.memory_space<vmem>>)
        tpu.yield
      }) : () -> ()
    } else {
    }
    %convert_element_type3A_9 = arith.extui %eq3A_1 : i1 to i32
    %cond3A_10 = arith.constant 0 : i32
    %cond3A_11 = arith.cmpi ne, %convert_element_type3A_9, %cond3A_10 : i32
    scf.if %cond3A_11 {
      %mul3A_109 = arith.constant 80 : i32
      %mul3A_110 = arith.muli %add3A, %mul3A_109 : i32
      "tpu.region"() ({
        %run_scoped3A = tpu.sem_alloc : memref<!tpu.dma_semaphore, #tpu.memory_space<semaphore_mem>>
        %dma_start3A_113 = arith.constant 0 : i32
        %dma_start3A_114 = arith.constant 0 : i32
        %dma_start3A_115 = tpu.memref_slice %arg7[%dma_start3A_113, %dma_start3A_114] : memref<80x128xi32, #tpu.memory_space<vmem>> -> memref<20x128xi32, #tpu.memory_space<vmem>>
        %dma_start3A_116 = arith.constant 0 : i32
        %dma_start3A_117 = tpu.memref_slice %arg3[%mul3A_110, %dma_start3A_116] : memref<2500x128xi32, #tpu.memory_space<hbm>> -> memref<20x128xi32, #tpu.memory_space<hbm>>
        %dma_start3A_118 = arith.constant 0 : i32
        %dma_start3A_119 = arith.constant 0 : i32
        %dma_start3A_120 = tpu.memref_slice %arg7[%dma_start3A_118, %dma_start3A_119] : memref<80x128xi32, #tpu.memory_space<vmem>> -> memref<20x128xi32, #tpu.memory_space<vmem>>
        %dma_start3A_121 = arith.constant 0 : i32
        %dma_start3A_122 = tpu.memref_slice %arg3[%mul3A_110, %dma_start3A_121] : memref<2500x128xi32, #tpu.memory_space<hbm>> -> memref<20x128xi32, #tpu.memory_space<hbm>>
        tpu.enqueue_dma source(%dma_start3A_122 : memref<20x128xi32, #tpu.memory_space<hbm>>) target(%dma_start3A_120 : memref<20x128xi32, #tpu.memory_space<vmem>>) target_semaphore(%run_scoped3A : memref<!tpu.dma_semaphore, #tpu.memory_space<semaphore_mem>>)
        %dma_wait3A = arith.constant 0 : i32
        %dma_wait3A_123 = arith.constant 0 : i32
        %dma_wait3A_124 = tpu.memref_slice %arg7[%dma_wait3A, %dma_wait3A_123] : memref<80x128xi32, #tpu.memory_space<vmem>> -> memref<20x128xi32, #tpu.memory_space<vmem>>
        %dma_wait3A_125 = arith.constant 0 : i32
        %dma_wait3A_126 = tpu.memref_slice %arg3[%mul3A_110, %dma_wait3A_125] : memref<2500x128xi32, #tpu.memory_space<hbm>> -> memref<20x128xi32, #tpu.memory_space<hbm>>
        %dma_wait3A_127 = arith.constant 0 : i32
        %dma_wait3A_128 = arith.constant 0 : i32
        %dma_wait3A_129 = tpu.memref_slice %arg7[%dma_wait3A_127, %dma_wait3A_128] : memref<80x128xi32, #tpu.memory_space<vmem>> -> memref<20x128xi32, #tpu.memory_space<vmem>>
        %dma_wait3A_130 = arith.constant 0 : i32
        %dma_wait3A_131 = tpu.memref_slice %arg3[%mul3A_110, %dma_wait3A_130] : memref<2500x128xi32, #tpu.memory_space<hbm>> -> memref<20x128xi32, #tpu.memory_space<hbm>>
        tpu.wait_dma2 semaphore(%run_scoped3A : memref<!tpu.dma_semaphore, #tpu.memory_space<semaphore_mem>>) src(%dma_wait3A_131 : memref<20x128xi32, #tpu.memory_space<hbm>>) dst(%dma_wait3A_129 : memref<20x128xi32, #tpu.memory_space<vmem>>)
        tpu.yield
      }) : () -> ()
      %mul3A_111 = arith.constant 80 : i32
      %mul3A_112 = arith.muli %add3A, %mul3A_111 : i32
      "tpu.region"() ({
        %run_scoped3A = tpu.sem_alloc : memref<!tpu.dma_semaphore, #tpu.memory_space<semaphore_mem>>
        %dma_start3A_113 = arith.constant 0 : i32
        %dma_start3A_114 = arith.constant 0 : i32
        %dma_start3A_115 = tpu.memref_slice %arg8[%dma_start3A_113, %dma_start3A_114] : memref<80x128xi32, #tpu.memory_space<vmem>> -> memref<20x128xi32, #tpu.memory_space<vmem>>
        %dma_start3A_116 = arith.constant 0 : i32
        %dma_start3A_117 = tpu.memref_slice %arg4[%mul3A_112, %dma_start3A_116] : memref<2500x128xi32, #tpu.memory_space<hbm>> -> memref<20x128xi32, #tpu.memory_space<hbm>>
        %dma_start3A_118 = arith.constant 0 : i32
        %dma_start3A_119 = arith.constant 0 : i32
        %dma_start3A_120 = tpu.memref_slice %arg8[%dma_start3A_118, %dma_start3A_119] : memref<80x128xi32, #tpu.memory_space<vmem>> -> memref<20x128xi32, #tpu.memory_space<vmem>>
        %dma_start3A_121 = arith.constant 0 : i32
        %dma_start3A_122 = tpu.memref_slice %arg4[%mul3A_112, %dma_start3A_121] : memref<2500x128xi32, #tpu.memory_space<hbm>> -> memref<20x128xi32, #tpu.memory_space<hbm>>
        tpu.enqueue_dma source(%dma_start3A_122 : memref<20x128xi32, #tpu.memory_space<hbm>>) target(%dma_start3A_120 : memref<20x128xi32, #tpu.memory_space<vmem>>) target_semaphore(%run_scoped3A : memref<!tpu.dma_semaphore, #tpu.memory_space<semaphore_mem>>)
        %dma_wait3A = arith.constant 0 : i32
        %dma_wait3A_123 = arith.constant 0 : i32
        %dma_wait3A_124 = tpu.memref_slice %arg8[%dma_wait3A, %dma_wait3A_123] : memref<80x128xi32, #tpu.memory_space<vmem>> -> memref<20x128xi32, #tpu.memory_space<vmem>>
        %dma_wait3A_125 = arith.constant 0 : i32
        %dma_wait3A_126 = tpu.memref_slice %arg4[%mul3A_112, %dma_wait3A_125] : memref<2500x128xi32, #tpu.memory_space<hbm>> -> memref<20x128xi32, #tpu.memory_space<hbm>>
        %dma_wait3A_127 = arith.constant 0 : i32
        %dma_wait3A_128 = arith.constant 0 : i32
        %dma_wait3A_129 = tpu.memref_slice %arg8[%dma_wait3A_127, %dma_wait3A_128] : memref<80x128xi32, #tpu.memory_space<vmem>> -> memref<20x128xi32, #tpu.memory_space<vmem>>
        %dma_wait3A_130 = arith.constant 0 : i32
        %dma_wait3A_131 = tpu.memref_slice %arg4[%mul3A_112, %dma_wait3A_130] : memref<2500x128xi32, #tpu.memory_space<hbm>> -> memref<20x128xi32, #tpu.memory_space<hbm>>
        tpu.wait_dma2 semaphore(%run_scoped3A : memref<!tpu.dma_semaphore, #tpu.memory_space<semaphore_mem>>) src(%dma_wait3A_131 : memref<20x128xi32, #tpu.memory_space<hbm>>) dst(%dma_wait3A_129 : memref<20x128xi32, #tpu.memory_space<vmem>>)
        tpu.yield
      }) : () -> ()
    } else {
    }
    %barrier3A = arith.constant 0 : index
    tpu.barrier barrier_id(%barrier3A)
    %dma_start3A = arith.constant 0 : i32
    %dma_start3A_12 = arith.constant 0 : i32
    %dma_start3A_13 = arith.constant 0 : i32
    %dma_start3A_14 = arith.constant 0 : i32
    %dma_start3A_15 = arith.constant 0 : i32
    %dma_start3A_16 = tpu.memref_slice %arg9[%dma_start3A_12, %dma_start3A_14, %dma_start3A_15] : memref<8x128x16xf32, #tpu.memory_space<vmem>> -> memref<1x128x16xf32, #tpu.memory_space<vmem>>
    %dma_start3A_17 = tpu.memref_squeeze %dma_start3A_16 : memref<1x128x16xf32, #tpu.memory_space<vmem>> -> memref<128x16xf32, #tpu.memory_space<vmem>>
    %dma_start3A_18 = arith.constant 0 : i32
    %dma_start3A_19 = tpu.memref_slice %arg7[%dma_start3A, %dma_start3A_18] : memref<80x128xi32, #tpu.memory_space<vmem>> -> memref<1x128xi32, #tpu.memory_space<vmem>>
    %dma_start3A_20 = tpu.memref_squeeze %dma_start3A_19 : memref<1x128xi32, #tpu.memory_space<vmem>> -> memref<128xi32, #tpu.memory_space<vmem>>
    %dma_start3A_21 = arith.constant 0 : i32
    %dma_start3A_22 = arith.constant 0 : i32
    %dma_start3A_23 = tpu.memref_slice %arg2[%dma_start3A_21, %dma_start3A_22] : memref<10000x16xf32, #tpu.memory_space<hbm>> -> memref<10000x16xf32, #tpu.memory_space<hbm>>
    %dma_start3A_24 = tpu.memref_slice %arg11[%dma_start3A_13] : memref<8x!tpu.dma_semaphore, #tpu.memory_space<semaphore_mem>> -> memref<1x!tpu.dma_semaphore, #tpu.memory_space<semaphore_mem>>
    %dma_start3A_25 = tpu.memref_squeeze %dma_start3A_24 : memref<1x!tpu.dma_semaphore, #tpu.memory_space<semaphore_mem>> -> memref<!tpu.dma_semaphore, #tpu.memory_space<semaphore_mem>>
    tpu.enqueue_indirect_dma source(%dma_start3A_23 : memref<10000x16xf32, #tpu.memory_space<hbm>>) target(%dma_start3A_17 : memref<128x16xf32, #tpu.memory_space<vmem>>) offsets(%dma_start3A_20 : memref<128xi32, #tpu.memory_space<vmem>>) semaphore(%dma_start3A_25 : memref<!tpu.dma_semaphore, #tpu.memory_space<semaphore_mem>>)
    %dma_start3A_26 = arith.constant 1 : i32
    %dma_start3A_27 = arith.constant 1 : i32
    %dma_start3A_28 = arith.constant 1 : i32
    %dma_start3A_29 = arith.constant 0 : i32
    %dma_start3A_30 = arith.constant 0 : i32
    %dma_start3A_31 = tpu.memref_slice %arg9[%dma_start3A_27, %dma_start3A_29, %dma_start3A_30] : memref<8x128x16xf32, #tpu.memory_space<vmem>> -> memref<1x128x16xf32, #tpu.memory_space<vmem>>
    %dma_start3A_32 = tpu.memref_squeeze %dma_start3A_31 : memref<1x128x16xf32, #tpu.memory_space<vmem>> -> memref<128x16xf32, #tpu.memory_space<vmem>>
    %dma_start3A_33 = arith.constant 0 : i32
    %dma_start3A_34 = tpu.memref_slice %arg7[%dma_start3A_26, %dma_start3A_33] : memref<80x128xi32, #tpu.memory_space<vmem>> -> memref<1x128xi32, #tpu.memory_space<vmem>>
    %dma_start3A_35 = tpu.memref_squeeze %dma_start3A_34 : memref<1x128xi32, #tpu.memory_space<vmem>> -> memref<128xi32, #tpu.memory_space<vmem>>
    %dma_start3A_36 = arith.constant 0 : i32
    %dma_start3A_37 = arith.constant 0 : i32
    %dma_start3A_38 = tpu.memref_slice %arg2[%dma_start3A_36, %dma_start3A_37] : memref<10000x16xf32, #tpu.memory_space<hbm>> -> memref<10000x16xf32, #tpu.memory_space<hbm>>
    %dma_start3A_39 = tpu.memref_slice %arg11[%dma_start3A_28] : memref<8x!tpu.dma_semaphore, #tpu.memory_space<semaphore_mem>> -> memref<1x!tpu.dma_semaphore, #tpu.memory_space<semaphore_mem>>
    %dma_start3A_40 = tpu.memref_squeeze %dma_start3A_39 : memref<1x!tpu.dma_semaphore, #tpu.memory_space<semaphore_mem>> -> memref<!tpu.dma_semaphore, #tpu.memory_space<semaphore_mem>>
    tpu.enqueue_indirect_dma source(%dma_start3A_38 : memref<10000x16xf32, #tpu.memory_space<hbm>>) target(%dma_start3A_32 : memref<128x16xf32, #tpu.memory_space<vmem>>) offsets(%dma_start3A_35 : memref<128xi32, #tpu.memory_space<vmem>>) semaphore(%dma_start3A_40 : memref<!tpu.dma_semaphore, #tpu.memory_space<semaphore_mem>>)
    %dma_start3A_41 = arith.constant 2 : i32
    %dma_start3A_42 = arith.constant 2 : i32
    %dma_start3A_43 = arith.constant 2 : i32
    %dma_start3A_44 = arith.constant 0 : i32
    %dma_start3A_45 = arith.constant 0 : i32
    %dma_start3A_46 = tpu.memref_slice %arg9[%dma_start3A_42, %dma_start3A_44, %dma_start3A_45] : memref<8x128x16xf32, #tpu.memory_space<vmem>> -> memref<1x128x16xf32, #tpu.memory_space<vmem>>
    %dma_start3A_47 = tpu.memref_squeeze %dma_start3A_46 : memref<1x128x16xf32, #tpu.memory_space<vmem>> -> memref<128x16xf32, #tpu.memory_space<vmem>>
    %dma_start3A_48 = arith.constant 0 : i32
    %dma_start3A_49 = tpu.memref_slice %arg7[%dma_start3A_41, %dma_start3A_48] : memref<80x128xi32, #tpu.memory_space<vmem>> -> memref<1x128xi32, #tpu.memory_space<vmem>>
    %dma_start3A_50 = tpu.memref_squeeze %dma_start3A_49 : memref<1x128xi32, #tpu.memory_space<vmem>> -> memref<128xi32, #tpu.memory_space<vmem>>
    %dma_start3A_51 = arith.constant 0 : i32
    %dma_start3A_52 = arith.constant 0 : i32
    %dma_start3A_53 = tpu.memref_slice %arg2[%dma_start3A_51, %dma_start3A_52] : memref<10000x16xf32, #tpu.memory_space<hbm>> -> memref<10000x16xf32, #tpu.memory_space<hbm>>
    %dma_start3A_54 = tpu.memref_slice %arg11[%dma_start3A_43] : memref<8x!tpu.dma_semaphore, #tpu.memory_space<semaphore_mem>> -> memref<1x!tpu.dma_semaphore, #tpu.memory_space<semaphore_mem>>
    %dma_start3A_55 = tpu.memref_squeeze %dma_start3A_54 : memref<1x!tpu.dma_semaphore, #tpu.memory_space<semaphore_mem>> -> memref<!tpu.dma_semaphore, #tpu.memory_space<semaphore_mem>>
    tpu.enqueue_indirect_dma source(%dma_start3A_53 : memref<10000x16xf32, #tpu.memory_space<hbm>>) target(%dma_start3A_47 : memref<128x16xf32, #tpu.memory_space<vmem>>) offsets(%dma_start3A_50 : memref<128xi32, #tpu.memory_space<vmem>>) semaphore(%dma_start3A_55 : memref<!tpu.dma_semaphore, #tpu.memory_space<semaphore_mem>>)
    %dma_start3A_56 = arith.constant 3 : i32
    %dma_start3A_57 = arith.constant 3 : i32
    %dma_start3A_58 = arith.constant 3 : i32
    %dma_start3A_59 = arith.constant 0 : i32
    %dma_start3A_60 = arith.constant 0 : i32
    %dma_start3A_61 = tpu.memref_slice %arg9[%dma_start3A_57, %dma_start3A_59, %dma_start3A_60] : memref<8x128x16xf32, #tpu.memory_space<vmem>> -> memref<1x128x16xf32, #tpu.memory_space<vmem>>
    %dma_start3A_62 = tpu.memref_squeeze %dma_start3A_61 : memref<1x128x16xf32, #tpu.memory_space<vmem>> -> memref<128x16xf32, #tpu.memory_space<vmem>>
    %dma_start3A_63 = arith.constant 0 : i32
    %dma_start3A_64 = tpu.memref_slice %arg7[%dma_start3A_56, %dma_start3A_63] : memref<80x128xi32, #tpu.memory_space<vmem>> -> memref<1x128xi32, #tpu.memory_space<vmem>>
    %dma_start3A_65 = tpu.memref_squeeze %dma_start3A_64 : memref<1x128xi32, #tpu.memory_space<vmem>> -> memref<128xi32, #tpu.memory_space<vmem>>
    %dma_start3A_66 = arith.constant 0 : i32
    %dma_start3A_67 = arith.constant 0 : i32
    %dma_start3A_68 = tpu.memref_slice %arg2[%dma_start3A_66, %dma_start3A_67] : memref<10000x16xf32, #tpu.memory_space<hbm>> -> memref<10000x16xf32, #tpu.memory_space<hbm>>
    %dma_start3A_69 = tpu.memref_slice %arg11[%dma_start3A_58] : memref<8x!tpu.dma_semaphore, #tpu.memory_space<semaphore_mem>> -> memref<1x!tpu.dma_semaphore, #tpu.memory_space<semaphore_mem>>
    %dma_start3A_70 = tpu.memref_squeeze %dma_start3A_69 : memref<1x!tpu.dma_semaphore, #tpu.memory_space<semaphore_mem>> -> memref<!tpu.dma_semaphore, #tpu.memory_space<semaphore_mem>>
    tpu.enqueue_indirect_dma source(%dma_start3A_68 : memref<10000x16xf32, #tpu.memory_space<hbm>>) target(%dma_start3A_62 : memref<128x16xf32, #tpu.memory_space<vmem>>) offsets(%dma_start3A_65 : memref<128xi32, #tpu.memory_space<vmem>>) semaphore(%dma_start3A_70 : memref<!tpu.dma_semaphore, #tpu.memory_space<semaphore_mem>>)
    %add3A_71 = arith.constant 8 : i32
    %add3A_72 = arith.addi %select_n3A, %add3A_71 : i32
    %sub3A = arith.constant 1 : i32
    %sub3A_73 = arith.subi %add3A_72, %sub3A : i32
    %jit3A_74 = arith.constant 8 : i32
    %div3A = arith.divsi %sub3A_73, %jit3A_74 : i32
    %sign3A = arith.constant 0 : i32
    %sign3A_75 = arith.cmpi sgt, %sub3A_73, %sign3A : i32
    %sign3A_76 = arith.extui %sign3A_75 : i1 to i32
    %sign3A_77 = arith.constant 0 : i32
    %sign3A_78 = arith.cmpi slt, %sub3A_73, %sign3A_77 : i32
    %sign3A_79 = arith.extui %sign3A_78 : i1 to i32
    %sign3A_80 = arith.subi %sign3A_76, %sign3A_79 : i32
    %sign3A_81 = arith.constant 0 : i32
    %sign3A_82 = arith.cmpi sgt, %jit3A_74, %sign3A_81 : i32
    %sign3A_83 = arith.extui %sign3A_82 : i1 to i32
    %sign3A_84 = arith.constant 0 : i32
    %sign3A_85 = arith.cmpi slt, %jit3A_74, %sign3A_84 : i32
    %sign3A_86 = arith.extui %sign3A_85 : i1 to i32
    %sign3A_87 = arith.subi %sign3A_83, %sign3A_86 : i32
    %ne3A = arith.cmpi ne, %sign3A_80, %sign3A_87 : i32
    %rem3A = arith.remsi %sub3A_73, %jit3A_74 : i32
    %ne3A_88 = arith.constant 0 : i32
    %ne3A_89 = arith.cmpi ne, %rem3A, %ne3A_88 : i32
    %and3A = arith.andi %ne3A, %ne3A_89 : i1
    %sub3A_90 = arith.constant 1 : i32
    %sub3A_91 = arith.subi %div3A, %sub3A_90 : i32
    %select_n3A_92 = arith.select %and3A, %sub3A_91, %div3A : i32
    %add3A_93 = arith.constant 1 : i32
    %add3A_94 = arith.addi %select_n3A_92, %add3A_93 : i32
    %while3A = arith.constant 0 : i32
    %while3A_95 = arith.constant 0 : i32
    %while3A_96 = arith.subi %add3A_94, %while3A_95 : i32
    %while3A_97 = arith.addi %while3A_95, %while3A_96 : i32
    %while3A_98 = arith.constant 1 : i32
    %while3A_99 = arith.divsi %while3A_96, %while3A_98 : i32
    %while3A_100 = arith.muli %while3A_99, %while3A_98 : i32
    %while3A_101 = arith.addi %while3A_95, %while3A_100 : i32
    %while3A_102 = arith.constant 1 : i32
    scf.for %while3A_109 = %while3A_95 to %while3A_101 step %while3A_102  : i32 {
      %mul3A_110 = arith.constant 8 : i32
      %mul3A_111 = arith.muli %while3A_109, %mul3A_110 : i32
      %add3A_112 = arith.constant 0 : i32
      %add3A_113 = arith.addi %mul3A_111, %add3A_112 : i32
      %lt3A = arith.cmpi slt, %add3A_113, %select_n3A : i32
      %convert_element_type3A_114 = arith.extui %lt3A : i1 to i32
      %cond3A_115 = arith.constant 0 : i32
      %cond3A_116 = arith.cmpi ne, %convert_element_type3A_114, %cond3A_115 : i32
      scf.if %cond3A_116 {
        %dma_wait3A = arith.constant 0 : i32
        %dma_wait3A_278 = arith.constant 0 : i32
        %dma_wait3A_279 = arith.constant 0 : i32
        %dma_wait3A_280 = arith.constant 0 : i32
        %dma_wait3A_281 = tpu.memref_slice %arg9[%dma_wait3A, %dma_wait3A_279, %dma_wait3A_280] : memref<8x128x16xf32, #tpu.memory_space<vmem>> -> memref<1x128x16xf32, #tpu.memory_space<vmem>>
        %dma_wait3A_282 = tpu.memref_squeeze %dma_wait3A_281 : memref<1x128x16xf32, #tpu.memory_space<vmem>> -> memref<128x16xf32, #tpu.memory_space<vmem>>
        %dma_wait3A_283 = arith.constant 0 : i32
        %dma_wait3A_284 = tpu.memref_slice %arg7[%add3A_113, %dma_wait3A_283] : memref<80x128xi32, #tpu.memory_space<vmem>> -> memref<1x128xi32, #tpu.memory_space<vmem>>
        %dma_wait3A_285 = tpu.memref_squeeze %dma_wait3A_284 : memref<1x128xi32, #tpu.memory_space<vmem>> -> memref<128xi32, #tpu.memory_space<vmem>>
        %dma_wait3A_286 = arith.constant 0 : i32
        %dma_wait3A_287 = arith.constant 0 : i32
        %dma_wait3A_288 = tpu.memref_slice %arg2[%dma_wait3A_286, %dma_wait3A_287] : memref<10000x16xf32, #tpu.memory_space<hbm>> -> memref<10000x16xf32, #tpu.memory_space<hbm>>
        %dma_wait3A_289 = tpu.memref_slice %arg11[%dma_wait3A_278] : memref<8x!tpu.dma_semaphore, #tpu.memory_space<semaphore_mem>> -> memref<1x!tpu.dma_semaphore, #tpu.memory_space<semaphore_mem>>
        %dma_wait3A_290 = tpu.memref_squeeze %dma_wait3A_289 : memref<1x!tpu.dma_semaphore, #tpu.memory_space<semaphore_mem>> -> memref<!tpu.dma_semaphore, #tpu.memory_space<semaphore_mem>>
        tpu.wait_indirect_dma semaphore(%dma_wait3A_290 : memref<!tpu.dma_semaphore, #tpu.memory_space<semaphore_mem>>) src(%dma_wait3A_288 : memref<10000x16xf32, #tpu.memory_space<hbm>>) dst(%dma_wait3A_282 : memref<128x16xf32, #tpu.memory_space<vmem>>)
        %dma_start3A_291 = arith.constant 0 : i32
        %dma_start3A_292 = arith.constant 0 : i32
        %dma_start3A_293 = arith.constant 0 : i32
        %dma_start3A_294 = arith.constant 0 : i32
        %dma_start3A_295 = tpu.memref_slice %arg9[%dma_start3A_291, %dma_start3A_293, %dma_start3A_294] : memref<8x128x16xf32, #tpu.memory_space<vmem>> -> memref<1x128x16xf32, #tpu.memory_space<vmem>>
        %dma_start3A_296 = tpu.memref_squeeze %dma_start3A_295 : memref<1x128x16xf32, #tpu.memory_space<vmem>> -> memref<128x16xf32, #tpu.memory_space<vmem>>
        %dma_start3A_297 = arith.constant 0 : i32
        %dma_start3A_298 = tpu.memref_slice %arg8[%add3A_113, %dma_start3A_297] : memref<80x128xi32, #tpu.memory_space<vmem>> -> memref<1x128xi32, #tpu.memory_space<vmem>>
        %dma_start3A_299 = tpu.memref_squeeze %dma_start3A_298 : memref<1x128xi32, #tpu.memory_space<vmem>> -> memref<128xi32, #tpu.memory_space<vmem>>
        %dma_start3A_300 = arith.constant 0 : i32
        %dma_start3A_301 = arith.constant 0 : i32
        %dma_start3A_302 = tpu.memref_slice %arg10[%dma_start3A_300, %dma_start3A_301] : memref<10000x16xf32, #tpu.memory_space<vmem_shared>> -> memref<10000x16xf32, #tpu.memory_space<vmem_shared>>
        %dma_start3A_303 = tpu.memref_slice %arg12[%dma_start3A_292] : memref<8x!tpu.dma_semaphore, #tpu.memory_space<semaphore_mem>> -> memref<1x!tpu.dma_semaphore, #tpu.memory_space<semaphore_mem>>
        %dma_start3A_304 = tpu.memref_squeeze %dma_start3A_303 : memref<1x!tpu.dma_semaphore, #tpu.memory_space<semaphore_mem>> -> memref<!tpu.dma_semaphore, #tpu.memory_space<semaphore_mem>>
        tpu.enqueue_indirect_dma source(%dma_start3A_296 : memref<128x16xf32, #tpu.memory_space<vmem>>) target(%dma_start3A_302 : memref<10000x16xf32, #tpu.memory_space<vmem_shared>>) offsets(%dma_start3A_299 : memref<128xi32, #tpu.memory_space<vmem>>) semaphore(%dma_start3A_304 : memref<!tpu.dma_semaphore, #tpu.memory_space<semaphore_mem>>) {add = true}
      } else {
      }
      %sub3A_117 = arith.constant 4 : i32
      %sub3A_118 = arith.subi %add3A_113, %sub3A_117 : i32
      %ge3A = arith.constant 0 : i32
      %ge3A_119 = arith.cmpi sge, %sub3A_118, %ge3A : i32
      %lt3A_120 = arith.cmpi slt, %sub3A_118, %select_n3A : i32
      %and3A_121 = arith.andi %ge3A_119, %lt3A_120 : i1
      %convert_element_type3A_122 = arith.extui %and3A_121 : i1 to i32
      %cond3A_123 = arith.constant 0 : i32
      %cond3A_124 = arith.cmpi ne, %convert_element_type3A_122, %cond3A_123 : i32
      scf.if %cond3A_124 {
        %dma_wait3A = arith.constant 4 : i32
        %dma_wait3A_278 = arith.constant 4 : i32
        %dma_wait3A_279 = arith.constant 0 : i32
        %dma_wait3A_280 = arith.constant 0 : i32
        %dma_wait3A_281 = tpu.memref_slice %arg9[%dma_wait3A, %dma_wait3A_279, %dma_wait3A_280] : memref<8x128x16xf32, #tpu.memory_space<vmem>> -> memref<1x128x16xf32, #tpu.memory_space<vmem>>
        %dma_wait3A_282 = tpu.memref_squeeze %dma_wait3A_281 : memref<1x128x16xf32, #tpu.memory_space<vmem>> -> memref<128x16xf32, #tpu.memory_space<vmem>>
        %dma_wait3A_283 = arith.constant 0 : i32
        %dma_wait3A_284 = tpu.memref_slice %arg8[%sub3A_118, %dma_wait3A_283] : memref<80x128xi32, #tpu.memory_space<vmem>> -> memref<1x128xi32, #tpu.memory_space<vmem>>
        %dma_wait3A_285 = tpu.memref_squeeze %dma_wait3A_284 : memref<1x128xi32, #tpu.memory_space<vmem>> -> memref<128xi32, #tpu.memory_space<vmem>>
        %dma_wait3A_286 = arith.constant 0 : i32
        %dma_wait3A_287 = arith.constant 0 : i32
        %dma_wait3A_288 = tpu.memref_slice %arg10[%dma_wait3A_286, %dma_wait3A_287] : memref<10000x16xf32, #tpu.memory_space<vmem_shared>> -> memref<10000x16xf32, #tpu.memory_space<vmem_shared>>
        %dma_wait3A_289 = tpu.memref_slice %arg12[%dma_wait3A_278] : memref<8x!tpu.dma_semaphore, #tpu.memory_space<semaphore_mem>> -> memref<1x!tpu.dma_semaphore, #tpu.memory_space<semaphore_mem>>
        %dma_wait3A_290 = tpu.memref_squeeze %dma_wait3A_289 : memref<1x!tpu.dma_semaphore, #tpu.memory_space<semaphore_mem>> -> memref<!tpu.dma_semaphore, #tpu.memory_space<semaphore_mem>>
        tpu.wait_indirect_dma semaphore(%dma_wait3A_290 : memref<!tpu.dma_semaphore, #tpu.memory_space<semaphore_mem>>) src(%dma_wait3A_282 : memref<128x16xf32, #tpu.memory_space<vmem>>) dst(%dma_wait3A_288 : memref<10000x16xf32, #tpu.memory_space<vmem_shared>>)
      } else {
      }
      %add3A_125 = arith.constant 4 : i32
      %add3A_126 = arith.addi %add3A_113, %add3A_125 : i32
      %lt3A_127 = arith.cmpi slt, %add3A_126, %select_n3A : i32
      %convert_element_type3A_128 = arith.extui %lt3A_127 : i1 to i32
      %cond3A_129 = arith.constant 0 : i32
      %cond3A_130 = arith.cmpi ne, %convert_element_type3A_128, %cond3A_129 : i32
      scf.if %cond3A_130 {
        %dma_start3A_278 = arith.constant 4 : i32
        %dma_start3A_279 = arith.constant 4 : i32
        %dma_start3A_280 = arith.constant 0 : i32
        %dma_start3A_281 = arith.constant 0 : i32
        %dma_start3A_282 = tpu.memref_slice %arg9[%dma_start3A_278, %dma_start3A_280, %dma_start3A_281] : memref<8x128x16xf32, #tpu.memory_space<vmem>> -> memref<1x128x16xf32, #tpu.memory_space<vmem>>
        %dma_start3A_283 = tpu.memref_squeeze %dma_start3A_282 : memref<1x128x16xf32, #tpu.memory_space<vmem>> -> memref<128x16xf32, #tpu.memory_space<vmem>>
        %dma_start3A_284 = arith.constant 0 : i32
        %dma_start3A_285 = tpu.memref_slice %arg7[%add3A_126, %dma_start3A_284] : memref<80x128xi32, #tpu.memory_space<vmem>> -> memref<1x128xi32, #tpu.memory_space<vmem>>
        %dma_start3A_286 = tpu.memref_squeeze %dma_start3A_285 : memref<1x128xi32, #tpu.memory_space<vmem>> -> memref<128xi32, #tpu.memory_space<vmem>>
        %dma_start3A_287 = arith.constant 0 : i32
        %dma_start3A_288 = arith.constant 0 : i32
        %dma_start3A_289 = tpu.memref_slice %arg2[%dma_start3A_287, %dma_start3A_288] : memref<10000x16xf32, #tpu.memory_space<hbm>> -> memref<10000x16xf32, #tpu.memory_space<hbm>>
        %dma_start3A_290 = tpu.memref_slice %arg11[%dma_start3A_279] : memref<8x!tpu.dma_semaphore, #tpu.memory_space<semaphore_mem>> -> memref<1x!tpu.dma_semaphore, #tpu.memory_space<semaphore_mem>>
        %dma_start3A_291 = tpu.memref_squeeze %dma_start3A_290 : memref<1x!tpu.dma_semaphore, #tpu.memory_space<semaphore_mem>> -> memref<!tpu.dma_semaphore, #tpu.memory_space<semaphore_mem>>
        tpu.enqueue_indirect_dma source(%dma_start3A_289 : memref<10000x16xf32, #tpu.memory_space<hbm>>) target(%dma_start3A_283 : memref<128x16xf32, #tpu.memory_space<vmem>>) offsets(%dma_start3A_286 : memref<128xi32, #tpu.memory_space<vmem>>) semaphore(%dma_start3A_291 : memref<!tpu.dma_semaphore, #tpu.memory_space<semaphore_mem>>)
      } else {
      }
      %add3A_131 = arith.constant 1 : i32
      %add3A_132 = arith.addi %mul3A_111, %add3A_131 : i32
      %lt3A_133 = arith.cmpi slt, %add3A_132, %select_n3A : i32
      %convert_element_type3A_134 = arith.extui %lt3A_133 : i1 to i32
      %cond3A_135 = arith.constant 0 : i32
      %cond3A_136 = arith.cmpi ne, %convert_element_type3A_134, %cond3A_135 : i32
      scf.if %cond3A_136 {
        %dma_wait3A = arith.constant 1 : i32
        %dma_wait3A_278 = arith.constant 1 : i32
        %dma_wait3A_279 = arith.constant 0 : i32
        %dma_wait3A_280 = arith.constant 0 : i32
        %dma_wait3A_281 = tpu.memref_slice %arg9[%dma_wait3A, %dma_wait3A_279, %dma_wait3A_280] : memref<8x128x16xf32, #tpu.memory_space<vmem>> -> memref<1x128x16xf32, #tpu.memory_space<vmem>>
        %dma_wait3A_282 = tpu.memref_squeeze %dma_wait3A_281 : memref<1x128x16xf32, #tpu.memory_space<vmem>> -> memref<128x16xf32, #tpu.memory_space<vmem>>
        %dma_wait3A_283 = arith.constant 0 : i32
        %dma_wait3A_284 = tpu.memref_slice %arg7[%add3A_132, %dma_wait3A_283] : memref<80x128xi32, #tpu.memory_space<vmem>> -> memref<1x128xi32, #tpu.memory_space<vmem>>
        %dma_wait3A_285 = tpu.memref_squeeze %dma_wait3A_284 : memref<1x128xi32, #tpu.memory_space<vmem>> -> memref<128xi32, #tpu.memory_space<vmem>>
        %dma_wait3A_286 = arith.constant 0 : i32
        %dma_wait3A_287 = arith.constant 0 : i32
        %dma_wait3A_288 = tpu.memref_slice %arg2[%dma_wait3A_286, %dma_wait3A_287] : memref<10000x16xf32, #tpu.memory_space<hbm>> -> memref<10000x16xf32, #tpu.memory_space<hbm>>
        %dma_wait3A_289 = tpu.memref_slice %arg11[%dma_wait3A_278] : memref<8x!tpu.dma_semaphore, #tpu.memory_space<semaphore_mem>> -> memref<1x!tpu.dma_semaphore, #tpu.memory_space<semaphore_mem>>
        %dma_wait3A_290 = tpu.memref_squeeze %dma_wait3A_289 : memref<1x!tpu.dma_semaphore, #tpu.memory_space<semaphore_mem>> -> memref<!tpu.dma_semaphore, #tpu.memory_space<semaphore_mem>>
        tpu.wait_indirect_dma semaphore(%dma_wait3A_290 : memref<!tpu.dma_semaphore, #tpu.memory_space<semaphore_mem>>) src(%dma_wait3A_288 : memref<10000x16xf32, #tpu.memory_space<hbm>>) dst(%dma_wait3A_282 : memref<128x16xf32, #tpu.memory_space<vmem>>)
        %dma_start3A_291 = arith.constant 1 : i32
        %dma_start3A_292 = arith.constant 1 : i32
        %dma_start3A_293 = arith.constant 0 : i32
        %dma_start3A_294 = arith.constant 0 : i32
        %dma_start3A_295 = tpu.memref_slice %arg9[%dma_start3A_291, %dma_start3A_293, %dma_start3A_294] : memref<8x128x16xf32, #tpu.memory_space<vmem>> -> memref<1x128x16xf32, #tpu.memory_space<vmem>>
        %dma_start3A_296 = tpu.memref_squeeze %dma_start3A_295 : memref<1x128x16xf32, #tpu.memory_space<vmem>> -> memref<128x16xf32, #tpu.memory_space<vmem>>
        %dma_start3A_297 = arith.constant 0 : i32
        %dma_start3A_298 = tpu.memref_slice %arg8[%add3A_132, %dma_start3A_297] : memref<80x128xi32, #tpu.memory_space<vmem>> -> memref<1x128xi32, #tpu.memory_space<vmem>>
        %dma_start3A_299 = tpu.memref_squeeze %dma_start3A_298 : memref<1x128xi32, #tpu.memory_space<vmem>> -> memref<128xi32, #tpu.memory_space<vmem>>
        %dma_start3A_300 = arith.constant 0 : i32
        %dma_start3A_301 = arith.constant 0 : i32
        %dma_start3A_302 = tpu.memref_slice %arg10[%dma_start3A_300, %dma_start3A_301] : memref<10000x16xf32, #tpu.memory_space<vmem_shared>> -> memref<10000x16xf32, #tpu.memory_space<vmem_shared>>
        %dma_start3A_303 = tpu.memref_slice %arg12[%dma_start3A_292] : memref<8x!tpu.dma_semaphore, #tpu.memory_space<semaphore_mem>> -> memref<1x!tpu.dma_semaphore, #tpu.memory_space<semaphore_mem>>
        %dma_start3A_304 = tpu.memref_squeeze %dma_start3A_303 : memref<1x!tpu.dma_semaphore, #tpu.memory_space<semaphore_mem>> -> memref<!tpu.dma_semaphore, #tpu.memory_space<semaphore_mem>>
        tpu.enqueue_indirect_dma source(%dma_start3A_296 : memref<128x16xf32, #tpu.memory_space<vmem>>) target(%dma_start3A_302 : memref<10000x16xf32, #tpu.memory_space<vmem_shared>>) offsets(%dma_start3A_299 : memref<128xi32, #tpu.memory_space<vmem>>) semaphore(%dma_start3A_304 : memref<!tpu.dma_semaphore, #tpu.memory_space<semaphore_mem>>) {add = true}
      } else {
      }
      %sub3A_137 = arith.constant 4 : i32
      %sub3A_138 = arith.subi %add3A_132, %sub3A_137 : i32
      %ge3A_139 = arith.constant 0 : i32
      %ge3A_140 = arith.cmpi sge, %sub3A_138, %ge3A_139 : i32
      %lt3A_141 = arith.cmpi slt, %sub3A_138, %select_n3A : i32
      %and3A_142 = arith.andi %ge3A_140, %lt3A_141 : i1
      %convert_element_type3A_143 = arith.extui %and3A_142 : i1 to i32
      %cond3A_144 = arith.constant 0 : i32
      %cond3A_145 = arith.cmpi ne, %convert_element_type3A_143, %cond3A_144 : i32
      scf.if %cond3A_145 {
        %dma_wait3A = arith.constant 5 : i32
        %dma_wait3A_278 = arith.constant 5 : i32
        %dma_wait3A_279 = arith.constant 0 : i32
        %dma_wait3A_280 = arith.constant 0 : i32
        %dma_wait3A_281 = tpu.memref_slice %arg9[%dma_wait3A, %dma_wait3A_279, %dma_wait3A_280] : memref<8x128x16xf32, #tpu.memory_space<vmem>> -> memref<1x128x16xf32, #tpu.memory_space<vmem>>
        %dma_wait3A_282 = tpu.memref_squeeze %dma_wait3A_281 : memref<1x128x16xf32, #tpu.memory_space<vmem>> -> memref<128x16xf32, #tpu.memory_space<vmem>>
        %dma_wait3A_283 = arith.constant 0 : i32
        %dma_wait3A_284 = tpu.memref_slice %arg8[%sub3A_138, %dma_wait3A_283] : memref<80x128xi32, #tpu.memory_space<vmem>> -> memref<1x128xi32, #tpu.memory_space<vmem>>
        %dma_wait3A_285 = tpu.memref_squeeze %dma_wait3A_284 : memref<1x128xi32, #tpu.memory_space<vmem>> -> memref<128xi32, #tpu.memory_space<vmem>>
        %dma_wait3A_286 = arith.constant 0 : i32
        %dma_wait3A_287 = arith.constant 0 : i32
        %dma_wait3A_288 = tpu.memref_slice %arg10[%dma_wait3A_286, %dma_wait3A_287] : memref<10000x16xf32, #tpu.memory_space<vmem_shared>> -> memref<10000x16xf32, #tpu.memory_space<vmem_shared>>
        %dma_wait3A_289 = tpu.memref_slice %arg12[%dma_wait3A_278] : memref<8x!tpu.dma_semaphore, #tpu.memory_space<semaphore_mem>> -> memref<1x!tpu.dma_semaphore, #tpu.memory_space<semaphore_mem>>
        %dma_wait3A_290 = tpu.memref_squeeze %dma_wait3A_289 : memref<1x!tpu.dma_semaphore, #tpu.memory_space<semaphore_mem>> -> memref<!tpu.dma_semaphore, #tpu.memory_space<semaphore_mem>>
        tpu.wait_indirect_dma semaphore(%dma_wait3A_290 : memref<!tpu.dma_semaphore, #tpu.memory_space<semaphore_mem>>) src(%dma_wait3A_282 : memref<128x16xf32, #tpu.memory_space<vmem>>) dst(%dma_wait3A_288 : memref<10000x16xf32, #tpu.memory_space<vmem_shared>>)
      } else {
      }
      %add3A_146 = arith.constant 4 : i32
      %add3A_147 = arith.addi %add3A_132, %add3A_146 : i32
      %lt3A_148 = arith.cmpi slt, %add3A_147, %select_n3A : i32
      %convert_element_type3A_149 = arith.extui %lt3A_148 : i1 to i32
      %cond3A_150 = arith.constant 0 : i32
      %cond3A_151 = arith.cmpi ne, %convert_element_type3A_149, %cond3A_150 : i32
      scf.if %cond3A_151 {
        %dma_start3A_278 = arith.constant 5 : i32
        %dma_start3A_279 = arith.constant 5 : i32
        %dma_start3A_280 = arith.constant 0 : i32
        %dma_start3A_281 = arith.constant 0 : i32
        %dma_start3A_282 = tpu.memref_slice %arg9[%dma_start3A_278, %dma_start3A_280, %dma_start3A_281] : memref<8x128x16xf32, #tpu.memory_space<vmem>> -> memref<1x128x16xf32, #tpu.memory_space<vmem>>
        %dma_start3A_283 = tpu.memref_squeeze %dma_start3A_282 : memref<1x128x16xf32, #tpu.memory_space<vmem>> -> memref<128x16xf32, #tpu.memory_space<vmem>>
        %dma_start3A_284 = arith.constant 0 : i32
        %dma_start3A_285 = tpu.memref_slice %arg7[%add3A_147, %dma_start3A_284] : memref<80x128xi32, #tpu.memory_space<vmem>> -> memref<1x128xi32, #tpu.memory_space<vmem>>
        %dma_start3A_286 = tpu.memref_squeeze %dma_start3A_285 : memref<1x128xi32, #tpu.memory_space<vmem>> -> memref<128xi32, #tpu.memory_space<vmem>>
        %dma_start3A_287 = arith.constant 0 : i32
        %dma_start3A_288 = arith.constant 0 : i32
        %dma_start3A_289 = tpu.memref_slice %arg2[%dma_start3A_287, %dma_start3A_288] : memref<10000x16xf32, #tpu.memory_space<hbm>> -> memref<10000x16xf32, #tpu.memory_space<hbm>>
        %dma_start3A_290 = tpu.memref_slice %arg11[%dma_start3A_279] : memref<8x!tpu.dma_semaphore, #tpu.memory_space<semaphore_mem>> -> memref<1x!tpu.dma_semaphore, #tpu.memory_space<semaphore_mem>>
        %dma_start3A_291 = tpu.memref_squeeze %dma_start3A_290 : memref<1x!tpu.dma_semaphore, #tpu.memory_space<semaphore_mem>> -> memref<!tpu.dma_semaphore, #tpu.memory_space<semaphore_mem>>
        tpu.enqueue_indirect_dma source(%dma_start3A_289 : memref<10000x16xf32, #tpu.memory_space<hbm>>) target(%dma_start3A_283 : memref<128x16xf32, #tpu.memory_space<vmem>>) offsets(%dma_start3A_286 : memref<128xi32, #tpu.memory_space<vmem>>) semaphore(%dma_start3A_291 : memref<!tpu.dma_semaphore, #tpu.memory_space<semaphore_mem>>)
      } else {
      }
      %add3A_152 = arith.constant 2 : i32
      %add3A_153 = arith.addi %mul3A_111, %add3A_152 : i32
      %lt3A_154 = arith.cmpi slt, %add3A_153, %select_n3A : i32
      %convert_element_type3A_155 = arith.extui %lt3A_154 : i1 to i32
      %cond3A_156 = arith.constant 0 : i32
      %cond3A_157 = arith.cmpi ne, %convert_element_type3A_155, %cond3A_156 : i32
      scf.if %cond3A_157 {
        %dma_wait3A = arith.constant 2 : i32
        %dma_wait3A_278 = arith.constant 2 : i32
        %dma_wait3A_279 = arith.constant 0 : i32
        %dma_wait3A_280 = arith.constant 0 : i32
        %dma_wait3A_281 = tpu.memref_slice %arg9[%dma_wait3A, %dma_wait3A_279, %dma_wait3A_280] : memref<8x128x16xf32, #tpu.memory_space<vmem>> -> memref<1x128x16xf32, #tpu.memory_space<vmem>>
        %dma_wait3A_282 = tpu.memref_squeeze %dma_wait3A_281 : memref<1x128x16xf32, #tpu.memory_space<vmem>> -> memref<128x16xf32, #tpu.memory_space<vmem>>
        %dma_wait3A_283 = arith.constant 0 : i32
        %dma_wait3A_284 = tpu.memref_slice %arg7[%add3A_153, %dma_wait3A_283] : memref<80x128xi32, #tpu.memory_space<vmem>> -> memref<1x128xi32, #tpu.memory_space<vmem>>
        %dma_wait3A_285 = tpu.memref_squeeze %dma_wait3A_284 : memref<1x128xi32, #tpu.memory_space<vmem>> -> memref<128xi32, #tpu.memory_space<vmem>>
        %dma_wait3A_286 = arith.constant 0 : i32
        %dma_wait3A_287 = arith.constant 0 : i32
        %dma_wait3A_288 = tpu.memref_slice %arg2[%dma_wait3A_286, %dma_wait3A_287] : memref<10000x16xf32, #tpu.memory_space<hbm>> -> memref<10000x16xf32, #tpu.memory_space<hbm>>
        %dma_wait3A_289 = tpu.memref_slice %arg11[%dma_wait3A_278] : memref<8x!tpu.dma_semaphore, #tpu.memory_space<semaphore_mem>> -> memref<1x!tpu.dma_semaphore, #tpu.memory_space<semaphore_mem>>
        %dma_wait3A_290 = tpu.memref_squeeze %dma_wait3A_289 : memref<1x!tpu.dma_semaphore, #tpu.memory_space<semaphore_mem>> -> memref<!tpu.dma_semaphore, #tpu.memory_space<semaphore_mem>>
        tpu.wait_indirect_dma semaphore(%dma_wait3A_290 : memref<!tpu.dma_semaphore, #tpu.memory_space<semaphore_mem>>) src(%dma_wait3A_288 : memref<10000x16xf32, #tpu.memory_space<hbm>>) dst(%dma_wait3A_282 : memref<128x16xf32, #tpu.memory_space<vmem>>)
        %dma_start3A_291 = arith.constant 2 : i32
        %dma_start3A_292 = arith.constant 2 : i32
        %dma_start3A_293 = arith.constant 0 : i32
        %dma_start3A_294 = arith.constant 0 : i32
        %dma_start3A_295 = tpu.memref_slice %arg9[%dma_start3A_291, %dma_start3A_293, %dma_start3A_294] : memref<8x128x16xf32, #tpu.memory_space<vmem>> -> memref<1x128x16xf32, #tpu.memory_space<vmem>>
        %dma_start3A_296 = tpu.memref_squeeze %dma_start3A_295 : memref<1x128x16xf32, #tpu.memory_space<vmem>> -> memref<128x16xf32, #tpu.memory_space<vmem>>
        %dma_start3A_297 = arith.constant 0 : i32
        %dma_start3A_298 = tpu.memref_slice %arg8[%add3A_153, %dma_start3A_297] : memref<80x128xi32, #tpu.memory_space<vmem>> -> memref<1x128xi32, #tpu.memory_space<vmem>>
        %dma_start3A_299 = tpu.memref_squeeze %dma_start3A_298 : memref<1x128xi32, #tpu.memory_space<vmem>> -> memref<128xi32, #tpu.memory_space<vmem>>
        %dma_start3A_300 = arith.constant 0 : i32
        %dma_start3A_301 = arith.constant 0 : i32
        %dma_start3A_302 = tpu.memref_slice %arg10[%dma_start3A_300, %dma_start3A_301] : memref<10000x16xf32, #tpu.memory_space<vmem_shared>> -> memref<10000x16xf32, #tpu.memory_space<vmem_shared>>
        %dma_start3A_303 = tpu.memref_slice %arg12[%dma_start3A_292] : memref<8x!tpu.dma_semaphore, #tpu.memory_space<semaphore_mem>> -> memref<1x!tpu.dma_semaphore, #tpu.memory_space<semaphore_mem>>
        %dma_start3A_304 = tpu.memref_squeeze %dma_start3A_303 : memref<1x!tpu.dma_semaphore, #tpu.memory_space<semaphore_mem>> -> memref<!tpu.dma_semaphore, #tpu.memory_space<semaphore_mem>>
        tpu.enqueue_indirect_dma source(%dma_start3A_296 : memref<128x16xf32, #tpu.memory_space<vmem>>) target(%dma_start3A_302 : memref<10000x16xf32, #tpu.memory_space<vmem_shared>>) offsets(%dma_start3A_299 : memref<128xi32, #tpu.memory_space<vmem>>) semaphore(%dma_start3A_304 : memref<!tpu.dma_semaphore, #tpu.memory_space<semaphore_mem>>) {add = true}
      } else {
      }
      %sub3A_158 = arith.constant 4 : i32
      %sub3A_159 = arith.subi %add3A_153, %sub3A_158 : i32
      %ge3A_160 = arith.constant 0 : i32
      %ge3A_161 = arith.cmpi sge, %sub3A_159, %ge3A_160 : i32
      %lt3A_162 = arith.cmpi slt, %sub3A_159, %select_n3A : i32
      %and3A_163 = arith.andi %ge3A_161, %lt3A_162 : i1
      %convert_element_type3A_164 = arith.extui %and3A_163 : i1 to i32
      %cond3A_165 = arith.constant 0 : i32
      %cond3A_166 = arith.cmpi ne, %convert_element_type3A_164, %cond3A_165 : i32
      scf.if %cond3A_166 {
        %dma_wait3A = arith.constant 6 : i32
        %dma_wait3A_278 = arith.constant 6 : i32
        %dma_wait3A_279 = arith.constant 0 : i32
        %dma_wait3A_280 = arith.constant 0 : i32
        %dma_wait3A_281 = tpu.memref_slice %arg9[%dma_wait3A, %dma_wait3A_279, %dma_wait3A_280] : memref<8x128x16xf32, #tpu.memory_space<vmem>> -> memref<1x128x16xf32, #tpu.memory_space<vmem>>
        %dma_wait3A_282 = tpu.memref_squeeze %dma_wait3A_281 : memref<1x128x16xf32, #tpu.memory_space<vmem>> -> memref<128x16xf32, #tpu.memory_space<vmem>>
        %dma_wait3A_283 = arith.constant 0 : i32
        %dma_wait3A_284 = tpu.memref_slice %arg8[%sub3A_159, %dma_wait3A_283] : memref<80x128xi32, #tpu.memory_space<vmem>> -> memref<1x128xi32, #tpu.memory_space<vmem>>
        %dma_wait3A_285 = tpu.memref_squeeze %dma_wait3A_284 : memref<1x128xi32, #tpu.memory_space<vmem>> -> memref<128xi32, #tpu.memory_space<vmem>>
        %dma_wait3A_286 = arith.constant 0 : i32
        %dma_wait3A_287 = arith.constant 0 : i32
        %dma_wait3A_288 = tpu.memref_slice %arg10[%dma_wait3A_286, %dma_wait3A_287] : memref<10000x16xf32, #tpu.memory_space<vmem_shared>> -> memref<10000x16xf32, #tpu.memory_space<vmem_shared>>
        %dma_wait3A_289 = tpu.memref_slice %arg12[%dma_wait3A_278] : memref<8x!tpu.dma_semaphore, #tpu.memory_space<semaphore_mem>> -> memref<1x!tpu.dma_semaphore, #tpu.memory_space<semaphore_mem>>
        %dma_wait3A_290 = tpu.memref_squeeze %dma_wait3A_289 : memref<1x!tpu.dma_semaphore, #tpu.memory_space<semaphore_mem>> -> memref<!tpu.dma_semaphore, #tpu.memory_space<semaphore_mem>>
        tpu.wait_indirect_dma semaphore(%dma_wait3A_290 : memref<!tpu.dma_semaphore, #tpu.memory_space<semaphore_mem>>) src(%dma_wait3A_282 : memref<128x16xf32, #tpu.memory_space<vmem>>) dst(%dma_wait3A_288 : memref<10000x16xf32, #tpu.memory_space<vmem_shared>>)
      } else {
      }
      %add3A_167 = arith.constant 4 : i32
      %add3A_168 = arith.addi %add3A_153, %add3A_167 : i32
      %lt3A_169 = arith.cmpi slt, %add3A_168, %select_n3A : i32
      %convert_element_type3A_170 = arith.extui %lt3A_169 : i1 to i32
      %cond3A_171 = arith.constant 0 : i32
      %cond3A_172 = arith.cmpi ne, %convert_element_type3A_170, %cond3A_171 : i32
      scf.if %cond3A_172 {
        %dma_start3A_278 = arith.constant 6 : i32
        %dma_start3A_279 = arith.constant 6 : i32
        %dma_start3A_280 = arith.constant 0 : i32
        %dma_start3A_281 = arith.constant 0 : i32
        %dma_start3A_282 = tpu.memref_slice %arg9[%dma_start3A_278, %dma_start3A_280, %dma_start3A_281] : memref<8x128x16xf32, #tpu.memory_space<vmem>> -> memref<1x128x16xf32, #tpu.memory_space<vmem>>
        %dma_start3A_283 = tpu.memref_squeeze %dma_start3A_282 : memref<1x128x16xf32, #tpu.memory_space<vmem>> -> memref<128x16xf32, #tpu.memory_space<vmem>>
        %dma_start3A_284 = arith.constant 0 : i32
        %dma_start3A_285 = tpu.memref_slice %arg7[%add3A_168, %dma_start3A_284] : memref<80x128xi32, #tpu.memory_space<vmem>> -> memref<1x128xi32, #tpu.memory_space<vmem>>
        %dma_start3A_286 = tpu.memref_squeeze %dma_start3A_285 : memref<1x128xi32, #tpu.memory_space<vmem>> -> memref<128xi32, #tpu.memory_space<vmem>>
        %dma_start3A_287 = arith.constant 0 : i32
        %dma_start3A_288 = arith.constant 0 : i32
        %dma_start3A_289 = tpu.memref_slice %arg2[%dma_start3A_287, %dma_start3A_288] : memref<10000x16xf32, #tpu.memory_space<hbm>> -> memref<10000x16xf32, #tpu.memory_space<hbm>>
        %dma_start3A_290 = tpu.memref_slice %arg11[%dma_start3A_279] : memref<8x!tpu.dma_semaphore, #tpu.memory_space<semaphore_mem>> -> memref<1x!tpu.dma_semaphore, #tpu.memory_space<semaphore_mem>>
        %dma_start3A_291 = tpu.memref_squeeze %dma_start3A_290 : memref<1x!tpu.dma_semaphore, #tpu.memory_space<semaphore_mem>> -> memref<!tpu.dma_semaphore, #tpu.memory_space<semaphore_mem>>
        tpu.enqueue_indirect_dma source(%dma_start3A_289 : memref<10000x16xf32, #tpu.memory_space<hbm>>) target(%dma_start3A_283 : memref<128x16xf32, #tpu.memory_space<vmem>>) offsets(%dma_start3A_286 : memref<128xi32, #tpu.memory_space<vmem>>) semaphore(%dma_start3A_291 : memref<!tpu.dma_semaphore, #tpu.memory_space<semaphore_mem>>)
      } else {
      }
      %add3A_173 = arith.constant 3 : i32
      %add3A_174 = arith.addi %mul3A_111, %add3A_173 : i32
      %lt3A_175 = arith.cmpi slt, %add3A_174, %select_n3A : i32
      %convert_element_type3A_176 = arith.extui %lt3A_175 : i1 to i32
      %cond3A_177 = arith.constant 0 : i32
      %cond3A_178 = arith.cmpi ne, %convert_element_type3A_176, %cond3A_177 : i32
      scf.if %cond3A_178 {
        %dma_wait3A = arith.constant 3 : i32
        %dma_wait3A_278 = arith.constant 3 : i32
        %dma_wait3A_279 = arith.constant 0 : i32
        %dma_wait3A_280 = arith.constant 0 : i32
        %dma_wait3A_281 = tpu.memref_slice %arg9[%dma_wait3A, %dma_wait3A_279, %dma_wait3A_280] : memref<8x128x16xf32, #tpu.memory_space<vmem>> -> memref<1x128x16xf32, #tpu.memory_space<vmem>>
        %dma_wait3A_282 = tpu.memref_squeeze %dma_wait3A_281 : memref<1x128x16xf32, #tpu.memory_space<vmem>> -> memref<128x16xf32, #tpu.memory_space<vmem>>
        %dma_wait3A_283 = arith.constant 0 : i32
        %dma_wait3A_284 = tpu.memref_slice %arg7[%add3A_174, %dma_wait3A_283] : memref<80x128xi32, #tpu.memory_space<vmem>> -> memref<1x128xi32, #tpu.memory_space<vmem>>
        %dma_wait3A_285 = tpu.memref_squeeze %dma_wait3A_284 : memref<1x128xi32, #tpu.memory_space<vmem>> -> memref<128xi32, #tpu.memory_space<vmem>>
        %dma_wait3A_286 = arith.constant 0 : i32
        %dma_wait3A_287 = arith.constant 0 : i32
        %dma_wait3A_288 = tpu.memref_slice %arg2[%dma_wait3A_286, %dma_wait3A_287] : memref<10000x16xf32, #tpu.memory_space<hbm>> -> memref<10000x16xf32, #tpu.memory_space<hbm>>
        %dma_wait3A_289 = tpu.memref_slice %arg11[%dma_wait3A_278] : memref<8x!tpu.dma_semaphore, #tpu.memory_space<semaphore_mem>> -> memref<1x!tpu.dma_semaphore, #tpu.memory_space<semaphore_mem>>
        %dma_wait3A_290 = tpu.memref_squeeze %dma_wait3A_289 : memref<1x!tpu.dma_semaphore, #tpu.memory_space<semaphore_mem>> -> memref<!tpu.dma_semaphore, #tpu.memory_space<semaphore_mem>>
        tpu.wait_indirect_dma semaphore(%dma_wait3A_290 : memref<!tpu.dma_semaphore, #tpu.memory_space<semaphore_mem>>) src(%dma_wait3A_288 : memref<10000x16xf32, #tpu.memory_space<hbm>>) dst(%dma_wait3A_282 : memref<128x16xf32, #tpu.memory_space<vmem>>)
        %dma_start3A_291 = arith.constant 3 : i32
        %dma_start3A_292 = arith.constant 3 : i32
        %dma_start3A_293 = arith.constant 0 : i32
        %dma_start3A_294 = arith.constant 0 : i32
        %dma_start3A_295 = tpu.memref_slice %arg9[%dma_start3A_291, %dma_start3A_293, %dma_start3A_294] : memref<8x128x16xf32, #tpu.memory_space<vmem>> -> memref<1x128x16xf32, #tpu.memory_space<vmem>>
        %dma_start3A_296 = tpu.memref_squeeze %dma_start3A_295 : memref<1x128x16xf32, #tpu.memory_space<vmem>> -> memref<128x16xf32, #tpu.memory_space<vmem>>
        %dma_start3A_297 = arith.constant 0 : i32
        %dma_start3A_298 = tpu.memref_slice %arg8[%add3A_174, %dma_start3A_297] : memref<80x128xi32, #tpu.memory_space<vmem>> -> memref<1x128xi32, #tpu.memory_space<vmem>>
        %dma_start3A_299 = tpu.memref_squeeze %dma_start3A_298 : memref<1x128xi32, #tpu.memory_space<vmem>> -> memref<128xi32, #tpu.memory_space<vmem>>
        %dma_start3A_300 = arith.constant 0 : i32
        %dma_start3A_301 = arith.constant 0 : i32
        %dma_start3A_302 = tpu.memref_slice %arg10[%dma_start3A_300, %dma_start3A_301] : memref<10000x16xf32, #tpu.memory_space<vmem_shared>> -> memref<10000x16xf32, #tpu.memory_space<vmem_shared>>
        %dma_start3A_303 = tpu.memref_slice %arg12[%dma_start3A_292] : memref<8x!tpu.dma_semaphore, #tpu.memory_space<semaphore_mem>> -> memref<1x!tpu.dma_semaphore, #tpu.memory_space<semaphore_mem>>
        %dma_start3A_304 = tpu.memref_squeeze %dma_start3A_303 : memref<1x!tpu.dma_semaphore, #tpu.memory_space<semaphore_mem>> -> memref<!tpu.dma_semaphore, #tpu.memory_space<semaphore_mem>>
        tpu.enqueue_indirect_dma source(%dma_start3A_296 : memref<128x16xf32, #tpu.memory_space<vmem>>) target(%dma_start3A_302 : memref<10000x16xf32, #tpu.memory_space<vmem_shared>>) offsets(%dma_start3A_299 : memref<128xi32, #tpu.memory_space<vmem>>) semaphore(%dma_start3A_304 : memref<!tpu.dma_semaphore, #tpu.memory_space<semaphore_mem>>) {add = true}
      } else {
      }
      %sub3A_179 = arith.constant 4 : i32
      %sub3A_180 = arith.subi %add3A_174, %sub3A_179 : i32
      %ge3A_181 = arith.constant 0 : i32
      %ge3A_182 = arith.cmpi sge, %sub3A_180, %ge3A_181 : i32
      %lt3A_183 = arith.cmpi slt, %sub3A_180, %select_n3A : i32
      %and3A_184 = arith.andi %ge3A_182, %lt3A_183 : i1
      %convert_element_type3A_185 = arith.extui %and3A_184 : i1 to i32
      %cond3A_186 = arith.constant 0 : i32
      %cond3A_187 = arith.cmpi ne, %convert_element_type3A_185, %cond3A_186 : i32
      scf.if %cond3A_187 {
        %dma_wait3A = arith.constant 7 : i32
        %dma_wait3A_278 = arith.constant 7 : i32
        %dma_wait3A_279 = arith.constant 0 : i32
        %dma_wait3A_280 = arith.constant 0 : i32
        %dma_wait3A_281 = tpu.memref_slice %arg9[%dma_wait3A, %dma_wait3A_279, %dma_wait3A_280] : memref<8x128x16xf32, #tpu.memory_space<vmem>> -> memref<1x128x16xf32, #tpu.memory_space<vmem>>
        %dma_wait3A_282 = tpu.memref_squeeze %dma_wait3A_281 : memref<1x128x16xf32, #tpu.memory_space<vmem>> -> memref<128x16xf32, #tpu.memory_space<vmem>>
        %dma_wait3A_283 = arith.constant 0 : i32
        %dma_wait3A_284 = tpu.memref_slice %arg8[%sub3A_180, %dma_wait3A_283] : memref<80x128xi32, #tpu.memory_space<vmem>> -> memref<1x128xi32, #tpu.memory_space<vmem>>
        %dma_wait3A_285 = tpu.memref_squeeze %dma_wait3A_284 : memref<1x128xi32, #tpu.memory_space<vmem>> -> memref<128xi32, #tpu.memory_space<vmem>>
        %dma_wait3A_286 = arith.constant 0 : i32
        %dma_wait3A_287 = arith.constant 0 : i32
        %dma_wait3A_288 = tpu.memref_slice %arg10[%dma_wait3A_286, %dma_wait3A_287] : memref<10000x16xf32, #tpu.memory_space<vmem_shared>> -> memref<10000x16xf32, #tpu.memory_space<vmem_shared>>
        %dma_wait3A_289 = tpu.memref_slice %arg12[%dma_wait3A_278] : memref<8x!tpu.dma_semaphore, #tpu.memory_space<semaphore_mem>> -> memref<1x!tpu.dma_semaphore, #tpu.memory_space<semaphore_mem>>
        %dma_wait3A_290 = tpu.memref_squeeze %dma_wait3A_289 : memref<1x!tpu.dma_semaphore, #tpu.memory_space<semaphore_mem>> -> memref<!tpu.dma_semaphore, #tpu.memory_space<semaphore_mem>>
        tpu.wait_indirect_dma semaphore(%dma_wait3A_290 : memref<!tpu.dma_semaphore, #tpu.memory_space<semaphore_mem>>) src(%dma_wait3A_282 : memref<128x16xf32, #tpu.memory_space<vmem>>) dst(%dma_wait3A_288 : memref<10000x16xf32, #tpu.memory_space<vmem_shared>>)
      } else {
      }
      %add3A_188 = arith.constant 4 : i32
      %add3A_189 = arith.addi %add3A_174, %add3A_188 : i32
      %lt3A_190 = arith.cmpi slt, %add3A_189, %select_n3A : i32
      %convert_element_type3A_191 = arith.extui %lt3A_190 : i1 to i32
      %cond3A_192 = arith.constant 0 : i32
      %cond3A_193 = arith.cmpi ne, %convert_element_type3A_191, %cond3A_192 : i32
      scf.if %cond3A_193 {
        %dma_start3A_278 = arith.constant 7 : i32
        %dma_start3A_279 = arith.constant 7 : i32
        %dma_start3A_280 = arith.constant 0 : i32
        %dma_start3A_281 = arith.constant 0 : i32
        %dma_start3A_282 = tpu.memref_slice %arg9[%dma_start3A_278, %dma_start3A_280, %dma_start3A_281] : memref<8x128x16xf32, #tpu.memory_space<vmem>> -> memref<1x128x16xf32, #tpu.memory_space<vmem>>
        %dma_start3A_283 = tpu.memref_squeeze %dma_start3A_282 : memref<1x128x16xf32, #tpu.memory_space<vmem>> -> memref<128x16xf32, #tpu.memory_space<vmem>>
        %dma_start3A_284 = arith.constant 0 : i32
        %dma_start3A_285 = tpu.memref_slice %arg7[%add3A_189, %dma_start3A_284] : memref<80x128xi32, #tpu.memory_space<vmem>> -> memref<1x128xi32, #tpu.memory_space<vmem>>
        %dma_start3A_286 = tpu.memref_squeeze %dma_start3A_285 : memref<1x128xi32, #tpu.memory_space<vmem>> -> memref<128xi32, #tpu.memory_space<vmem>>
        %dma_start3A_287 = arith.constant 0 : i32
        %dma_start3A_288 = arith.constant 0 : i32
        %dma_start3A_289 = tpu.memref_slice %arg2[%dma_start3A_287, %dma_start3A_288] : memref<10000x16xf32, #tpu.memory_space<hbm>> -> memref<10000x16xf32, #tpu.memory_space<hbm>>
        %dma_start3A_290 = tpu.memref_slice %arg11[%dma_start3A_279] : memref<8x!tpu.dma_semaphore, #tpu.memory_space<semaphore_mem>> -> memref<1x!tpu.dma_semaphore, #tpu.memory_space<semaphore_mem>>
        %dma_start3A_291 = tpu.memref_squeeze %dma_start3A_290 : memref<1x!tpu.dma_semaphore, #tpu.memory_space<semaphore_mem>> -> memref<!tpu.dma_semaphore, #tpu.memory_space<semaphore_mem>>
        tpu.enqueue_indirect_dma source(%dma_start3A_289 : memref<10000x16xf32, #tpu.memory_space<hbm>>) target(%dma_start3A_283 : memref<128x16xf32, #tpu.memory_space<vmem>>) offsets(%dma_start3A_286 : memref<128xi32, #tpu.memory_space<vmem>>) semaphore(%dma_start3A_291 : memref<!tpu.dma_semaphore, #tpu.memory_space<semaphore_mem>>)
      } else {
      }
      %add3A_194 = arith.constant 4 : i32
      %add3A_195 = arith.addi %mul3A_111, %add3A_194 : i32
      %lt3A_196 = arith.cmpi slt, %add3A_195, %select_n3A : i32
      %convert_element_type3A_197 = arith.extui %lt3A_196 : i1 to i32
      %cond3A_198 = arith.constant 0 : i32
      %cond3A_199 = arith.cmpi ne, %convert_element_type3A_197, %cond3A_198 : i32
      scf.if %cond3A_199 {
        %dma_wait3A = arith.constant 4 : i32
        %dma_wait3A_278 = arith.constant 4 : i32
        %dma_wait3A_279 = arith.constant 0 : i32
        %dma_wait3A_280 = arith.constant 0 : i32
        %dma_wait3A_281 = tpu.memref_slice %arg9[%dma_wait3A, %dma_wait3A_279, %dma_wait3A_280] : memref<8x128x16xf32, #tpu.memory_space<vmem>> -> memref<1x128x16xf32, #tpu.memory_space<vmem>>
        %dma_wait3A_282 = tpu.memref_squeeze %dma_wait3A_281 : memref<1x128x16xf32, #tpu.memory_space<vmem>> -> memref<128x16xf32, #tpu.memory_space<vmem>>
        %dma_wait3A_283 = arith.constant 0 : i32
        %dma_wait3A_284 = tpu.memref_slice %arg7[%add3A_195, %dma_wait3A_283] : memref<80x128xi32, #tpu.memory_space<vmem>> -> memref<1x128xi32, #tpu.memory_space<vmem>>
        %dma_wait3A_285 = tpu.memref_squeeze %dma_wait3A_284 : memref<1x128xi32, #tpu.memory_space<vmem>> -> memref<128xi32, #tpu.memory_space<vmem>>
        %dma_wait3A_286 = arith.constant 0 : i32
        %dma_wait3A_287 = arith.constant 0 : i32
        %dma_wait3A_288 = tpu.memref_slice %arg2[%dma_wait3A_286, %dma_wait3A_287] : memref<10000x16xf32, #tpu.memory_space<hbm>> -> memref<10000x16xf32, #tpu.memory_space<hbm>>
        %dma_wait3A_289 = tpu.memref_slice %arg11[%dma_wait3A_278] : memref<8x!tpu.dma_semaphore, #tpu.memory_space<semaphore_mem>> -> memref<1x!tpu.dma_semaphore, #tpu.memory_space<semaphore_mem>>
        %dma_wait3A_290 = tpu.memref_squeeze %dma_wait3A_289 : memref<1x!tpu.dma_semaphore, #tpu.memory_space<semaphore_mem>> -> memref<!tpu.dma_semaphore, #tpu.memory_space<semaphore_mem>>
        tpu.wait_indirect_dma semaphore(%dma_wait3A_290 : memref<!tpu.dma_semaphore, #tpu.memory_space<semaphore_mem>>) src(%dma_wait3A_288 : memref<10000x16xf32, #tpu.memory_space<hbm>>) dst(%dma_wait3A_282 : memref<128x16xf32, #tpu.memory_space<vmem>>)
        %dma_start3A_291 = arith.constant 4 : i32
        %dma_start3A_292 = arith.constant 4 : i32
        %dma_start3A_293 = arith.constant 0 : i32
        %dma_start3A_294 = arith.constant 0 : i32
        %dma_start3A_295 = tpu.memref_slice %arg9[%dma_start3A_291, %dma_start3A_293, %dma_start3A_294] : memref<8x128x16xf32, #tpu.memory_space<vmem>> -> memref<1x128x16xf32, #tpu.memory_space<vmem>>
        %dma_start3A_296 = tpu.memref_squeeze %dma_start3A_295 : memref<1x128x16xf32, #tpu.memory_space<vmem>> -> memref<128x16xf32, #tpu.memory_space<vmem>>
        %dma_start3A_297 = arith.constant 0 : i32
        %dma_start3A_298 = tpu.memref_slice %arg8[%add3A_195, %dma_start3A_297] : memref<80x128xi32, #tpu.memory_space<vmem>> -> memref<1x128xi32, #tpu.memory_space<vmem>>
        %dma_start3A_299 = tpu.memref_squeeze %dma_start3A_298 : memref<1x128xi32, #tpu.memory_space<vmem>> -> memref<128xi32, #tpu.memory_space<vmem>>
        %dma_start3A_300 = arith.constant 0 : i32
        %dma_start3A_301 = arith.constant 0 : i32
        %dma_start3A_302 = tpu.memref_slice %arg10[%dma_start3A_300, %dma_start3A_301] : memref<10000x16xf32, #tpu.memory_space<vmem_shared>> -> memref<10000x16xf32, #tpu.memory_space<vmem_shared>>
        %dma_start3A_303 = tpu.memref_slice %arg12[%dma_start3A_292] : memref<8x!tpu.dma_semaphore, #tpu.memory_space<semaphore_mem>> -> memref<1x!tpu.dma_semaphore, #tpu.memory_space<semaphore_mem>>
        %dma_start3A_304 = tpu.memref_squeeze %dma_start3A_303 : memref<1x!tpu.dma_semaphore, #tpu.memory_space<semaphore_mem>> -> memref<!tpu.dma_semaphore, #tpu.memory_space<semaphore_mem>>
        tpu.enqueue_indirect_dma source(%dma_start3A_296 : memref<128x16xf32, #tpu.memory_space<vmem>>) target(%dma_start3A_302 : memref<10000x16xf32, #tpu.memory_space<vmem_shared>>) offsets(%dma_start3A_299 : memref<128xi32, #tpu.memory_space<vmem>>) semaphore(%dma_start3A_304 : memref<!tpu.dma_semaphore, #tpu.memory_space<semaphore_mem>>) {add = true}
      } else {
      }
      %sub3A_200 = arith.constant 4 : i32
      %sub3A_201 = arith.subi %add3A_195, %sub3A_200 : i32
      %ge3A_202 = arith.constant 0 : i32
      %ge3A_203 = arith.cmpi sge, %sub3A_201, %ge3A_202 : i32
      %lt3A_204 = arith.cmpi slt, %sub3A_201, %select_n3A : i32
      %and3A_205 = arith.andi %ge3A_203, %lt3A_204 : i1
      %convert_element_type3A_206 = arith.extui %and3A_205 : i1 to i32
      %cond3A_207 = arith.constant 0 : i32
      %cond3A_208 = arith.cmpi ne, %convert_element_type3A_206, %cond3A_207 : i32
      scf.if %cond3A_208 {
        %dma_wait3A = arith.constant 0 : i32
        %dma_wait3A_278 = arith.constant 0 : i32
        %dma_wait3A_279 = arith.constant 0 : i32
        %dma_wait3A_280 = arith.constant 0 : i32
        %dma_wait3A_281 = tpu.memref_slice %arg9[%dma_wait3A, %dma_wait3A_279, %dma_wait3A_280] : memref<8x128x16xf32, #tpu.memory_space<vmem>> -> memref<1x128x16xf32, #tpu.memory_space<vmem>>
        %dma_wait3A_282 = tpu.memref_squeeze %dma_wait3A_281 : memref<1x128x16xf32, #tpu.memory_space<vmem>> -> memref<128x16xf32, #tpu.memory_space<vmem>>
        %dma_wait3A_283 = arith.constant 0 : i32
        %dma_wait3A_284 = tpu.memref_slice %arg8[%sub3A_201, %dma_wait3A_283] : memref<80x128xi32, #tpu.memory_space<vmem>> -> memref<1x128xi32, #tpu.memory_space<vmem>>
        %dma_wait3A_285 = tpu.memref_squeeze %dma_wait3A_284 : memref<1x128xi32, #tpu.memory_space<vmem>> -> memref<128xi32, #tpu.memory_space<vmem>>
        %dma_wait3A_286 = arith.constant 0 : i32
        %dma_wait3A_287 = arith.constant 0 : i32
        %dma_wait3A_288 = tpu.memref_slice %arg10[%dma_wait3A_286, %dma_wait3A_287] : memref<10000x16xf32, #tpu.memory_space<vmem_shared>> -> memref<10000x16xf32, #tpu.memory_space<vmem_shared>>
        %dma_wait3A_289 = tpu.memref_slice %arg12[%dma_wait3A_278] : memref<8x!tpu.dma_semaphore, #tpu.memory_space<semaphore_mem>> -> memref<1x!tpu.dma_semaphore, #tpu.memory_space<semaphore_mem>>
        %dma_wait3A_290 = tpu.memref_squeeze %dma_wait3A_289 : memref<1x!tpu.dma_semaphore, #tpu.memory_space<semaphore_mem>> -> memref<!tpu.dma_semaphore, #tpu.memory_space<semaphore_mem>>
        tpu.wait_indirect_dma semaphore(%dma_wait3A_290 : memref<!tpu.dma_semaphore, #tpu.memory_space<semaphore_mem>>) src(%dma_wait3A_282 : memref<128x16xf32, #tpu.memory_space<vmem>>) dst(%dma_wait3A_288 : memref<10000x16xf32, #tpu.memory_space<vmem_shared>>)
      } else {
      }
      %add3A_209 = arith.constant 4 : i32
      %add3A_210 = arith.addi %add3A_195, %add3A_209 : i32
      %lt3A_211 = arith.cmpi slt, %add3A_210, %select_n3A : i32
      %convert_element_type3A_212 = arith.extui %lt3A_211 : i1 to i32
      %cond3A_213 = arith.constant 0 : i32
      %cond3A_214 = arith.cmpi ne, %convert_element_type3A_212, %cond3A_213 : i32
      scf.if %cond3A_214 {
        %dma_start3A_278 = arith.constant 0 : i32
        %dma_start3A_279 = arith.constant 0 : i32
        %dma_start3A_280 = arith.constant 0 : i32
        %dma_start3A_281 = arith.constant 0 : i32
        %dma_start3A_282 = tpu.memref_slice %arg9[%dma_start3A_278, %dma_start3A_280, %dma_start3A_281] : memref<8x128x16xf32, #tpu.memory_space<vmem>> -> memref<1x128x16xf32, #tpu.memory_space<vmem>>
        %dma_start3A_283 = tpu.memref_squeeze %dma_start3A_282 : memref<1x128x16xf32, #tpu.memory_space<vmem>> -> memref<128x16xf32, #tpu.memory_space<vmem>>
        %dma_start3A_284 = arith.constant 0 : i32
        %dma_start3A_285 = tpu.memref_slice %arg7[%add3A_210, %dma_start3A_284] : memref<80x128xi32, #tpu.memory_space<vmem>> -> memref<1x128xi32, #tpu.memory_space<vmem>>
        %dma_start3A_286 = tpu.memref_squeeze %dma_start3A_285 : memref<1x128xi32, #tpu.memory_space<vmem>> -> memref<128xi32, #tpu.memory_space<vmem>>
        %dma_start3A_287 = arith.constant 0 : i32
        %dma_start3A_288 = arith.constant 0 : i32
        %dma_start3A_289 = tpu.memref_slice %arg2[%dma_start3A_287, %dma_start3A_288] : memref<10000x16xf32, #tpu.memory_space<hbm>> -> memref<10000x16xf32, #tpu.memory_space<hbm>>
        %dma_start3A_290 = tpu.memref_slice %arg11[%dma_start3A_279] : memref<8x!tpu.dma_semaphore, #tpu.memory_space<semaphore_mem>> -> memref<1x!tpu.dma_semaphore, #tpu.memory_space<semaphore_mem>>
        %dma_start3A_291 = tpu.memref_squeeze %dma_start3A_290 : memref<1x!tpu.dma_semaphore, #tpu.memory_space<semaphore_mem>> -> memref<!tpu.dma_semaphore, #tpu.memory_space<semaphore_mem>>
        tpu.enqueue_indirect_dma source(%dma_start3A_289 : memref<10000x16xf32, #tpu.memory_space<hbm>>) target(%dma_start3A_283 : memref<128x16xf32, #tpu.memory_space<vmem>>) offsets(%dma_start3A_286 : memref<128xi32, #tpu.memory_space<vmem>>) semaphore(%dma_start3A_291 : memref<!tpu.dma_semaphore, #tpu.memory_space<semaphore_mem>>)
      } else {
      }
      %add3A_215 = arith.constant 5 : i32
      %add3A_216 = arith.addi %mul3A_111, %add3A_215 : i32
      %lt3A_217 = arith.cmpi slt, %add3A_216, %select_n3A : i32
      %convert_element_type3A_218 = arith.extui %lt3A_217 : i1 to i32
      %cond3A_219 = arith.constant 0 : i32
      %cond3A_220 = arith.cmpi ne, %convert_element_type3A_218, %cond3A_219 : i32
      scf.if %cond3A_220 {
        %dma_wait3A = arith.constant 5 : i32
        %dma_wait3A_278 = arith.constant 5 : i32
        %dma_wait3A_279 = arith.constant 0 : i32
        %dma_wait3A_280 = arith.constant 0 : i32
        %dma_wait3A_281 = tpu.memref_slice %arg9[%dma_wait3A, %dma_wait3A_279, %dma_wait3A_280] : memref<8x128x16xf32, #tpu.memory_space<vmem>> -> memref<1x128x16xf32, #tpu.memory_space<vmem>>
        %dma_wait3A_282 = tpu.memref_squeeze %dma_wait3A_281 : memref<1x128x16xf32, #tpu.memory_space<vmem>> -> memref<128x16xf32, #tpu.memory_space<vmem>>
        %dma_wait3A_283 = arith.constant 0 : i32
        %dma_wait3A_284 = tpu.memref_slice %arg7[%add3A_216, %dma_wait3A_283] : memref<80x128xi32, #tpu.memory_space<vmem>> -> memref<1x128xi32, #tpu.memory_space<vmem>>
        %dma_wait3A_285 = tpu.memref_squeeze %dma_wait3A_284 : memref<1x128xi32, #tpu.memory_space<vmem>> -> memref<128xi32, #tpu.memory_space<vmem>>
        %dma_wait3A_286 = arith.constant 0 : i32
        %dma_wait3A_287 = arith.constant 0 : i32
        %dma_wait3A_288 = tpu.memref_slice %arg2[%dma_wait3A_286, %dma_wait3A_287] : memref<10000x16xf32, #tpu.memory_space<hbm>> -> memref<10000x16xf32, #tpu.memory_space<hbm>>
        %dma_wait3A_289 = tpu.memref_slice %arg11[%dma_wait3A_278] : memref<8x!tpu.dma_semaphore, #tpu.memory_space<semaphore_mem>> -> memref<1x!tpu.dma_semaphore, #tpu.memory_space<semaphore_mem>>
        %dma_wait3A_290 = tpu.memref_squeeze %dma_wait3A_289 : memref<1x!tpu.dma_semaphore, #tpu.memory_space<semaphore_mem>> -> memref<!tpu.dma_semaphore, #tpu.memory_space<semaphore_mem>>
        tpu.wait_indirect_dma semaphore(%dma_wait3A_290 : memref<!tpu.dma_semaphore, #tpu.memory_space<semaphore_mem>>) src(%dma_wait3A_288 : memref<10000x16xf32, #tpu.memory_space<hbm>>) dst(%dma_wait3A_282 : memref<128x16xf32, #tpu.memory_space<vmem>>)
        %dma_start3A_291 = arith.constant 5 : i32
        %dma_start3A_292 = arith.constant 5 : i32
        %dma_start3A_293 = arith.constant 0 : i32
        %dma_start3A_294 = arith.constant 0 : i32
        %dma_start3A_295 = tpu.memref_slice %arg9[%dma_start3A_291, %dma_start3A_293, %dma_start3A_294] : memref<8x128x16xf32, #tpu.memory_space<vmem>> -> memref<1x128x16xf32, #tpu.memory_space<vmem>>
        %dma_start3A_296 = tpu.memref_squeeze %dma_start3A_295 : memref<1x128x16xf32, #tpu.memory_space<vmem>> -> memref<128x16xf32, #tpu.memory_space<vmem>>
        %dma_start3A_297 = arith.constant 0 : i32
        %dma_start3A_298 = tpu.memref_slice %arg8[%add3A_216, %dma_start3A_297] : memref<80x128xi32, #tpu.memory_space<vmem>> -> memref<1x128xi32, #tpu.memory_space<vmem>>
        %dma_start3A_299 = tpu.memref_squeeze %dma_start3A_298 : memref<1x128xi32, #tpu.memory_space<vmem>> -> memref<128xi32, #tpu.memory_space<vmem>>
        %dma_start3A_300 = arith.constant 0 : i32
        %dma_start3A_301 = arith.constant 0 : i32
        %dma_start3A_302 = tpu.memref_slice %arg10[%dma_start3A_300, %dma_start3A_301] : memref<10000x16xf32, #tpu.memory_space<vmem_shared>> -> memref<10000x16xf32, #tpu.memory_space<vmem_shared>>
        %dma_start3A_303 = tpu.memref_slice %arg12[%dma_start3A_292] : memref<8x!tpu.dma_semaphore, #tpu.memory_space<semaphore_mem>> -> memref<1x!tpu.dma_semaphore, #tpu.memory_space<semaphore_mem>>
        %dma_start3A_304 = tpu.memref_squeeze %dma_start3A_303 : memref<1x!tpu.dma_semaphore, #tpu.memory_space<semaphore_mem>> -> memref<!tpu.dma_semaphore, #tpu.memory_space<semaphore_mem>>
        tpu.enqueue_indirect_dma source(%dma_start3A_296 : memref<128x16xf32, #tpu.memory_space<vmem>>) target(%dma_start3A_302 : memref<10000x16xf32, #tpu.memory_space<vmem_shared>>) offsets(%dma_start3A_299 : memref<128xi32, #tpu.memory_space<vmem>>) semaphore(%dma_start3A_304 : memref<!tpu.dma_semaphore, #tpu.memory_space<semaphore_mem>>) {add = true}
      } else {
      }
      %sub3A_221 = arith.constant 4 : i32
      %sub3A_222 = arith.subi %add3A_216, %sub3A_221 : i32
      %ge3A_223 = arith.constant 0 : i32
      %ge3A_224 = arith.cmpi sge, %sub3A_222, %ge3A_223 : i32
      %lt3A_225 = arith.cmpi slt, %sub3A_222, %select_n3A : i32
      %and3A_226 = arith.andi %ge3A_224, %lt3A_225 : i1
      %convert_element_type3A_227 = arith.extui %and3A_226 : i1 to i32
      %cond3A_228 = arith.constant 0 : i32
      %cond3A_229 = arith.cmpi ne, %convert_element_type3A_227, %cond3A_228 : i32
      scf.if %cond3A_229 {
        %dma_wait3A = arith.constant 1 : i32
        %dma_wait3A_278 = arith.constant 1 : i32
        %dma_wait3A_279 = arith.constant 0 : i32
        %dma_wait3A_280 = arith.constant 0 : i32
        %dma_wait3A_281 = tpu.memref_slice %arg9[%dma_wait3A, %dma_wait3A_279, %dma_wait3A_280] : memref<8x128x16xf32, #tpu.memory_space<vmem>> -> memref<1x128x16xf32, #tpu.memory_space<vmem>>
        %dma_wait3A_282 = tpu.memref_squeeze %dma_wait3A_281 : memref<1x128x16xf32, #tpu.memory_space<vmem>> -> memref<128x16xf32, #tpu.memory_space<vmem>>
        %dma_wait3A_283 = arith.constant 0 : i32
        %dma_wait3A_284 = tpu.memref_slice %arg8[%sub3A_222, %dma_wait3A_283] : memref<80x128xi32, #tpu.memory_space<vmem>> -> memref<1x128xi32, #tpu.memory_space<vmem>>
        %dma_wait3A_285 = tpu.memref_squeeze %dma_wait3A_284 : memref<1x128xi32, #tpu.memory_space<vmem>> -> memref<128xi32, #tpu.memory_space<vmem>>
        %dma_wait3A_286 = arith.constant 0 : i32
        %dma_wait3A_287 = arith.constant 0 : i32
        %dma_wait3A_288 = tpu.memref_slice %arg10[%dma_wait3A_286, %dma_wait3A_287] : memref<10000x16xf32, #tpu.memory_space<vmem_shared>> -> memref<10000x16xf32, #tpu.memory_space<vmem_shared>>
        %dma_wait3A_289 = tpu.memref_slice %arg12[%dma_wait3A_278] : memref<8x!tpu.dma_semaphore, #tpu.memory_space<semaphore_mem>> -> memref<1x!tpu.dma_semaphore, #tpu.memory_space<semaphore_mem>>
        %dma_wait3A_290 = tpu.memref_squeeze %dma_wait3A_289 : memref<1x!tpu.dma_semaphore, #tpu.memory_space<semaphore_mem>> -> memref<!tpu.dma_semaphore, #tpu.memory_space<semaphore_mem>>
        tpu.wait_indirect_dma semaphore(%dma_wait3A_290 : memref<!tpu.dma_semaphore, #tpu.memory_space<semaphore_mem>>) src(%dma_wait3A_282 : memref<128x16xf32, #tpu.memory_space<vmem>>) dst(%dma_wait3A_288 : memref<10000x16xf32, #tpu.memory_space<vmem_shared>>)
      } else {
      }
      %add3A_230 = arith.constant 4 : i32
      %add3A_231 = arith.addi %add3A_216, %add3A_230 : i32
      %lt3A_232 = arith.cmpi slt, %add3A_231, %select_n3A : i32
      %convert_element_type3A_233 = arith.extui %lt3A_232 : i1 to i32
      %cond3A_234 = arith.constant 0 : i32
      %cond3A_235 = arith.cmpi ne, %convert_element_type3A_233, %cond3A_234 : i32
      scf.if %cond3A_235 {
        %dma_start3A_278 = arith.constant 1 : i32
        %dma_start3A_279 = arith.constant 1 : i32
        %dma_start3A_280 = arith.constant 0 : i32
        %dma_start3A_281 = arith.constant 0 : i32
        %dma_start3A_282 = tpu.memref_slice %arg9[%dma_start3A_278, %dma_start3A_280, %dma_start3A_281] : memref<8x128x16xf32, #tpu.memory_space<vmem>> -> memref<1x128x16xf32, #tpu.memory_space<vmem>>
        %dma_start3A_283 = tpu.memref_squeeze %dma_start3A_282 : memref<1x128x16xf32, #tpu.memory_space<vmem>> -> memref<128x16xf32, #tpu.memory_space<vmem>>
        %dma_start3A_284 = arith.constant 0 : i32
        %dma_start3A_285 = tpu.memref_slice %arg7[%add3A_231, %dma_start3A_284] : memref<80x128xi32, #tpu.memory_space<vmem>> -> memref<1x128xi32, #tpu.memory_space<vmem>>
        %dma_start3A_286 = tpu.memref_squeeze %dma_start3A_285 : memref<1x128xi32, #tpu.memory_space<vmem>> -> memref<128xi32, #tpu.memory_space<vmem>>
        %dma_start3A_287 = arith.constant 0 : i32
        %dma_start3A_288 = arith.constant 0 : i32
        %dma_start3A_289 = tpu.memref_slice %arg2[%dma_start3A_287, %dma_start3A_288] : memref<10000x16xf32, #tpu.memory_space<hbm>> -> memref<10000x16xf32, #tpu.memory_space<hbm>>
        %dma_start3A_290 = tpu.memref_slice %arg11[%dma_start3A_279] : memref<8x!tpu.dma_semaphore, #tpu.memory_space<semaphore_mem>> -> memref<1x!tpu.dma_semaphore, #tpu.memory_space<semaphore_mem>>
        %dma_start3A_291 = tpu.memref_squeeze %dma_start3A_290 : memref<1x!tpu.dma_semaphore, #tpu.memory_space<semaphore_mem>> -> memref<!tpu.dma_semaphore, #tpu.memory_space<semaphore_mem>>
        tpu.enqueue_indirect_dma source(%dma_start3A_289 : memref<10000x16xf32, #tpu.memory_space<hbm>>) target(%dma_start3A_283 : memref<128x16xf32, #tpu.memory_space<vmem>>) offsets(%dma_start3A_286 : memref<128xi32, #tpu.memory_space<vmem>>) semaphore(%dma_start3A_291 : memref<!tpu.dma_semaphore, #tpu.memory_space<semaphore_mem>>)
      } else {
      }
      %add3A_236 = arith.constant 6 : i32
      %add3A_237 = arith.addi %mul3A_111, %add3A_236 : i32
      %lt3A_238 = arith.cmpi slt, %add3A_237, %select_n3A : i32
      %convert_element_type3A_239 = arith.extui %lt3A_238 : i1 to i32
      %cond3A_240 = arith.constant 0 : i32
      %cond3A_241 = arith.cmpi ne, %convert_element_type3A_239, %cond3A_240 : i32
      scf.if %cond3A_241 {
        %dma_wait3A = arith.constant 6 : i32
        %dma_wait3A_278 = arith.constant 6 : i32
        %dma_wait3A_279 = arith.constant 0 : i32
        %dma_wait3A_280 = arith.constant 0 : i32
        %dma_wait3A_281 = tpu.memref_slice %arg9[%dma_wait3A, %dma_wait3A_279, %dma_wait3A_280] : memref<8x128x16xf32, #tpu.memory_space<vmem>> -> memref<1x128x16xf32, #tpu.memory_space<vmem>>
        %dma_wait3A_282 = tpu.memref_squeeze %dma_wait3A_281 : memref<1x128x16xf32, #tpu.memory_space<vmem>> -> memref<128x16xf32, #tpu.memory_space<vmem>>
        %dma_wait3A_283 = arith.constant 0 : i32
        %dma_wait3A_284 = tpu.memref_slice %arg7[%add3A_237, %dma_wait3A_283] : memref<80x128xi32, #tpu.memory_space<vmem>> -> memref<1x128xi32, #tpu.memory_space<vmem>>
        %dma_wait3A_285 = tpu.memref_squeeze %dma_wait3A_284 : memref<1x128xi32, #tpu.memory_space<vmem>> -> memref<128xi32, #tpu.memory_space<vmem>>
        %dma_wait3A_286 = arith.constant 0 : i32
        %dma_wait3A_287 = arith.constant 0 : i32
        %dma_wait3A_288 = tpu.memref_slice %arg2[%dma_wait3A_286, %dma_wait3A_287] : memref<10000x16xf32, #tpu.memory_space<hbm>> -> memref<10000x16xf32, #tpu.memory_space<hbm>>
        %dma_wait3A_289 = tpu.memref_slice %arg11[%dma_wait3A_278] : memref<8x!tpu.dma_semaphore, #tpu.memory_space<semaphore_mem>> -> memref<1x!tpu.dma_semaphore, #tpu.memory_space<semaphore_mem>>
        %dma_wait3A_290 = tpu.memref_squeeze %dma_wait3A_289 : memref<1x!tpu.dma_semaphore, #tpu.memory_space<semaphore_mem>> -> memref<!tpu.dma_semaphore, #tpu.memory_space<semaphore_mem>>
        tpu.wait_indirect_dma semaphore(%dma_wait3A_290 : memref<!tpu.dma_semaphore, #tpu.memory_space<semaphore_mem>>) src(%dma_wait3A_288 : memref<10000x16xf32, #tpu.memory_space<hbm>>) dst(%dma_wait3A_282 : memref<128x16xf32, #tpu.memory_space<vmem>>)
        %dma_start3A_291 = arith.constant 6 : i32
        %dma_start3A_292 = arith.constant 6 : i32
        %dma_start3A_293 = arith.constant 0 : i32
        %dma_start3A_294 = arith.constant 0 : i32
        %dma_start3A_295 = tpu.memref_slice %arg9[%dma_start3A_291, %dma_start3A_293, %dma_start3A_294] : memref<8x128x16xf32, #tpu.memory_space<vmem>> -> memref<1x128x16xf32, #tpu.memory_space<vmem>>
        %dma_start3A_296 = tpu.memref_squeeze %dma_start3A_295 : memref<1x128x16xf32, #tpu.memory_space<vmem>> -> memref<128x16xf32, #tpu.memory_space<vmem>>
        %dma_start3A_297 = arith.constant 0 : i32
        %dma_start3A_298 = tpu.memref_slice %arg8[%add3A_237, %dma_start3A_297] : memref<80x128xi32, #tpu.memory_space<vmem>> -> memref<1x128xi32, #tpu.memory_space<vmem>>
        %dma_start3A_299 = tpu.memref_squeeze %dma_start3A_298 : memref<1x128xi32, #tpu.memory_space<vmem>> -> memref<128xi32, #tpu.memory_space<vmem>>
        %dma_start3A_300 = arith.constant 0 : i32
        %dma_start3A_301 = arith.constant 0 : i32
        %dma_start3A_302 = tpu.memref_slice %arg10[%dma_start3A_300, %dma_start3A_301] : memref<10000x16xf32, #tpu.memory_space<vmem_shared>> -> memref<10000x16xf32, #tpu.memory_space<vmem_shared>>
        %dma_start3A_303 = tpu.memref_slice %arg12[%dma_start3A_292] : memref<8x!tpu.dma_semaphore, #tpu.memory_space<semaphore_mem>> -> memref<1x!tpu.dma_semaphore, #tpu.memory_space<semaphore_mem>>
        %dma_start3A_304 = tpu.memref_squeeze %dma_start3A_303 : memref<1x!tpu.dma_semaphore, #tpu.memory_space<semaphore_mem>> -> memref<!tpu.dma_semaphore, #tpu.memory_space<semaphore_mem>>
        tpu.enqueue_indirect_dma source(%dma_start3A_296 : memref<128x16xf32, #tpu.memory_space<vmem>>) target(%dma_start3A_302 : memref<10000x16xf32, #tpu.memory_space<vmem_shared>>) offsets(%dma_start3A_299 : memref<128xi32, #tpu.memory_space<vmem>>) semaphore(%dma_start3A_304 : memref<!tpu.dma_semaphore, #tpu.memory_space<semaphore_mem>>) {add = true}
      } else {
      }
      %sub3A_242 = arith.constant 4 : i32
      %sub3A_243 = arith.subi %add3A_237, %sub3A_242 : i32
      %ge3A_244 = arith.constant 0 : i32
      %ge3A_245 = arith.cmpi sge, %sub3A_243, %ge3A_244 : i32
      %lt3A_246 = arith.cmpi slt, %sub3A_243, %select_n3A : i32
      %and3A_247 = arith.andi %ge3A_245, %lt3A_246 : i1
      %convert_element_type3A_248 = arith.extui %and3A_247 : i1 to i32
      %cond3A_249 = arith.constant 0 : i32
      %cond3A_250 = arith.cmpi ne, %convert_element_type3A_248, %cond3A_249 : i32
      scf.if %cond3A_250 {
        %dma_wait3A = arith.constant 2 : i32
        %dma_wait3A_278 = arith.constant 2 : i32
        %dma_wait3A_279 = arith.constant 0 : i32
        %dma_wait3A_280 = arith.constant 0 : i32
        %dma_wait3A_281 = tpu.memref_slice %arg9[%dma_wait3A, %dma_wait3A_279, %dma_wait3A_280] : memref<8x128x16xf32, #tpu.memory_space<vmem>> -> memref<1x128x16xf32, #tpu.memory_space<vmem>>
        %dma_wait3A_282 = tpu.memref_squeeze %dma_wait3A_281 : memref<1x128x16xf32, #tpu.memory_space<vmem>> -> memref<128x16xf32, #tpu.memory_space<vmem>>
        %dma_wait3A_283 = arith.constant 0 : i32
        %dma_wait3A_284 = tpu.memref_slice %arg8[%sub3A_243, %dma_wait3A_283] : memref<80x128xi32, #tpu.memory_space<vmem>> -> memref<1x128xi32, #tpu.memory_space<vmem>>
        %dma_wait3A_285 = tpu.memref_squeeze %dma_wait3A_284 : memref<1x128xi32, #tpu.memory_space<vmem>> -> memref<128xi32, #tpu.memory_space<vmem>>
        %dma_wait3A_286 = arith.constant 0 : i32
        %dma_wait3A_287 = arith.constant 0 : i32
        %dma_wait3A_288 = tpu.memref_slice %arg10[%dma_wait3A_286, %dma_wait3A_287] : memref<10000x16xf32, #tpu.memory_space<vmem_shared>> -> memref<10000x16xf32, #tpu.memory_space<vmem_shared>>
        %dma_wait3A_289 = tpu.memref_slice %arg12[%dma_wait3A_278] : memref<8x!tpu.dma_semaphore, #tpu.memory_space<semaphore_mem>> -> memref<1x!tpu.dma_semaphore, #tpu.memory_space<semaphore_mem>>
        %dma_wait3A_290 = tpu.memref_squeeze %dma_wait3A_289 : memref<1x!tpu.dma_semaphore, #tpu.memory_space<semaphore_mem>> -> memref<!tpu.dma_semaphore, #tpu.memory_space<semaphore_mem>>
        tpu.wait_indirect_dma semaphore(%dma_wait3A_290 : memref<!tpu.dma_semaphore, #tpu.memory_space<semaphore_mem>>) src(%dma_wait3A_282 : memref<128x16xf32, #tpu.memory_space<vmem>>) dst(%dma_wait3A_288 : memref<10000x16xf32, #tpu.memory_space<vmem_shared>>)
      } else {
      }
      %add3A_251 = arith.constant 4 : i32
      %add3A_252 = arith.addi %add3A_237, %add3A_251 : i32
      %lt3A_253 = arith.cmpi slt, %add3A_252, %select_n3A : i32
      %convert_element_type3A_254 = arith.extui %lt3A_253 : i1 to i32
      %cond3A_255 = arith.constant 0 : i32
      %cond3A_256 = arith.cmpi ne, %convert_element_type3A_254, %cond3A_255 : i32
      scf.if %cond3A_256 {
        %dma_start3A_278 = arith.constant 2 : i32
        %dma_start3A_279 = arith.constant 2 : i32
        %dma_start3A_280 = arith.constant 0 : i32
        %dma_start3A_281 = arith.constant 0 : i32
        %dma_start3A_282 = tpu.memref_slice %arg9[%dma_start3A_278, %dma_start3A_280, %dma_start3A_281] : memref<8x128x16xf32, #tpu.memory_space<vmem>> -> memref<1x128x16xf32, #tpu.memory_space<vmem>>
        %dma_start3A_283 = tpu.memref_squeeze %dma_start3A_282 : memref<1x128x16xf32, #tpu.memory_space<vmem>> -> memref<128x16xf32, #tpu.memory_space<vmem>>
        %dma_start3A_284 = arith.constant 0 : i32
        %dma_start3A_285 = tpu.memref_slice %arg7[%add3A_252, %dma_start3A_284] : memref<80x128xi32, #tpu.memory_space<vmem>> -> memref<1x128xi32, #tpu.memory_space<vmem>>
        %dma_start3A_286 = tpu.memref_squeeze %dma_start3A_285 : memref<1x128xi32, #tpu.memory_space<vmem>> -> memref<128xi32, #tpu.memory_space<vmem>>
        %dma_start3A_287 = arith.constant 0 : i32
        %dma_start3A_288 = arith.constant 0 : i32
        %dma_start3A_289 = tpu.memref_slice %arg2[%dma_start3A_287, %dma_start3A_288] : memref<10000x16xf32, #tpu.memory_space<hbm>> -> memref<10000x16xf32, #tpu.memory_space<hbm>>
        %dma_start3A_290 = tpu.memref_slice %arg11[%dma_start3A_279] : memref<8x!tpu.dma_semaphore, #tpu.memory_space<semaphore_mem>> -> memref<1x!tpu.dma_semaphore, #tpu.memory_space<semaphore_mem>>
        %dma_start3A_291 = tpu.memref_squeeze %dma_start3A_290 : memref<1x!tpu.dma_semaphore, #tpu.memory_space<semaphore_mem>> -> memref<!tpu.dma_semaphore, #tpu.memory_space<semaphore_mem>>
        tpu.enqueue_indirect_dma source(%dma_start3A_289 : memref<10000x16xf32, #tpu.memory_space<hbm>>) target(%dma_start3A_283 : memref<128x16xf32, #tpu.memory_space<vmem>>) offsets(%dma_start3A_286 : memref<128xi32, #tpu.memory_space<vmem>>) semaphore(%dma_start3A_291 : memref<!tpu.dma_semaphore, #tpu.memory_space<semaphore_mem>>)
      } else {
      }
      %add3A_257 = arith.constant 7 : i32
      %add3A_258 = arith.addi %mul3A_111, %add3A_257 : i32
      %lt3A_259 = arith.cmpi slt, %add3A_258, %select_n3A : i32
      %convert_element_type3A_260 = arith.extui %lt3A_259 : i1 to i32
      %cond3A_261 = arith.constant 0 : i32
      %cond3A_262 = arith.cmpi ne, %convert_element_type3A_260, %cond3A_261 : i32
      scf.if %cond3A_262 {
        %dma_wait3A = arith.constant 7 : i32
        %dma_wait3A_278 = arith.constant 7 : i32
        %dma_wait3A_279 = arith.constant 0 : i32
        %dma_wait3A_280 = arith.constant 0 : i32
        %dma_wait3A_281 = tpu.memref_slice %arg9[%dma_wait3A, %dma_wait3A_279, %dma_wait3A_280] : memref<8x128x16xf32, #tpu.memory_space<vmem>> -> memref<1x128x16xf32, #tpu.memory_space<vmem>>
        %dma_wait3A_282 = tpu.memref_squeeze %dma_wait3A_281 : memref<1x128x16xf32, #tpu.memory_space<vmem>> -> memref<128x16xf32, #tpu.memory_space<vmem>>
        %dma_wait3A_283 = arith.constant 0 : i32
        %dma_wait3A_284 = tpu.memref_slice %arg7[%add3A_258, %dma_wait3A_283] : memref<80x128xi32, #tpu.memory_space<vmem>> -> memref<1x128xi32, #tpu.memory_space<vmem>>
        %dma_wait3A_285 = tpu.memref_squeeze %dma_wait3A_284 : memref<1x128xi32, #tpu.memory_space<vmem>> -> memref<128xi32, #tpu.memory_space<vmem>>
        %dma_wait3A_286 = arith.constant 0 : i32
        %dma_wait3A_287 = arith.constant 0 : i32
        %dma_wait3A_288 = tpu.memref_slice %arg2[%dma_wait3A_286, %dma_wait3A_287] : memref<10000x16xf32, #tpu.memory_space<hbm>> -> memref<10000x16xf32, #tpu.memory_space<hbm>>
        %dma_wait3A_289 = tpu.memref_slice %arg11[%dma_wait3A_278] : memref<8x!tpu.dma_semaphore, #tpu.memory_space<semaphore_mem>> -> memref<1x!tpu.dma_semaphore, #tpu.memory_space<semaphore_mem>>
        %dma_wait3A_290 = tpu.memref_squeeze %dma_wait3A_289 : memref<1x!tpu.dma_semaphore, #tpu.memory_space<semaphore_mem>> -> memref<!tpu.dma_semaphore, #tpu.memory_space<semaphore_mem>>
        tpu.wait_indirect_dma semaphore(%dma_wait3A_290 : memref<!tpu.dma_semaphore, #tpu.memory_space<semaphore_mem>>) src(%dma_wait3A_288 : memref<10000x16xf32, #tpu.memory_space<hbm>>) dst(%dma_wait3A_282 : memref<128x16xf32, #tpu.memory_space<vmem>>)
        %dma_start3A_291 = arith.constant 7 : i32
        %dma_start3A_292 = arith.constant 7 : i32
        %dma_start3A_293 = arith.constant 0 : i32
        %dma_start3A_294 = arith.constant 0 : i32
        %dma_start3A_295 = tpu.memref_slice %arg9[%dma_start3A_291, %dma_start3A_293, %dma_start3A_294] : memref<8x128x16xf32, #tpu.memory_space<vmem>> -> memref<1x128x16xf32, #tpu.memory_space<vmem>>
        %dma_start3A_296 = tpu.memref_squeeze %dma_start3A_295 : memref<1x128x16xf32, #tpu.memory_space<vmem>> -> memref<128x16xf32, #tpu.memory_space<vmem>>
        %dma_start3A_297 = arith.constant 0 : i32
        %dma_start3A_298 = tpu.memref_slice %arg8[%add3A_258, %dma_start3A_297] : memref<80x128xi32, #tpu.memory_space<vmem>> -> memref<1x128xi32, #tpu.memory_space<vmem>>
        %dma_start3A_299 = tpu.memref_squeeze %dma_start3A_298 : memref<1x128xi32, #tpu.memory_space<vmem>> -> memref<128xi32, #tpu.memory_space<vmem>>
        %dma_start3A_300 = arith.constant 0 : i32
        %dma_start3A_301 = arith.constant 0 : i32
        %dma_start3A_302 = tpu.memref_slice %arg10[%dma_start3A_300, %dma_start3A_301] : memref<10000x16xf32, #tpu.memory_space<vmem_shared>> -> memref<10000x16xf32, #tpu.memory_space<vmem_shared>>
        %dma_start3A_303 = tpu.memref_slice %arg12[%dma_start3A_292] : memref<8x!tpu.dma_semaphore, #tpu.memory_space<semaphore_mem>> -> memref<1x!tpu.dma_semaphore, #tpu.memory_space<semaphore_mem>>
        %dma_start3A_304 = tpu.memref_squeeze %dma_start3A_303 : memref<1x!tpu.dma_semaphore, #tpu.memory_space<semaphore_mem>> -> memref<!tpu.dma_semaphore, #tpu.memory_space<semaphore_mem>>
        tpu.enqueue_indirect_dma source(%dma_start3A_296 : memref<128x16xf32, #tpu.memory_space<vmem>>) target(%dma_start3A_302 : memref<10000x16xf32, #tpu.memory_space<vmem_shared>>) offsets(%dma_start3A_299 : memref<128xi32, #tpu.memory_space<vmem>>) semaphore(%dma_start3A_304 : memref<!tpu.dma_semaphore, #tpu.memory_space<semaphore_mem>>) {add = true}
      } else {
      }
      %sub3A_263 = arith.constant 4 : i32
      %sub3A_264 = arith.subi %add3A_258, %sub3A_263 : i32
      %ge3A_265 = arith.constant 0 : i32
      %ge3A_266 = arith.cmpi sge, %sub3A_264, %ge3A_265 : i32
      %lt3A_267 = arith.cmpi slt, %sub3A_264, %select_n3A : i32
      %and3A_268 = arith.andi %ge3A_266, %lt3A_267 : i1
      %convert_element_type3A_269 = arith.extui %and3A_268 : i1 to i32
      %cond3A_270 = arith.constant 0 : i32
      %cond3A_271 = arith.cmpi ne, %convert_element_type3A_269, %cond3A_270 : i32
      scf.if %cond3A_271 {
        %dma_wait3A = arith.constant 3 : i32
        %dma_wait3A_278 = arith.constant 3 : i32
        %dma_wait3A_279 = arith.constant 0 : i32
        %dma_wait3A_280 = arith.constant 0 : i32
        %dma_wait3A_281 = tpu.memref_slice %arg9[%dma_wait3A, %dma_wait3A_279, %dma_wait3A_280] : memref<8x128x16xf32, #tpu.memory_space<vmem>> -> memref<1x128x16xf32, #tpu.memory_space<vmem>>
        %dma_wait3A_282 = tpu.memref_squeeze %dma_wait3A_281 : memref<1x128x16xf32, #tpu.memory_space<vmem>> -> memref<128x16xf32, #tpu.memory_space<vmem>>
        %dma_wait3A_283 = arith.constant 0 : i32
        %dma_wait3A_284 = tpu.memref_slice %arg8[%sub3A_264, %dma_wait3A_283] : memref<80x128xi32, #tpu.memory_space<vmem>> -> memref<1x128xi32, #tpu.memory_space<vmem>>
        %dma_wait3A_285 = tpu.memref_squeeze %dma_wait3A_284 : memref<1x128xi32, #tpu.memory_space<vmem>> -> memref<128xi32, #tpu.memory_space<vmem>>
        %dma_wait3A_286 = arith.constant 0 : i32
        %dma_wait3A_287 = arith.constant 0 : i32
        %dma_wait3A_288 = tpu.memref_slice %arg10[%dma_wait3A_286, %dma_wait3A_287] : memref<10000x16xf32, #tpu.memory_space<vmem_shared>> -> memref<10000x16xf32, #tpu.memory_space<vmem_shared>>
        %dma_wait3A_289 = tpu.memref_slice %arg12[%dma_wait3A_278] : memref<8x!tpu.dma_semaphore, #tpu.memory_space<semaphore_mem>> -> memref<1x!tpu.dma_semaphore, #tpu.memory_space<semaphore_mem>>
        %dma_wait3A_290 = tpu.memref_squeeze %dma_wait3A_289 : memref<1x!tpu.dma_semaphore, #tpu.memory_space<semaphore_mem>> -> memref<!tpu.dma_semaphore, #tpu.memory_space<semaphore_mem>>
        tpu.wait_indirect_dma semaphore(%dma_wait3A_290 : memref<!tpu.dma_semaphore, #tpu.memory_space<semaphore_mem>>) src(%dma_wait3A_282 : memref<128x16xf32, #tpu.memory_space<vmem>>) dst(%dma_wait3A_288 : memref<10000x16xf32, #tpu.memory_space<vmem_shared>>)
      } else {
      }
      %add3A_272 = arith.constant 4 : i32
      %add3A_273 = arith.addi %add3A_258, %add3A_272 : i32
      %lt3A_274 = arith.cmpi slt, %add3A_273, %select_n3A : i32
      %convert_element_type3A_275 = arith.extui %lt3A_274 : i1 to i32
      %cond3A_276 = arith.constant 0 : i32
      %cond3A_277 = arith.cmpi ne, %convert_element_type3A_275, %cond3A_276 : i32
      scf.if %cond3A_277 {
        %dma_start3A_278 = arith.constant 3 : i32
        %dma_start3A_279 = arith.constant 3 : i32
        %dma_start3A_280 = arith.constant 0 : i32
        %dma_start3A_281 = arith.constant 0 : i32
        %dma_start3A_282 = tpu.memref_slice %arg9[%dma_start3A_278, %dma_start3A_280, %dma_start3A_281] : memref<8x128x16xf32, #tpu.memory_space<vmem>> -> memref<1x128x16xf32, #tpu.memory_space<vmem>>
        %dma_start3A_283 = tpu.memref_squeeze %dma_start3A_282 : memref<1x128x16xf32, #tpu.memory_space<vmem>> -> memref<128x16xf32, #tpu.memory_space<vmem>>
        %dma_start3A_284 = arith.constant 0 : i32
        %dma_start3A_285 = tpu.memref_slice %arg7[%add3A_273, %dma_start3A_284] : memref<80x128xi32, #tpu.memory_space<vmem>> -> memref<1x128xi32, #tpu.memory_space<vmem>>
        %dma_start3A_286 = tpu.memref_squeeze %dma_start3A_285 : memref<1x128xi32, #tpu.memory_space<vmem>> -> memref<128xi32, #tpu.memory_space<vmem>>
        %dma_start3A_287 = arith.constant 0 : i32
        %dma_start3A_288 = arith.constant 0 : i32
        %dma_start3A_289 = tpu.memref_slice %arg2[%dma_start3A_287, %dma_start3A_288] : memref<10000x16xf32, #tpu.memory_space<hbm>> -> memref<10000x16xf32, #tpu.memory_space<hbm>>
        %dma_start3A_290 = tpu.memref_slice %arg11[%dma_start3A_279] : memref<8x!tpu.dma_semaphore, #tpu.memory_space<semaphore_mem>> -> memref<1x!tpu.dma_semaphore, #tpu.memory_space<semaphore_mem>>
        %dma_start3A_291 = tpu.memref_squeeze %dma_start3A_290 : memref<1x!tpu.dma_semaphore, #tpu.memory_space<semaphore_mem>> -> memref<!tpu.dma_semaphore, #tpu.memory_space<semaphore_mem>>
        tpu.enqueue_indirect_dma source(%dma_start3A_289 : memref<10000x16xf32, #tpu.memory_space<hbm>>) target(%dma_start3A_283 : memref<128x16xf32, #tpu.memory_space<vmem>>) offsets(%dma_start3A_286 : memref<128xi32, #tpu.memory_space<vmem>>) semaphore(%dma_start3A_291 : memref<!tpu.dma_semaphore, #tpu.memory_space<semaphore_mem>>)
      } else {
      }
    }
    %while3A_103 = arith.constant 1 : i32
    scf.for %while3A_109 = %while3A_101 to %while3A_97 step %while3A_103  : i32 {
      %mul3A_110 = arith.constant 8 : i32
      %mul3A_111 = arith.muli %while3A_109, %mul3A_110 : i32
      %add3A_112 = arith.constant 0 : i32
      %add3A_113 = arith.addi %mul3A_111, %add3A_112 : i32
      %lt3A = arith.cmpi slt, %add3A_113, %select_n3A : i32
      %convert_element_type3A_114 = arith.extui %lt3A : i1 to i32
      %cond3A_115 = arith.constant 0 : i32
      %cond3A_116 = arith.cmpi ne, %convert_element_type3A_114, %cond3A_115 : i32
      scf.if %cond3A_116 {
        %dma_wait3A = arith.constant 0 : i32
        %dma_wait3A_278 = arith.constant 0 : i32
        %dma_wait3A_279 = arith.constant 0 : i32
        %dma_wait3A_280 = arith.constant 0 : i32
        %dma_wait3A_281 = tpu.memref_slice %arg9[%dma_wait3A, %dma_wait3A_279, %dma_wait3A_280] : memref<8x128x16xf32, #tpu.memory_space<vmem>> -> memref<1x128x16xf32, #tpu.memory_space<vmem>>
        %dma_wait3A_282 = tpu.memref_squeeze %dma_wait3A_281 : memref<1x128x16xf32, #tpu.memory_space<vmem>> -> memref<128x16xf32, #tpu.memory_space<vmem>>
        %dma_wait3A_283 = arith.constant 0 : i32
        %dma_wait3A_284 = tpu.memref_slice %arg7[%add3A_113, %dma_wait3A_283] : memref<80x128xi32, #tpu.memory_space<vmem>> -> memref<1x128xi32, #tpu.memory_space<vmem>>
        %dma_wait3A_285 = tpu.memref_squeeze %dma_wait3A_284 : memref<1x128xi32, #tpu.memory_space<vmem>> -> memref<128xi32, #tpu.memory_space<vmem>>
        %dma_wait3A_286 = arith.constant 0 : i32
        %dma_wait3A_287 = arith.constant 0 : i32
        %dma_wait3A_288 = tpu.memref_slice %arg2[%dma_wait3A_286, %dma_wait3A_287] : memref<10000x16xf32, #tpu.memory_space<hbm>> -> memref<10000x16xf32, #tpu.memory_space<hbm>>
        %dma_wait3A_289 = tpu.memref_slice %arg11[%dma_wait3A_278] : memref<8x!tpu.dma_semaphore, #tpu.memory_space<semaphore_mem>> -> memref<1x!tpu.dma_semaphore, #tpu.memory_space<semaphore_mem>>
        %dma_wait3A_290 = tpu.memref_squeeze %dma_wait3A_289 : memref<1x!tpu.dma_semaphore, #tpu.memory_space<semaphore_mem>> -> memref<!tpu.dma_semaphore, #tpu.memory_space<semaphore_mem>>
        tpu.wait_indirect_dma semaphore(%dma_wait3A_290 : memref<!tpu.dma_semaphore, #tpu.memory_space<semaphore_mem>>) src(%dma_wait3A_288 : memref<10000x16xf32, #tpu.memory_space<hbm>>) dst(%dma_wait3A_282 : memref<128x16xf32, #tpu.memory_space<vmem>>)
        %dma_start3A_291 = arith.constant 0 : i32
        %dma_start3A_292 = arith.constant 0 : i32
        %dma_start3A_293 = arith.constant 0 : i32
        %dma_start3A_294 = arith.constant 0 : i32
        %dma_start3A_295 = tpu.memref_slice %arg9[%dma_start3A_291, %dma_start3A_293, %dma_start3A_294] : memref<8x128x16xf32, #tpu.memory_space<vmem>> -> memref<1x128x16xf32, #tpu.memory_space<vmem>>
        %dma_start3A_296 = tpu.memref_squeeze %dma_start3A_295 : memref<1x128x16xf32, #tpu.memory_space<vmem>> -> memref<128x16xf32, #tpu.memory_space<vmem>>
        %dma_start3A_297 = arith.constant 0 : i32
        %dma_start3A_298 = tpu.memref_slice %arg8[%add3A_113, %dma_start3A_297] : memref<80x128xi32, #tpu.memory_space<vmem>> -> memref<1x128xi32, #tpu.memory_space<vmem>>
        %dma_start3A_299 = tpu.memref_squeeze %dma_start3A_298 : memref<1x128xi32, #tpu.memory_space<vmem>> -> memref<128xi32, #tpu.memory_space<vmem>>
        %dma_start3A_300 = arith.constant 0 : i32
        %dma_start3A_301 = arith.constant 0 : i32
        %dma_start3A_302 = tpu.memref_slice %arg10[%dma_start3A_300, %dma_start3A_301] : memref<10000x16xf32, #tpu.memory_space<vmem_shared>> -> memref<10000x16xf32, #tpu.memory_space<vmem_shared>>
        %dma_start3A_303 = tpu.memref_slice %arg12[%dma_start3A_292] : memref<8x!tpu.dma_semaphore, #tpu.memory_space<semaphore_mem>> -> memref<1x!tpu.dma_semaphore, #tpu.memory_space<semaphore_mem>>
        %dma_start3A_304 = tpu.memref_squeeze %dma_start3A_303 : memref<1x!tpu.dma_semaphore, #tpu.memory_space<semaphore_mem>> -> memref<!tpu.dma_semaphore, #tpu.memory_space<semaphore_mem>>
        tpu.enqueue_indirect_dma source(%dma_start3A_296 : memref<128x16xf32, #tpu.memory_space<vmem>>) target(%dma_start3A_302 : memref<10000x16xf32, #tpu.memory_space<vmem_shared>>) offsets(%dma_start3A_299 : memref<128xi32, #tpu.memory_space<vmem>>) semaphore(%dma_start3A_304 : memref<!tpu.dma_semaphore, #tpu.memory_space<semaphore_mem>>) {add = true}
      } else {
      }
      %sub3A_117 = arith.constant 4 : i32
      %sub3A_118 = arith.subi %add3A_113, %sub3A_117 : i32
      %ge3A = arith.constant 0 : i32
      %ge3A_119 = arith.cmpi sge, %sub3A_118, %ge3A : i32
      %lt3A_120 = arith.cmpi slt, %sub3A_118, %select_n3A : i32
      %and3A_121 = arith.andi %ge3A_119, %lt3A_120 : i1
      %convert_element_type3A_122 = arith.extui %and3A_121 : i1 to i32
      %cond3A_123 = arith.constant 0 : i32
      %cond3A_124 = arith.cmpi ne, %convert_element_type3A_122, %cond3A_123 : i32
      scf.if %cond3A_124 {
        %dma_wait3A = arith.constant 4 : i32
        %dma_wait3A_278 = arith.constant 4 : i32
        %dma_wait3A_279 = arith.constant 0 : i32
        %dma_wait3A_280 = arith.constant 0 : i32
        %dma_wait3A_281 = tpu.memref_slice %arg9[%dma_wait3A, %dma_wait3A_279, %dma_wait3A_280] : memref<8x128x16xf32, #tpu.memory_space<vmem>> -> memref<1x128x16xf32, #tpu.memory_space<vmem>>
        %dma_wait3A_282 = tpu.memref_squeeze %dma_wait3A_281 : memref<1x128x16xf32, #tpu.memory_space<vmem>> -> memref<128x16xf32, #tpu.memory_space<vmem>>
        %dma_wait3A_283 = arith.constant 0 : i32
        %dma_wait3A_284 = tpu.memref_slice %arg8[%sub3A_118, %dma_wait3A_283] : memref<80x128xi32, #tpu.memory_space<vmem>> -> memref<1x128xi32, #tpu.memory_space<vmem>>
        %dma_wait3A_285 = tpu.memref_squeeze %dma_wait3A_284 : memref<1x128xi32, #tpu.memory_space<vmem>> -> memref<128xi32, #tpu.memory_space<vmem>>
        %dma_wait3A_286 = arith.constant 0 : i32
        %dma_wait3A_287 = arith.constant 0 : i32
        %dma_wait3A_288 = tpu.memref_slice %arg10[%dma_wait3A_286, %dma_wait3A_287] : memref<10000x16xf32, #tpu.memory_space<vmem_shared>> -> memref<10000x16xf32, #tpu.memory_space<vmem_shared>>
        %dma_wait3A_289 = tpu.memref_slice %arg12[%dma_wait3A_278] : memref<8x!tpu.dma_semaphore, #tpu.memory_space<semaphore_mem>> -> memref<1x!tpu.dma_semaphore, #tpu.memory_space<semaphore_mem>>
        %dma_wait3A_290 = tpu.memref_squeeze %dma_wait3A_289 : memref<1x!tpu.dma_semaphore, #tpu.memory_space<semaphore_mem>> -> memref<!tpu.dma_semaphore, #tpu.memory_space<semaphore_mem>>
        tpu.wait_indirect_dma semaphore(%dma_wait3A_290 : memref<!tpu.dma_semaphore, #tpu.memory_space<semaphore_mem>>) src(%dma_wait3A_282 : memref<128x16xf32, #tpu.memory_space<vmem>>) dst(%dma_wait3A_288 : memref<10000x16xf32, #tpu.memory_space<vmem_shared>>)
      } else {
      }
      %add3A_125 = arith.constant 4 : i32
      %add3A_126 = arith.addi %add3A_113, %add3A_125 : i32
      %lt3A_127 = arith.cmpi slt, %add3A_126, %select_n3A : i32
      %convert_element_type3A_128 = arith.extui %lt3A_127 : i1 to i32
      %cond3A_129 = arith.constant 0 : i32
      %cond3A_130 = arith.cmpi ne, %convert_element_type3A_128, %cond3A_129 : i32
      scf.if %cond3A_130 {
        %dma_start3A_278 = arith.constant 4 : i32
        %dma_start3A_279 = arith.constant 4 : i32
        %dma_start3A_280 = arith.constant 0 : i32
        %dma_start3A_281 = arith.constant 0 : i32
        %dma_start3A_282 = tpu.memref_slice %arg9[%dma_start3A_278, %dma_start3A_280, %dma_start3A_281] : memref<8x128x16xf32, #tpu.memory_space<vmem>> -> memref<1x128x16xf32, #tpu.memory_space<vmem>>
        %dma_start3A_283 = tpu.memref_squeeze %dma_start3A_282 : memref<1x128x16xf32, #tpu.memory_space<vmem>> -> memref<128x16xf32, #tpu.memory_space<vmem>>
        %dma_start3A_284 = arith.constant 0 : i32
        %dma_start3A_285 = tpu.memref_slice %arg7[%add3A_126, %dma_start3A_284] : memref<80x128xi32, #tpu.memory_space<vmem>> -> memref<1x128xi32, #tpu.memory_space<vmem>>
        %dma_start3A_286 = tpu.memref_squeeze %dma_start3A_285 : memref<1x128xi32, #tpu.memory_space<vmem>> -> memref<128xi32, #tpu.memory_space<vmem>>
        %dma_start3A_287 = arith.constant 0 : i32
        %dma_start3A_288 = arith.constant 0 : i32
        %dma_start3A_289 = tpu.memref_slice %arg2[%dma_start3A_287, %dma_start3A_288] : memref<10000x16xf32, #tpu.memory_space<hbm>> -> memref<10000x16xf32, #tpu.memory_space<hbm>>
        %dma_start3A_290 = tpu.memref_slice %arg11[%dma_start3A_279] : memref<8x!tpu.dma_semaphore, #tpu.memory_space<semaphore_mem>> -> memref<1x!tpu.dma_semaphore, #tpu.memory_space<semaphore_mem>>
        %dma_start3A_291 = tpu.memref_squeeze %dma_start3A_290 : memref<1x!tpu.dma_semaphore, #tpu.memory_space<semaphore_mem>> -> memref<!tpu.dma_semaphore, #tpu.memory_space<semaphore_mem>>
        tpu.enqueue_indirect_dma source(%dma_start3A_289 : memref<10000x16xf32, #tpu.memory_space<hbm>>) target(%dma_start3A_283 : memref<128x16xf32, #tpu.memory_space<vmem>>) offsets(%dma_start3A_286 : memref<128xi32, #tpu.memory_space<vmem>>) semaphore(%dma_start3A_291 : memref<!tpu.dma_semaphore, #tpu.memory_space<semaphore_mem>>)
      } else {
      }
      %add3A_131 = arith.constant 1 : i32
      %add3A_132 = arith.addi %mul3A_111, %add3A_131 : i32
      %lt3A_133 = arith.cmpi slt, %add3A_132, %select_n3A : i32
      %convert_element_type3A_134 = arith.extui %lt3A_133 : i1 to i32
      %cond3A_135 = arith.constant 0 : i32
      %cond3A_136 = arith.cmpi ne, %convert_element_type3A_134, %cond3A_135 : i32
      scf.if %cond3A_136 {
        %dma_wait3A = arith.constant 1 : i32
        %dma_wait3A_278 = arith.constant 1 : i32
        %dma_wait3A_279 = arith.constant 0 : i32
        %dma_wait3A_280 = arith.constant 0 : i32
        %dma_wait3A_281 = tpu.memref_slice %arg9[%dma_wait3A, %dma_wait3A_279, %dma_wait3A_280] : memref<8x128x16xf32, #tpu.memory_space<vmem>> -> memref<1x128x16xf32, #tpu.memory_space<vmem>>
        %dma_wait3A_282 = tpu.memref_squeeze %dma_wait3A_281 : memref<1x128x16xf32, #tpu.memory_space<vmem>> -> memref<128x16xf32, #tpu.memory_space<vmem>>
        %dma_wait3A_283 = arith.constant 0 : i32
        %dma_wait3A_284 = tpu.memref_slice %arg7[%add3A_132, %dma_wait3A_283] : memref<80x128xi32, #tpu.memory_space<vmem>> -> memref<1x128xi32, #tpu.memory_space<vmem>>
        %dma_wait3A_285 = tpu.memref_squeeze %dma_wait3A_284 : memref<1x128xi32, #tpu.memory_space<vmem>> -> memref<128xi32, #tpu.memory_space<vmem>>
        %dma_wait3A_286 = arith.constant 0 : i32
        %dma_wait3A_287 = arith.constant 0 : i32
        %dma_wait3A_288 = tpu.memref_slice %arg2[%dma_wait3A_286, %dma_wait3A_287] : memref<10000x16xf32, #tpu.memory_space<hbm>> -> memref<10000x16xf32, #tpu.memory_space<hbm>>
        %dma_wait3A_289 = tpu.memref_slice %arg11[%dma_wait3A_278] : memref<8x!tpu.dma_semaphore, #tpu.memory_space<semaphore_mem>> -> memref<1x!tpu.dma_semaphore, #tpu.memory_space<semaphore_mem>>
        %dma_wait3A_290 = tpu.memref_squeeze %dma_wait3A_289 : memref<1x!tpu.dma_semaphore, #tpu.memory_space<semaphore_mem>> -> memref<!tpu.dma_semaphore, #tpu.memory_space<semaphore_mem>>
        tpu.wait_indirect_dma semaphore(%dma_wait3A_290 : memref<!tpu.dma_semaphore, #tpu.memory_space<semaphore_mem>>) src(%dma_wait3A_288 : memref<10000x16xf32, #tpu.memory_space<hbm>>) dst(%dma_wait3A_282 : memref<128x16xf32, #tpu.memory_space<vmem>>)
        %dma_start3A_291 = arith.constant 1 : i32
        %dma_start3A_292 = arith.constant 1 : i32
        %dma_start3A_293 = arith.constant 0 : i32
        %dma_start3A_294 = arith.constant 0 : i32
        %dma_start3A_295 = tpu.memref_slice %arg9[%dma_start3A_291, %dma_start3A_293, %dma_start3A_294] : memref<8x128x16xf32, #tpu.memory_space<vmem>> -> memref<1x128x16xf32, #tpu.memory_space<vmem>>
        %dma_start3A_296 = tpu.memref_squeeze %dma_start3A_295 : memref<1x128x16xf32, #tpu.memory_space<vmem>> -> memref<128x16xf32, #tpu.memory_space<vmem>>
        %dma_start3A_297 = arith.constant 0 : i32
        %dma_start3A_298 = tpu.memref_slice %arg8[%add3A_132, %dma_start3A_297] : memref<80x128xi32, #tpu.memory_space<vmem>> -> memref<1x128xi32, #tpu.memory_space<vmem>>
        %dma_start3A_299 = tpu.memref_squeeze %dma_start3A_298 : memref<1x128xi32, #tpu.memory_space<vmem>> -> memref<128xi32, #tpu.memory_space<vmem>>
        %dma_start3A_300 = arith.constant 0 : i32
        %dma_start3A_301 = arith.constant 0 : i32
        %dma_start3A_302 = tpu.memref_slice %arg10[%dma_start3A_300, %dma_start3A_301] : memref<10000x16xf32, #tpu.memory_space<vmem_shared>> -> memref<10000x16xf32, #tpu.memory_space<vmem_shared>>
        %dma_start3A_303 = tpu.memref_slice %arg12[%dma_start3A_292] : memref<8x!tpu.dma_semaphore, #tpu.memory_space<semaphore_mem>> -> memref<1x!tpu.dma_semaphore, #tpu.memory_space<semaphore_mem>>
        %dma_start3A_304 = tpu.memref_squeeze %dma_start3A_303 : memref<1x!tpu.dma_semaphore, #tpu.memory_space<semaphore_mem>> -> memref<!tpu.dma_semaphore, #tpu.memory_space<semaphore_mem>>
        tpu.enqueue_indirect_dma source(%dma_start3A_296 : memref<128x16xf32, #tpu.memory_space<vmem>>) target(%dma_start3A_302 : memref<10000x16xf32, #tpu.memory_space<vmem_shared>>) offsets(%dma_start3A_299 : memref<128xi32, #tpu.memory_space<vmem>>) semaphore(%dma_start3A_304 : memref<!tpu.dma_semaphore, #tpu.memory_space<semaphore_mem>>) {add = true}
      } else {
      }
      %sub3A_137 = arith.constant 4 : i32
      %sub3A_138 = arith.subi %add3A_132, %sub3A_137 : i32
      %ge3A_139 = arith.constant 0 : i32
      %ge3A_140 = arith.cmpi sge, %sub3A_138, %ge3A_139 : i32
      %lt3A_141 = arith.cmpi slt, %sub3A_138, %select_n3A : i32
      %and3A_142 = arith.andi %ge3A_140, %lt3A_141 : i1
      %convert_element_type3A_143 = arith.extui %and3A_142 : i1 to i32
      %cond3A_144 = arith.constant 0 : i32
      %cond3A_145 = arith.cmpi ne, %convert_element_type3A_143, %cond3A_144 : i32
      scf.if %cond3A_145 {
        %dma_wait3A = arith.constant 5 : i32
        %dma_wait3A_278 = arith.constant 5 : i32
        %dma_wait3A_279 = arith.constant 0 : i32
        %dma_wait3A_280 = arith.constant 0 : i32
        %dma_wait3A_281 = tpu.memref_slice %arg9[%dma_wait3A, %dma_wait3A_279, %dma_wait3A_280] : memref<8x128x16xf32, #tpu.memory_space<vmem>> -> memref<1x128x16xf32, #tpu.memory_space<vmem>>
        %dma_wait3A_282 = tpu.memref_squeeze %dma_wait3A_281 : memref<1x128x16xf32, #tpu.memory_space<vmem>> -> memref<128x16xf32, #tpu.memory_space<vmem>>
        %dma_wait3A_283 = arith.constant 0 : i32
        %dma_wait3A_284 = tpu.memref_slice %arg8[%sub3A_138, %dma_wait3A_283] : memref<80x128xi32, #tpu.memory_space<vmem>> -> memref<1x128xi32, #tpu.memory_space<vmem>>
        %dma_wait3A_285 = tpu.memref_squeeze %dma_wait3A_284 : memref<1x128xi32, #tpu.memory_space<vmem>> -> memref<128xi32, #tpu.memory_space<vmem>>
        %dma_wait3A_286 = arith.constant 0 : i32
        %dma_wait3A_287 = arith.constant 0 : i32
        %dma_wait3A_288 = tpu.memref_slice %arg10[%dma_wait3A_286, %dma_wait3A_287] : memref<10000x16xf32, #tpu.memory_space<vmem_shared>> -> memref<10000x16xf32, #tpu.memory_space<vmem_shared>>
        %dma_wait3A_289 = tpu.memref_slice %arg12[%dma_wait3A_278] : memref<8x!tpu.dma_semaphore, #tpu.memory_space<semaphore_mem>> -> memref<1x!tpu.dma_semaphore, #tpu.memory_space<semaphore_mem>>
        %dma_wait3A_290 = tpu.memref_squeeze %dma_wait3A_289 : memref<1x!tpu.dma_semaphore, #tpu.memory_space<semaphore_mem>> -> memref<!tpu.dma_semaphore, #tpu.memory_space<semaphore_mem>>
        tpu.wait_indirect_dma semaphore(%dma_wait3A_290 : memref<!tpu.dma_semaphore, #tpu.memory_space<semaphore_mem>>) src(%dma_wait3A_282 : memref<128x16xf32, #tpu.memory_space<vmem>>) dst(%dma_wait3A_288 : memref<10000x16xf32, #tpu.memory_space<vmem_shared>>)
      } else {
      }
      %add3A_146 = arith.constant 4 : i32
      %add3A_147 = arith.addi %add3A_132, %add3A_146 : i32
      %lt3A_148 = arith.cmpi slt, %add3A_147, %select_n3A : i32
      %convert_element_type3A_149 = arith.extui %lt3A_148 : i1 to i32
      %cond3A_150 = arith.constant 0 : i32
      %cond3A_151 = arith.cmpi ne, %convert_element_type3A_149, %cond3A_150 : i32
      scf.if %cond3A_151 {
        %dma_start3A_278 = arith.constant 5 : i32
        %dma_start3A_279 = arith.constant 5 : i32
        %dma_start3A_280 = arith.constant 0 : i32
        %dma_start3A_281 = arith.constant 0 : i32
        %dma_start3A_282 = tpu.memref_slice %arg9[%dma_start3A_278, %dma_start3A_280, %dma_start3A_281] : memref<8x128x16xf32, #tpu.memory_space<vmem>> -> memref<1x128x16xf32, #tpu.memory_space<vmem>>
        %dma_start3A_283 = tpu.memref_squeeze %dma_start3A_282 : memref<1x128x16xf32, #tpu.memory_space<vmem>> -> memref<128x16xf32, #tpu.memory_space<vmem>>
        %dma_start3A_284 = arith.constant 0 : i32
        %dma_start3A_285 = tpu.memref_slice %arg7[%add3A_147, %dma_start3A_284] : memref<80x128xi32, #tpu.memory_space<vmem>> -> memref<1x128xi32, #tpu.memory_space<vmem>>
        %dma_start3A_286 = tpu.memref_squeeze %dma_start3A_285 : memref<1x128xi32, #tpu.memory_space<vmem>> -> memref<128xi32, #tpu.memory_space<vmem>>
        %dma_start3A_287 = arith.constant 0 : i32
        %dma_start3A_288 = arith.constant 0 : i32
        %dma_start3A_289 = tpu.memref_slice %arg2[%dma_start3A_287, %dma_start3A_288] : memref<10000x16xf32, #tpu.memory_space<hbm>> -> memref<10000x16xf32, #tpu.memory_space<hbm>>
        %dma_start3A_290 = tpu.memref_slice %arg11[%dma_start3A_279] : memref<8x!tpu.dma_semaphore, #tpu.memory_space<semaphore_mem>> -> memref<1x!tpu.dma_semaphore, #tpu.memory_space<semaphore_mem>>
        %dma_start3A_291 = tpu.memref_squeeze %dma_start3A_290 : memref<1x!tpu.dma_semaphore, #tpu.memory_space<semaphore_mem>> -> memref<!tpu.dma_semaphore, #tpu.memory_space<semaphore_mem>>
        tpu.enqueue_indirect_dma source(%dma_start3A_289 : memref<10000x16xf32, #tpu.memory_space<hbm>>) target(%dma_start3A_283 : memref<128x16xf32, #tpu.memory_space<vmem>>) offsets(%dma_start3A_286 : memref<128xi32, #tpu.memory_space<vmem>>) semaphore(%dma_start3A_291 : memref<!tpu.dma_semaphore, #tpu.memory_space<semaphore_mem>>)
      } else {
      }
      %add3A_152 = arith.constant 2 : i32
      %add3A_153 = arith.addi %mul3A_111, %add3A_152 : i32
      %lt3A_154 = arith.cmpi slt, %add3A_153, %select_n3A : i32
      %convert_element_type3A_155 = arith.extui %lt3A_154 : i1 to i32
      %cond3A_156 = arith.constant 0 : i32
      %cond3A_157 = arith.cmpi ne, %convert_element_type3A_155, %cond3A_156 : i32
      scf.if %cond3A_157 {
        %dma_wait3A = arith.constant 2 : i32
        %dma_wait3A_278 = arith.constant 2 : i32
        %dma_wait3A_279 = arith.constant 0 : i32
        %dma_wait3A_280 = arith.constant 0 : i32
        %dma_wait3A_281 = tpu.memref_slice %arg9[%dma_wait3A, %dma_wait3A_279, %dma_wait3A_280] : memref<8x128x16xf32, #tpu.memory_space<vmem>> -> memref<1x128x16xf32, #tpu.memory_space<vmem>>
        %dma_wait3A_282 = tpu.memref_squeeze %dma_wait3A_281 : memref<1x128x16xf32, #tpu.memory_space<vmem>> -> memref<128x16xf32, #tpu.memory_space<vmem>>
        %dma_wait3A_283 = arith.constant 0 : i32
        %dma_wait3A_284 = tpu.memref_slice %arg7[%add3A_153, %dma_wait3A_283] : memref<80x128xi32, #tpu.memory_space<vmem>> -> memref<1x128xi32, #tpu.memory_space<vmem>>
        %dma_wait3A_285 = tpu.memref_squeeze %dma_wait3A_284 : memref<1x128xi32, #tpu.memory_space<vmem>> -> memref<128xi32, #tpu.memory_space<vmem>>
        %dma_wait3A_286 = arith.constant 0 : i32
        %dma_wait3A_287 = arith.constant 0 : i32
        %dma_wait3A_288 = tpu.memref_slice %arg2[%dma_wait3A_286, %dma_wait3A_287] : memref<10000x16xf32, #tpu.memory_space<hbm>> -> memref<10000x16xf32, #tpu.memory_space<hbm>>
        %dma_wait3A_289 = tpu.memref_slice %arg11[%dma_wait3A_278] : memref<8x!tpu.dma_semaphore, #tpu.memory_space<semaphore_mem>> -> memref<1x!tpu.dma_semaphore, #tpu.memory_space<semaphore_mem>>
        %dma_wait3A_290 = tpu.memref_squeeze %dma_wait3A_289 : memref<1x!tpu.dma_semaphore, #tpu.memory_space<semaphore_mem>> -> memref<!tpu.dma_semaphore, #tpu.memory_space<semaphore_mem>>
        tpu.wait_indirect_dma semaphore(%dma_wait3A_290 : memref<!tpu.dma_semaphore, #tpu.memory_space<semaphore_mem>>) src(%dma_wait3A_288 : memref<10000x16xf32, #tpu.memory_space<hbm>>) dst(%dma_wait3A_282 : memref<128x16xf32, #tpu.memory_space<vmem>>)
        %dma_start3A_291 = arith.constant 2 : i32
        %dma_start3A_292 = arith.constant 2 : i32
        %dma_start3A_293 = arith.constant 0 : i32
        %dma_start3A_294 = arith.constant 0 : i32
        %dma_start3A_295 = tpu.memref_slice %arg9[%dma_start3A_291, %dma_start3A_293, %dma_start3A_294] : memref<8x128x16xf32, #tpu.memory_space<vmem>> -> memref<1x128x16xf32, #tpu.memory_space<vmem>>
        %dma_start3A_296 = tpu.memref_squeeze %dma_start3A_295 : memref<1x128x16xf32, #tpu.memory_space<vmem>> -> memref<128x16xf32, #tpu.memory_space<vmem>>
        %dma_start3A_297 = arith.constant 0 : i32
        %dma_start3A_298 = tpu.memref_slice %arg8[%add3A_153, %dma_start3A_297] : memref<80x128xi32, #tpu.memory_space<vmem>> -> memref<1x128xi32, #tpu.memory_space<vmem>>
        %dma_start3A_299 = tpu.memref_squeeze %dma_start3A_298 : memref<1x128xi32, #tpu.memory_space<vmem>> -> memref<128xi32, #tpu.memory_space<vmem>>
        %dma_start3A_300 = arith.constant 0 : i32
        %dma_start3A_301 = arith.constant 0 : i32
        %dma_start3A_302 = tpu.memref_slice %arg10[%dma_start3A_300, %dma_start3A_301] : memref<10000x16xf32, #tpu.memory_space<vmem_shared>> -> memref<10000x16xf32, #tpu.memory_space<vmem_shared>>
        %dma_start3A_303 = tpu.memref_slice %arg12[%dma_start3A_292] : memref<8x!tpu.dma_semaphore, #tpu.memory_space<semaphore_mem>> -> memref<1x!tpu.dma_semaphore, #tpu.memory_space<semaphore_mem>>
        %dma_start3A_304 = tpu.memref_squeeze %dma_start3A_303 : memref<1x!tpu.dma_semaphore, #tpu.memory_space<semaphore_mem>> -> memref<!tpu.dma_semaphore, #tpu.memory_space<semaphore_mem>>
        tpu.enqueue_indirect_dma source(%dma_start3A_296 : memref<128x16xf32, #tpu.memory_space<vmem>>) target(%dma_start3A_302 : memref<10000x16xf32, #tpu.memory_space<vmem_shared>>) offsets(%dma_start3A_299 : memref<128xi32, #tpu.memory_space<vmem>>) semaphore(%dma_start3A_304 : memref<!tpu.dma_semaphore, #tpu.memory_space<semaphore_mem>>) {add = true}
      } else {
      }
      %sub3A_158 = arith.constant 4 : i32
      %sub3A_159 = arith.subi %add3A_153, %sub3A_158 : i32
      %ge3A_160 = arith.constant 0 : i32
      %ge3A_161 = arith.cmpi sge, %sub3A_159, %ge3A_160 : i32
      %lt3A_162 = arith.cmpi slt, %sub3A_159, %select_n3A : i32
      %and3A_163 = arith.andi %ge3A_161, %lt3A_162 : i1
      %convert_element_type3A_164 = arith.extui %and3A_163 : i1 to i32
      %cond3A_165 = arith.constant 0 : i32
      %cond3A_166 = arith.cmpi ne, %convert_element_type3A_164, %cond3A_165 : i32
      scf.if %cond3A_166 {
        %dma_wait3A = arith.constant 6 : i32
        %dma_wait3A_278 = arith.constant 6 : i32
        %dma_wait3A_279 = arith.constant 0 : i32
        %dma_wait3A_280 = arith.constant 0 : i32
        %dma_wait3A_281 = tpu.memref_slice %arg9[%dma_wait3A, %dma_wait3A_279, %dma_wait3A_280] : memref<8x128x16xf32, #tpu.memory_space<vmem>> -> memref<1x128x16xf32, #tpu.memory_space<vmem>>
        %dma_wait3A_282 = tpu.memref_squeeze %dma_wait3A_281 : memref<1x128x16xf32, #tpu.memory_space<vmem>> -> memref<128x16xf32, #tpu.memory_space<vmem>>
        %dma_wait3A_283 = arith.constant 0 : i32
        %dma_wait3A_284 = tpu.memref_slice %arg8[%sub3A_159, %dma_wait3A_283] : memref<80x128xi32, #tpu.memory_space<vmem>> -> memref<1x128xi32, #tpu.memory_space<vmem>>
        %dma_wait3A_285 = tpu.memref_squeeze %dma_wait3A_284 : memref<1x128xi32, #tpu.memory_space<vmem>> -> memref<128xi32, #tpu.memory_space<vmem>>
        %dma_wait3A_286 = arith.constant 0 : i32
        %dma_wait3A_287 = arith.constant 0 : i32
        %dma_wait3A_288 = tpu.memref_slice %arg10[%dma_wait3A_286, %dma_wait3A_287] : memref<10000x16xf32, #tpu.memory_space<vmem_shared>> -> memref<10000x16xf32, #tpu.memory_space<vmem_shared>>
        %dma_wait3A_289 = tpu.memref_slice %arg12[%dma_wait3A_278] : memref<8x!tpu.dma_semaphore, #tpu.memory_space<semaphore_mem>> -> memref<1x!tpu.dma_semaphore, #tpu.memory_space<semaphore_mem>>
        %dma_wait3A_290 = tpu.memref_squeeze %dma_wait3A_289 : memref<1x!tpu.dma_semaphore, #tpu.memory_space<semaphore_mem>> -> memref<!tpu.dma_semaphore, #tpu.memory_space<semaphore_mem>>
        tpu.wait_indirect_dma semaphore(%dma_wait3A_290 : memref<!tpu.dma_semaphore, #tpu.memory_space<semaphore_mem>>) src(%dma_wait3A_282 : memref<128x16xf32, #tpu.memory_space<vmem>>) dst(%dma_wait3A_288 : memref<10000x16xf32, #tpu.memory_space<vmem_shared>>)
      } else {
      }
      %add3A_167 = arith.constant 4 : i32
      %add3A_168 = arith.addi %add3A_153, %add3A_167 : i32
      %lt3A_169 = arith.cmpi slt, %add3A_168, %select_n3A : i32
      %convert_element_type3A_170 = arith.extui %lt3A_169 : i1 to i32
      %cond3A_171 = arith.constant 0 : i32
      %cond3A_172 = arith.cmpi ne, %convert_element_type3A_170, %cond3A_171 : i32
      scf.if %cond3A_172 {
        %dma_start3A_278 = arith.constant 6 : i32
        %dma_start3A_279 = arith.constant 6 : i32
        %dma_start3A_280 = arith.constant 0 : i32
        %dma_start3A_281 = arith.constant 0 : i32
        %dma_start3A_282 = tpu.memref_slice %arg9[%dma_start3A_278, %dma_start3A_280, %dma_start3A_281] : memref<8x128x16xf32, #tpu.memory_space<vmem>> -> memref<1x128x16xf32, #tpu.memory_space<vmem>>
        %dma_start3A_283 = tpu.memref_squeeze %dma_start3A_282 : memref<1x128x16xf32, #tpu.memory_space<vmem>> -> memref<128x16xf32, #tpu.memory_space<vmem>>
        %dma_start3A_284 = arith.constant 0 : i32
        %dma_start3A_285 = tpu.memref_slice %arg7[%add3A_168, %dma_start3A_284] : memref<80x128xi32, #tpu.memory_space<vmem>> -> memref<1x128xi32, #tpu.memory_space<vmem>>
        %dma_start3A_286 = tpu.memref_squeeze %dma_start3A_285 : memref<1x128xi32, #tpu.memory_space<vmem>> -> memref<128xi32, #tpu.memory_space<vmem>>
        %dma_start3A_287 = arith.constant 0 : i32
        %dma_start3A_288 = arith.constant 0 : i32
        %dma_start3A_289 = tpu.memref_slice %arg2[%dma_start3A_287, %dma_start3A_288] : memref<10000x16xf32, #tpu.memory_space<hbm>> -> memref<10000x16xf32, #tpu.memory_space<hbm>>
        %dma_start3A_290 = tpu.memref_slice %arg11[%dma_start3A_279] : memref<8x!tpu.dma_semaphore, #tpu.memory_space<semaphore_mem>> -> memref<1x!tpu.dma_semaphore, #tpu.memory_space<semaphore_mem>>
        %dma_start3A_291 = tpu.memref_squeeze %dma_start3A_290 : memref<1x!tpu.dma_semaphore, #tpu.memory_space<semaphore_mem>> -> memref<!tpu.dma_semaphore, #tpu.memory_space<semaphore_mem>>
        tpu.enqueue_indirect_dma source(%dma_start3A_289 : memref<10000x16xf32, #tpu.memory_space<hbm>>) target(%dma_start3A_283 : memref<128x16xf32, #tpu.memory_space<vmem>>) offsets(%dma_start3A_286 : memref<128xi32, #tpu.memory_space<vmem>>) semaphore(%dma_start3A_291 : memref<!tpu.dma_semaphore, #tpu.memory_space<semaphore_mem>>)
      } else {
      }
      %add3A_173 = arith.constant 3 : i32
      %add3A_174 = arith.addi %mul3A_111, %add3A_173 : i32
      %lt3A_175 = arith.cmpi slt, %add3A_174, %select_n3A : i32
      %convert_element_type3A_176 = arith.extui %lt3A_175 : i1 to i32
      %cond3A_177 = arith.constant 0 : i32
      %cond3A_178 = arith.cmpi ne, %convert_element_type3A_176, %cond3A_177 : i32
      scf.if %cond3A_178 {
        %dma_wait3A = arith.constant 3 : i32
        %dma_wait3A_278 = arith.constant 3 : i32
        %dma_wait3A_279 = arith.constant 0 : i32
        %dma_wait3A_280 = arith.constant 0 : i32
        %dma_wait3A_281 = tpu.memref_slice %arg9[%dma_wait3A, %dma_wait3A_279, %dma_wait3A_280] : memref<8x128x16xf32, #tpu.memory_space<vmem>> -> memref<1x128x16xf32, #tpu.memory_space<vmem>>
        %dma_wait3A_282 = tpu.memref_squeeze %dma_wait3A_281 : memref<1x128x16xf32, #tpu.memory_space<vmem>> -> memref<128x16xf32, #tpu.memory_space<vmem>>
        %dma_wait3A_283 = arith.constant 0 : i32
        %dma_wait3A_284 = tpu.memref_slice %arg7[%add3A_174, %dma_wait3A_283] : memref<80x128xi32, #tpu.memory_space<vmem>> -> memref<1x128xi32, #tpu.memory_space<vmem>>
        %dma_wait3A_285 = tpu.memref_squeeze %dma_wait3A_284 : memref<1x128xi32, #tpu.memory_space<vmem>> -> memref<128xi32, #tpu.memory_space<vmem>>
        %dma_wait3A_286 = arith.constant 0 : i32
        %dma_wait3A_287 = arith.constant 0 : i32
        %dma_wait3A_288 = tpu.memref_slice %arg2[%dma_wait3A_286, %dma_wait3A_287] : memref<10000x16xf32, #tpu.memory_space<hbm>> -> memref<10000x16xf32, #tpu.memory_space<hbm>>
        %dma_wait3A_289 = tpu.memref_slice %arg11[%dma_wait3A_278] : memref<8x!tpu.dma_semaphore, #tpu.memory_space<semaphore_mem>> -> memref<1x!tpu.dma_semaphore, #tpu.memory_space<semaphore_mem>>
        %dma_wait3A_290 = tpu.memref_squeeze %dma_wait3A_289 : memref<1x!tpu.dma_semaphore, #tpu.memory_space<semaphore_mem>> -> memref<!tpu.dma_semaphore, #tpu.memory_space<semaphore_mem>>
        tpu.wait_indirect_dma semaphore(%dma_wait3A_290 : memref<!tpu.dma_semaphore, #tpu.memory_space<semaphore_mem>>) src(%dma_wait3A_288 : memref<10000x16xf32, #tpu.memory_space<hbm>>) dst(%dma_wait3A_282 : memref<128x16xf32, #tpu.memory_space<vmem>>)
        %dma_start3A_291 = arith.constant 3 : i32
        %dma_start3A_292 = arith.constant 3 : i32
        %dma_start3A_293 = arith.constant 0 : i32
        %dma_start3A_294 = arith.constant 0 : i32
        %dma_start3A_295 = tpu.memref_slice %arg9[%dma_start3A_291, %dma_start3A_293, %dma_start3A_294] : memref<8x128x16xf32, #tpu.memory_space<vmem>> -> memref<1x128x16xf32, #tpu.memory_space<vmem>>
        %dma_start3A_296 = tpu.memref_squeeze %dma_start3A_295 : memref<1x128x16xf32, #tpu.memory_space<vmem>> -> memref<128x16xf32, #tpu.memory_space<vmem>>
        %dma_start3A_297 = arith.constant 0 : i32
        %dma_start3A_298 = tpu.memref_slice %arg8[%add3A_174, %dma_start3A_297] : memref<80x128xi32, #tpu.memory_space<vmem>> -> memref<1x128xi32, #tpu.memory_space<vmem>>
        %dma_start3A_299 = tpu.memref_squeeze %dma_start3A_298 : memref<1x128xi32, #tpu.memory_space<vmem>> -> memref<128xi32, #tpu.memory_space<vmem>>
        %dma_start3A_300 = arith.constant 0 : i32
        %dma_start3A_301 = arith.constant 0 : i32
        %dma_start3A_302 = tpu.memref_slice %arg10[%dma_start3A_300, %dma_start3A_301] : memref<10000x16xf32, #tpu.memory_space<vmem_shared>> -> memref<10000x16xf32, #tpu.memory_space<vmem_shared>>
        %dma_start3A_303 = tpu.memref_slice %arg12[%dma_start3A_292] : memref<8x!tpu.dma_semaphore, #tpu.memory_space<semaphore_mem>> -> memref<1x!tpu.dma_semaphore, #tpu.memory_space<semaphore_mem>>
        %dma_start3A_304 = tpu.memref_squeeze %dma_start3A_303 : memref<1x!tpu.dma_semaphore, #tpu.memory_space<semaphore_mem>> -> memref<!tpu.dma_semaphore, #tpu.memory_space<semaphore_mem>>
        tpu.enqueue_indirect_dma source(%dma_start3A_296 : memref<128x16xf32, #tpu.memory_space<vmem>>) target(%dma_start3A_302 : memref<10000x16xf32, #tpu.memory_space<vmem_shared>>) offsets(%dma_start3A_299 : memref<128xi32, #tpu.memory_space<vmem>>) semaphore(%dma_start3A_304 : memref<!tpu.dma_semaphore, #tpu.memory_space<semaphore_mem>>) {add = true}
      } else {
      }
      %sub3A_179 = arith.constant 4 : i32
      %sub3A_180 = arith.subi %add3A_174, %sub3A_179 : i32
      %ge3A_181 = arith.constant 0 : i32
      %ge3A_182 = arith.cmpi sge, %sub3A_180, %ge3A_181 : i32
      %lt3A_183 = arith.cmpi slt, %sub3A_180, %select_n3A : i32
      %and3A_184 = arith.andi %ge3A_182, %lt3A_183 : i1
      %convert_element_type3A_185 = arith.extui %and3A_184 : i1 to i32
      %cond3A_186 = arith.constant 0 : i32
      %cond3A_187 = arith.cmpi ne, %convert_element_type3A_185, %cond3A_186 : i32
      scf.if %cond3A_187 {
        %dma_wait3A = arith.constant 7 : i32
        %dma_wait3A_278 = arith.constant 7 : i32
        %dma_wait3A_279 = arith.constant 0 : i32
        %dma_wait3A_280 = arith.constant 0 : i32
        %dma_wait3A_281 = tpu.memref_slice %arg9[%dma_wait3A, %dma_wait3A_279, %dma_wait3A_280] : memref<8x128x16xf32, #tpu.memory_space<vmem>> -> memref<1x128x16xf32, #tpu.memory_space<vmem>>
        %dma_wait3A_282 = tpu.memref_squeeze %dma_wait3A_281 : memref<1x128x16xf32, #tpu.memory_space<vmem>> -> memref<128x16xf32, #tpu.memory_space<vmem>>
        %dma_wait3A_283 = arith.constant 0 : i32
        %dma_wait3A_284 = tpu.memref_slice %arg8[%sub3A_180, %dma_wait3A_283] : memref<80x128xi32, #tpu.memory_space<vmem>> -> memref<1x128xi32, #tpu.memory_space<vmem>>
        %dma_wait3A_285 = tpu.memref_squeeze %dma_wait3A_284 : memref<1x128xi32, #tpu.memory_space<vmem>> -> memref<128xi32, #tpu.memory_space<vmem>>
        %dma_wait3A_286 = arith.constant 0 : i32
        %dma_wait3A_287 = arith.constant 0 : i32
        %dma_wait3A_288 = tpu.memref_slice %arg10[%dma_wait3A_286, %dma_wait3A_287] : memref<10000x16xf32, #tpu.memory_space<vmem_shared>> -> memref<10000x16xf32, #tpu.memory_space<vmem_shared>>
        %dma_wait3A_289 = tpu.memref_slice %arg12[%dma_wait3A_278] : memref<8x!tpu.dma_semaphore, #tpu.memory_space<semaphore_mem>> -> memref<1x!tpu.dma_semaphore, #tpu.memory_space<semaphore_mem>>
        %dma_wait3A_290 = tpu.memref_squeeze %dma_wait3A_289 : memref<1x!tpu.dma_semaphore, #tpu.memory_space<semaphore_mem>> -> memref<!tpu.dma_semaphore, #tpu.memory_space<semaphore_mem>>
        tpu.wait_indirect_dma semaphore(%dma_wait3A_290 : memref<!tpu.dma_semaphore, #tpu.memory_space<semaphore_mem>>) src(%dma_wait3A_282 : memref<128x16xf32, #tpu.memory_space<vmem>>) dst(%dma_wait3A_288 : memref<10000x16xf32, #tpu.memory_space<vmem_shared>>)
      } else {
      }
      %add3A_188 = arith.constant 4 : i32
      %add3A_189 = arith.addi %add3A_174, %add3A_188 : i32
      %lt3A_190 = arith.cmpi slt, %add3A_189, %select_n3A : i32
      %convert_element_type3A_191 = arith.extui %lt3A_190 : i1 to i32
      %cond3A_192 = arith.constant 0 : i32
      %cond3A_193 = arith.cmpi ne, %convert_element_type3A_191, %cond3A_192 : i32
      scf.if %cond3A_193 {
        %dma_start3A_278 = arith.constant 7 : i32
        %dma_start3A_279 = arith.constant 7 : i32
        %dma_start3A_280 = arith.constant 0 : i32
        %dma_start3A_281 = arith.constant 0 : i32
        %dma_start3A_282 = tpu.memref_slice %arg9[%dma_start3A_278, %dma_start3A_280, %dma_start3A_281] : memref<8x128x16xf32, #tpu.memory_space<vmem>> -> memref<1x128x16xf32, #tpu.memory_space<vmem>>
        %dma_start3A_283 = tpu.memref_squeeze %dma_start3A_282 : memref<1x128x16xf32, #tpu.memory_space<vmem>> -> memref<128x16xf32, #tpu.memory_space<vmem>>
        %dma_start3A_284 = arith.constant 0 : i32
        %dma_start3A_285 = tpu.memref_slice %arg7[%add3A_189, %dma_start3A_284] : memref<80x128xi32, #tpu.memory_space<vmem>> -> memref<1x128xi32, #tpu.memory_space<vmem>>
        %dma_start3A_286 = tpu.memref_squeeze %dma_start3A_285 : memref<1x128xi32, #tpu.memory_space<vmem>> -> memref<128xi32, #tpu.memory_space<vmem>>
        %dma_start3A_287 = arith.constant 0 : i32
        %dma_start3A_288 = arith.constant 0 : i32
        %dma_start3A_289 = tpu.memref_slice %arg2[%dma_start3A_287, %dma_start3A_288] : memref<10000x16xf32, #tpu.memory_space<hbm>> -> memref<10000x16xf32, #tpu.memory_space<hbm>>
        %dma_start3A_290 = tpu.memref_slice %arg11[%dma_start3A_279] : memref<8x!tpu.dma_semaphore, #tpu.memory_space<semaphore_mem>> -> memref<1x!tpu.dma_semaphore, #tpu.memory_space<semaphore_mem>>
        %dma_start3A_291 = tpu.memref_squeeze %dma_start3A_290 : memref<1x!tpu.dma_semaphore, #tpu.memory_space<semaphore_mem>> -> memref<!tpu.dma_semaphore, #tpu.memory_space<semaphore_mem>>
        tpu.enqueue_indirect_dma source(%dma_start3A_289 : memref<10000x16xf32, #tpu.memory_space<hbm>>) target(%dma_start3A_283 : memref<128x16xf32, #tpu.memory_space<vmem>>) offsets(%dma_start3A_286 : memref<128xi32, #tpu.memory_space<vmem>>) semaphore(%dma_start3A_291 : memref<!tpu.dma_semaphore, #tpu.memory_space<semaphore_mem>>)
      } else {
      }
      %add3A_194 = arith.constant 4 : i32
      %add3A_195 = arith.addi %mul3A_111, %add3A_194 : i32
      %lt3A_196 = arith.cmpi slt, %add3A_195, %select_n3A : i32
      %convert_element_type3A_197 = arith.extui %lt3A_196 : i1 to i32
      %cond3A_198 = arith.constant 0 : i32
      %cond3A_199 = arith.cmpi ne, %convert_element_type3A_197, %cond3A_198 : i32
      scf.if %cond3A_199 {
        %dma_wait3A = arith.constant 4 : i32
        %dma_wait3A_278 = arith.constant 4 : i32
        %dma_wait3A_279 = arith.constant 0 : i32
        %dma_wait3A_280 = arith.constant 0 : i32
        %dma_wait3A_281 = tpu.memref_slice %arg9[%dma_wait3A, %dma_wait3A_279, %dma_wait3A_280] : memref<8x128x16xf32, #tpu.memory_space<vmem>> -> memref<1x128x16xf32, #tpu.memory_space<vmem>>
        %dma_wait3A_282 = tpu.memref_squeeze %dma_wait3A_281 : memref<1x128x16xf32, #tpu.memory_space<vmem>> -> memref<128x16xf32, #tpu.memory_space<vmem>>
        %dma_wait3A_283 = arith.constant 0 : i32
        %dma_wait3A_284 = tpu.memref_slice %arg7[%add3A_195, %dma_wait3A_283] : memref<80x128xi32, #tpu.memory_space<vmem>> -> memref<1x128xi32, #tpu.memory_space<vmem>>
        %dma_wait3A_285 = tpu.memref_squeeze %dma_wait3A_284 : memref<1x128xi32, #tpu.memory_space<vmem>> -> memref<128xi32, #tpu.memory_space<vmem>>
        %dma_wait3A_286 = arith.constant 0 : i32
        %dma_wait3A_287 = arith.constant 0 : i32
        %dma_wait3A_288 = tpu.memref_slice %arg2[%dma_wait3A_286, %dma_wait3A_287] : memref<10000x16xf32, #tpu.memory_space<hbm>> -> memref<10000x16xf32, #tpu.memory_space<hbm>>
        %dma_wait3A_289 = tpu.memref_slice %arg11[%dma_wait3A_278] : memref<8x!tpu.dma_semaphore, #tpu.memory_space<semaphore_mem>> -> memref<1x!tpu.dma_semaphore, #tpu.memory_space<semaphore_mem>>
        %dma_wait3A_290 = tpu.memref_squeeze %dma_wait3A_289 : memref<1x!tpu.dma_semaphore, #tpu.memory_space<semaphore_mem>> -> memref<!tpu.dma_semaphore, #tpu.memory_space<semaphore_mem>>
        tpu.wait_indirect_dma semaphore(%dma_wait3A_290 : memref<!tpu.dma_semaphore, #tpu.memory_space<semaphore_mem>>) src(%dma_wait3A_288 : memref<10000x16xf32, #tpu.memory_space<hbm>>) dst(%dma_wait3A_282 : memref<128x16xf32, #tpu.memory_space<vmem>>)
        %dma_start3A_291 = arith.constant 4 : i32
        %dma_start3A_292 = arith.constant 4 : i32
        %dma_start3A_293 = arith.constant 0 : i32
        %dma_start3A_294 = arith.constant 0 : i32
        %dma_start3A_295 = tpu.memref_slice %arg9[%dma_start3A_291, %dma_start3A_293, %dma_start3A_294] : memref<8x128x16xf32, #tpu.memory_space<vmem>> -> memref<1x128x16xf32, #tpu.memory_space<vmem>>
        %dma_start3A_296 = tpu.memref_squeeze %dma_start3A_295 : memref<1x128x16xf32, #tpu.memory_space<vmem>> -> memref<128x16xf32, #tpu.memory_space<vmem>>
        %dma_start3A_297 = arith.constant 0 : i32
        %dma_start3A_298 = tpu.memref_slice %arg8[%add3A_195, %dma_start3A_297] : memref<80x128xi32, #tpu.memory_space<vmem>> -> memref<1x128xi32, #tpu.memory_space<vmem>>
        %dma_start3A_299 = tpu.memref_squeeze %dma_start3A_298 : memref<1x128xi32, #tpu.memory_space<vmem>> -> memref<128xi32, #tpu.memory_space<vmem>>
        %dma_start3A_300 = arith.constant 0 : i32
        %dma_start3A_301 = arith.constant 0 : i32
        %dma_start3A_302 = tpu.memref_slice %arg10[%dma_start3A_300, %dma_start3A_301] : memref<10000x16xf32, #tpu.memory_space<vmem_shared>> -> memref<10000x16xf32, #tpu.memory_space<vmem_shared>>
        %dma_start3A_303 = tpu.memref_slice %arg12[%dma_start3A_292] : memref<8x!tpu.dma_semaphore, #tpu.memory_space<semaphore_mem>> -> memref<1x!tpu.dma_semaphore, #tpu.memory_space<semaphore_mem>>
        %dma_start3A_304 = tpu.memref_squeeze %dma_start3A_303 : memref<1x!tpu.dma_semaphore, #tpu.memory_space<semaphore_mem>> -> memref<!tpu.dma_semaphore, #tpu.memory_space<semaphore_mem>>
        tpu.enqueue_indirect_dma source(%dma_start3A_296 : memref<128x16xf32, #tpu.memory_space<vmem>>) target(%dma_start3A_302 : memref<10000x16xf32, #tpu.memory_space<vmem_shared>>) offsets(%dma_start3A_299 : memref<128xi32, #tpu.memory_space<vmem>>) semaphore(%dma_start3A_304 : memref<!tpu.dma_semaphore, #tpu.memory_space<semaphore_mem>>) {add = true}
      } else {
      }
      %sub3A_200 = arith.constant 4 : i32
      %sub3A_201 = arith.subi %add3A_195, %sub3A_200 : i32
      %ge3A_202 = arith.constant 0 : i32
      %ge3A_203 = arith.cmpi sge, %sub3A_201, %ge3A_202 : i32
      %lt3A_204 = arith.cmpi slt, %sub3A_201, %select_n3A : i32
      %and3A_205 = arith.andi %ge3A_203, %lt3A_204 : i1
      %convert_element_type3A_206 = arith.extui %and3A_205 : i1 to i32
      %cond3A_207 = arith.constant 0 : i32
      %cond3A_208 = arith.cmpi ne, %convert_element_type3A_206, %cond3A_207 : i32
      scf.if %cond3A_208 {
        %dma_wait3A = arith.constant 0 : i32
        %dma_wait3A_278 = arith.constant 0 : i32
        %dma_wait3A_279 = arith.constant 0 : i32
        %dma_wait3A_280 = arith.constant 0 : i32
        %dma_wait3A_281 = tpu.memref_slice %arg9[%dma_wait3A, %dma_wait3A_279, %dma_wait3A_280] : memref<8x128x16xf32, #tpu.memory_space<vmem>> -> memref<1x128x16xf32, #tpu.memory_space<vmem>>
        %dma_wait3A_282 = tpu.memref_squeeze %dma_wait3A_281 : memref<1x128x16xf32, #tpu.memory_space<vmem>> -> memref<128x16xf32, #tpu.memory_space<vmem>>
        %dma_wait3A_283 = arith.constant 0 : i32
        %dma_wait3A_284 = tpu.memref_slice %arg8[%sub3A_201, %dma_wait3A_283] : memref<80x128xi32, #tpu.memory_space<vmem>> -> memref<1x128xi32, #tpu.memory_space<vmem>>
        %dma_wait3A_285 = tpu.memref_squeeze %dma_wait3A_284 : memref<1x128xi32, #tpu.memory_space<vmem>> -> memref<128xi32, #tpu.memory_space<vmem>>
        %dma_wait3A_286 = arith.constant 0 : i32
        %dma_wait3A_287 = arith.constant 0 : i32
        %dma_wait3A_288 = tpu.memref_slice %arg10[%dma_wait3A_286, %dma_wait3A_287] : memref<10000x16xf32, #tpu.memory_space<vmem_shared>> -> memref<10000x16xf32, #tpu.memory_space<vmem_shared>>
        %dma_wait3A_289 = tpu.memref_slice %arg12[%dma_wait3A_278] : memref<8x!tpu.dma_semaphore, #tpu.memory_space<semaphore_mem>> -> memref<1x!tpu.dma_semaphore, #tpu.memory_space<semaphore_mem>>
        %dma_wait3A_290 = tpu.memref_squeeze %dma_wait3A_289 : memref<1x!tpu.dma_semaphore, #tpu.memory_space<semaphore_mem>> -> memref<!tpu.dma_semaphore, #tpu.memory_space<semaphore_mem>>
        tpu.wait_indirect_dma semaphore(%dma_wait3A_290 : memref<!tpu.dma_semaphore, #tpu.memory_space<semaphore_mem>>) src(%dma_wait3A_282 : memref<128x16xf32, #tpu.memory_space<vmem>>) dst(%dma_wait3A_288 : memref<10000x16xf32, #tpu.memory_space<vmem_shared>>)
      } else {
      }
      %add3A_209 = arith.constant 4 : i32
      %add3A_210 = arith.addi %add3A_195, %add3A_209 : i32
      %lt3A_211 = arith.cmpi slt, %add3A_210, %select_n3A : i32
      %convert_element_type3A_212 = arith.extui %lt3A_211 : i1 to i32
      %cond3A_213 = arith.constant 0 : i32
      %cond3A_214 = arith.cmpi ne, %convert_element_type3A_212, %cond3A_213 : i32
      scf.if %cond3A_214 {
        %dma_start3A_278 = arith.constant 0 : i32
        %dma_start3A_279 = arith.constant 0 : i32
        %dma_start3A_280 = arith.constant 0 : i32
        %dma_start3A_281 = arith.constant 0 : i32
        %dma_start3A_282 = tpu.memref_slice %arg9[%dma_start3A_278, %dma_start3A_280, %dma_start3A_281] : memref<8x128x16xf32, #tpu.memory_space<vmem>> -> memref<1x128x16xf32, #tpu.memory_space<vmem>>
        %dma_start3A_283 = tpu.memref_squeeze %dma_start3A_282 : memref<1x128x16xf32, #tpu.memory_space<vmem>> -> memref<128x16xf32, #tpu.memory_space<vmem>>
        %dma_start3A_284 = arith.constant 0 : i32
        %dma_start3A_285 = tpu.memref_slice %arg7[%add3A_210, %dma_start3A_284] : memref<80x128xi32, #tpu.memory_space<vmem>> -> memref<1x128xi32, #tpu.memory_space<vmem>>
        %dma_start3A_286 = tpu.memref_squeeze %dma_start3A_285 : memref<1x128xi32, #tpu.memory_space<vmem>> -> memref<128xi32, #tpu.memory_space<vmem>>
        %dma_start3A_287 = arith.constant 0 : i32
        %dma_start3A_288 = arith.constant 0 : i32
        %dma_start3A_289 = tpu.memref_slice %arg2[%dma_start3A_287, %dma_start3A_288] : memref<10000x16xf32, #tpu.memory_space<hbm>> -> memref<10000x16xf32, #tpu.memory_space<hbm>>
        %dma_start3A_290 = tpu.memref_slice %arg11[%dma_start3A_279] : memref<8x!tpu.dma_semaphore, #tpu.memory_space<semaphore_mem>> -> memref<1x!tpu.dma_semaphore, #tpu.memory_space<semaphore_mem>>
        %dma_start3A_291 = tpu.memref_squeeze %dma_start3A_290 : memref<1x!tpu.dma_semaphore, #tpu.memory_space<semaphore_mem>> -> memref<!tpu.dma_semaphore, #tpu.memory_space<semaphore_mem>>
        tpu.enqueue_indirect_dma source(%dma_start3A_289 : memref<10000x16xf32, #tpu.memory_space<hbm>>) target(%dma_start3A_283 : memref<128x16xf32, #tpu.memory_space<vmem>>) offsets(%dma_start3A_286 : memref<128xi32, #tpu.memory_space<vmem>>) semaphore(%dma_start3A_291 : memref<!tpu.dma_semaphore, #tpu.memory_space<semaphore_mem>>)
      } else {
      }
      %add3A_215 = arith.constant 5 : i32
      %add3A_216 = arith.addi %mul3A_111, %add3A_215 : i32
      %lt3A_217 = arith.cmpi slt, %add3A_216, %select_n3A : i32
      %convert_element_type3A_218 = arith.extui %lt3A_217 : i1 to i32
      %cond3A_219 = arith.constant 0 : i32
      %cond3A_220 = arith.cmpi ne, %convert_element_type3A_218, %cond3A_219 : i32
      scf.if %cond3A_220 {
        %dma_wait3A = arith.constant 5 : i32
        %dma_wait3A_278 = arith.constant 5 : i32
        %dma_wait3A_279 = arith.constant 0 : i32
        %dma_wait3A_280 = arith.constant 0 : i32
        %dma_wait3A_281 = tpu.memref_slice %arg9[%dma_wait3A, %dma_wait3A_279, %dma_wait3A_280] : memref<8x128x16xf32, #tpu.memory_space<vmem>> -> memref<1x128x16xf32, #tpu.memory_space<vmem>>
        %dma_wait3A_282 = tpu.memref_squeeze %dma_wait3A_281 : memref<1x128x16xf32, #tpu.memory_space<vmem>> -> memref<128x16xf32, #tpu.memory_space<vmem>>
        %dma_wait3A_283 = arith.constant 0 : i32
        %dma_wait3A_284 = tpu.memref_slice %arg7[%add3A_216, %dma_wait3A_283] : memref<80x128xi32, #tpu.memory_space<vmem>> -> memref<1x128xi32, #tpu.memory_space<vmem>>
        %dma_wait3A_285 = tpu.memref_squeeze %dma_wait3A_284 : memref<1x128xi32, #tpu.memory_space<vmem>> -> memref<128xi32, #tpu.memory_space<vmem>>
        %dma_wait3A_286 = arith.constant 0 : i32
        %dma_wait3A_287 = arith.constant 0 : i32
        %dma_wait3A_288 = tpu.memref_slice %arg2[%dma_wait3A_286, %dma_wait3A_287] : memref<10000x16xf32, #tpu.memory_space<hbm>> -> memref<10000x16xf32, #tpu.memory_space<hbm>>
        %dma_wait3A_289 = tpu.memref_slice %arg11[%dma_wait3A_278] : memref<8x!tpu.dma_semaphore, #tpu.memory_space<semaphore_mem>> -> memref<1x!tpu.dma_semaphore, #tpu.memory_space<semaphore_mem>>
        %dma_wait3A_290 = tpu.memref_squeeze %dma_wait3A_289 : memref<1x!tpu.dma_semaphore, #tpu.memory_space<semaphore_mem>> -> memref<!tpu.dma_semaphore, #tpu.memory_space<semaphore_mem>>
        tpu.wait_indirect_dma semaphore(%dma_wait3A_290 : memref<!tpu.dma_semaphore, #tpu.memory_space<semaphore_mem>>) src(%dma_wait3A_288 : memref<10000x16xf32, #tpu.memory_space<hbm>>) dst(%dma_wait3A_282 : memref<128x16xf32, #tpu.memory_space<vmem>>)
        %dma_start3A_291 = arith.constant 5 : i32
        %dma_start3A_292 = arith.constant 5 : i32
        %dma_start3A_293 = arith.constant 0 : i32
        %dma_start3A_294 = arith.constant 0 : i32
        %dma_start3A_295 = tpu.memref_slice %arg9[%dma_start3A_291, %dma_start3A_293, %dma_start3A_294] : memref<8x128x16xf32, #tpu.memory_space<vmem>> -> memref<1x128x16xf32, #tpu.memory_space<vmem>>
        %dma_start3A_296 = tpu.memref_squeeze %dma_start3A_295 : memref<1x128x16xf32, #tpu.memory_space<vmem>> -> memref<128x16xf32, #tpu.memory_space<vmem>>
        %dma_start3A_297 = arith.constant 0 : i32
        %dma_start3A_298 = tpu.memref_slice %arg8[%add3A_216, %dma_start3A_297] : memref<80x128xi32, #tpu.memory_space<vmem>> -> memref<1x128xi32, #tpu.memory_space<vmem>>
        %dma_start3A_299 = tpu.memref_squeeze %dma_start3A_298 : memref<1x128xi32, #tpu.memory_space<vmem>> -> memref<128xi32, #tpu.memory_space<vmem>>
        %dma_start3A_300 = arith.constant 0 : i32
        %dma_start3A_301 = arith.constant 0 : i32
        %dma_start3A_302 = tpu.memref_slice %arg10[%dma_start3A_300, %dma_start3A_301] : memref<10000x16xf32, #tpu.memory_space<vmem_shared>> -> memref<10000x16xf32, #tpu.memory_space<vmem_shared>>
        %dma_start3A_303 = tpu.memref_slice %arg12[%dma_start3A_292] : memref<8x!tpu.dma_semaphore, #tpu.memory_space<semaphore_mem>> -> memref<1x!tpu.dma_semaphore, #tpu.memory_space<semaphore_mem>>
        %dma_start3A_304 = tpu.memref_squeeze %dma_start3A_303 : memref<1x!tpu.dma_semaphore, #tpu.memory_space<semaphore_mem>> -> memref<!tpu.dma_semaphore, #tpu.memory_space<semaphore_mem>>
        tpu.enqueue_indirect_dma source(%dma_start3A_296 : memref<128x16xf32, #tpu.memory_space<vmem>>) target(%dma_start3A_302 : memref<10000x16xf32, #tpu.memory_space<vmem_shared>>) offsets(%dma_start3A_299 : memref<128xi32, #tpu.memory_space<vmem>>) semaphore(%dma_start3A_304 : memref<!tpu.dma_semaphore, #tpu.memory_space<semaphore_mem>>) {add = true}
      } else {
      }
      %sub3A_221 = arith.constant 4 : i32
      %sub3A_222 = arith.subi %add3A_216, %sub3A_221 : i32
      %ge3A_223 = arith.constant 0 : i32
      %ge3A_224 = arith.cmpi sge, %sub3A_222, %ge3A_223 : i32
      %lt3A_225 = arith.cmpi slt, %sub3A_222, %select_n3A : i32
      %and3A_226 = arith.andi %ge3A_224, %lt3A_225 : i1
      %convert_element_type3A_227 = arith.extui %and3A_226 : i1 to i32
      %cond3A_228 = arith.constant 0 : i32
      %cond3A_229 = arith.cmpi ne, %convert_element_type3A_227, %cond3A_228 : i32
      scf.if %cond3A_229 {
        %dma_wait3A = arith.constant 1 : i32
        %dma_wait3A_278 = arith.constant 1 : i32
        %dma_wait3A_279 = arith.constant 0 : i32
        %dma_wait3A_280 = arith.constant 0 : i32
        %dma_wait3A_281 = tpu.memref_slice %arg9[%dma_wait3A, %dma_wait3A_279, %dma_wait3A_280] : memref<8x128x16xf32, #tpu.memory_space<vmem>> -> memref<1x128x16xf32, #tpu.memory_space<vmem>>
        %dma_wait3A_282 = tpu.memref_squeeze %dma_wait3A_281 : memref<1x128x16xf32, #tpu.memory_space<vmem>> -> memref<128x16xf32, #tpu.memory_space<vmem>>
        %dma_wait3A_283 = arith.constant 0 : i32
        %dma_wait3A_284 = tpu.memref_slice %arg8[%sub3A_222, %dma_wait3A_283] : memref<80x128xi32, #tpu.memory_space<vmem>> -> memref<1x128xi32, #tpu.memory_space<vmem>>
        %dma_wait3A_285 = tpu.memref_squeeze %dma_wait3A_284 : memref<1x128xi32, #tpu.memory_space<vmem>> -> memref<128xi32, #tpu.memory_space<vmem>>
        %dma_wait3A_286 = arith.constant 0 : i32
        %dma_wait3A_287 = arith.constant 0 : i32
        %dma_wait3A_288 = tpu.memref_slice %arg10[%dma_wait3A_286, %dma_wait3A_287] : memref<10000x16xf32, #tpu.memory_space<vmem_shared>> -> memref<10000x16xf32, #tpu.memory_space<vmem_shared>>
        %dma_wait3A_289 = tpu.memref_slice %arg12[%dma_wait3A_278] : memref<8x!tpu.dma_semaphore, #tpu.memory_space<semaphore_mem>> -> memref<1x!tpu.dma_semaphore, #tpu.memory_space<semaphore_mem>>
        %dma_wait3A_290 = tpu.memref_squeeze %dma_wait3A_289 : memref<1x!tpu.dma_semaphore, #tpu.memory_space<semaphore_mem>> -> memref<!tpu.dma_semaphore, #tpu.memory_space<semaphore_mem>>
        tpu.wait_indirect_dma semaphore(%dma_wait3A_290 : memref<!tpu.dma_semaphore, #tpu.memory_space<semaphore_mem>>) src(%dma_wait3A_282 : memref<128x16xf32, #tpu.memory_space<vmem>>) dst(%dma_wait3A_288 : memref<10000x16xf32, #tpu.memory_space<vmem_shared>>)
      } else {
      }
      %add3A_230 = arith.constant 4 : i32
      %add3A_231 = arith.addi %add3A_216, %add3A_230 : i32
      %lt3A_232 = arith.cmpi slt, %add3A_231, %select_n3A : i32
      %convert_element_type3A_233 = arith.extui %lt3A_232 : i1 to i32
      %cond3A_234 = arith.constant 0 : i32
      %cond3A_235 = arith.cmpi ne, %convert_element_type3A_233, %cond3A_234 : i32
      scf.if %cond3A_235 {
        %dma_start3A_278 = arith.constant 1 : i32
        %dma_start3A_279 = arith.constant 1 : i32
        %dma_start3A_280 = arith.constant 0 : i32
        %dma_start3A_281 = arith.constant 0 : i32
        %dma_start3A_282 = tpu.memref_slice %arg9[%dma_start3A_278, %dma_start3A_280, %dma_start3A_281] : memref<8x128x16xf32, #tpu.memory_space<vmem>> -> memref<1x128x16xf32, #tpu.memory_space<vmem>>
        %dma_start3A_283 = tpu.memref_squeeze %dma_start3A_282 : memref<1x128x16xf32, #tpu.memory_space<vmem>> -> memref<128x16xf32, #tpu.memory_space<vmem>>
        %dma_start3A_284 = arith.constant 0 : i32
        %dma_start3A_285 = tpu.memref_slice %arg7[%add3A_231, %dma_start3A_284] : memref<80x128xi32, #tpu.memory_space<vmem>> -> memref<1x128xi32, #tpu.memory_space<vmem>>
        %dma_start3A_286 = tpu.memref_squeeze %dma_start3A_285 : memref<1x128xi32, #tpu.memory_space<vmem>> -> memref<128xi32, #tpu.memory_space<vmem>>
        %dma_start3A_287 = arith.constant 0 : i32
        %dma_start3A_288 = arith.constant 0 : i32
        %dma_start3A_289 = tpu.memref_slice %arg2[%dma_start3A_287, %dma_start3A_288] : memref<10000x16xf32, #tpu.memory_space<hbm>> -> memref<10000x16xf32, #tpu.memory_space<hbm>>
        %dma_start3A_290 = tpu.memref_slice %arg11[%dma_start3A_279] : memref<8x!tpu.dma_semaphore, #tpu.memory_space<semaphore_mem>> -> memref<1x!tpu.dma_semaphore, #tpu.memory_space<semaphore_mem>>
        %dma_start3A_291 = tpu.memref_squeeze %dma_start3A_290 : memref<1x!tpu.dma_semaphore, #tpu.memory_space<semaphore_mem>> -> memref<!tpu.dma_semaphore, #tpu.memory_space<semaphore_mem>>
        tpu.enqueue_indirect_dma source(%dma_start3A_289 : memref<10000x16xf32, #tpu.memory_space<hbm>>) target(%dma_start3A_283 : memref<128x16xf32, #tpu.memory_space<vmem>>) offsets(%dma_start3A_286 : memref<128xi32, #tpu.memory_space<vmem>>) semaphore(%dma_start3A_291 : memref<!tpu.dma_semaphore, #tpu.memory_space<semaphore_mem>>)
      } else {
      }
      %add3A_236 = arith.constant 6 : i32
      %add3A_237 = arith.addi %mul3A_111, %add3A_236 : i32
      %lt3A_238 = arith.cmpi slt, %add3A_237, %select_n3A : i32
      %convert_element_type3A_239 = arith.extui %lt3A_238 : i1 to i32
      %cond3A_240 = arith.constant 0 : i32
      %cond3A_241 = arith.cmpi ne, %convert_element_type3A_239, %cond3A_240 : i32
      scf.if %cond3A_241 {
        %dma_wait3A = arith.constant 6 : i32
        %dma_wait3A_278 = arith.constant 6 : i32
        %dma_wait3A_279 = arith.constant 0 : i32
        %dma_wait3A_280 = arith.constant 0 : i32
        %dma_wait3A_281 = tpu.memref_slice %arg9[%dma_wait3A, %dma_wait3A_279, %dma_wait3A_280] : memref<8x128x16xf32, #tpu.memory_space<vmem>> -> memref<1x128x16xf32, #tpu.memory_space<vmem>>
        %dma_wait3A_282 = tpu.memref_squeeze %dma_wait3A_281 : memref<1x128x16xf32, #tpu.memory_space<vmem>> -> memref<128x16xf32, #tpu.memory_space<vmem>>
        %dma_wait3A_283 = arith.constant 0 : i32
        %dma_wait3A_284 = tpu.memref_slice %arg7[%add3A_237, %dma_wait3A_283] : memref<80x128xi32, #tpu.memory_space<vmem>> -> memref<1x128xi32, #tpu.memory_space<vmem>>
        %dma_wait3A_285 = tpu.memref_squeeze %dma_wait3A_284 : memref<1x128xi32, #tpu.memory_space<vmem>> -> memref<128xi32, #tpu.memory_space<vmem>>
        %dma_wait3A_286 = arith.constant 0 : i32
        %dma_wait3A_287 = arith.constant 0 : i32
        %dma_wait3A_288 = tpu.memref_slice %arg2[%dma_wait3A_286, %dma_wait3A_287] : memref<10000x16xf32, #tpu.memory_space<hbm>> -> memref<10000x16xf32, #tpu.memory_space<hbm>>
        %dma_wait3A_289 = tpu.memref_slice %arg11[%dma_wait3A_278] : memref<8x!tpu.dma_semaphore, #tpu.memory_space<semaphore_mem>> -> memref<1x!tpu.dma_semaphore, #tpu.memory_space<semaphore_mem>>
        %dma_wait3A_290 = tpu.memref_squeeze %dma_wait3A_289 : memref<1x!tpu.dma_semaphore, #tpu.memory_space<semaphore_mem>> -> memref<!tpu.dma_semaphore, #tpu.memory_space<semaphore_mem>>
        tpu.wait_indirect_dma semaphore(%dma_wait3A_290 : memref<!tpu.dma_semaphore, #tpu.memory_space<semaphore_mem>>) src(%dma_wait3A_288 : memref<10000x16xf32, #tpu.memory_space<hbm>>) dst(%dma_wait3A_282 : memref<128x16xf32, #tpu.memory_space<vmem>>)
        %dma_start3A_291 = arith.constant 6 : i32
        %dma_start3A_292 = arith.constant 6 : i32
        %dma_start3A_293 = arith.constant 0 : i32
        %dma_start3A_294 = arith.constant 0 : i32
        %dma_start3A_295 = tpu.memref_slice %arg9[%dma_start3A_291, %dma_start3A_293, %dma_start3A_294] : memref<8x128x16xf32, #tpu.memory_space<vmem>> -> memref<1x128x16xf32, #tpu.memory_space<vmem>>
        %dma_start3A_296 = tpu.memref_squeeze %dma_start3A_295 : memref<1x128x16xf32, #tpu.memory_space<vmem>> -> memref<128x16xf32, #tpu.memory_space<vmem>>
        %dma_start3A_297 = arith.constant 0 : i32
        %dma_start3A_298 = tpu.memref_slice %arg8[%add3A_237, %dma_start3A_297] : memref<80x128xi32, #tpu.memory_space<vmem>> -> memref<1x128xi32, #tpu.memory_space<vmem>>
        %dma_start3A_299 = tpu.memref_squeeze %dma_start3A_298 : memref<1x128xi32, #tpu.memory_space<vmem>> -> memref<128xi32, #tpu.memory_space<vmem>>
        %dma_start3A_300 = arith.constant 0 : i32
        %dma_start3A_301 = arith.constant 0 : i32
        %dma_start3A_302 = tpu.memref_slice %arg10[%dma_start3A_300, %dma_start3A_301] : memref<10000x16xf32, #tpu.memory_space<vmem_shared>> -> memref<10000x16xf32, #tpu.memory_space<vmem_shared>>
        %dma_start3A_303 = tpu.memref_slice %arg12[%dma_start3A_292] : memref<8x!tpu.dma_semaphore, #tpu.memory_space<semaphore_mem>> -> memref<1x!tpu.dma_semaphore, #tpu.memory_space<semaphore_mem>>
        %dma_start3A_304 = tpu.memref_squeeze %dma_start3A_303 : memref<1x!tpu.dma_semaphore, #tpu.memory_space<semaphore_mem>> -> memref<!tpu.dma_semaphore, #tpu.memory_space<semaphore_mem>>
        tpu.enqueue_indirect_dma source(%dma_start3A_296 : memref<128x16xf32, #tpu.memory_space<vmem>>) target(%dma_start3A_302 : memref<10000x16xf32, #tpu.memory_space<vmem_shared>>) offsets(%dma_start3A_299 : memref<128xi32, #tpu.memory_space<vmem>>) semaphore(%dma_start3A_304 : memref<!tpu.dma_semaphore, #tpu.memory_space<semaphore_mem>>) {add = true}
      } else {
      }
      %sub3A_242 = arith.constant 4 : i32
      %sub3A_243 = arith.subi %add3A_237, %sub3A_242 : i32
      %ge3A_244 = arith.constant 0 : i32
      %ge3A_245 = arith.cmpi sge, %sub3A_243, %ge3A_244 : i32
      %lt3A_246 = arith.cmpi slt, %sub3A_243, %select_n3A : i32
      %and3A_247 = arith.andi %ge3A_245, %lt3A_246 : i1
      %convert_element_type3A_248 = arith.extui %and3A_247 : i1 to i32
      %cond3A_249 = arith.constant 0 : i32
      %cond3A_250 = arith.cmpi ne, %convert_element_type3A_248, %cond3A_249 : i32
      scf.if %cond3A_250 {
        %dma_wait3A = arith.constant 2 : i32
        %dma_wait3A_278 = arith.constant 2 : i32
        %dma_wait3A_279 = arith.constant 0 : i32
        %dma_wait3A_280 = arith.constant 0 : i32
        %dma_wait3A_281 = tpu.memref_slice %arg9[%dma_wait3A, %dma_wait3A_279, %dma_wait3A_280] : memref<8x128x16xf32, #tpu.memory_space<vmem>> -> memref<1x128x16xf32, #tpu.memory_space<vmem>>
        %dma_wait3A_282 = tpu.memref_squeeze %dma_wait3A_281 : memref<1x128x16xf32, #tpu.memory_space<vmem>> -> memref<128x16xf32, #tpu.memory_space<vmem>>
        %dma_wait3A_283 = arith.constant 0 : i32
        %dma_wait3A_284 = tpu.memref_slice %arg8[%sub3A_243, %dma_wait3A_283] : memref<80x128xi32, #tpu.memory_space<vmem>> -> memref<1x128xi32, #tpu.memory_space<vmem>>
        %dma_wait3A_285 = tpu.memref_squeeze %dma_wait3A_284 : memref<1x128xi32, #tpu.memory_space<vmem>> -> memref<128xi32, #tpu.memory_space<vmem>>
        %dma_wait3A_286 = arith.constant 0 : i32
        %dma_wait3A_287 = arith.constant 0 : i32
        %dma_wait3A_288 = tpu.memref_slice %arg10[%dma_wait3A_286, %dma_wait3A_287] : memref<10000x16xf32, #tpu.memory_space<vmem_shared>> -> memref<10000x16xf32, #tpu.memory_space<vmem_shared>>
        %dma_wait3A_289 = tpu.memref_slice %arg12[%dma_wait3A_278] : memref<8x!tpu.dma_semaphore, #tpu.memory_space<semaphore_mem>> -> memref<1x!tpu.dma_semaphore, #tpu.memory_space<semaphore_mem>>
        %dma_wait3A_290 = tpu.memref_squeeze %dma_wait3A_289 : memref<1x!tpu.dma_semaphore, #tpu.memory_space<semaphore_mem>> -> memref<!tpu.dma_semaphore, #tpu.memory_space<semaphore_mem>>
        tpu.wait_indirect_dma semaphore(%dma_wait3A_290 : memref<!tpu.dma_semaphore, #tpu.memory_space<semaphore_mem>>) src(%dma_wait3A_282 : memref<128x16xf32, #tpu.memory_space<vmem>>) dst(%dma_wait3A_288 : memref<10000x16xf32, #tpu.memory_space<vmem_shared>>)
      } else {
      }
      %add3A_251 = arith.constant 4 : i32
      %add3A_252 = arith.addi %add3A_237, %add3A_251 : i32
      %lt3A_253 = arith.cmpi slt, %add3A_252, %select_n3A : i32
      %convert_element_type3A_254 = arith.extui %lt3A_253 : i1 to i32
      %cond3A_255 = arith.constant 0 : i32
      %cond3A_256 = arith.cmpi ne, %convert_element_type3A_254, %cond3A_255 : i32
      scf.if %cond3A_256 {
        %dma_start3A_278 = arith.constant 2 : i32
        %dma_start3A_279 = arith.constant 2 : i32
        %dma_start3A_280 = arith.constant 0 : i32
        %dma_start3A_281 = arith.constant 0 : i32
        %dma_start3A_282 = tpu.memref_slice %arg9[%dma_start3A_278, %dma_start3A_280, %dma_start3A_281] : memref<8x128x16xf32, #tpu.memory_space<vmem>> -> memref<1x128x16xf32, #tpu.memory_space<vmem>>
        %dma_start3A_283 = tpu.memref_squeeze %dma_start3A_282 : memref<1x128x16xf32, #tpu.memory_space<vmem>> -> memref<128x16xf32, #tpu.memory_space<vmem>>
        %dma_start3A_284 = arith.constant 0 : i32
        %dma_start3A_285 = tpu.memref_slice %arg7[%add3A_252, %dma_start3A_284] : memref<80x128xi32, #tpu.memory_space<vmem>> -> memref<1x128xi32, #tpu.memory_space<vmem>>
        %dma_start3A_286 = tpu.memref_squeeze %dma_start3A_285 : memref<1x128xi32, #tpu.memory_space<vmem>> -> memref<128xi32, #tpu.memory_space<vmem>>
        %dma_start3A_287 = arith.constant 0 : i32
        %dma_start3A_288 = arith.constant 0 : i32
        %dma_start3A_289 = tpu.memref_slice %arg2[%dma_start3A_287, %dma_start3A_288] : memref<10000x16xf32, #tpu.memory_space<hbm>> -> memref<10000x16xf32, #tpu.memory_space<hbm>>
        %dma_start3A_290 = tpu.memref_slice %arg11[%dma_start3A_279] : memref<8x!tpu.dma_semaphore, #tpu.memory_space<semaphore_mem>> -> memref<1x!tpu.dma_semaphore, #tpu.memory_space<semaphore_mem>>
        %dma_start3A_291 = tpu.memref_squeeze %dma_start3A_290 : memref<1x!tpu.dma_semaphore, #tpu.memory_space<semaphore_mem>> -> memref<!tpu.dma_semaphore, #tpu.memory_space<semaphore_mem>>
        tpu.enqueue_indirect_dma source(%dma_start3A_289 : memref<10000x16xf32, #tpu.memory_space<hbm>>) target(%dma_start3A_283 : memref<128x16xf32, #tpu.memory_space<vmem>>) offsets(%dma_start3A_286 : memref<128xi32, #tpu.memory_space<vmem>>) semaphore(%dma_start3A_291 : memref<!tpu.dma_semaphore, #tpu.memory_space<semaphore_mem>>)
      } else {
      }
      %add3A_257 = arith.constant 7 : i32
      %add3A_258 = arith.addi %mul3A_111, %add3A_257 : i32
      %lt3A_259 = arith.cmpi slt, %add3A_258, %select_n3A : i32
      %convert_element_type3A_260 = arith.extui %lt3A_259 : i1 to i32
      %cond3A_261 = arith.constant 0 : i32
      %cond3A_262 = arith.cmpi ne, %convert_element_type3A_260, %cond3A_261 : i32
      scf.if %cond3A_262 {
        %dma_wait3A = arith.constant 7 : i32
        %dma_wait3A_278 = arith.constant 7 : i32
        %dma_wait3A_279 = arith.constant 0 : i32
        %dma_wait3A_280 = arith.constant 0 : i32
        %dma_wait3A_281 = tpu.memref_slice %arg9[%dma_wait3A, %dma_wait3A_279, %dma_wait3A_280] : memref<8x128x16xf32, #tpu.memory_space<vmem>> -> memref<1x128x16xf32, #tpu.memory_space<vmem>>
        %dma_wait3A_282 = tpu.memref_squeeze %dma_wait3A_281 : memref<1x128x16xf32, #tpu.memory_space<vmem>> -> memref<128x16xf32, #tpu.memory_space<vmem>>
        %dma_wait3A_283 = arith.constant 0 : i32
        %dma_wait3A_284 = tpu.memref_slice %arg7[%add3A_258, %dma_wait3A_283] : memref<80x128xi32, #tpu.memory_space<vmem>> -> memref<1x128xi32, #tpu.memory_space<vmem>>
        %dma_wait3A_285 = tpu.memref_squeeze %dma_wait3A_284 : memref<1x128xi32, #tpu.memory_space<vmem>> -> memref<128xi32, #tpu.memory_space<vmem>>
        %dma_wait3A_286 = arith.constant 0 : i32
        %dma_wait3A_287 = arith.constant 0 : i32
        %dma_wait3A_288 = tpu.memref_slice %arg2[%dma_wait3A_286, %dma_wait3A_287] : memref<10000x16xf32, #tpu.memory_space<hbm>> -> memref<10000x16xf32, #tpu.memory_space<hbm>>
        %dma_wait3A_289 = tpu.memref_slice %arg11[%dma_wait3A_278] : memref<8x!tpu.dma_semaphore, #tpu.memory_space<semaphore_mem>> -> memref<1x!tpu.dma_semaphore, #tpu.memory_space<semaphore_mem>>
        %dma_wait3A_290 = tpu.memref_squeeze %dma_wait3A_289 : memref<1x!tpu.dma_semaphore, #tpu.memory_space<semaphore_mem>> -> memref<!tpu.dma_semaphore, #tpu.memory_space<semaphore_mem>>
        tpu.wait_indirect_dma semaphore(%dma_wait3A_290 : memref<!tpu.dma_semaphore, #tpu.memory_space<semaphore_mem>>) src(%dma_wait3A_288 : memref<10000x16xf32, #tpu.memory_space<hbm>>) dst(%dma_wait3A_282 : memref<128x16xf32, #tpu.memory_space<vmem>>)
        %dma_start3A_291 = arith.constant 7 : i32
        %dma_start3A_292 = arith.constant 7 : i32
        %dma_start3A_293 = arith.constant 0 : i32
        %dma_start3A_294 = arith.constant 0 : i32
        %dma_start3A_295 = tpu.memref_slice %arg9[%dma_start3A_291, %dma_start3A_293, %dma_start3A_294] : memref<8x128x16xf32, #tpu.memory_space<vmem>> -> memref<1x128x16xf32, #tpu.memory_space<vmem>>
        %dma_start3A_296 = tpu.memref_squeeze %dma_start3A_295 : memref<1x128x16xf32, #tpu.memory_space<vmem>> -> memref<128x16xf32, #tpu.memory_space<vmem>>
        %dma_start3A_297 = arith.constant 0 : i32
        %dma_start3A_298 = tpu.memref_slice %arg8[%add3A_258, %dma_start3A_297] : memref<80x128xi32, #tpu.memory_space<vmem>> -> memref<1x128xi32, #tpu.memory_space<vmem>>
        %dma_start3A_299 = tpu.memref_squeeze %dma_start3A_298 : memref<1x128xi32, #tpu.memory_space<vmem>> -> memref<128xi32, #tpu.memory_space<vmem>>
        %dma_start3A_300 = arith.constant 0 : i32
        %dma_start3A_301 = arith.constant 0 : i32
        %dma_start3A_302 = tpu.memref_slice %arg10[%dma_start3A_300, %dma_start3A_301] : memref<10000x16xf32, #tpu.memory_space<vmem_shared>> -> memref<10000x16xf32, #tpu.memory_space<vmem_shared>>
        %dma_start3A_303 = tpu.memref_slice %arg12[%dma_start3A_292] : memref<8x!tpu.dma_semaphore, #tpu.memory_space<semaphore_mem>> -> memref<1x!tpu.dma_semaphore, #tpu.memory_space<semaphore_mem>>
        %dma_start3A_304 = tpu.memref_squeeze %dma_start3A_303 : memref<1x!tpu.dma_semaphore, #tpu.memory_space<semaphore_mem>> -> memref<!tpu.dma_semaphore, #tpu.memory_space<semaphore_mem>>
        tpu.enqueue_indirect_dma source(%dma_start3A_296 : memref<128x16xf32, #tpu.memory_space<vmem>>) target(%dma_start3A_302 : memref<10000x16xf32, #tpu.memory_space<vmem_shared>>) offsets(%dma_start3A_299 : memref<128xi32, #tpu.memory_space<vmem>>) semaphore(%dma_start3A_304 : memref<!tpu.dma_semaphore, #tpu.memory_space<semaphore_mem>>) {add = true}
      } else {
      }
      %sub3A_263 = arith.constant 4 : i32
      %sub3A_264 = arith.subi %add3A_258, %sub3A_263 : i32
      %ge3A_265 = arith.constant 0 : i32
      %ge3A_266 = arith.cmpi sge, %sub3A_264, %ge3A_265 : i32
      %lt3A_267 = arith.cmpi slt, %sub3A_264, %select_n3A : i32
      %and3A_268 = arith.andi %ge3A_266, %lt3A_267 : i1
      %convert_element_type3A_269 = arith.extui %and3A_268 : i1 to i32
      %cond3A_270 = arith.constant 0 : i32
      %cond3A_271 = arith.cmpi ne, %convert_element_type3A_269, %cond3A_270 : i32
      scf.if %cond3A_271 {
        %dma_wait3A = arith.constant 3 : i32
        %dma_wait3A_278 = arith.constant 3 : i32
        %dma_wait3A_279 = arith.constant 0 : i32
        %dma_wait3A_280 = arith.constant 0 : i32
        %dma_wait3A_281 = tpu.memref_slice %arg9[%dma_wait3A, %dma_wait3A_279, %dma_wait3A_280] : memref<8x128x16xf32, #tpu.memory_space<vmem>> -> memref<1x128x16xf32, #tpu.memory_space<vmem>>
        %dma_wait3A_282 = tpu.memref_squeeze %dma_wait3A_281 : memref<1x128x16xf32, #tpu.memory_space<vmem>> -> memref<128x16xf32, #tpu.memory_space<vmem>>
        %dma_wait3A_283 = arith.constant 0 : i32
        %dma_wait3A_284 = tpu.memref_slice %arg8[%sub3A_264, %dma_wait3A_283] : memref<80x128xi32, #tpu.memory_space<vmem>> -> memref<1x128xi32, #tpu.memory_space<vmem>>
        %dma_wait3A_285 = tpu.memref_squeeze %dma_wait3A_284 : memref<1x128xi32, #tpu.memory_space<vmem>> -> memref<128xi32, #tpu.memory_space<vmem>>
        %dma_wait3A_286 = arith.constant 0 : i32
        %dma_wait3A_287 = arith.constant 0 : i32
        %dma_wait3A_288 = tpu.memref_slice %arg10[%dma_wait3A_286, %dma_wait3A_287] : memref<10000x16xf32, #tpu.memory_space<vmem_shared>> -> memref<10000x16xf32, #tpu.memory_space<vmem_shared>>
        %dma_wait3A_289 = tpu.memref_slice %arg12[%dma_wait3A_278] : memref<8x!tpu.dma_semaphore, #tpu.memory_space<semaphore_mem>> -> memref<1x!tpu.dma_semaphore, #tpu.memory_space<semaphore_mem>>
        %dma_wait3A_290 = tpu.memref_squeeze %dma_wait3A_289 : memref<1x!tpu.dma_semaphore, #tpu.memory_space<semaphore_mem>> -> memref<!tpu.dma_semaphore, #tpu.memory_space<semaphore_mem>>
        tpu.wait_indirect_dma semaphore(%dma_wait3A_290 : memref<!tpu.dma_semaphore, #tpu.memory_space<semaphore_mem>>) src(%dma_wait3A_282 : memref<128x16xf32, #tpu.memory_space<vmem>>) dst(%dma_wait3A_288 : memref<10000x16xf32, #tpu.memory_space<vmem_shared>>)
      } else {
      }
      %add3A_272 = arith.constant 4 : i32
      %add3A_273 = arith.addi %add3A_258, %add3A_272 : i32
      %lt3A_274 = arith.cmpi slt, %add3A_273, %select_n3A : i32
      %convert_element_type3A_275 = arith.extui %lt3A_274 : i1 to i32
      %cond3A_276 = arith.constant 0 : i32
      %cond3A_277 = arith.cmpi ne, %convert_element_type3A_275, %cond3A_276 : i32
      scf.if %cond3A_277 {
        %dma_start3A_278 = arith.constant 3 : i32
        %dma_start3A_279 = arith.constant 3 : i32
        %dma_start3A_280 = arith.constant 0 : i32
        %dma_start3A_281 = arith.constant 0 : i32
        %dma_start3A_282 = tpu.memref_slice %arg9[%dma_start3A_278, %dma_start3A_280, %dma_start3A_281] : memref<8x128x16xf32, #tpu.memory_space<vmem>> -> memref<1x128x16xf32, #tpu.memory_space<vmem>>
        %dma_start3A_283 = tpu.memref_squeeze %dma_start3A_282 : memref<1x128x16xf32, #tpu.memory_space<vmem>> -> memref<128x16xf32, #tpu.memory_space<vmem>>
        %dma_start3A_284 = arith.constant 0 : i32
        %dma_start3A_285 = tpu.memref_slice %arg7[%add3A_273, %dma_start3A_284] : memref<80x128xi32, #tpu.memory_space<vmem>> -> memref<1x128xi32, #tpu.memory_space<vmem>>
        %dma_start3A_286 = tpu.memref_squeeze %dma_start3A_285 : memref<1x128xi32, #tpu.memory_space<vmem>> -> memref<128xi32, #tpu.memory_space<vmem>>
        %dma_start3A_287 = arith.constant 0 : i32
        %dma_start3A_288 = arith.constant 0 : i32
        %dma_start3A_289 = tpu.memref_slice %arg2[%dma_start3A_287, %dma_start3A_288] : memref<10000x16xf32, #tpu.memory_space<hbm>> -> memref<10000x16xf32, #tpu.memory_space<hbm>>
        %dma_start3A_290 = tpu.memref_slice %arg11[%dma_start3A_279] : memref<8x!tpu.dma_semaphore, #tpu.memory_space<semaphore_mem>> -> memref<1x!tpu.dma_semaphore, #tpu.memory_space<semaphore_mem>>
        %dma_start3A_291 = tpu.memref_squeeze %dma_start3A_290 : memref<1x!tpu.dma_semaphore, #tpu.memory_space<semaphore_mem>> -> memref<!tpu.dma_semaphore, #tpu.memory_space<semaphore_mem>>
        tpu.enqueue_indirect_dma source(%dma_start3A_289 : memref<10000x16xf32, #tpu.memory_space<hbm>>) target(%dma_start3A_283 : memref<128x16xf32, #tpu.memory_space<vmem>>) offsets(%dma_start3A_286 : memref<128xi32, #tpu.memory_space<vmem>>) semaphore(%dma_start3A_291 : memref<!tpu.dma_semaphore, #tpu.memory_space<semaphore_mem>>)
      } else {
      }
    }
    %barrier3A_104 = arith.constant 0 : index
    tpu.barrier barrier_id(%barrier3A_104)
    %mul3A_105 = arith.constant 625 : i32
    %mul3A_106 = arith.muli %arg1, %mul3A_105 : i32
    %mul3A_107 = arith.constant 625 : i32
    %mul3A_108 = arith.muli %arg1, %mul3A_107 : i32
    "tpu.region"() ({
      %run_scoped3A = tpu.sem_alloc : memref<!tpu.dma_semaphore, #tpu.memory_space<semaphore_mem>>
      %dma_start3A_109 = arith.constant 0 : i32
      %dma_start3A_110 = arith.constant 0 : i32
      %dma_start3A_111 = tpu.memref_slice %arg6[%arg0, %dma_start3A_109, %dma_start3A_110] : memref<2x10000x16xf32, #tpu.memory_space<hbm>> -> memref<1x10000x16xf32, #tpu.memory_space<hbm>>
      %dma_start3A_112 = tpu.memref_squeeze %dma_start3A_111 : memref<1x10000x16xf32, #tpu.memory_space<hbm>> -> memref<10000x16xf32, #tpu.memory_space<hbm>>
      %dma_start3A_113 = arith.constant 0 : i32
      %dma_start3A_114 = tpu.memref_slice %dma_start3A_112[%mul3A_108, %dma_start3A_113] : memref<10000x16xf32, #tpu.memory_space<hbm>> -> memref<625x16xf32, #tpu.memory_space<hbm>>
      %dma_start3A_115 = arith.constant 0 : i32
      %dma_start3A_116 = tpu.memref_slice %arg10[%mul3A_106, %dma_start3A_115] : memref<10000x16xf32, #tpu.memory_space<vmem_shared>> -> memref<625x16xf32, #tpu.memory_space<vmem_shared>>
      tpu.enqueue_dma source(%dma_start3A_116 : memref<625x16xf32, #tpu.memory_space<vmem_shared>>) target(%dma_start3A_114 : memref<625x16xf32, #tpu.memory_space<hbm>>) target_semaphore(%run_scoped3A : memref<!tpu.dma_semaphore, #tpu.memory_space<semaphore_mem>>)
      %dma_wait3A = arith.constant 0 : i32
      %dma_wait3A_117 = arith.constant 0 : i32
      %dma_wait3A_118 = tpu.memref_slice %arg6[%arg0, %dma_wait3A, %dma_wait3A_117] : memref<2x10000x16xf32, #tpu.memory_space<hbm>> -> memref<1x10000x16xf32, #tpu.memory_space<hbm>>
      %dma_wait3A_119 = tpu.memref_squeeze %dma_wait3A_118 : memref<1x10000x16xf32, #tpu.memory_space<hbm>> -> memref<10000x16xf32, #tpu.memory_space<hbm>>
      %dma_wait3A_120 = arith.constant 0 : i32
      %dma_wait3A_121 = tpu.memref_slice %dma_wait3A_119[%mul3A_108, %dma_wait3A_120] : memref<10000x16xf32, #tpu.memory_space<hbm>> -> memref<625x16xf32, #tpu.memory_space<hbm>>
      %dma_wait3A_122 = arith.constant 0 : i32
      %dma_wait3A_123 = tpu.memref_slice %arg10[%mul3A_106, %dma_wait3A_122] : memref<10000x16xf32, #tpu.memory_space<vmem_shared>> -> memref<625x16xf32, #tpu.memory_space<vmem_shared>>
      tpu.wait_dma2 semaphore(%run_scoped3A : memref<!tpu.dma_semaphore, #tpu.memory_space<semaphore_mem>>) src(%dma_wait3A_123 : memref<625x16xf32, #tpu.memory_space<vmem_shared>>) dst(%dma_wait3A_121 : memref<625x16xf32, #tpu.memory_space<hbm>>)
      tpu.yield
    }) : () -> ()
    return
  }
}

module attributes {stable_mosaic.version = 14 : i64} {
  func.func @_proj_body(%arg0: i32, %arg1: memref<2000x128xf32, #tpu.memory_space<vmem>>, %arg2: memref<128x64xf32, #tpu.memory_space<vmem>>, %arg3: memref<2000x64xf32, #tpu.memory_space<vmem>>) attributes {dimension_semantics = [#tpu.dimension_semantics<arbitrary>], iteration_bounds = array<i64: 5>, scalar_prefetch = 0 : i64, scratch_operands = 0 : i64, tpu.core_type = #tpu.core_type<tc>, window_params = [{transform_indices = @transform_0, window_bounds = array<i64: 2000, 128>}, {pipeline_mode = #tpu.pipeline_mode<synchronous>, transform_indices = @transform_1, window_bounds = array<i64: 128, 64>}, {transform_indices = @transform_2, window_bounds = array<i64: 2000, 64>}]} {
    %get3A = arith.constant 0 : index
    %get3A_0 = arith.constant 0 : index
    %get3A_1 = vector.load %arg1[%get3A, %get3A_0] : memref<2000x128xf32, #tpu.memory_space<vmem>>, vector<2000x128xf32>
    %get3A_2 = arith.constant 0 : index
    %get3A_3 = arith.constant 0 : index
    %get3A_4 = vector.load %arg2[%get3A_2, %get3A_3] : memref<128x64xf32, #tpu.memory_space<vmem>>, vector<128x64xf32>
    %dot_general3A = arith.constant dense<0.000000e+00> : vector<2000x64xf32>
    %dot_general3A_5 = tpu.matmul %get3A_1, %get3A_4, %dot_general3A {dimension_numbers = #tpu.dot_dimension_numbers<[1], [0], [0], [1], [0, 0, 1, 1], [], []>, transpose_lhs_hint = false} : vector<2000x128xf32>, vector<128x64xf32>, vector<2000x64xf32> -> vector<2000x64xf32>
    %swap3A = arith.constant 0 : index
    %swap3A_6 = arith.constant 0 : index
    %swap3A_7 = vector.load %arg3[%swap3A, %swap3A_6] : memref<2000x64xf32, #tpu.memory_space<vmem>>, vector<2000x64xf32>
    tpu.vector_store %arg3[%swap3A, %swap3A_6], %dot_general3A_5 {strides = array<i32>} : memref<2000x64xf32, #tpu.memory_space<vmem>>, vector<2000x64xf32>,
    return
  }
  func.func @transform_0(%arg0: i32) -> (i32, i32) {
    %c0_i32 = arith.constant 0 : i32
    %c0_i32_0 = arith.constant 0 : i32
    return %arg0, %c0_i32 : i32, i32
  }
  func.func @transform_1(%arg0: i32) -> (i32, i32) {
    %c0_i32 = arith.constant 0 : i32
    %c0_i32_0 = arith.constant 0 : i32
    %c0_i32_1 = arith.constant 0 : i32
    return %c0_i32, %c0_i32_0 : i32, i32
  }
  func.func @transform_2(%arg0: i32) -> (i32, i32) {
    %c0_i32 = arith.constant 0 : i32
    %c0_i32_0 = arith.constant 0 : i32
    return %arg0, %c0_i32 : i32, i32
  }
}

module attributes {stable_mosaic.version = 14 : i64} {
  func.func @_mid_body(%arg0: i32, %arg1: memref<2x2000x64xf32, #tpu.memory_space<vmem>>, %arg2: memref<2000x128xf32, #tpu.memory_space<vmem>>, %arg3: memref<128x64xf32, #tpu.memory_space<vmem>>, %arg4: memref<1x64xf32, #tpu.memory_space<vmem>>, %arg5: memref<64x32xf32, #tpu.memory_space<vmem>>, %arg6: memref<1x32xf32, #tpu.memory_space<vmem>>, %arg7: memref<32x16xf32, #tpu.memory_space<vmem>>, %arg8: memref<32x16xf32, #tpu.memory_space<vmem>>, %arg9: memref<1x16xf32, #tpu.memory_space<vmem>>, %arg10: memref<2000x16xf32, #tpu.memory_space<vmem>>, %arg11: memref<2000x16xf32, #tpu.memory_space<vmem>>) attributes {dimension_semantics = [#tpu.dimension_semantics<arbitrary>], iteration_bounds = array<i64: 5>, scalar_prefetch = 0 : i64, scratch_operands = 0 : i64, tpu.core_type = #tpu.core_type<tc>, window_params = [{transform_indices = @transform_0, window_bounds = array<i64: 2, 2000, 64>}, {transform_indices = @transform_1, window_bounds = array<i64: 2000, 128>}, {pipeline_mode = #tpu.pipeline_mode<synchronous>, transform_indices = @transform_2, window_bounds = array<i64: 128, 64>}, {pipeline_mode = #tpu.pipeline_mode<synchronous>, transform_indices = @transform_3, window_bounds = array<i64: 1, 64>}, {pipeline_mode = #tpu.pipeline_mode<synchronous>, transform_indices = @transform_4, window_bounds = array<i64: 64, 32>}, {pipeline_mode = #tpu.pipeline_mode<synchronous>, transform_indices = @transform_5, window_bounds = array<i64: 1, 32>}, {pipeline_mode = #tpu.pipeline_mode<synchronous>, transform_indices = @transform_6, window_bounds = array<i64: 32, 16>}, {pipeline_mode = #tpu.pipeline_mode<synchronous>, transform_indices = @transform_7, window_bounds = array<i64: 32, 16>}, {pipeline_mode = #tpu.pipeline_mode<synchronous>, transform_indices = @transform_8, window_bounds = array<i64: 1, 16>}, {transform_indices = @transform_9, window_bounds = array<i64: 2000, 16>}, {transform_indices = @transform_10, window_bounds = array<i64: 2000, 16>}]} {
    %get3A = arith.constant 0 : index
    %get3A_0 = arith.constant 0 : index
    %get3A_1 = arith.constant 0 : index
    %get3A_2 = vector.load %arg1[%get3A, %get3A_0, %get3A_1] : memref<2x2000x64xf32, #tpu.memory_space<vmem>>, vector<1x2000x64xf32>
    %get3A_3 = vector.shape_cast %get3A_2 : vector<1x2000x64xf32> to vector<2000x64xf32>
    %get3A_4 = arith.constant 1 : index
    %get3A_5 = arith.constant 0 : index
    %get3A_6 = arith.constant 0 : index
    %get3A_7 = vector.load %arg1[%get3A_4, %get3A_5, %get3A_6] : memref<2x2000x64xf32, #tpu.memory_space<vmem>>, vector<1x2000x64xf32>
    %get3A_8 = vector.shape_cast %get3A_7 : vector<1x2000x64xf32> to vector<2000x64xf32>
    %add3A = arith.addf %get3A_3, %get3A_8 : vector<2000x64xf32>
    %get3A_9 = arith.constant 0 : index
    %get3A_10 = arith.constant 0 : index
    %get3A_11 = vector.load %arg4[%get3A_9, %get3A_10] : memref<1x64xf32, #tpu.memory_space<vmem>>, vector<1x64xf32>
    %add3A_12 = vector.broadcast %get3A_11 : vector<1x64xf32> to vector<2000x64xf32>
    %add3A_13 = arith.addf %add3A, %add3A_12 : vector<2000x64xf32>
    %get3A_14 = arith.constant 0 : index
    %get3A_15 = arith.constant 0 : index
    %get3A_16 = vector.load %arg2[%get3A_14, %get3A_15] : memref<2000x128xf32, #tpu.memory_space<vmem>>, vector<2000x128xf32>
    %get3A_17 = arith.constant 0 : index
    %get3A_18 = arith.constant 0 : index
    %get3A_19 = vector.load %arg3[%get3A_17, %get3A_18] : memref<128x64xf32, #tpu.memory_space<vmem>>, vector<128x64xf32>
    %dot_general3A = arith.constant dense<0.000000e+00> : vector<2000x64xf32>
    %dot_general3A_20 = tpu.matmul %get3A_16, %get3A_19, %dot_general3A {dimension_numbers = #tpu.dot_dimension_numbers<[1], [0], [0], [1], [0, 0, 1, 1], [], []>, transpose_lhs_hint = false} : vector<2000x128xf32>, vector<128x64xf32>, vector<2000x64xf32> -> vector<2000x64xf32>
    %add3A_21 = arith.addf %add3A_13, %dot_general3A_20 : vector<2000x64xf32>
    %get3A_22 = arith.constant 0 : index
    %get3A_23 = arith.constant 0 : index
    %get3A_24 = vector.load %arg5[%get3A_22, %get3A_23] : memref<64x32xf32, #tpu.memory_space<vmem>>, vector<64x32xf32>
    %dot_general3A_25 = arith.constant dense<0.000000e+00> : vector<2000x32xf32>
    %dot_general3A_26 = tpu.matmul %add3A_21, %get3A_24, %dot_general3A_25 {dimension_numbers = #tpu.dot_dimension_numbers<[1], [0], [0], [1], [0, 0, 1, 1], [], []>, transpose_lhs_hint = false} : vector<2000x64xf32>, vector<64x32xf32>, vector<2000x32xf32> -> vector<2000x32xf32>
    %get3A_27 = arith.constant 0 : index
    %get3A_28 = arith.constant 0 : index
    %get3A_29 = vector.load %arg6[%get3A_27, %get3A_28] : memref<1x32xf32, #tpu.memory_space<vmem>>, vector<1x32xf32>
    %add3A_30 = vector.broadcast %get3A_29 : vector<1x32xf32> to vector<2000x32xf32>
    %add3A_31 = arith.addf %dot_general3A_26, %add3A_30 : vector<2000x32xf32>
    %max3A = arith.constant 0.000000e+00 : f32
    %max3A_32 = vector.broadcast %max3A : f32 to vector<2000x32xf32>
    %max3A_33 = arith.maximumf %add3A_31, %max3A_32 : vector<2000x32xf32>
    %get3A_34 = arith.constant 0 : index
    %get3A_35 = arith.constant 0 : index
    %get3A_36 = vector.load %arg7[%get3A_34, %get3A_35] : memref<32x16xf32, #tpu.memory_space<vmem>>, vector<32x16xf32>
    %dot_general3A_37 = arith.constant dense<0.000000e+00> : vector<2000x16xf32>
    %dot_general3A_38 = tpu.matmul %max3A_33, %get3A_36, %dot_general3A_37 {dimension_numbers = #tpu.dot_dimension_numbers<[1], [0], [0], [1], [0, 0, 1, 1], [], []>, transpose_lhs_hint = false} : vector<2000x32xf32>, vector<32x16xf32>, vector<2000x16xf32> -> vector<2000x16xf32>
    %swap3A = arith.constant 0 : index
    %swap3A_39 = arith.constant 0 : index
    %swap3A_40 = vector.load %arg10[%swap3A, %swap3A_39] : memref<2000x16xf32, #tpu.memory_space<vmem>>, vector<2000x16xf32>
    tpu.vector_store %arg10[%swap3A, %swap3A_39], %dot_general3A_38 {strides = array<i32>} : memref<2000x16xf32, #tpu.memory_space<vmem>>, vector<2000x16xf32>,
    %get3A_41 = arith.constant 0 : index
    %get3A_42 = arith.constant 0 : index
    %get3A_43 = vector.load %arg8[%get3A_41, %get3A_42] : memref<32x16xf32, #tpu.memory_space<vmem>>, vector<32x16xf32>
    %dot_general3A_44 = arith.constant dense<0.000000e+00> : vector<2000x16xf32>
    %dot_general3A_45 = tpu.matmul %max3A_33, %get3A_43, %dot_general3A_44 {dimension_numbers = #tpu.dot_dimension_numbers<[1], [0], [0], [1], [0, 0, 1, 1], [], []>, transpose_lhs_hint = false} : vector<2000x32xf32>, vector<32x16xf32>, vector<2000x16xf32> -> vector<2000x16xf32>
    %get3A_46 = arith.constant 0 : index
    %get3A_47 = arith.constant 0 : index
    %get3A_48 = vector.load %arg9[%get3A_46, %get3A_47] : memref<1x16xf32, #tpu.memory_space<vmem>>, vector<1x16xf32>
    %add3A_49 = vector.broadcast %get3A_48 : vector<1x16xf32> to vector<2000x16xf32>
    %add3A_50 = arith.addf %dot_general3A_45, %add3A_49 : vector<2000x16xf32>
    %swap3A_51 = arith.constant 0 : index
    %swap3A_52 = arith.constant 0 : index
    %swap3A_53 = vector.load %arg11[%swap3A_51, %swap3A_52] : memref<2000x16xf32, #tpu.memory_space<vmem>>, vector<2000x16xf32>
    tpu.vector_store %arg11[%swap3A_51, %swap3A_52], %add3A_50 {strides = array<i32>} : memref<2000x16xf32, #tpu.memory_space<vmem>>, vector<2000x16xf32>,
    return
  }
  func.func @transform_0(%arg0: i32) -> (i32, i32, i32) {
    %c0_i32 = arith.constant 0 : i32
    %c0_i32_0 = arith.constant 0 : i32
    %c0_i32_1 = arith.constant 0 : i32
    return %c0_i32, %arg0, %c0_i32_0 : i32, i32, i32
  }
  func.func @transform_1(%arg0: i32) -> (i32, i32) {
    %c0_i32 = arith.constant 0 : i32
    %c0_i32_0 = arith.constant 0 : i32
    return %arg0, %c0_i32 : i32, i32
  }
  func.func @transform_2(%arg0: i32) -> (i32, i32) {
    %c0_i32 = arith.constant 0 : i32
    %c0_i32_0 = arith.constant 0 : i32
    %c0_i32_1 = arith.constant 0 : i32
    return %c0_i32, %c0_i32_0 : i32, i32
  }
  func.func @transform_3(%arg0: i32) -> (i32, i32) {
    %c0_i32 = arith.constant 0 : i32
    %c0_i32_0 = arith.constant 0 : i32
    %c0_i32_1 = arith.constant 0 : i32
    return %c0_i32, %c0_i32_0 : i32, i32
  }
  func.func @transform_4(%arg0: i32) -> (i32, i32) {
    %c0_i32 = arith.constant 0 : i32
    %c0_i32_0 = arith.constant 0 : i32
    %c0_i32_1 = arith.constant 0 : i32
    return %c0_i32, %c0_i32_0 : i32, i32
  }
  func.func @transform_5(%arg0: i32) -> (i32, i32) {
    %c0_i32 = arith.constant 0 : i32
    %c0_i32_0 = arith.constant 0 : i32
    %c0_i32_1 = arith.constant 0 : i32
    return %c0_i32, %c0_i32_0 : i32, i32
  }
  func.func @transform_6(%arg0: i32) -> (i32, i32) {
    %c0_i32 = arith.constant 0 : i32
    %c0_i32_0 = arith.constant 0 : i32
    %c0_i32_1 = arith.constant 0 : i32
    return %c0_i32, %c0_i32_0 : i32, i32
  }
  func.func @transform_7(%arg0: i32) -> (i32, i32) {
    %c0_i32 = arith.constant 0 : i32
    %c0_i32_0 = arith.constant 0 : i32
    %c0_i32_1 = arith.constant 0 : i32
    return %c0_i32, %c0_i32_0 : i32, i32
  }
  func.func @transform_8(%arg0: i32) -> (i32, i32) {
    %c0_i32 = arith.constant 0 : i32
    %c0_i32_0 = arith.constant 0 : i32
    %c0_i32_1 = arith.constant 0 : i32
    return %c0_i32, %c0_i32_0 : i32, i32
  }
  func.func @transform_9(%arg0: i32) -> (i32, i32) {
    %c0_i32 = arith.constant 0 : i32
    %c0_i32_0 = arith.constant 0 : i32
    return %arg0, %c0_i32 : i32, i32
  }
  func.func @transform_10(%arg0: i32) -> (i32, i32) {
    %c0_i32 = arith.constant 0 : i32
    %c0_i32_0 = arith.constant 0 : i32
    return %arg0, %c0_i32 : i32, i32
  }
}

module attributes {stable_mosaic.version = 14 : i64} {
  func.func @_final_body(%arg0: i32, %arg1: memref<2x2000x16xf32, #tpu.memory_space<vmem>>, %arg2: memref<2000x16xf32, #tpu.memory_space<vmem>>, %arg3: memref<16x10xf32, #tpu.memory_space<vmem>>, %arg4: memref<1x10xf32, #tpu.memory_space<vmem>>, %arg5: memref<2000x10xf32, #tpu.memory_space<vmem>>) attributes {dimension_semantics = [#tpu.dimension_semantics<arbitrary>], iteration_bounds = array<i64: 5>, scalar_prefetch = 0 : i64, scratch_operands = 0 : i64, tpu.core_type = #tpu.core_type<tc>, window_params = [{transform_indices = @transform_0, window_bounds = array<i64: 2, 2000, 16>}, {transform_indices = @transform_1, window_bounds = array<i64: 2000, 16>}, {pipeline_mode = #tpu.pipeline_mode<synchronous>, transform_indices = @transform_2, window_bounds = array<i64: 16, 10>}, {pipeline_mode = #tpu.pipeline_mode<synchronous>, transform_indices = @transform_3, window_bounds = array<i64: 1, 10>}, {transform_indices = @transform_4, window_bounds = array<i64: 2000, 10>}]} {
    %get3A = arith.constant 0 : index
    %get3A_0 = arith.constant 0 : index
    %get3A_1 = arith.constant 0 : index
    %get3A_2 = vector.load %arg1[%get3A, %get3A_0, %get3A_1] : memref<2x2000x16xf32, #tpu.memory_space<vmem>>, vector<1x2000x16xf32>
    %get3A_3 = vector.shape_cast %get3A_2 : vector<1x2000x16xf32> to vector<2000x16xf32>
    %get3A_4 = arith.constant 1 : index
    %get3A_5 = arith.constant 0 : index
    %get3A_6 = arith.constant 0 : index
    %get3A_7 = vector.load %arg1[%get3A_4, %get3A_5, %get3A_6] : memref<2x2000x16xf32, #tpu.memory_space<vmem>>, vector<1x2000x16xf32>
    %get3A_8 = vector.shape_cast %get3A_7 : vector<1x2000x16xf32> to vector<2000x16xf32>
    %add3A = arith.addf %get3A_3, %get3A_8 : vector<2000x16xf32>
    %get3A_9 = arith.constant 0 : index
    %get3A_10 = arith.constant 0 : index
    %get3A_11 = vector.load %arg2[%get3A_9, %get3A_10] : memref<2000x16xf32, #tpu.memory_space<vmem>>, vector<2000x16xf32>
    %add3A_12 = arith.addf %add3A, %get3A_11 : vector<2000x16xf32>
    %get3A_13 = arith.constant 0 : index
    %get3A_14 = arith.constant 0 : index
    %get3A_15 = vector.load %arg3[%get3A_13, %get3A_14] : memref<16x10xf32, #tpu.memory_space<vmem>>, vector<16x10xf32>
    %dot_general3A = arith.constant dense<0.000000e+00> : vector<2000x10xf32>
    %dot_general3A_16 = tpu.matmul %add3A_12, %get3A_15, %dot_general3A {dimension_numbers = #tpu.dot_dimension_numbers<[1], [0], [0], [1], [0, 0, 1, 1], [], []>, transpose_lhs_hint = false} : vector<2000x16xf32>, vector<16x10xf32>, vector<2000x10xf32> -> vector<2000x10xf32>
    %get3A_17 = arith.constant 0 : index
    %get3A_18 = arith.constant 0 : index
    %get3A_19 = vector.load %arg4[%get3A_17, %get3A_18] : memref<1x10xf32, #tpu.memory_space<vmem>>, vector<1x10xf32>
    %add3A_20 = vector.broadcast %get3A_19 : vector<1x10xf32> to vector<2000x10xf32>
    %add3A_21 = arith.addf %dot_general3A_16, %add3A_20 : vector<2000x10xf32>
    %reduce_max3A = arith.constant dense<0xFF800000> : vector<2000xf32>
    %reduce_max3A_22 = vector.multi_reduction <maximumf>, %add3A_21, %reduce_max3A [1] : vector<2000x10xf32> to vector<2000xf32>
    %broadcast_in_dim3A = vector.shape_cast %reduce_max3A_22 : vector<2000xf32> to vector<2000x1xf32>
    %sub3A = vector.broadcast %broadcast_in_dim3A : vector<2000x1xf32> to vector<2000x10xf32>
    %sub3A_23 = arith.subf %add3A_21, %sub3A : vector<2000x10xf32>
    %exp3A = math.exp %sub3A_23 : vector<2000x10xf32>
    %reduce_sum3A = arith.constant dense<0.000000e+00> : vector<2000xf32>
    %reduce_sum3A_24 = vector.multi_reduction <add>, %exp3A, %reduce_sum3A [1] : vector<2000x10xf32> to vector<2000xf32>
    %broadcast_in_dim3A_25 = vector.shape_cast %reduce_sum3A_24 : vector<2000xf32> to vector<2000x1xf32>
    %log3A = math.log %broadcast_in_dim3A_25 : vector<2000x1xf32>
    %sub3A_26 = vector.broadcast %log3A : vector<2000x1xf32> to vector<2000x10xf32>
    %sub3A_27 = arith.subf %sub3A_23, %sub3A_26 : vector<2000x10xf32>
    %swap3A = arith.constant 0 : index
    %swap3A_28 = arith.constant 0 : index
    %swap3A_29 = vector.load %arg5[%swap3A, %swap3A_28] : memref<2000x10xf32, #tpu.memory_space<vmem>>, vector<2000x10xf32>
    tpu.vector_store %arg5[%swap3A, %swap3A_28], %sub3A_27 {strides = array<i32>} : memref<2000x10xf32, #tpu.memory_space<vmem>>, vector<2000x10xf32>,
    return
  }
  func.func @transform_0(%arg0: i32) -> (i32, i32, i32) {
    %c0_i32 = arith.constant 0 : i32
    %c0_i32_0 = arith.constant 0 : i32
    %c0_i32_1 = arith.constant 0 : i32
    return %c0_i32, %arg0, %c0_i32_0 : i32, i32, i32
  }
  func.func @transform_1(%arg0: i32) -> (i32, i32) {
    %c0_i32 = arith.constant 0 : i32
    %c0_i32_0 = arith.constant 0 : i32
    return %arg0, %c0_i32 : i32, i32
  }
  func.func @transform_2(%arg0: i32) -> (i32, i32) {
    %c0_i32 = arith.constant 0 : i32
    %c0_i32_0 = arith.constant 0 : i32
    %c0_i32_1 = arith.constant 0 : i32
    return %c0_i32, %c0_i32_0 : i32, i32
  }
  func.func @transform_3(%arg0: i32) -> (i32, i32) {
    %c0_i32 = arith.constant 0 : i32
    %c0_i32_0 = arith.constant 0 : i32
    %c0_i32_1 = arith.constant 0 : i32
    return %c0_i32, %c0_i32_0 : i32, i32
  }
  func.func @transform_4(%arg0: i32) -> (i32, i32) {
    %c0_i32 = arith.constant 0 : i32
    %c0_i32_0 = arith.constant 0 : i32
    return %arg0, %c0_i32 : i32, i32
  }
}

</mosaic_0001>

<sc_bundles>
// kernel: kernel.10.cloned.1.call-start
scs
__scs_entry_jumppad:
0x0: {  	(pc) =	sbr.rel $0x88, $3  }
0x1: {  	(tag) =	ssettag $0x0;
	lr =	simm.s32 $0x1  }
0x2: {  	[smem:$0x3F95] =	sst lr;
	_ =	strace $0xD0000000  }
0x3: {  	_ = 	snop  }
0x4: {  	_ = 	snop  }
0x5: {  	_ = 	snop  }
0x6: {  	_ = 	snop  }
0x7: {  	_ = 	snop  }
__scs_overlays_trampoline_lowered:
0x8: {  	[smem:$0x3FA4] =	sst s0  }
0x9: {  	[smem:$0x3FA5] =	sst s1  }
0xa: {  	[smem:$0x3FA6] =	sst s2  }
0xb: {  	[smem:$0x3FA7] =	sst s3  }
0xc: {  	[smem:$0x3FA8] =	sst s4  }
0xd: {  	[smem:$0x3FA9] =	sst s5  }
0xe: {  	[smem:$0x3FAA] =	sst s6  }
0xf: {  	[smem:$0x3FAB] =	sst s7  }
0x10: {  	[smem:$0x3FAC] =	sst s8  }
0x11: {  	[smem:$0x3FAD] =	sst s9;
	s0 =	simm.s32 @!p0 $0x0  }
0x12: {  	s1 =	sld [smem:$0x3F93];
	s0 =	simm.s32 @p0 $0x1  }
0x13: {  	[smem:$0x3FAE] =	sst s0;
	s0 =	simm.s32 @!p1 $0x0  }
0x14: {  	s2 =	sld [smem:$0x3F92];
	s0 =	simm.s32 @p1 $0x1  }
0x15: {  	[smem:$0x3FAF] =	sst s0;
	s0 =	simm.s32 @!p2 $0x0  }
0x16: {  	s3 =	sld [smem:$0x3FDB];
	s0 =	simm.s32 @p2 $0x1  }
0x17: {  	s4 =	simm.s32 $0x1BF5;
	[smem:$0x3FB1] =	sst s0  }
0x18: {  	s0 =	sld [smem:$0x3F94];
	_ =	swait.ge [sflag:s4], $0x0  }
0x19: {  	s7 =	sld [smem:$0x3F95]  }
0x1a: {  	s8 =	sadd.s32 $0xFFFFE003, lr  }
0x1b: {  	s9 =	sadd.s32 $0xFFFFFEF7, lr;
	s5 =	simm.s32 $0xFFFFFFFF;
	p2 =	slt.u32 s8, $0xFFFFF086  }
0x1c: {  	p1 =	slt.u32 s9, $0xF7A;
	s5 =	simm.s32 @!p2 $0x0  }
0x1d: {  	s5 =	simm.s32 @p1 $0x1;
	p0 =	seq.s32 s7, s2  }
0x1e: {  	s7 =	smul.u32 @!p0 $0xF7A, s2;
	p2 =	seq.s32 @!p0 s5, $0x0  }
0x1f: {  	s9 =	smul.u32 $0xF7A, s1;
	s8 =	simm.s32 @!p0 $0x1BF5;
	p2 =	por !p2, p0  }
0x20: {  	[sflag:s8] =	ssyncset.s32 @!p0 $0xFFFFF086;
	s6 =	sadd.s32 @!p0 s3, s7;
	s7 =	simm.s32 @!p0 $0x108  }
0x21: {  	s3 =	sadd.s32 s3, s9;
	s6 =	sadd.s32 @!p0 $0x88, s6;
	s7 =	simm.s32 @p2 $0x1082  }
0x22: {  	[simem:s7], [sflag:s8] =	dma.local @!p0 [hbm:s6], $0xF7A  }
0x23: {  	s9 =	sor.u32 $0xD0000000, s2;
	s6 =	simm.s32 $0x108;
	_ =	swait.ge @!p0 [sflag:s8], $0x0  }
0x24: {  	s3 =	sadd.s32 $0x88, s3;
	s6 =	simm.s32 @!p1 $0x1082;
	[sflag:s4] =	ssyncset.s32 $0xFFFFF086  }
0x25: {  	[simem:s6], [sflag:s4] =	dma.local [hbm:s3], $0xF7A  }
0x26: {  	[smem:$0x3F95] =	sst s1;
	(tag) =	ssettag s2;
	_ =	strace s9  }
0x27: {  	s1 =	sld [smem:$0x3FA5]  }
0x28: {  	s2 =	sld [smem:$0x3FA6]  }
0x29: {  	s4 =	sld [smem:$0x3FA8]  }
0x2a: {  	p0 =	seq.s32 s5, $0x0;
	s5 =	sld [smem:$0x3FA9]  }
0x2b: {  	s6 =	sld [smem:$0x3FAA]  }
0x2c: {  	s7 =	sld [smem:$0x3FAB]  }
0x2d: {  	s3 =	simm.s32 $0x108;
	s8 =	sld [smem:$0x3FAC]  }
0x2e: {  	s3 =	simm.s32 @!p0 $0x1082;
	s9 =	sld [smem:$0x3FAD]  }
0x2f: {  	lr =	sadd.s32 s0, s3;
	s0 =	sld [smem:$0x3FA4]  }
0x30: {  	s3 =	sld [smem:$0x3FA7]  }
0x31: {  	[smem:$0x3FB0] =	sst s10  }
0x32: {  	s10 =	sld [smem:$0x3FAE];
	_ =	sdelay $0x3  }
0x33: {  	p0 =	seq.s32 s10, $0x1;
	s10 =	sld [smem:$0x3FB0];
	_ =	sdelay $0x3  }
0x34: {  	[smem:$0x3FB0] =	sst s10  }
0x35: {  	s10 =	sld [smem:$0x3FAF];
	_ =	sdelay $0x3  }
0x36: {  	p1 =	seq.s32 s10, $0x1;
	s10 =	sld [smem:$0x3FB0];
	_ =	sdelay $0x3  }
0x37: {  	[smem:$0x3FB0] =	sst s10  }
0x38: {  	s10 =	sld [smem:$0x3FB1]  }
0x39: {  	_ = 	snop;
	(pc) =	sbr.ind lr, $3  }
0x3a: {  	_ = 	snop  }
0x3b: {  	_ = 	snop  }
0x3c: {  	p2 =	seq.s32 s10, $0x1;
	s10 =	sld [smem:$0x3FB0]  }
0x3d: {  	_ =	shalt  }
0x3e: {  	_ =	shalt  }
0x3f: {  	_ =	shalt  }
0x40: {  	_ =	shalt  }
0x41: {  	_ =	shalt  }
0x42: {  	_ =	shalt  }
0x43: {  	_ =	shalt  }
0x44: {  	_ =	shalt  }
0x45: {  	_ =	shalt  }
0x46: {  	_ =	shalt  }
0x47: {  	_ =	shalt  }
0x48: {  	_ =	shalt  }
0x49: {  	_ =	shalt  }
0x4a: {  	_ =	shalt  }
0x4b: {  	_ =	shalt  }
0x4c: {  	_ =	shalt  }
0x4d: {  	_ =	shalt  }
0x4e: {  	_ =	shalt  }
0x4f: {  	_ =	shalt  }
0x50: {  	_ =	shalt  }
0x51: {  	_ =	shalt  }
0x52: {  	_ =	shalt  }
0x53: {  	_ =	shalt  }
0x54: {  	_ =	shalt  }
0x55: {  	_ =	shalt  }
0x56: {  	_ =	shalt  }
0x57: {  	_ =	shalt  }
0x58: {  	_ =	shalt  }
0x59: {  	_ =	shalt  }
0x5a: {  	_ =	shalt  }
0x5b: {  	_ =	shalt  }
0x5c: {  	_ =	shalt  }
0x5d: {  	_ =	shalt  }
0x5e: {  	_ =	shalt  }
0x5f: {  	_ =	shalt  }
0x60: {  	_ =	shalt  }
0x61: {  	_ =	shalt  }
0x62: {  	_ =	shalt  }
0x63: {  	_ =	shalt  }
0x64: {  	_ =	shalt  }
0x65: {  	_ =	shalt  }
0x66: {  	_ =	shalt  }
0x67: {  	_ =	shalt  }
0x68: {  	_ =	shalt  }
0x69: {  	_ =	shalt  }
0x6a: {  	_ =	shalt  }
0x6b: {  	_ =	shalt  }
0x6c: {  	_ =	shalt  }
0x6d: {  	_ =	shalt  }
0x6e: {  	_ =	shalt  }
0x6f: {  	_ =	shalt  }
0x70: {  	_ =	shalt  }
0x71: {  	_ =	shalt  }
0x72: {  	_ =	shalt  }
0x73: {  	_ =	shalt  }
0x74: {  	_ =	shalt  }
0x75: {  	_ =	shalt  }
0x76: {  	_ =	shalt  }
0x77: {  	_ =	shalt  }
0x78: {  	_ =	shalt  }
0x79: {  	_ =	shalt  }
0x7a: {  	_ =	shalt  }
0x7b: {  	_ =	shalt  }
0x7c: {  	_ =	shalt  }
0x7d: {  	_ =	shalt  }
0x7e: {  	_ =	shalt  }
0x7f: {  	_ =	shalt  }
0x80: {  	_ =	shalt  }
0x81: {  	_ =	shalt  }
0x82: {  	_ =	shalt  }
0x83: {  	_ =	shalt  }
0x84: {  	_ =	shalt  }
0x85: {  	_ =	shalt  }
0x86: {  	_ =	shalt  }
0x87: {  	_ =	shalt  }
.Lfunc_end0:
.L_simem_size_0:
called_computation.1_lowered:
.L_overlay_start_0:
0x88: {  	s2 =	sld [smem:$0x3FD9]  }
0x89: {  	s3 =	sld [smem:$0x3FFE];
	_ =	sdelay $0x1  }
0x8a: {  	s1 =	srdreg.scid  }
0x8b: {  	s0 =	sand.u32 $0x1, s1  }
0x8c: {  	s17 =	sshll.u32 s0, $0xA;
	s2 =	sadd.s32 s3, s2  }
0x8d: {  	s2 =	sadd.s32 s2, s17  }
0x8e: {  	[smem:$0x3FBC] =	sst s2  }
0x8f: {  	_ = 	snop  }
0x90: {  	s2 =	sld [smem:$0x3FD0];
	(tm) =	ssettm $0x1  }
0x91: {  	s18 =	sld [smem:$0x3FFB];
	_ =	sdelay $0x3  }
0x92: {  	_ =	strace s18  }
0x93: {  	s3 =	sld [smem:$0x3FFC];
	_ =	sdelay $0x3  }
0x94: {  	_ =	strace s3  }
0x95: {  	s3 =	sld [smem:$0x3FFD];
	_ =	sdelay $0x3  }
0x96: {  	_ =	strace s3  }
0x97: {  	_ =	strace $0x8FFFFFFF  }
0x98: {  	s19 =	sld [smem:$0x3FDB];
	_ =	sdelay $0x1  }
0x99: {  	s4 =	simm.s32 $_scs_section_size  }
0x9a: {  	s5 =	simm.s32 $_size__tile_overlayer_lowered;
	s6 =	simm.s32 $_tile_overlayer_lowered  }
0x9b: {  	s22 =	simm.s32 $0x1BFF;
	s21 =	sshll.u32 s6, $0x1;
	s3 =	sadd.s32 s4, s19  }
0x9c: {  	s7 =	simm.s32 $0x0;
	s20 =	sshll.u32 s5, $0x1;
	s5 =	sadd.s32 s21, s3  }
0x9d: {  	[timem:s7], [sflag:s22] =	dma.local [hbm:s5], s20  }
0x9e: {  	_ =	swait.ge [sflag:s22], s20  }
0x9f: {  	s4 =	ssub.s32 $0x0, s20;
	[sflag:s22] =	ssyncset.done $0x0  }
0xa0: {  	[sflag:s22] =	ssyncadd.s32 s4;
	_ =	sdelay $0x1  }
0xa1: {  	s23 =	simm.s32 $0x1B8B  }
0xa2: {  	_ =	swait.ge [sflag:s23], $0x1  }
0xa3: {  	[sflag:s23] =	ssyncset.done $0x0  }
0xa4: {  	s25 =	simm.s32 $0x1B8E;
	s24 =	sld [smem:$0x3FFE];
	[sflag:s23] =	ssyncadd.s32 $0xFFFFFFFF  }
0xa5: {  	s26 =	simm.s32 $execute0_lowered;
	[smem:$0x3FD2] =	sst s25  }
0xa6: {  	s5 =	sshll.u32 s26, $0x1;
	_ =	strace $0x80000049;
	[dreg:$0x1] =	wrdreg $0xFFFFFFFF  }
0xa7: {  	s28 =	simm.s32 $_size_execute0_lowered;
	s3 =	sadd.s32 s3, s5;
	[dreg:$0x0] =	wrdreg $0x0  }
0xa8: {  	s5 =	sshll.u32 s28, $0x1;
	[dreg:$0x2] =	wrdreg s3  }
0xa9: {  	[dreg:$0x3] =	wrdreg s5  }
0xaa: {  	[dreg:$0x4] =	wrdreg $0xC0  }
0xab: {  	_ =	task [dreg:s7], $0x5FFFF  }
0xac: {  	[dreg:$0x1] =	wrdreg $0xFFFFFFFF  }
0xad: {  	[dreg:$0x0] =	wrdreg $0x60  }
0xae: {  	[dreg:$0x2] =	wrdreg s2  }
0xaf: {  	[dreg:$0x3] =	wrdreg s24  }
0xb0: {  	[dreg:$0x4] =	wrdreg $0x90000  }
0xb1: {  	[dreg:$0x5] =	wrdreg $0x9  }
0xb2: {  	_ =	task.clear_ibuf [dreg:s7], $0x6FFFF;
	_ =	strace $0x90000049  }
0xb3: {  	s29 =	simm.s32 $0x9;
	_ =	strace $0x8000004B  }
0xb4: {  	_ =	swait.ge [sflag:s29], $0x1  }
0xb5: {  	[sflag:s29] =	ssyncadd.s32 $0xFFFFFFFF  }
0xb6: {  	_ =	strace $0x9000004B  }
0xb7: {  	_ =	sfence  }
0xb8: {  	s30 =	sld [smem:$0x0];
	_ =	sdelay $0x2  }
0xb9: {  	s31 =	sshll.u32 s1, $0xD;
	s1 =	sshrl.u32 s1, $0x2  }
0xba: {  	s3 =	sand.u32 $0x4000, s31;
	s1 =	sadd.s32 s1, s30  }
0xbb: {  	s0 =	sor.u32 s3, s0;
	s1 =	sshll.u32 s1, $0x11  }
0xbc: {  	s0 =	sor.u32 s1, s0  }
0xbd: {  	s0 =	sadd.s32 $0x8F2B, s0  }
0xbe: {  	[sflag:s0] =	ssyncadd.remote.s32 $0x1  }
0xbf: {  	_ =	sfence.sel $0xFFFF  }
0xc0: {  	[dreg:$0x0] =	wrdreg $0xFFFFFFFF;
	(pc) =	sbr.abs _section_cstart, $3  }
0xc1: {  	[dreg:$0x1] =	wrdreg $0xFFFFFFFF  }
0xc2: {  	_ =	task.clear_ibuf [dreg:s7], $0x2FFFF;
	_ =	strace $0x9FFFFFFF  }
0xc3: {  	(tm) =	ssettm $0x7FFFFFFF  }
tec
execute0_lowered:
.L_overlay_start_1:
0x0: {  	(tag) =	ssettag $0x1  }
0x1: {  	s1 =	rddreg [dreg:$0x0]  }
0x2: {  	s0 =	srdreg.scid;
	s4 =	rddreg [dreg:$0x1]  }
0x3: {  	s10 =	stileid.u32;
	s3 =	rddreg [dreg:$0x2]  }
0x4: {  	s7 =	simm.s32 $0x0;
	s14 =	simm.s32 $0x11;
	s15 =	simm.s32 $0x80  }
0x5: {  	s21 =	simm.s32 $0x6800;
	s23 =	simm.s32 $0x0;
	s0 =	sand.u32 $0x1, s0  }
0x6: {  	s6 =	smul.u32 $0x2710, s10;
	[smem:$0x7FF] =	sst s7;
	s28 =	sshll.u32 s10, $0x6  }
0x7: {  	s11 =	sadd.s32 $0xB100, s4;
	s2 =	sshll.u32 s0, $0x4;
	s25 =	smul.u32 $0x4E20, s0  }
0x8: {  	_ =	strace $0x8000004A;
	s0 =	ssub.s32 $0x2, s0;
	s7 =	sor.u32 $0x1C11, s28  }
0x9: {  	s2 =	sor.u32 s10, s2;
	s16 =	sshrl.u32 s6, $0x3;
	s26 =	sshrl.u32 s0, $0x1  }
0xa: {  	s13 =	sadd.s32 s6, s3;
	s10 =	sadd.s32 $0x14F00, s4;
	s5 =	smul.u32 $0x500, s2  }
0xb: {  	s8 =	sadd.s32 s16, s4;
	s12 =	sadd.s32 s25, s4;
	p0 =	seq.s32 s2, $0x1F  }
0xc: {  	s0 =	ssub.s32 s0, s26;
	s9 =	sadd.s32 s5, s4;
	s5 =	simm.s32 $0x14  }
0xd: {  	s13 =	sshrl.u32 s13, $0x3;
	s2 =	simm.s32 @!p0 $0x0;
	s5 =	simm.s32 @!p0 $0x50  }
0xe: {  	s6 =	sadd.s32 $0x15200, s8;
	s2 =	simm.s32 @p0 $0x1;
	s29 =	sadd.s32 $0x4, s5  }
0xf: {  	s30 =	sadd.s32 $0x1A200, s12;
	[smem:$0x7FD] =	sst s2;
	s2 =	sand.u32 $0x58, s29  }
0x10: {  	s12 =	smax.u32 s0, $0x1;
	s22 =	sadd.s32 s16, s30;
	s31 =	sadd.s32 $0x8, s2  }
0x11: {  	s8 =	sadd.s32 $0xB400, s9;
	s9 =	sadd.s32 $0x1600, s9;
	[dreg:$0x4] =	wrdreg s31  }
.LBB2_1:
0x12: {  	[spmem:s13], [sflag:s7] =	dma.local [hbm:s6], $0x4E2  }
0x13: {  	_ =	swait.ge [sflag:s14], $0x4E2  }
0x14: {  	s0 =	sld [smem:$0x7FD];
	_ =	sdelay $0x2  }
0x15: {  	[sflag:s14] =	ssyncset.done $0x0;
	p0 =	seq.s32 s0, $0x1  }
0x16: {  	[sflag:s14] =	ssyncadd.s32 $0xFFFFFB1E;
	s0 =	simm.s32 @p0 $0x0;
	s2 =	simm.s32 @p0 $0x11  }
0x17: {  	[tilespmem:s0], [sflag:$0x11] =	stream.linear.gather @p0 [hbm4b:s10+s0], $0xA00, $0x38;
	[tilespmem:$0xB710] =	vst v63  }
0x18: {  	_ =	swait.ge @p0 [sflag:s2], $0xA00  }
0x19: {  	[sflag:s2] =	ssyncset.done @p0 $0x0  }
0x1a: {  	s4 =	simm.s32 @p0 $0x2800;
	[sflag:s2] =	ssyncadd.s32 @p0 $0xFFFFF600  }
0x1b: {  	[tilespmem:s4], [sflag:$0x11] =	stream.linear.gather @p0 [hbm4b:s11+s0], $0xA00, $0x38;
	[tilespmem:$0xB710] =	vst v63  }
0x1c: {  	_ =	swait.ge @p0 [sflag:s2], $0xA00  }
0x1d: {  	[sflag:s2] =	ssyncset.done @p0 $0x0  }
0x1e: {  	s0 =	simm.s32 @!p0 $0x0;
	[sflag:s2] =	ssyncadd.s32 @p0 $0xFFFFF600;
	s2 =	simm.s32 @!p0 $0x11  }
0x1f: {  	[tilespmem:s0], [sflag:$0x11] =	stream.linear.gather @!p0 [hbm4b:s8+s0], $0x2800, $0x38;
	[tilespmem:$0xB710] =	vst v63  }
0x20: {  	_ =	swait.ge @!p0 [sflag:s2], $0x2800  }
0x21: {  	[sflag:s2] =	ssyncset.done @!p0 $0x0  }
0x22: {  	s4 =	simm.s32 @!p0 $0x2800;
	[sflag:s2] =	ssyncadd.s32 @!p0 $0xFFFFD800  }
0x23: {  	[tilespmem:s4], [sflag:$0x11] =	stream.linear.gather @!p0 [hbm4b:s9+s0], $0x2800, $0x38;
	[tilespmem:$0xB710] =	vst v63  }
0x24: {  	_ =	swait.ge @!p0 [sflag:s2], $0x2800  }
0x25: {  	[sflag:s2] =	ssyncset.done @!p0 $0x0  }
0x26: {  	[sflag:s2] =	ssyncadd.s32 @!p0 $0xFFFFD800  }
0x27: {  	s25 =	simm.s32 $0x0;
	s26 =	simm.s32 $0x5000;
	[bflag:$0x0] =	sbarrier.arrive $0xFFFF  }
0x28: {  	[tilespmem:s26], [sflag:$0x1] =	stream.indirect.gather [hbm4b:s1+s15], $0x10, s25, s15, $0xb8;
	[tilespmem:$0xB710] =	vst v63  }
0x29: {  	s28 =	simm.s32 $0x5800  }
0x2a: {  	[tilespmem:s28], [sflag:$0x2] =	stream.indirect.gather [hbm4b:s1+s15], $0x10, s15, s15, $0xb8;
	[tilespmem:$0xB710] =	vst v63  }
0x2b: {  	s29 =	simm.s32 $0x100;
	s30 =	simm.s32 $0x6000  }
0x2c: {  	[tilespmem:s30], [sflag:$0x3] =	stream.indirect.gather [hbm4b:s1+s15], $0x10, s29, s15, $0xb8;
	[tilespmem:$0xB710] =	vst v63  }
0x2d: {  	s31 =	simm.s32 $0x180;
	s24 =	simm.s32 $0x0;
	s25 =	simm.s32 $0x0  }
0x2e: {  	[tilespmem:s21], [sflag:$0x4] =	stream.indirect.gather [hbm4b:s1+s15], $0x10, s31, s15, $0xb8;
	[tilespmem:$0xB710] =	vst v63  }
.LBB2_2:
0x2f: {  	p0 =	sge.u32 s25, s5  }
0x30: {  	s0 =	simm.s32 @!p0 $0x0  }
0x31: {  	s0 =	simm.s32 @p0 $0x1  }
0x32: {  	[smem:$0x7FB] =	sst s0;
	s0 =	simm.s32 @!p0 $0x1  }
0x33: {  	_ =	swait.ge @!p0 [sflag:s0], $0x800  }
0x34: {  	[sflag:s0] =	ssyncset.done @!p0 $0x0  }
0x35: {  	s18 =	sadd.s32 $0xFFFFFFFC, s25;
	[sflag:s0] =	ssyncadd.s32 @!p0 $0xFFFFF800;
	s0 =	sshra.s32 @!p0 s24, $0x2  }
0x36: {  	s2 =	simm.s32 @!p0 $0x80;
	s4 =	simm.s32 @!p0 $0x5000;
	s0 =	sadd.s32 @!p0 $0x2800, s0  }
0x37: {  	[spmem:s3] =	stream.indirect.scatter.add.f32 @!p0 [tilespmem:s4], [sflag:$0x9], $0x10, s0, s2, $0xb8;
	[tilespmem:$0xB710] =	vst v63  }
0x38: {  	p0 =	sge.u32 s18, s5  }
0x39: {  	s0 =	simm.s32 @!p0 $0xD  }
0x3a: {  	s19 =	sadd.s32 $0x4, s25;
	_ =	swait.ge @!p0 [sflag:s0], $0x800  }
0x3b: {  	s20 =	sadd.s32 $0x1, s25;
	p1 =	sge.u32 s19, s5;
	[sflag:s0] =	ssyncset.done @!p0 $0x0  }
0x3c: {  	s26 =	sshra.s32 @!p1 s24, $0x2;
	[sflag:s0] =	ssyncadd.s32 @!p0 $0xFFFFF800;
	s0 =	simm.s32 @!p1 $0x0  }
0x3d: {  	s28 =	simm.s32 @!p1 $0x80;
	s29 =	simm.s32 @!p1 $0x7000;
	s0 =	simm.s32 @p1 $0x1  }
0x3e: {  	p0 =	sge.u32 s20, s5;
	[smem:$0x7FA] =	sst s0;
	s0 =	sadd.s32 @!p1 $0x200, s26  }
0x3f: {  	[tilespmem:s29], [sflag:$0x5] =	stream.indirect.gather @!p1 [hbm4b:s1+s28], $0x10, s0, s28, $0xb8;
	[tilespmem:$0xB710] =	vst v63  }
0x40: {  	s0 =	simm.s32 @!p0 $0x0  }
0x41: {  	s0 =	simm.s32 @p0 $0x1  }
0x42: {  	[smem:$0x7FC] =	sst s0;
	s0 =	simm.s32 @!p0 $0x2  }
0x43: {  	_ =	swait.ge @!p0 [sflag:s0], $0x800  }
0x44: {  	[sflag:s0] =	ssyncset.done @!p0 $0x0  }
0x45: {  	s30 =	sadd.s32 $0xFFFFFFFD, s25;
	[sflag:s0] =	ssyncadd.s32 @!p0 $0xFFFFF800;
	s0 =	sshra.s32 @!p0 s24, $0x2  }
0x46: {  	s2 =	simm.s32 @!p0 $0x80;
	s4 =	simm.s32 @!p0 $0x5800;
	s0 =	sadd.s32 @!p0 $0x2880, s0  }
0x47: {  	[spmem:s3] =	stream.indirect.scatter.add.f32 @!p0 [tilespmem:s4], [sflag:$0xA], $0x10, s0, s2, $0xb8;
	[tilespmem:$0xB710] =	vst v63  }
0x48: {  	s31 =	sadd.s32 $0x5, s25;
	p0 =	sge.u32 s30, s5  }
0x49: {  	p6 =	sge.u32 s31, s5;
	s0 =	simm.s32 @!p0 $0xE  }
0x4a: {  	s31 =	simm.s32 @!p6 $0x80;
	s30 =	sshra.s32 @!p6 s24, $0x2;
	_ =	swait.ge @!p0 [sflag:s0], $0x800  }
0x4b: {  	s2 =	simm.s32 @!p6 $0x7800;
	s4 =	sadd.s32 $0x2, s25;
	[sflag:s0] =	ssyncset.done @!p0 $0x0  }
0x4c: {  	p3 =	sge.u32 s4, s5;
	[sflag:s0] =	ssyncadd.s32 @!p0 $0xFFFFF800;
	s0 =	sadd.s32 @!p6 $0x280, s30  }
0x4d: {  	[tilespmem:s2], [sflag:$0x6] =	stream.indirect.gather @!p6 [hbm4b:s1+s31], $0x10, s0, s31, $0xb8;
	[tilespmem:$0xB710] =	vst v63  }
0x4e: {  	s0 =	simm.s32 @!p3 $0x3  }
0x4f: {  	_ =	swait.ge @!p3 [sflag:s0], $0x800  }
0x50: {  	[sflag:s0] =	ssyncset.done @!p3 $0x0  }
0x51: {  	[sflag:s0] =	ssyncadd.s32 @!p3 $0xFFFFF800;
	s0 =	sshra.s32 @!p3 s24, $0x2  }
0x52: {  	s4 =	simm.s32 @!p3 $0x80;
	s16 =	simm.s32 @!p3 $0x6000;
	s0 =	sadd.s32 @!p3 $0x2900, s0  }
0x53: {  	[spmem:s3] =	stream.indirect.scatter.add.f32 @!p3 [tilespmem:s16], [sflag:$0xB], $0x10, s0, s4, $0xb8;
	[tilespmem:$0xB710] =	vst v63  }
0x54: {  	s16 =	sadd.s32 $0xFFFFFFFE, s25  }
0x55: {  	p0 =	sge.u32 s16, s5  }
0x56: {  	s0 =	simm.s32 @!p0 $0xF  }
0x57: {  	s17 =	sadd.s32 $0x6, s25;
	_ =	swait.ge @!p0 [sflag:s0], $0x800  }
0x58: {  	p2 =	sge.u32 s17, s5;
	s18 =	sadd.s32 $0x3, s25;
	[sflag:s0] =	ssyncset.done @!p0 $0x0  }
0x59: {  	p4 =	sge.u32 s18, s5;
	[sflag:s0] =	ssyncadd.s32 @!p0 $0xFFFFF800;
	s0 =	sshra.s32 @!p2 s24, $0x2  }
0x5a: {  	s4 =	simm.s32 @!p2 $0x80;
	s16 =	simm.s32 @!p2 $0x8000;
	s17 =	sadd.s32 @!p2 $0x300, s0  }
0x5b: {  	[tilespmem:s16], [sflag:$0x7] =	stream.indirect.gather @!p2 [hbm4b:s1+s4], $0x10, s17, s4, $0xb8;
	[tilespmem:$0xB710] =	vst v63  }
0x5c: {  	s17 =	simm.s32 @!p4 $0x4  }
0x5d: {  	_ =	swait.ge @!p4 [sflag:s17], $0x800  }
0x5e: {  	[sflag:s17] =	ssyncset.done @!p4 $0x0  }
0x5f: {  	[sflag:s17] =	ssyncadd.s32 @!p4 $0xFFFFF800;
	s17 =	sshra.s32 @!p4 s24, $0x2  }
0x60: {  	s18 =	simm.s32 @!p4 $0x80;
	s19 =	simm.s32 @!p4 $0x6800;
	s17 =	sadd.s32 @!p4 $0x2980, s17  }
0x61: {  	[spmem:s3] =	stream.indirect.scatter.add.f32 @!p4 [tilespmem:s19], [sflag:$0xC], $0x10, s17, s18, $0xb8;
	[tilespmem:$0xB710] =	vst v63  }
0x62: {  	s19 =	sadd.s32 $0xFFFFFFFF, s25  }
0x63: {  	p0 =	sge.u32 s19, s5  }
0x64: {  	s17 =	simm.s32 @!p0 $0x10  }
0x65: {  	s20 =	sadd.s32 $0x7, s25;
	_ =	swait.ge @!p0 [sflag:s17], $0x800  }
0x66: {  	p1 =	sge.u32 s20, s5;
	[sflag:s17] =	ssyncset.done @!p0 $0x0  }
0x67: {  	[sflag:s17] =	ssyncadd.s32 @!p0 $0xFFFFF800;
	s17 =	sshra.s32 @!p1 s24, $0x2  }
0x68: {  	s20 =	simm.s32 @!p1 $0x8800;
	s19 =	simm.s32 @!p1 $0x80;
	s18 =	sadd.s32 @!p1 $0x380, s17  }
0x69: {  	[tilespmem:s20], [sflag:$0x8] =	stream.indirect.gather @!p1 [hbm4b:s1+s19], $0x10, s18, s19, $0xb8;
	[tilespmem:$0xB710] =	vst v63  }
0x6a: {  	s18 =	sld [smem:$0x7FA];
	_ =	sdelay $0x2  }
0x6b: {  	p0 =	seq.s32 s18, $0x1  }
0x6c: {  	s18 =	simm.s32 @!p0 $0x5  }
0x6d: {  	_ =	swait.ge @!p0 [sflag:s18], $0x800  }
0x6e: {  	[sflag:s18] =	ssyncset.done @!p0 $0x0  }
0x6f: {  	[sflag:s18] =	ssyncadd.s32 @!p0 $0xFFFFF800;
	s18 =	sadd.s32 @!p0 $0x2A00, s26  }
0x70: {  	[spmem:s3] =	stream.indirect.scatter.add.f32 @!p0 [tilespmem:s29], [sflag:$0xD], $0x10, s18, s28, $0xb8;
	[tilespmem:$0xB710] =	vst v63  }
0x71: {  	s28 =	sld [smem:$0x7FB];
	_ =	sdelay $0x2  }
0x72: {  	p0 =	seq.s32 s28, $0x1  }
0x73: {  	s18 =	simm.s32 @!p0 $0x9  }
0x74: {  	_ =	swait.ge @!p0 [sflag:s18], $0x800  }
0x75: {  	s29 =	sld [smem:$0x7FB];
	_ =	sdelay $0x1  }
0x76: {  	s26 =	sadd.s32 $0x8, s25  }
0x77: {  	[sflag:s18] =	ssyncset.done @!p0 $0x0;
	p0 =	sge.u32 s26, s5;
	p5 =	seq.s32 s29, $0x1  }
0x78: {  	[sflag:s18] =	ssyncadd.s32 @!p5 $0xFFFFF800;
	s18 =	sshra.s32 @!p0 s24, $0x2  }
0x79: {  	s28 =	simm.s32 @!p0 $0x80;
	s29 =	simm.s32 @!p0 $0x5000;
	s18 =	sadd.s32 @!p0 $0x400, s18  }
0x7a: {  	[tilespmem:s29], [sflag:$0x1] =	stream.indirect.gather @!p0 [hbm4b:s1+s28], $0x10, s18, s28, $0xb8;
	[tilespmem:$0xB710] =	vst v63  }
0x7b: {  	s18 =	simm.s32 @!p6 $0x6  }
0x7c: {  	_ =	swait.ge @!p6 [sflag:s18], $0x800  }
0x7d: {  	[sflag:s18] =	ssyncset.done @!p6 $0x0  }
0x7e: {  	[sflag:s18] =	ssyncadd.s32 @!p6 $0xFFFFF800;
	s18 =	sadd.s32 @!p6 $0x2A80, s30  }
0x7f: {  	[spmem:s3] =	stream.indirect.scatter.add.f32 @!p6 [tilespmem:s2], [sflag:$0xE], $0x10, s18, s31, $0xb8;
	[tilespmem:$0xB710] =	vst v63  }
0x80: {  	s18 =	sld [smem:$0x7FC];
	_ =	sdelay $0x2  }
0x81: {  	p5 =	seq.s32 s18, $0x1  }
0x82: {  	s2 =	simm.s32 @!p5 $0xA  }
0x83: {  	s28 =	sadd.s32 $0x9, s25;
	_ =	swait.ge @!p5 [sflag:s2], $0x800  }
0x84: {  	p0 =	sge.u32 s28, s5;
	[sflag:s2] =	ssyncset.done @!p5 $0x0  }
0x85: {  	[sflag:s2] =	ssyncadd.s32 @!p5 $0xFFFFF800;
	s2 =	sshra.s32 @!p0 s24, $0x2  }
0x86: {  	s28 =	simm.s32 @!p0 $0x5800;
	s18 =	simm.s32 @!p0 $0x80;
	s2 =	sadd.s32 @!p0 $0x480, s2  }
0x87: {  	[tilespmem:s28], [sflag:$0x2] =	stream.indirect.gather @!p0 [hbm4b:s1+s18], $0x10, s2, s18, $0xb8;
	[tilespmem:$0xB710] =	vst v63  }
0x88: {  	s2 =	simm.s32 @!p2 $0x7  }
0x89: {  	_ =	swait.ge @!p2 [sflag:s2], $0x800  }
0x8a: {  	[sflag:s2] =	ssyncset.done @!p2 $0x0  }
0x8b: {  	s0 =	sadd.s32 @!p2 $0x2B00, s0;
	[sflag:s2] =	ssyncadd.s32 @!p2 $0xFFFFF800  }
0x8c: {  	[spmem:s3] =	stream.indirect.scatter.add.f32 @!p2 [tilespmem:s16], [sflag:$0xF], $0x10, s0, s4, $0xb8;
	[tilespmem:$0xB710] =	vst v63  }
0x8d: {  	s0 =	simm.s32 @!p3 $0xB  }
0x8e: {  	s29 =	sadd.s32 $0xA, s25;
	_ =	swait.ge @!p3 [sflag:s0], $0x800  }
0x8f: {  	p0 =	sge.u32 s29, s5;
	[sflag:s0] =	ssyncset.done @!p3 $0x0  }
0x90: {  	[sflag:s0] =	ssyncadd.s32 @!p3 $0xFFFFF800;
	s0 =	sshra.s32 @!p0 s24, $0x2  }
0x91: {  	s2 =	simm.s32 @!p0 $0x80;
	s4 =	simm.s32 @!p0 $0x6000;
	s0 =	sadd.s32 @!p0 $0x500, s0  }
0x92: {  	[tilespmem:s4], [sflag:$0x3] =	stream.indirect.gather @!p0 [hbm4b:s1+s2], $0x10, s0, s2, $0xb8;
	[tilespmem:$0xB710] =	vst v63  }
0x93: {  	s0 =	simm.s32 @!p1 $0x8  }
0x94: {  	_ =	swait.ge @!p1 [sflag:s0], $0x800  }
0x95: {  	[sflag:s0] =	ssyncset.done @!p1 $0x0  }
0x96: {  	[sflag:s0] =	ssyncadd.s32 @!p1 $0xFFFFF800;
	s0 =	sadd.s32 @!p1 $0x2B80, s17  }
0x97: {  	[spmem:s3] =	stream.indirect.scatter.add.f32 @!p1 [tilespmem:s20], [sflag:$0x10], $0x10, s0, s19, $0xb8;
	[tilespmem:$0xB710] =	vst v63  }
0x98: {  	s0 =	simm.s32 @!p4 $0xC  }
0x99: {  	s30 =	sadd.s32 $0xB, s25;
	_ =	swait.ge @!p4 [sflag:s0], $0x800  }
0x9a: {  	p0 =	sge.u32 s30, s5;
	[sflag:s0] =	ssyncset.done @!p4 $0x0  }
0x9b: {  	s4 =	simm.s32 @!p0 $0x80;
	[sflag:s0] =	ssyncadd.s32 @!p4 $0xFFFFF800;
	s0 =	sshra.s32 @!p0 s24, $0x2  }
0x9c: {  	s16 =	simm.s32 @!p0 $0x6800;
	s31 =	rddreg [dreg:$0x4];
	s0 =	sadd.s32 @!p0 $0x580, s0  }
0x9d: {  	[tilespmem:s16], [sflag:$0x4] =	stream.indirect.gather @!p0 [hbm4b:s1+s4], $0x10, s0, s4, $0xb8;
	[tilespmem:$0xB710] =	vst v63  }
0x9e: {  	p0 =	sne.s32 s31, s26  }
.Ltmp0:
0x9f: {  	_ = 	snop;
	(pc) =	sbr.rel @p0 .LBB2_2-.Ltmp0, $2  }
0xa0: {  	_ =	sdelay $0x2  }
0xa1: {  	s25 =	smov.u32 s26;
	s24 =	sadd.s32 $0x1000, s24  }
0xa2: {  	s23 =	sadd.s32 $0x1, s23  }
0xa3: {  	p0 =	sne.s32 s23, s12  }
.Ltmp1:
0xa4: {  	[bflag:$0x0] =	sbarrier.arrive $0xFFFF;
	(pc) =	sbr.rel @p0 .LBB2_1-.Ltmp1, $4  }
0xa5: {  	[hbm:s22], [sflag:s7] =	dma.local [spmem:s13], $0x4E2  }
0xa6: {  	_ =	swait.ge [sflag:s14], $0x4E2  }
0xa7: {  	[sflag:s14] =	ssyncset.done $0x0  }
0xa8: {  	[sflag:s14] =	ssyncadd.s32 $0xFFFFFB1E  }
0xa9: {  	_ =	sfence.sel $0x180000  }
0xaa: {  	[bflag:$0x0] =	sbarrier.arrive $0xFFFF  }
0xab: {  	_ =	strace $0x9000004A  }
0xac: {  	s0 =	stileid.u32;
	[bflag:$0x2] =	sbarrier.arrive $0xFFFF  }
0xad: {  	p0 =	sne.s32 s0, $0x0;
	s0 =	rddreg [dreg:$0x3]  }
0xae: {  	s0 =	sadd.s32 @!p0 $0x100000, s0  }
0xaf: {  	[sflag:s0] =	ssyncadd.tile.s32 @!p0 $0x1;
	_ =	shalt  }
.Lfunc_end2:
_tile_overlayer_lowered:
.L_overlay_start_2:
0xb0: {  	(tag) =	ssettag $0x2  }
0xb1: {  	s0 =	rddreg [dreg:$0x0];
	s2 =	stileid.u32  }
0xb2: {  	s1 =	rddreg [dreg:$0x1];
	p0 =	sne.s32 s2, $0x0  }
0xb3: {  	s3 =	rddreg [dreg:$0x2];
	[bflag:$0x3] =	sbarrier.arrive $0xFFFF;
	s2 =	simm.s32 @!p0 $0x1C11  }
0xb4: {  	[timem:s3], [sflag:s2] =	dma.local @!p0 [hbm:s0], s1  }
0xb5: {  	s0 =	simm.s32 @!p0 $0x11  }
0xb6: {  	_ =	swait.ge @!p0 [sflag:s0], s1  }
0xb7: {  	s1 =	ssub.s32 @!p0 $0x0, s1;
	[sflag:s0] =	ssyncset.done @!p0 $0x0  }
0xb8: {  	[sflag:s0] =	ssyncadd.s32 @!p0 s1  }
0xb9: {  	[bflag:$0x3] =	sbarrier.arrive $0xFFFF  }
0xba: {  	_ =	shalt  }

// kernel: kernel.7.cloned.1.call-start
scs
__scs_entry_jumppad:
0x0: {  	(pc) =	sbr.rel $0x88, $3  }
0x1: {  	(tag) =	ssettag $0x0;
	lr =	simm.s32 $0x1  }
0x2: {  	[smem:$0x3F95] =	sst lr;
	_ =	strace $0xD0000000  }
0x3: {  	_ = 	snop  }
0x4: {  	_ = 	snop  }
0x5: {  	_ = 	snop  }
0x6: {  	_ = 	snop  }
0x7: {  	_ = 	snop  }
__scs_overlays_trampoline_lowered:
0x8: {  	[smem:$0x3FA4] =	sst s0  }
0x9: {  	[smem:$0x3FA5] =	sst s1  }
0xa: {  	[smem:$0x3FA6] =	sst s2  }
0xb: {  	[smem:$0x3FA7] =	sst s3  }
0xc: {  	[smem:$0x3FA8] =	sst s4  }
0xd: {  	[smem:$0x3FA9] =	sst s5  }
0xe: {  	[smem:$0x3FAA] =	sst s6  }
0xf: {  	[smem:$0x3FAB] =	sst s7  }
0x10: {  	[smem:$0x3FAC] =	sst s8  }
0x11: {  	[smem:$0x3FAD] =	sst s9;
	s0 =	simm.s32 @!p0 $0x0  }
0x12: {  	s1 =	sld [smem:$0x3F93];
	s0 =	simm.s32 @p0 $0x1  }
0x13: {  	[smem:$0x3FAE] =	sst s0;
	s0 =	simm.s32 @!p1 $0x0  }
0x14: {  	s2 =	sld [smem:$0x3F92];
	s0 =	simm.s32 @p1 $0x1  }
0x15: {  	[smem:$0x3FAF] =	sst s0;
	s0 =	simm.s32 @!p2 $0x0  }
0x16: {  	s3 =	sld [smem:$0x3FDB];
	s0 =	simm.s32 @p2 $0x1  }
0x17: {  	s4 =	simm.s32 $0x1BF5;
	[smem:$0x3FB1] =	sst s0  }
0x18: {  	s0 =	sld [smem:$0x3F94];
	_ =	swait.ge [sflag:s4], $0x0  }
0x19: {  	s7 =	sld [smem:$0x3F95]  }
0x1a: {  	s8 =	sadd.s32 $0xFFFFE003, lr  }
0x1b: {  	s9 =	sadd.s32 $0xFFFFFEF7, lr;
	s5 =	simm.s32 $0xFFFFFFFF;
	p2 =	slt.u32 s8, $0xFFFFF086  }
0x1c: {  	p1 =	slt.u32 s9, $0xF7A;
	s5 =	simm.s32 @!p2 $0x0  }
0x1d: {  	s5 =	simm.s32 @p1 $0x1;
	p0 =	seq.s32 s7, s2  }
0x1e: {  	s7 =	smul.u32 @!p0 $0xF7A, s2;
	p2 =	seq.s32 @!p0 s5, $0x0  }
0x1f: {  	s9 =	smul.u32 $0xF7A, s1;
	s8 =	simm.s32 @!p0 $0x1BF5;
	p2 =	por !p2, p0  }
0x20: {  	[sflag:s8] =	ssyncset.s32 @!p0 $0xFFFFF086;
	s6 =	sadd.s32 @!p0 s3, s7;
	s7 =	simm.s32 @!p0 $0x108  }
0x21: {  	s3 =	sadd.s32 s3, s9;
	s6 =	sadd.s32 @!p0 $0x88, s6;
	s7 =	simm.s32 @p2 $0x1082  }
0x22: {  	[simem:s7], [sflag:s8] =	dma.local @!p0 [hbm:s6], $0xF7A  }
0x23: {  	s9 =	sor.u32 $0xD0000000, s2;
	s6 =	simm.s32 $0x108;
	_ =	swait.ge @!p0 [sflag:s8], $0x0  }
0x24: {  	s3 =	sadd.s32 $0x88, s3;
	s6 =	simm.s32 @!p1 $0x1082;
	[sflag:s4] =	ssyncset.s32 $0xFFFFF086  }
0x25: {  	[simem:s6], [sflag:s4] =	dma.local [hbm:s3], $0xF7A  }
0x26: {  	[smem:$0x3F95] =	sst s1;
	(tag) =	ssettag s2;
	_ =	strace s9  }
0x27: {  	s1 =	sld [smem:$0x3FA5]  }
0x28: {  	s2 =	sld [smem:$0x3FA6]  }
0x29: {  	s4 =	sld [smem:$0x3FA8]  }
0x2a: {  	p0 =	seq.s32 s5, $0x0;
	s5 =	sld [smem:$0x3FA9]  }
0x2b: {  	s6 =	sld [smem:$0x3FAA]  }
0x2c: {  	s7 =	sld [smem:$0x3FAB]  }
0x2d: {  	s3 =	simm.s32 $0x108;
	s8 =	sld [smem:$0x3FAC]  }
0x2e: {  	s3 =	simm.s32 @!p0 $0x1082;
	s9 =	sld [smem:$0x3FAD]  }
0x2f: {  	lr =	sadd.s32 s0, s3;
	s0 =	sld [smem:$0x3FA4]  }
0x30: {  	s3 =	sld [smem:$0x3FA7]  }
0x31: {  	[smem:$0x3FB0] =	sst s10  }
0x32: {  	s10 =	sld [smem:$0x3FAE];
	_ =	sdelay $0x3  }
0x33: {  	p0 =	seq.s32 s10, $0x1;
	s10 =	sld [smem:$0x3FB0];
	_ =	sdelay $0x3  }
0x34: {  	[smem:$0x3FB0] =	sst s10  }
0x35: {  	s10 =	sld [smem:$0x3FAF];
	_ =	sdelay $0x3  }
0x36: {  	p1 =	seq.s32 s10, $0x1;
	s10 =	sld [smem:$0x3FB0];
	_ =	sdelay $0x3  }
0x37: {  	[smem:$0x3FB0] =	sst s10  }
0x38: {  	s10 =	sld [smem:$0x3FB1]  }
0x39: {  	_ = 	snop;
	(pc) =	sbr.ind lr, $3  }
0x3a: {  	_ = 	snop  }
0x3b: {  	_ = 	snop  }
0x3c: {  	p2 =	seq.s32 s10, $0x1;
	s10 =	sld [smem:$0x3FB0]  }
0x3d: {  	_ =	shalt  }
0x3e: {  	_ =	shalt  }
0x3f: {  	_ =	shalt  }
0x40: {  	_ =	shalt  }
0x41: {  	_ =	shalt  }
0x42: {  	_ =	shalt  }
0x43: {  	_ =	shalt  }
0x44: {  	_ =	shalt  }
0x45: {  	_ =	shalt  }
0x46: {  	_ =	shalt  }
0x47: {  	_ =	shalt  }
0x48: {  	_ =	shalt  }
0x49: {  	_ =	shalt  }
0x4a: {  	_ =	shalt  }
0x4b: {  	_ =	shalt  }
0x4c: {  	_ =	shalt  }
0x4d: {  	_ =	shalt  }
0x4e: {  	_ =	shalt  }
0x4f: {  	_ =	shalt  }
0x50: {  	_ =	shalt  }
0x51: {  	_ =	shalt  }
0x52: {  	_ =	shalt  }
0x53: {  	_ =	shalt  }
0x54: {  	_ =	shalt  }
0x55: {  	_ =	shalt  }
0x56: {  	_ =	shalt  }
0x57: {  	_ =	shalt  }
0x58: {  	_ =	shalt  }
0x59: {  	_ =	shalt  }
0x5a: {  	_ =	shalt  }
0x5b: {  	_ =	shalt  }
0x5c: {  	_ =	shalt  }
0x5d: {  	_ =	shalt  }
0x5e: {  	_ =	shalt  }
0x5f: {  	_ =	shalt  }
0x60: {  	_ =	shalt  }
0x61: {  	_ =	shalt  }
0x62: {  	_ =	shalt  }
0x63: {  	_ =	shalt  }
0x64: {  	_ =	shalt  }
0x65: {  	_ =	shalt  }
0x66: {  	_ =	shalt  }
0x67: {  	_ =	shalt  }
0x68: {  	_ =	shalt  }
0x69: {  	_ =	shalt  }
0x6a: {  	_ =	shalt  }
0x6b: {  	_ =	shalt  }
0x6c: {  	_ =	shalt  }
0x6d: {  	_ =	shalt  }
0x6e: {  	_ =	shalt  }
0x6f: {  	_ =	shalt  }
0x70: {  	_ =	shalt  }
0x71: {  	_ =	shalt  }
0x72: {  	_ =	shalt  }
0x73: {  	_ =	shalt  }
0x74: {  	_ =	shalt  }
0x75: {  	_ =	shalt  }
0x76: {  	_ =	shalt  }
0x77: {  	_ =	shalt  }
0x78: {  	_ =	shalt  }
0x79: {  	_ =	shalt  }
0x7a: {  	_ =	shalt  }
0x7b: {  	_ =	shalt  }
0x7c: {  	_ =	shalt  }
0x7d: {  	_ =	shalt  }
0x7e: {  	_ =	shalt  }
0x7f: {  	_ =	shalt  }
0x80: {  	_ =	shalt  }
0x81: {  	_ =	shalt  }
0x82: {  	_ =	shalt  }
0x83: {  	_ =	shalt  }
0x84: {  	_ =	shalt  }
0x85: {  	_ =	shalt  }
0x86: {  	_ =	shalt  }
0x87: {  	_ =	shalt  }
.Lfunc_end0:
.L_simem_size_0:
called_computation_lowered:
.L_overlay_start_0:
0x88: {  	s2 =	sld [smem:$0x3FD9]  }
0x89: {  	s3 =	sld [smem:$0x3FFE];
	_ =	sdelay $0x1  }
0x8a: {  	s1 =	srdreg.scid  }
0x8b: {  	s0 =	sand.u32 $0x1, s1  }
0x8c: {  	s16 =	sshll.u32 s0, $0xA;
	s2 =	sadd.s32 s3, s2  }
0x8d: {  	s2 =	sadd.s32 s2, s16  }
0x8e: {  	[smem:$0x3FBC] =	sst s2  }
0x8f: {  	_ = 	snop  }
0x90: {  	(tm) =	ssettm $0x1  }
0x91: {  	s17 =	sld [smem:$0x3FFB];
	_ =	sdelay $0x3  }
0x92: {  	_ =	strace s17  }
0x93: {  	s2 =	sld [smem:$0x3FFC];
	_ =	sdelay $0x3  }
0x94: {  	_ =	strace s2  }
0x95: {  	s2 =	sld [smem:$0x3FFD];
	_ =	sdelay $0x3  }
0x96: {  	_ =	strace s2  }
0x97: {  	_ =	strace $0x8FFFFFFF  }
0x98: {  	s18 =	sld [smem:$0x3FDB];
	_ =	sdelay $0x1  }
0x99: {  	s19 =	simm.s32 $_scs_section_size  }
0x9a: {  	s4 =	simm.s32 $_size__tile_overlayer_lowered;
	s5 =	simm.s32 $_tile_overlayer_lowered  }
0x9b: {  	s22 =	simm.s32 $0x1BFF;
	s21 =	sshll.u32 s5, $0x1;
	s2 =	sadd.s32 s19, s18  }
0x9c: {  	s6 =	simm.s32 $0x0;
	s20 =	sshll.u32 s4, $0x1;
	s4 =	sadd.s32 s21, s2  }
0x9d: {  	[timem:s6], [sflag:s22] =	dma.local [hbm:s4], s20  }
0x9e: {  	_ =	swait.ge [sflag:s22], s20  }
0x9f: {  	s3 =	ssub.s32 $0x0, s20;
	[sflag:s22] =	ssyncset.done $0x0  }
0xa0: {  	[sflag:s22] =	ssyncadd.s32 s3;
	_ =	sdelay $0x1  }
0xa1: {  	s23 =	simm.s32 $0x1B8B  }
0xa2: {  	_ =	swait.ge [sflag:s23], $0x1  }
0xa3: {  	[sflag:s23] =	ssyncset.done $0x0  }
0xa4: {  	s25 =	simm.s32 $0x1B8E;
	s24 =	sld [smem:$0x3FFE];
	[sflag:s23] =	ssyncadd.s32 $0xFFFFFFFF  }
0xa5: {  	s26 =	simm.s32 $execute0_lowered;
	[smem:$0x3FD2] =	sst s25  }
0xa6: {  	s4 =	sshll.u32 s26, $0x1;
	_ =	strace $0x80000046;
	[dreg:$0x1] =	wrdreg $0xFFFFFFFF  }
0xa7: {  	s28 =	simm.s32 $_size_execute0_lowered;
	s2 =	sadd.s32 s2, s4;
	[dreg:$0x0] =	wrdreg $0x0  }
0xa8: {  	s4 =	sshll.u32 s28, $0x1;
	[dreg:$0x2] =	wrdreg s2  }
0xa9: {  	[dreg:$0x3] =	wrdreg s4  }
0xaa: {  	[dreg:$0x4] =	wrdreg $0xC0  }
0xab: {  	_ =	task [dreg:s6], $0x5FFFF  }
0xac: {  	[dreg:$0x1] =	wrdreg $0xFFFFFFFF  }
0xad: {  	[dreg:$0x0] =	wrdreg $0x60  }
0xae: {  	[dreg:$0x2] =	wrdreg s24  }
0xaf: {  	[dreg:$0x3] =	wrdreg $0x150000  }
0xb0: {  	[dreg:$0x4] =	wrdreg $0x9  }
0xb1: {  	_ =	task.clear_ibuf [dreg:s6], $0x5FFFF;
	_ =	strace $0x90000046  }
0xb2: {  	s29 =	simm.s32 $0x9;
	_ =	strace $0x80000048  }
0xb3: {  	_ =	swait.ge [sflag:s29], $0x1  }
0xb4: {  	[sflag:s29] =	ssyncadd.s32 $0xFFFFFFFF  }
0xb5: {  	_ =	strace $0x90000048  }
0xb6: {  	_ =	sfence  }
0xb7: {  	s30 =	sld [smem:$0x0];
	_ =	sdelay $0x2  }
0xb8: {  	s31 =	sshll.u32 s1, $0xD;
	s1 =	sshrl.u32 s1, $0x2  }
0xb9: {  	s3 =	sand.u32 $0x4000, s31;
	s1 =	sadd.s32 s1, s30  }
0xba: {  	s0 =	sor.u32 s3, s0;
	s1 =	sshll.u32 s1, $0x11  }
0xbb: {  	s0 =	sor.u32 s1, s0  }
0xbc: {  	s0 =	sadd.s32 $0x8F2B, s0  }
0xbd: {  	[sflag:s0] =	ssyncadd.remote.s32 $0x1  }
0xbe: {  	_ =	sfence.sel $0xFFFF  }
0xbf: {  	[dreg:$0x0] =	wrdreg $0xFFFFFFFF;
	(pc) =	sbr.abs _section_cstart, $3  }
0xc0: {  	[dreg:$0x1] =	wrdreg $0xFFFFFFFF  }
0xc1: {  	_ =	task.clear_ibuf [dreg:s6], $0x2FFFF;
	_ =	strace $0x9FFFFFFF  }
0xc2: {  	(tm) =	ssettm $0x7FFFFFFF  }
0xc3: {  	_ =	shalt  }
tec
execute0_lowered:
.L_overlay_start_1:
0x0: {  	(tag) =	ssettag $0x1  }
0x1: {  	s0 =	srdreg.scid;
	s1 =	rddreg [dreg:$0x0]  }
0x2: {  	s10 =	stileid.u32;
	s2 =	rddreg [dreg:$0x1];
	s4 =	simm.s32 $0x0  }
0x3: {  	s14 =	simm.s32 $0x11;
	s15 =	simm.s32 $0x80;
	s21 =	simm.s32 $0xB000  }
0x4: {  	s23 =	simm.s32 $0x0;
	s0 =	sand.u32 $0x1, s0;
	[smem:$0x7FF] =	sst s4  }
0x5: {  	s6 =	smul.u32 $0x9C40, s10;
	s4 =	sadd.s32 $0x15200, s1;
	s26 =	sshll.u32 s10, $0x6  }
0x6: {  	s11 =	sadd.s32 $0xB100, s1;
	s3 =	sshll.u32 s0, $0x4;
	_ =	strace $0x80000047  }
0x7: {  	s7 =	smul.u32 $0x13880, s0;
	s0 =	ssub.s32 $0x2, s0;
	s3 =	sor.u32 s10, s3  }
0x8: {  	s16 =	sshrl.u32 s6, $0x3;
	s25 =	sshrl.u32 s0, $0x1;
	s13 =	sadd.s32 s6, s2  }
0x9: {  	s10 =	sadd.s32 $0x14F00, s1;
	s5 =	smul.u32 $0x500, s3;
	s8 =	sadd.s32 s16, s1  }
0xa: {  	s12 =	sadd.s32 s7, s1;
	p0 =	seq.s32 s3, $0x1F;
	s0 =	ssub.s32 s0, s25  }
0xb: {  	s7 =	sor.u32 $0x1C11, s26;
	s9 =	sadd.s32 s5, s1;
	s5 =	simm.s32 $0x14  }
0xc: {  	s13 =	sshrl.u32 s13, $0x3;
	s3 =	simm.s32 @!p0 $0x0;
	s5 =	simm.s32 @!p0 $0x50  }
0xd: {  	s6 =	sadd.s32 $0x28C00, s8;
	s30 =	sadd.s32 $0x3C600, s12;
	s28 =	sadd.s32 $0x4, s5  }
0xe: {  	s12 =	smax.u32 s0, $0x1;
	s3 =	simm.s32 @p0 $0x1;
	s29 =	sand.u32 $0x58, s28  }
0xf: {  	s22 =	sadd.s32 s16, s30;
	[smem:$0x7FD] =	sst s3;
	s31 =	sadd.s32 $0x8, s29  }
0x10: {  	s8 =	sadd.s32 $0xB400, s9;
	s9 =	sadd.s32 $0x1600, s9;
	[dreg:$0x3] =	wrdreg s31  }
.LBB2_1:
0x11: {  	[spmem:s13], [sflag:s7] =	dma.local [hbm:s6], $0x1388  }
0x12: {  	_ =	swait.ge [sflag:s14], $0x1388  }
0x13: {  	s0 =	sld [smem:$0x7FD];
	_ =	sdelay $0x2  }
0x14: {  	[sflag:s14] =	ssyncset.done $0x0;
	p0 =	seq.s32 s0, $0x1  }
0x15: {  	[sflag:s14] =	ssyncadd.s32 $0xFFFFEC78;
	s0 =	simm.s32 @p0 $0x0;
	s1 =	simm.s32 @p0 $0x11  }
0x16: {  	[tilespmem:s0], [sflag:$0x11] =	stream.linear.gather @p0 [hbm4b:s10+s0], $0xA00, $0x38;
	[tilespmem:$0x1EC40] =	vst v63  }
0x17: {  	_ =	swait.ge @p0 [sflag:s1], $0xA00  }
0x18: {  	[sflag:s1] =	ssyncset.done @p0 $0x0  }
0x19: {  	s3 =	simm.s32 @p0 $0x2800;
	[sflag:s1] =	ssyncadd.s32 @p0 $0xFFFFF600  }
0x1a: {  	[tilespmem:s3], [sflag:$0x11] =	stream.linear.gather @p0 [hbm4b:s11+s0], $0xA00, $0x38;
	[tilespmem:$0x1EC40] =	vst v63  }
0x1b: {  	_ =	swait.ge @p0 [sflag:s1], $0xA00  }
0x1c: {  	[sflag:s1] =	ssyncset.done @p0 $0x0  }
0x1d: {  	s0 =	simm.s32 @!p0 $0x0;
	[sflag:s1] =	ssyncadd.s32 @p0 $0xFFFFF600;
	s1 =	simm.s32 @!p0 $0x11  }
0x1e: {  	[tilespmem:s0], [sflag:$0x11] =	stream.linear.gather @!p0 [hbm4b:s8+s0], $0x2800, $0x38;
	[tilespmem:$0x1EC40] =	vst v63  }
0x1f: {  	_ =	swait.ge @!p0 [sflag:s1], $0x2800  }
0x20: {  	[sflag:s1] =	ssyncset.done @!p0 $0x0  }
0x21: {  	s3 =	simm.s32 @!p0 $0x2800;
	[sflag:s1] =	ssyncadd.s32 @!p0 $0xFFFFD800  }
0x22: {  	[tilespmem:s3], [sflag:$0x11] =	stream.linear.gather @!p0 [hbm4b:s9+s0], $0x2800, $0x38;
	[tilespmem:$0x1EC40] =	vst v63  }
0x23: {  	_ =	swait.ge @!p0 [sflag:s1], $0x2800  }
0x24: {  	[sflag:s1] =	ssyncset.done @!p0 $0x0  }
0x25: {  	[sflag:s1] =	ssyncadd.s32 @!p0 $0xFFFFD800  }
0x26: {  	s25 =	simm.s32 $0x0;
	s26 =	simm.s32 $0x5000;
	[bflag:$0x0] =	sbarrier.arrive $0xFFFF  }
0x27: {  	[tilespmem:s26], [sflag:$0x1] =	stream.indirect.gather [hbm4b:s4+s15], $0x40, s25, s15, $0xb8;
	[tilespmem:$0x1EC40] =	vst v63  }
0x28: {  	s28 =	simm.s32 $0x7000  }
0x29: {  	[tilespmem:s28], [sflag:$0x2] =	stream.indirect.gather [hbm4b:s4+s15], $0x40, s15, s15, $0xb8;
	[tilespmem:$0x1EC40] =	vst v63  }
0x2a: {  	s29 =	simm.s32 $0x100;
	s30 =	simm.s32 $0x9000  }
0x2b: {  	[tilespmem:s30], [sflag:$0x3] =	stream.indirect.gather [hbm4b:s4+s15], $0x40, s29, s15, $0xb8;
	[tilespmem:$0x1EC40] =	vst v63  }
0x2c: {  	s31 =	simm.s32 $0x180;
	s24 =	simm.s32 $0x0;
	s25 =	simm.s32 $0x0  }
0x2d: {  	[tilespmem:s21], [sflag:$0x4] =	stream.indirect.gather [hbm4b:s4+s15], $0x40, s31, s15, $0xb8;
	[tilespmem:$0x1EC40] =	vst v63  }
.LBB2_2:
0x2e: {  	p0 =	sge.u32 s25, s5  }
0x2f: {  	s0 =	simm.s32 @!p0 $0x0  }
0x30: {  	s0 =	simm.s32 @p0 $0x1  }
0x31: {  	[smem:$0x7FB] =	sst s0;
	s0 =	simm.s32 @!p0 $0x1  }
0x32: {  	_ =	swait.ge @!p0 [sflag:s0], $0x2000  }
0x33: {  	[sflag:s0] =	ssyncset.done @!p0 $0x0  }
0x34: {  	s18 =	sadd.s32 $0xFFFFFFFC, s25;
	[sflag:s0] =	ssyncadd.s32 @!p0 $0xFFFFE000;
	s0 =	sshra.s32 @!p0 s24, $0x2  }
0x35: {  	s1 =	simm.s32 @!p0 $0x80;
	s3 =	simm.s32 @!p0 $0x5000;
	s0 =	sadd.s32 @!p0 $0x2800, s0  }
0x36: {  	[spmem:s2] =	stream.indirect.scatter.add.f32 @!p0 [tilespmem:s3], [sflag:$0x9], $0x40, s0, s1, $0xb8;
	[tilespmem:$0x1EC40] =	vst v63  }
0x37: {  	p0 =	sge.u32 s18, s5  }
0x38: {  	s0 =	simm.s32 @!p0 $0xD  }
0x39: {  	s19 =	sadd.s32 $0x4, s25;
	_ =	swait.ge @!p0 [sflag:s0], $0x2000  }
0x3a: {  	s20 =	sadd.s32 $0x1, s25;
	p1 =	sge.u32 s19, s5;
	[sflag:s0] =	ssyncset.done @!p0 $0x0  }
0x3b: {  	s26 =	sshra.s32 @!p1 s24, $0x2;
	[sflag:s0] =	ssyncadd.s32 @!p0 $0xFFFFE000;
	s0 =	simm.s32 @!p1 $0x0  }
0x3c: {  	s28 =	simm.s32 @!p1 $0x80;
	s29 =	simm.s32 @!p1 $0xD000;
	s0 =	simm.s32 @p1 $0x1  }
0x3d: {  	p0 =	sge.u32 s20, s5;
	[smem:$0x7FA] =	sst s0;
	s0 =	sadd.s32 @!p1 $0x200, s26  }
0x3e: {  	[tilespmem:s29], [sflag:$0x5] =	stream.indirect.gather @!p1 [hbm4b:s4+s28], $0x40, s0, s28, $0xb8;
	[tilespmem:$0x1EC40] =	vst v63  }
0x3f: {  	s0 =	simm.s32 @!p0 $0x0  }
0x40: {  	s0 =	simm.s32 @p0 $0x1  }
0x41: {  	[smem:$0x7FC] =	sst s0;
	s0 =	simm.s32 @!p0 $0x2  }
0x42: {  	_ =	swait.ge @!p0 [sflag:s0], $0x2000  }
0x43: {  	[sflag:s0] =	ssyncset.done @!p0 $0x0  }
0x44: {  	s30 =	sadd.s32 $0xFFFFFFFD, s25;
	[sflag:s0] =	ssyncadd.s32 @!p0 $0xFFFFE000;
	s0 =	sshra.s32 @!p0 s24, $0x2  }
0x45: {  	s1 =	simm.s32 @!p0 $0x80;
	s3 =	simm.s32 @!p0 $0x7000;
	s0 =	sadd.s32 @!p0 $0x2880, s0  }
0x46: {  	[spmem:s2] =	stream.indirect.scatter.add.f32 @!p0 [tilespmem:s3], [sflag:$0xA], $0x40, s0, s1, $0xb8;
	[tilespmem:$0x1EC40] =	vst v63  }
0x47: {  	s31 =	sadd.s32 $0x5, s25;
	p0 =	sge.u32 s30, s5  }
0x48: {  	p6 =	sge.u32 s31, s5;
	s0 =	simm.s32 @!p0 $0xE  }
0x49: {  	s31 =	simm.s32 @!p6 $0x80;
	s30 =	sshra.s32 @!p6 s24, $0x2;
	_ =	swait.ge @!p0 [sflag:s0], $0x2000  }
0x4a: {  	s1 =	simm.s32 @!p6 $0xF000;
	s3 =	sadd.s32 $0x2, s25;
	[sflag:s0] =	ssyncset.done @!p0 $0x0  }
0x4b: {  	p3 =	sge.u32 s3, s5;
	[sflag:s0] =	ssyncadd.s32 @!p0 $0xFFFFE000;
	s0 =	sadd.s32 @!p6 $0x280, s30  }
0x4c: {  	[tilespmem:s1], [sflag:$0x6] =	stream.indirect.gather @!p6 [hbm4b:s4+s31], $0x40, s0, s31, $0xb8;
	[tilespmem:$0x1EC40] =	vst v63  }
0x4d: {  	s0 =	simm.s32 @!p3 $0x3  }
0x4e: {  	_ =	swait.ge @!p3 [sflag:s0], $0x2000  }
0x4f: {  	[sflag:s0] =	ssyncset.done @!p3 $0x0  }
0x50: {  	[sflag:s0] =	ssyncadd.s32 @!p3 $0xFFFFE000;
	s0 =	sshra.s32 @!p3 s24, $0x2  }
0x51: {  	s3 =	simm.s32 @!p3 $0x80;
	s16 =	simm.s32 @!p3 $0x9000;
	s0 =	sadd.s32 @!p3 $0x2900, s0  }
0x52: {  	[spmem:s2] =	stream.indirect.scatter.add.f32 @!p3 [tilespmem:s16], [sflag:$0xB], $0x40, s0, s3, $0xb8;
	[tilespmem:$0x1EC40] =	vst v63  }
0x53: {  	s16 =	sadd.s32 $0xFFFFFFFE, s25  }
0x54: {  	p0 =	sge.u32 s16, s5  }
0x55: {  	s0 =	simm.s32 @!p0 $0xF  }
0x56: {  	s17 =	sadd.s32 $0x6, s25;
	_ =	swait.ge @!p0 [sflag:s0], $0x2000  }
0x57: {  	p2 =	sge.u32 s17, s5;
	s18 =	sadd.s32 $0x3, s25;
	[sflag:s0] =	ssyncset.done @!p0 $0x0  }
0x58: {  	p4 =	sge.u32 s18, s5;
	[sflag:s0] =	ssyncadd.s32 @!p0 $0xFFFFE000;
	s0 =	sshra.s32 @!p2 s24, $0x2  }
0x59: {  	s3 =	simm.s32 @!p2 $0x80;
	s16 =	simm.s32 @!p2 $0x11000;
	s17 =	sadd.s32 @!p2 $0x300, s0  }
0x5a: {  	[tilespmem:s16], [sflag:$0x7] =	stream.indirect.gather @!p2 [hbm4b:s4+s3], $0x40, s17, s3, $0xb8;
	[tilespmem:$0x1EC40] =	vst v63  }
0x5b: {  	s17 =	simm.s32 @!p4 $0x4  }
0x5c: {  	_ =	swait.ge @!p4 [sflag:s17], $0x2000  }
0x5d: {  	[sflag:s17] =	ssyncset.done @!p4 $0x0  }
0x5e: {  	[sflag:s17] =	ssyncadd.s32 @!p4 $0xFFFFE000;
	s17 =	sshra.s32 @!p4 s24, $0x2  }
0x5f: {  	s18 =	simm.s32 @!p4 $0x80;
	s19 =	simm.s32 @!p4 $0xB000;
	s17 =	sadd.s32 @!p4 $0x2980, s17  }
0x60: {  	[spmem:s2] =	stream.indirect.scatter.add.f32 @!p4 [tilespmem:s19], [sflag:$0xC], $0x40, s17, s18, $0xb8;
	[tilespmem:$0x1EC40] =	vst v63  }
0x61: {  	s19 =	sadd.s32 $0xFFFFFFFF, s25  }
0x62: {  	p0 =	sge.u32 s19, s5  }
0x63: {  	s17 =	simm.s32 @!p0 $0x10  }
0x64: {  	s20 =	sadd.s32 $0x7, s25;
	_ =	swait.ge @!p0 [sflag:s17], $0x2000  }
0x65: {  	p1 =	sge.u32 s20, s5;
	[sflag:s17] =	ssyncset.done @!p0 $0x0  }
0x66: {  	[sflag:s17] =	ssyncadd.s32 @!p0 $0xFFFFE000;
	s17 =	sshra.s32 @!p1 s24, $0x2  }
0x67: {  	s20 =	simm.s32 @!p1 $0x13000;
	s19 =	simm.s32 @!p1 $0x80;
	s18 =	sadd.s32 @!p1 $0x380, s17  }
0x68: {  	[tilespmem:s20], [sflag:$0x8] =	stream.indirect.gather @!p1 [hbm4b:s4+s19], $0x40, s18, s19, $0xb8;
	[tilespmem:$0x1EC40] =	vst v63  }
0x69: {  	s18 =	sld [smem:$0x7FA];
	_ =	sdelay $0x2  }
0x6a: {  	p0 =	seq.s32 s18, $0x1  }
0x6b: {  	s18 =	simm.s32 @!p0 $0x5  }
0x6c: {  	_ =	swait.ge @!p0 [sflag:s18], $0x2000  }
0x6d: {  	[sflag:s18] =	ssyncset.done @!p0 $0x0  }
0x6e: {  	[sflag:s18] =	ssyncadd.s32 @!p0 $0xFFFFE000;
	s18 =	sadd.s32 @!p0 $0x2A00, s26  }
0x6f: {  	[spmem:s2] =	stream.indirect.scatter.add.f32 @!p0 [tilespmem:s29], [sflag:$0xD], $0x40, s18, s28, $0xb8;
	[tilespmem:$0x1EC40] =	vst v63  }
0x70: {  	s28 =	sld [smem:$0x7FB];
	_ =	sdelay $0x2  }
0x71: {  	p0 =	seq.s32 s28, $0x1  }
0x72: {  	s18 =	simm.s32 @!p0 $0x9  }
0x73: {  	_ =	swait.ge @!p0 [sflag:s18], $0x2000  }
0x74: {  	s29 =	sld [smem:$0x7FB];
	_ =	sdelay $0x1  }
0x75: {  	s26 =	sadd.s32 $0x8, s25  }
0x76: {  	[sflag:s18] =	ssyncset.done @!p0 $0x0;
	p0 =	sge.u32 s26, s5;
	p5 =	seq.s32 s29, $0x1  }
0x77: {  	[sflag:s18] =	ssyncadd.s32 @!p5 $0xFFFFE000;
	s18 =	sshra.s32 @!p0 s24, $0x2  }
0x78: {  	s28 =	simm.s32 @!p0 $0x80;
	s29 =	simm.s32 @!p0 $0x5000;
	s18 =	sadd.s32 @!p0 $0x400, s18  }
0x79: {  	[tilespmem:s29], [sflag:$0x1] =	stream.indirect.gather @!p0 [hbm4b:s4+s28], $0x40, s18, s28, $0xb8;
	[tilespmem:$0x1EC40] =	vst v63  }
0x7a: {  	s18 =	simm.s32 @!p6 $0x6  }
0x7b: {  	_ =	swait.ge @!p6 [sflag:s18], $0x2000  }
0x7c: {  	[sflag:s18] =	ssyncset.done @!p6 $0x0  }
0x7d: {  	[sflag:s18] =	ssyncadd.s32 @!p6 $0xFFFFE000;
	s18 =	sadd.s32 @!p6 $0x2A80, s30  }
0x7e: {  	[spmem:s2] =	stream.indirect.scatter.add.f32 @!p6 [tilespmem:s1], [sflag:$0xE], $0x40, s18, s31, $0xb8;
	[tilespmem:$0x1EC40] =	vst v63  }
0x7f: {  	s18 =	sld [smem:$0x7FC];
	_ =	sdelay $0x2  }
0x80: {  	p5 =	seq.s32 s18, $0x1  }
0x81: {  	s1 =	simm.s32 @!p5 $0xA  }
0x82: {  	s28 =	sadd.s32 $0x9, s25;
	_ =	swait.ge @!p5 [sflag:s1], $0x2000  }
0x83: {  	p0 =	sge.u32 s28, s5;
	[sflag:s1] =	ssyncset.done @!p5 $0x0  }
0x84: {  	[sflag:s1] =	ssyncadd.s32 @!p5 $0xFFFFE000;
	s1 =	sshra.s32 @!p0 s24, $0x2  }
0x85: {  	s28 =	simm.s32 @!p0 $0x7000;
	s18 =	simm.s32 @!p0 $0x80;
	s1 =	sadd.s32 @!p0 $0x480, s1  }
0x86: {  	[tilespmem:s28], [sflag:$0x2] =	stream.indirect.gather @!p0 [hbm4b:s4+s18], $0x40, s1, s18, $0xb8;
	[tilespmem:$0x1EC40] =	vst v63  }
0x87: {  	s1 =	simm.s32 @!p2 $0x7  }
0x88: {  	_ =	swait.ge @!p2 [sflag:s1], $0x2000  }
0x89: {  	[sflag:s1] =	ssyncset.done @!p2 $0x0  }
0x8a: {  	s0 =	sadd.s32 @!p2 $0x2B00, s0;
	[sflag:s1] =	ssyncadd.s32 @!p2 $0xFFFFE000  }
0x8b: {  	[spmem:s2] =	stream.indirect.scatter.add.f32 @!p2 [tilespmem:s16], [sflag:$0xF], $0x40, s0, s3, $0xb8;
	[tilespmem:$0x1EC40] =	vst v63  }
0x8c: {  	s0 =	simm.s32 @!p3 $0xB  }
0x8d: {  	s29 =	sadd.s32 $0xA, s25;
	_ =	swait.ge @!p3 [sflag:s0], $0x2000  }
0x8e: {  	p0 =	sge.u32 s29, s5;
	[sflag:s0] =	ssyncset.done @!p3 $0x0  }
0x8f: {  	[sflag:s0] =	ssyncadd.s32 @!p3 $0xFFFFE000;
	s0 =	sshra.s32 @!p0 s24, $0x2  }
0x90: {  	s1 =	simm.s32 @!p0 $0x80;
	s3 =	simm.s32 @!p0 $0x9000;
	s0 =	sadd.s32 @!p0 $0x500, s0  }
0x91: {  	[tilespmem:s3], [sflag:$0x3] =	stream.indirect.gather @!p0 [hbm4b:s4+s1], $0x40, s0, s1, $0xb8;
	[tilespmem:$0x1EC40] =	vst v63  }
0x92: {  	s0 =	simm.s32 @!p1 $0x8  }
0x93: {  	_ =	swait.ge @!p1 [sflag:s0], $0x2000  }
0x94: {  	[sflag:s0] =	ssyncset.done @!p1 $0x0  }
0x95: {  	[sflag:s0] =	ssyncadd.s32 @!p1 $0xFFFFE000;
	s0 =	sadd.s32 @!p1 $0x2B80, s17  }
0x96: {  	[spmem:s2] =	stream.indirect.scatter.add.f32 @!p1 [tilespmem:s20], [sflag:$0x10], $0x40, s0, s19, $0xb8;
	[tilespmem:$0x1EC40] =	vst v63  }
0x97: {  	s0 =	simm.s32 @!p4 $0xC  }
0x98: {  	s30 =	sadd.s32 $0xB, s25;
	_ =	swait.ge @!p4 [sflag:s0], $0x2000  }
0x99: {  	p0 =	sge.u32 s30, s5;
	[sflag:s0] =	ssyncset.done @!p4 $0x0  }
0x9a: {  	s3 =	simm.s32 @!p0 $0x80;
	[sflag:s0] =	ssyncadd.s32 @!p4 $0xFFFFE000;
	s0 =	sshra.s32 @!p0 s24, $0x2  }
0x9b: {  	s16 =	simm.s32 @!p0 $0xB000;
	s31 =	rddreg [dreg:$0x3];
	s0 =	sadd.s32 @!p0 $0x580, s0  }
0x9c: {  	[tilespmem:s16], [sflag:$0x4] =	stream.indirect.gather @!p0 [hbm4b:s4+s3], $0x40, s0, s3, $0xb8;
	[tilespmem:$0x1EC40] =	vst v63  }
0x9d: {  	p0 =	sne.s32 s31, s26  }
.Ltmp0:
0x9e: {  	_ = 	snop;
	(pc) =	sbr.rel @p0 .LBB2_2-.Ltmp0, $2  }
0x9f: {  	_ =	sdelay $0x2  }
0xa0: {  	s25 =	smov.u32 s26;
	s24 =	sadd.s32 $0x1000, s24  }
0xa1: {  	s23 =	sadd.s32 $0x1, s23  }
0xa2: {  	p0 =	sne.s32 s23, s12  }
.Ltmp1:
0xa3: {  	[bflag:$0x0] =	sbarrier.arrive $0xFFFF;
	(pc) =	sbr.rel @p0 .LBB2_1-.Ltmp1, $4  }
0xa4: {  	[hbm:s22], [sflag:s7] =	dma.local [spmem:s13], $0x1388  }
0xa5: {  	_ =	swait.ge [sflag:s14], $0x1388  }
0xa6: {  	[sflag:s14] =	ssyncset.done $0x0  }
0xa7: {  	[sflag:s14] =	ssyncadd.s32 $0xFFFFEC78  }
0xa8: {  	_ =	sfence.sel $0x180000  }
0xa9: {  	[bflag:$0x0] =	sbarrier.arrive $0xFFFF  }
0xaa: {  	_ =	strace $0x90000047  }
0xab: {  	s0 =	stileid.u32;
	[bflag:$0x2] =	sbarrier.arrive $0xFFFF  }
0xac: {  	p0 =	sne.s32 s0, $0x0;
	s0 =	rddreg [dreg:$0x2]  }
0xad: {  	s0 =	sadd.s32 @!p0 $0x100000, s0  }
0xae: {  	[sflag:s0] =	ssyncadd.tile.s32 @!p0 $0x1;
	_ =	shalt  }
.Lfunc_end2:
_tile_overlayer_lowered:
.L_overlay_start_2:
0xaf: {  	(tag) =	ssettag $0x2  }
0xb0: {  	s0 =	rddreg [dreg:$0x0];
	s2 =	stileid.u32  }
0xb1: {  	s1 =	rddreg [dreg:$0x1];
	p0 =	sne.s32 s2, $0x0  }
0xb2: {  	s3 =	rddreg [dreg:$0x2];
	[bflag:$0x3] =	sbarrier.arrive $0xFFFF;
	s2 =	simm.s32 @!p0 $0x1C11  }
0xb3: {  	[timem:s3], [sflag:s2] =	dma.local @!p0 [hbm:s0], s1  }
0xb4: {  	s0 =	simm.s32 @!p0 $0x11  }
0xb5: {  	_ =	swait.ge @!p0 [sflag:s0], s1  }
0xb6: {  	s1 =	ssub.s32 @!p0 $0x0, s1;
	[sflag:s0] =	ssyncset.done @!p0 $0x0  }
0xb7: {  	[sflag:s0] =	ssyncadd.s32 @!p0 s1  }
0xb8: {  	[bflag:$0x3] =	sbarrier.arrive $0xFFFF  }
0xb9: {  	_ =	shalt  }

</sc_bundles>
